<compile_context>
chip_gen: v7x
topology: tpu7x:2x2x1
jax: 0.10.2.dev20260603
libtpu: 0.0.44.dev20260713+nightly
codegen_flags: <defaults>
</compile_context>

<pallas_src>
import functools

import jax
import jax.numpy as jnp
from jax import lax
from jax.experimental import pallas as pl
from jax.experimental.pallas import tpu as pltpu
from jax.experimental.pallas import tpu_sc as plsc

D = 32
L = 16
NW = 32
CH = 640


def _dot_sigmoid_chunk(rows_a, rows_b, outbuf):

    def group(g, carry):
        row_ids = g * L + lax.iota(jnp.int32, L)
        lane = lax.iota(jnp.int32, L)
        accs = [jnp.zeros((L,), jnp.float32) for _ in range(4)]
        for d in range(D):
            col = (lane + d) & (D - 1)
            a = plsc.load_gather(rows_a, [row_ids, col])
            b = plsc.load_gather(rows_b, [row_ids, col])
            accs[d % 4] = accs[d % 4] + a * b
        acc = (accs[0] + accs[1]) + (accs[2] + accs[3])
        outbuf[pl.ds(g * L, L)] = 1.0 / (1.0 + jnp.exp(-acc))
        return carry

    lax.fori_loop(0, CH // L, group, None)


def _make_pass(n):
    assert n % (NW * 2 * CH) == 0
    mesh = plsc.VectorSubcoreMesh(core_axis_name="c", subcore_axis_name="s")

    @functools.partial(
        pl.kernel,
        out_type=jax.ShapeDtypeStruct((n,), jnp.float32),
        mesh=mesh,
        compiler_params=pltpu.CompilerParams(
            needs_layout_passes=False, use_tc_tiling_on_sc=False),
        scratch_types=[
            pltpu.VMEM((CH,), jnp.int32),
            pltpu.VMEM((CH,), jnp.int32),
            pltpu.VMEM((CH,), jnp.int32),
            pltpu.VMEM((CH,), jnp.int32),
            pltpu.VMEM((CH, D), jnp.float32),
            pltpu.VMEM((CH, D), jnp.float32),
            pltpu.VMEM((CH, D), jnp.float32),
            pltpu.VMEM((CH, D), jnp.float32),
            pltpu.VMEM((CH,), jnp.float32),
            pltpu.SemaphoreType.DMA,
            pltpu.SemaphoreType.DMA,
            pltpu.SemaphoreType.DMA,
            pltpu.SemaphoreType.DMA,
        ],
    )
    def run(tab_a_h, tab_b_h, ia_h, ib_h, out_h,
            ia0, ia1, ib0, ib1, ra0, ra1, rb0, rb1, outbuf,
            sa0, sa1, sb0, sb1):
        wid = lax.axis_index("s") * 2 + lax.axis_index("c")
        idx_a = (ia0, ia1)
        idx_b = (ib0, ib1)
        rows_a = (ra0, ra1)
        rows_b = (rb0, rb1)
        sem_a = (sa0, sa1)
        sem_b = (sb0, sb1)

        per_w = n // NW
        nch = per_w // CH
        base_w = wid * per_w

        def issue(c, k):
            base = base_w + c * CH
            pltpu.sync_copy(ia_h.at[pl.ds(base, CH)], idx_a[k])
            pltpu.sync_copy(ib_h.at[pl.ds(base, CH)], idx_b[k])
            pltpu.async_copy(tab_a_h.at[idx_a[k]], rows_a[k], sem_a[k])
            pltpu.async_copy(tab_b_h.at[idx_b[k]], rows_b[k], sem_b[k])

        def drain(k):
            pltpu.make_async_copy(
                tab_a_h.at[idx_a[k]], rows_a[k], sem_a[k]).wait()
            pltpu.make_async_copy(
                tab_b_h.at[idx_b[k]], rows_b[k], sem_b[k]).wait()

        def finish(c, k):
            drain(k)
            _dot_sigmoid_chunk(rows_a[k], rows_b[k], outbuf)
            pltpu.sync_copy(outbuf, out_h.at[pl.ds(base_w + c * CH, CH)])

        issue(0, 0)

        def pair(p, carry):
            c0 = p * 2
            issue(c0 + 1, 1)
            finish(c0, 0)
            @pl.when(c0 + 2 < nch)
            def _():
                issue(c0 + 2, 0)
            finish(c0 + 1, 1)
            return carry

        lax.fori_loop(0, nch // 2, pair, None)

    return run


def kernel(B, V, W, user_idx, item_idx, user_idx2, trust_idx2):
    pred_r = _make_pass(user_idx.shape[0])(B, V, user_idx, item_idx)
    z = jnp.minimum(pred_r[0], 0.0).astype(jnp.int32)
    pred_t = _make_pass(user_idx2.shape[0])(B, W, user_idx2 + z, trust_idx2)
    return (pred_r, pred_t)

# --- scband reference (transcript-rebuilt; emitter-appended) ---
"""Pipeline reference for scband-model-91225105367336 (READ-ONLY COPY).

The authoritative reference and input builder live on the scoring server;
editing this copy changes nothing except your own understanding.
"""

import jax, jax.numpy as jnp
import numpy as np

USER_NUM = 1000000
ITEM_NUM = 1000000
HIDE_DIM = 32
N_RATING = 819200
N_TRUST = 327680


def setup_inputs(seed: int = 0) -> dict:
    key = jax.random.key(seed)
    ks = jax.random.split(key, 7)
    # xavier_normal std = sqrt(2/(fan_in+fan_out)) ~ sqrt(2/(1000000+32))
    std = float(np.sqrt(2.0 / (USER_NUM + HIDE_DIM)))
    B = jax.random.normal(ks[0], (USER_NUM, HIDE_DIM), dtype=jnp.float32) * std
    V = jax.random.normal(ks[1], (ITEM_NUM, HIDE_DIM), dtype=jnp.float32) * std
    W = jax.random.normal(ks[2], (USER_NUM, HIDE_DIM), dtype=jnp.float32) * std
    user_idx = jax.random.randint(ks[3], (N_RATING,), 0, USER_NUM, dtype=jnp.int32)
    item_idx = jax.random.randint(ks[4], (N_RATING,), 0, ITEM_NUM, dtype=jnp.int32)
    user_idx2 = jax.random.randint(ks[5], (N_TRUST,), 0, USER_NUM, dtype=jnp.int32)
    trust_idx2 = jax.random.randint(ks[6], (N_TRUST,), 0, USER_NUM, dtype=jnp.int32)
    return {
        'B': B, 'V': V, 'W': W,
        'user_idx': user_idx, 'item_idx': item_idx,
        'user_idx2': user_idx2, 'trust_idx2': trust_idx2,
    }


def reference(B, V, W, user_idx, item_idx, user_idx2, trust_idx2):
    # Faithful translation of Model.forward, with the scipy-sparse COO
    # extraction precomputed into flat index arrays.
    b = jnp.take(B, user_idx, axis=0)       # self.B(user_idx)
    v = jnp.take(V, item_idx, axis=0)       # self.V(item_idx)
    b2 = jnp.take(B, user_idx2, axis=0)     # self.B(user_idx2)
    w = jnp.take(W, trust_idx2, axis=0)     # self.W(trust_idx2)
    pred_r = jax.nn.sigmoid(jnp.sum(b * v, axis=1))
    pred_t = jax.nn.sigmoid(jnp.sum(b2 * w, axis=1))
    return (pred_r, pred_t)

if __name__ == "__main__":
    import jax
    _d = setup_inputs()
    print(jax.jit(kernel)(*tuple(_d.values())))

</pallas_src>

<mosaic_0001>
#map = affine_map<(d0, d1) -> (0, 0)>
#map1 = affine_map<(d0, d1) -> (0)>
module attributes {stable_mosaic.version = 14 : i64} {
  func.func @run(%arg0: i32, %arg1: i32, %arg2: memref<1000000x32xf32, #tpu.memory_space<hbm>>, %arg3: memref<1000000x32xf32, #tpu.memory_space<hbm>>, %arg4: memref<819200xi32, #tpu.memory_space<hbm>>, %arg5: memref<819200xi32, #tpu.memory_space<hbm>>, %arg6: memref<819200xf32, #tpu.memory_space<hbm>>, %arg7: memref<640xi32, #tpu.memory_space<vmem>>, %arg8: memref<640xi32, #tpu.memory_space<vmem>>, %arg9: memref<640xi32, #tpu.memory_space<vmem>>, %arg10: memref<640xi32, #tpu.memory_space<vmem>>, %arg11: memref<640x32xf32, #tpu.memory_space<vmem>>, %arg12: memref<640x32xf32, #tpu.memory_space<vmem>>, %arg13: memref<640x32xf32, #tpu.memory_space<vmem>>, %arg14: memref<640x32xf32, #tpu.memory_space<vmem>>, %arg15: memref<640xf32, #tpu.memory_space<vmem>>, %arg16: memref<!tpu.dma_semaphore, #tpu.memory_space<semaphore_mem>>, %arg17: memref<!tpu.dma_semaphore, #tpu.memory_space<semaphore_mem>>, %arg18: memref<!tpu.dma_semaphore, #tpu.memory_space<semaphore_mem>>, %arg19: memref<!tpu.dma_semaphore, #tpu.memory_space<semaphore_mem>>) attributes {dimension_semantics = [#tpu.dimension_semantics<core_parallel>, #tpu.dimension_semantics<subcore_parallel>], iteration_bounds = array<i64: 2, 16>, scalar_prefetch = 0 : i64, scratch_operands = 13 : i64, tpu.core_type = #tpu.core_type<sc_vector_subcore>, window_params = [{transform_indices = #map}, {transform_indices = #map}, {transform_indices = #map1}, {transform_indices = #map1}, {transform_indices = #map1}]} {
    %mul3A = arith.constant 2 : i32
    %mul3A_0 = arith.muli %arg1, %mul3A : i32
    %add3A = arith.addi %mul3A_0, %arg0 : i32
    %mul3A_1 = arith.constant 25600 : i32
    %mul3A_2 = arith.muli %add3A, %mul3A_1 : i32
    %add3A_3 = arith.constant 0 : i32
    %add3A_4 = arith.addi %mul3A_2, %add3A_3 : i32
    "tpu.region"() ({
      %run_scoped3A = tpu.sem_alloc : memref<!tpu.dma_semaphore, #tpu.memory_space<semaphore_mem>>
      %dma_start3A_14 = tpu.memref_slice %arg4[%add3A_4] : memref<819200xi32, #tpu.memory_space<hbm>> -> memref<640xi32, #tpu.memory_space<hbm>>
      %dma_start3A_15 = tpu.memref_slice %arg4[%add3A_4] : memref<819200xi32, #tpu.memory_space<hbm>> -> memref<640xi32, #tpu.memory_space<hbm>>
      tpu.enqueue_dma source(%dma_start3A_15 : memref<640xi32, #tpu.memory_space<hbm>>) target(%arg7 : memref<640xi32, #tpu.memory_space<vmem>>) target_semaphore(%run_scoped3A : memref<!tpu.dma_semaphore, #tpu.memory_space<semaphore_mem>>)
      %dma_wait3A = tpu.memref_slice %arg4[%add3A_4] : memref<819200xi32, #tpu.memory_space<hbm>> -> memref<640xi32, #tpu.memory_space<hbm>>
      %dma_wait3A_16 = tpu.memref_slice %arg4[%add3A_4] : memref<819200xi32, #tpu.memory_space<hbm>> -> memref<640xi32, #tpu.memory_space<hbm>>
      tpu.wait_dma2 semaphore(%run_scoped3A : memref<!tpu.dma_semaphore, #tpu.memory_space<semaphore_mem>>) src(%dma_wait3A_16 : memref<640xi32, #tpu.memory_space<hbm>>) dst(%arg7 : memref<640xi32, #tpu.memory_space<vmem>>)
      tpu.yield
    }) : () -> ()
    "tpu.region"() ({
      %run_scoped3A = tpu.sem_alloc : memref<!tpu.dma_semaphore, #tpu.memory_space<semaphore_mem>>
      %dma_start3A_14 = tpu.memref_slice %arg5[%add3A_4] : memref<819200xi32, #tpu.memory_space<hbm>> -> memref<640xi32, #tpu.memory_space<hbm>>
      %dma_start3A_15 = tpu.memref_slice %arg5[%add3A_4] : memref<819200xi32, #tpu.memory_space<hbm>> -> memref<640xi32, #tpu.memory_space<hbm>>
      tpu.enqueue_dma source(%dma_start3A_15 : memref<640xi32, #tpu.memory_space<hbm>>) target(%arg9 : memref<640xi32, #tpu.memory_space<vmem>>) target_semaphore(%run_scoped3A : memref<!tpu.dma_semaphore, #tpu.memory_space<semaphore_mem>>)
      %dma_wait3A = tpu.memref_slice %arg5[%add3A_4] : memref<819200xi32, #tpu.memory_space<hbm>> -> memref<640xi32, #tpu.memory_space<hbm>>
      %dma_wait3A_16 = tpu.memref_slice %arg5[%add3A_4] : memref<819200xi32, #tpu.memory_space<hbm>> -> memref<640xi32, #tpu.memory_space<hbm>>
      tpu.wait_dma2 semaphore(%run_scoped3A : memref<!tpu.dma_semaphore, #tpu.memory_space<semaphore_mem>>) src(%dma_wait3A_16 : memref<640xi32, #tpu.memory_space<hbm>>) dst(%arg9 : memref<640xi32, #tpu.memory_space<vmem>>)
      tpu.yield
    }) : () -> ()
    %dma_start3A = arith.constant 0 : i32
    %dma_start3A_5 = arith.constant 0 : i32
    %dma_start3A_6 = tpu.memref_slice %arg2[%dma_start3A, %dma_start3A_5] : memref<1000000x32xf32, #tpu.memory_space<hbm>> -> memref<1000000x32xf32, #tpu.memory_space<hbm>>
    tpu.enqueue_indirect_dma source(%dma_start3A_6 : memref<1000000x32xf32, #tpu.memory_space<hbm>>) target(%arg11 : memref<640x32xf32, #tpu.memory_space<vmem>>) offsets(%arg7 : memref<640xi32, #tpu.memory_space<vmem>>) semaphore(%arg16 : memref<!tpu.dma_semaphore, #tpu.memory_space<semaphore_mem>>)
    %dma_start3A_7 = arith.constant 0 : i32
    %dma_start3A_8 = arith.constant 0 : i32
    %dma_start3A_9 = tpu.memref_slice %arg3[%dma_start3A_7, %dma_start3A_8] : memref<1000000x32xf32, #tpu.memory_space<hbm>> -> memref<1000000x32xf32, #tpu.memory_space<hbm>>
    tpu.enqueue_indirect_dma source(%dma_start3A_9 : memref<1000000x32xf32, #tpu.memory_space<hbm>>) target(%arg13 : memref<640x32xf32, #tpu.memory_space<vmem>>) offsets(%arg9 : memref<640xi32, #tpu.memory_space<vmem>>) semaphore(%arg18 : memref<!tpu.dma_semaphore, #tpu.memory_space<semaphore_mem>>)
    %scan3A = arith.constant 0 : i32
    %scan3A_10 = arith.constant 20 : i32
    %scan3A_11 = arith.addi %scan3A, %scan3A_10 : i32
    %scan3A_12 = arith.constant 1 : i32
    scf.for %scan3A_14 = %scan3A to %scan3A_11 step %scan3A_12  : i32 {
      %mul3A_15 = arith.constant 2 : i32
      %mul3A_16 = arith.muli %scan3A_14, %mul3A_15 : i32
      %add3A_17 = arith.constant 1 : i32
      %add3A_18 = arith.addi %mul3A_16, %add3A_17 : i32
      %mul3A_19 = arith.constant 640 : i32
      %mul3A_20 = arith.muli %add3A_18, %mul3A_19 : i32
      %add3A_21 = arith.addi %mul3A_2, %mul3A_20 : i32
      "tpu.region"() ({
        %run_scoped3A = tpu.sem_alloc : memref<!tpu.dma_semaphore, #tpu.memory_space<semaphore_mem>>
        %dma_start3A_61 = tpu.memref_slice %arg4[%add3A_21] : memref<819200xi32, #tpu.memory_space<hbm>> -> memref<640xi32, #tpu.memory_space<hbm>>
        %dma_start3A_62 = tpu.memref_slice %arg4[%add3A_21] : memref<819200xi32, #tpu.memory_space<hbm>> -> memref<640xi32, #tpu.memory_space<hbm>>
        tpu.enqueue_dma source(%dma_start3A_62 : memref<640xi32, #tpu.memory_space<hbm>>) target(%arg8 : memref<640xi32, #tpu.memory_space<vmem>>) target_semaphore(%run_scoped3A : memref<!tpu.dma_semaphore, #tpu.memory_space<semaphore_mem>>)
        %dma_wait3A_63 = tpu.memref_slice %arg4[%add3A_21] : memref<819200xi32, #tpu.memory_space<hbm>> -> memref<640xi32, #tpu.memory_space<hbm>>
        %dma_wait3A_64 = tpu.memref_slice %arg4[%add3A_21] : memref<819200xi32, #tpu.memory_space<hbm>> -> memref<640xi32, #tpu.memory_space<hbm>>
        tpu.wait_dma2 semaphore(%run_scoped3A : memref<!tpu.dma_semaphore, #tpu.memory_space<semaphore_mem>>) src(%dma_wait3A_64 : memref<640xi32, #tpu.memory_space<hbm>>) dst(%arg8 : memref<640xi32, #tpu.memory_space<vmem>>)
        tpu.yield
      }) : () -> ()
      "tpu.region"() ({
        %run_scoped3A = tpu.sem_alloc : memref<!tpu.dma_semaphore, #tpu.memory_space<semaphore_mem>>
        %dma_start3A_61 = tpu.memref_slice %arg5[%add3A_21] : memref<819200xi32, #tpu.memory_space<hbm>> -> memref<640xi32, #tpu.memory_space<hbm>>
        %dma_start3A_62 = tpu.memref_slice %arg5[%add3A_21] : memref<819200xi32, #tpu.memory_space<hbm>> -> memref<640xi32, #tpu.memory_space<hbm>>
        tpu.enqueue_dma source(%dma_start3A_62 : memref<640xi32, #tpu.memory_space<hbm>>) target(%arg10 : memref<640xi32, #tpu.memory_space<vmem>>) target_semaphore(%run_scoped3A : memref<!tpu.dma_semaphore, #tpu.memory_space<semaphore_mem>>)
        %dma_wait3A_63 = tpu.memref_slice %arg5[%add3A_21] : memref<819200xi32, #tpu.memory_space<hbm>> -> memref<640xi32, #tpu.memory_space<hbm>>
        %dma_wait3A_64 = tpu.memref_slice %arg5[%add3A_21] : memref<819200xi32, #tpu.memory_space<hbm>> -> memref<640xi32, #tpu.memory_space<hbm>>
        tpu.wait_dma2 semaphore(%run_scoped3A : memref<!tpu.dma_semaphore, #tpu.memory_space<semaphore_mem>>) src(%dma_wait3A_64 : memref<640xi32, #tpu.memory_space<hbm>>) dst(%arg10 : memref<640xi32, #tpu.memory_space<vmem>>)
        tpu.yield
      }) : () -> ()
      %dma_start3A_22 = arith.constant 0 : i32
      %dma_start3A_23 = arith.constant 0 : i32
      %dma_start3A_24 = tpu.memref_slice %arg2[%dma_start3A_22, %dma_start3A_23] : memref<1000000x32xf32, #tpu.memory_space<hbm>> -> memref<1000000x32xf32, #tpu.memory_space<hbm>>
      tpu.enqueue_indirect_dma source(%dma_start3A_24 : memref<1000000x32xf32, #tpu.memory_space<hbm>>) target(%arg12 : memref<640x32xf32, #tpu.memory_space<vmem>>) offsets(%arg8 : memref<640xi32, #tpu.memory_space<vmem>>) semaphore(%arg17 : memref<!tpu.dma_semaphore, #tpu.memory_space<semaphore_mem>>)
      %dma_start3A_25 = arith.constant 0 : i32
      %dma_start3A_26 = arith.constant 0 : i32
      %dma_start3A_27 = tpu.memref_slice %arg3[%dma_start3A_25, %dma_start3A_26] : memref<1000000x32xf32, #tpu.memory_space<hbm>> -> memref<1000000x32xf32, #tpu.memory_space<hbm>>
      tpu.enqueue_indirect_dma source(%dma_start3A_27 : memref<1000000x32xf32, #tpu.memory_space<hbm>>) target(%arg14 : memref<640x32xf32, #tpu.memory_space<vmem>>) offsets(%arg10 : memref<640xi32, #tpu.memory_space<vmem>>) semaphore(%arg19 : memref<!tpu.dma_semaphore, #tpu.memory_space<semaphore_mem>>)
      %dma_wait3A = arith.constant 0 : i32
      %dma_wait3A_28 = arith.constant 0 : i32
      %dma_wait3A_29 = tpu.memref_slice %arg2[%dma_wait3A, %dma_wait3A_28] : memref<1000000x32xf32, #tpu.memory_space<hbm>> -> memref<1000000x32xf32, #tpu.memory_space<hbm>>
      tpu.wait_indirect_dma semaphore(%arg16 : memref<!tpu.dma_semaphore, #tpu.memory_space<semaphore_mem>>) src(%dma_wait3A_29 : memref<1000000x32xf32, #tpu.memory_space<hbm>>) dst(%arg11 : memref<640x32xf32, #tpu.memory_space<vmem>>)
      %dma_wait3A_30 = arith.constant 0 : i32
      %dma_wait3A_31 = arith.constant 0 : i32
      %dma_wait3A_32 = tpu.memref_slice %arg3[%dma_wait3A_30, %dma_wait3A_31] : memref<1000000x32xf32, #tpu.memory_space<hbm>> -> memref<1000000x32xf32, #tpu.memory_space<hbm>>
      tpu.wait_indirect_dma semaphore(%arg18 : memref<!tpu.dma_semaphore, #tpu.memory_space<semaphore_mem>>) src(%dma_wait3A_32 : memref<1000000x32xf32, #tpu.memory_space<hbm>>) dst(%arg13 : memref<640x32xf32, #tpu.memory_space<vmem>>)
      %scan3A_33 = arith.constant 0 : i32
      %scan3A_34 = arith.constant 40 : i32
      %scan3A_35 = arith.addi %scan3A_33, %scan3A_34 : i32
      %scan3A_36 = arith.constant 1 : i32
      scf.for %scan3A_61 = %scan3A_33 to %scan3A_35 step %scan3A_36  : i32 {
        %mul3A_62 = arith.constant 16 : i32
        %mul3A_63 = arith.muli %scan3A_61, %mul3A_62 : i32
        %iota3A = tpu.iota {dimensions = array<i32: 0>} : vector<16xi32>
        %add3A_64 = vector.broadcast %mul3A_63 : i32 to vector<16xi32>
        %add3A_65 = arith.addi %add3A_64, %iota3A : vector<16xi32>
        %iota3A_66 = tpu.iota {dimensions = array<i32: 0>} : vector<16xi32>
        %broadcast_in_dim3A = arith.constant 0.000000e+00 : f32
        %broadcast_in_dim3A_67 = vector.broadcast %broadcast_in_dim3A : f32 to vector<16xf32>
        %broadcast_in_dim3A_68 = arith.constant 0.000000e+00 : f32
        %broadcast_in_dim3A_69 = vector.broadcast %broadcast_in_dim3A_68 : f32 to vector<16xf32>
        %broadcast_in_dim3A_70 = arith.constant 0.000000e+00 : f32
        %broadcast_in_dim3A_71 = vector.broadcast %broadcast_in_dim3A_70 : f32 to vector<16xf32>
        %broadcast_in_dim3A_72 = arith.constant 0.000000e+00 : f32
        %broadcast_in_dim3A_73 = vector.broadcast %broadcast_in_dim3A_72 : f32 to vector<16xf32>
        %add3A_74 = arith.constant 0 : i32
        %add3A_75 = vector.broadcast %add3A_74 : i32 to vector<16xi32>
        %add3A_76 = arith.addi %iota3A_66, %add3A_75 : vector<16xi32>
        %and3A = arith.constant 31 : i32
        %and3A_77 = vector.broadcast %and3A : i32 to vector<16xi32>
        %and3A_78 = arith.andi %add3A_76, %and3A_77 : vector<16xi32>
        %gather3A = tpu.vector_load_idx %arg11[%add3A_65, %and3A_78] : memref<640x32xf32, #tpu.memory_space<vmem>>[vector<16xi32>, vector<16xi32>], vector<16xf32>,
        %gather3A_79 = tpu.vector_load_idx %arg13[%add3A_65, %and3A_78] : memref<640x32xf32, #tpu.memory_space<vmem>>[vector<16xi32>, vector<16xi32>], vector<16xf32>,
        %mul3A_80 = arith.mulf %gather3A, %gather3A_79 : vector<16xf32>
        %add3A_81 = arith.addf %broadcast_in_dim3A_67, %mul3A_80 : vector<16xf32>
        %add3A_82 = arith.constant 1 : i32
        %add3A_83 = vector.broadcast %add3A_82 : i32 to vector<16xi32>
        %add3A_84 = arith.addi %iota3A_66, %add3A_83 : vector<16xi32>
        %and3A_85 = arith.constant 31 : i32
        %and3A_86 = vector.broadcast %and3A_85 : i32 to vector<16xi32>
        %and3A_87 = arith.andi %add3A_84, %and3A_86 : vector<16xi32>
        %gather3A_88 = tpu.vector_load_idx %arg11[%add3A_65, %and3A_87] : memref<640x32xf32, #tpu.memory_space<vmem>>[vector<16xi32>, vector<16xi32>], vector<16xf32>,
        %gather3A_89 = tpu.vector_load_idx %arg13[%add3A_65, %and3A_87] : memref<640x32xf32, #tpu.memory_space<vmem>>[vector<16xi32>, vector<16xi32>], vector<16xf32>,
        %mul3A_90 = arith.mulf %gather3A_88, %gather3A_89 : vector<16xf32>
        %add3A_91 = arith.addf %broadcast_in_dim3A_69, %mul3A_90 : vector<16xf32>
        %add3A_92 = arith.constant 2 : i32
        %add3A_93 = vector.broadcast %add3A_92 : i32 to vector<16xi32>
        %add3A_94 = arith.addi %iota3A_66, %add3A_93 : vector<16xi32>
        %and3A_95 = arith.constant 31 : i32
        %and3A_96 = vector.broadcast %and3A_95 : i32 to vector<16xi32>
        %and3A_97 = arith.andi %add3A_94, %and3A_96 : vector<16xi32>
        %gather3A_98 = tpu.vector_load_idx %arg11[%add3A_65, %and3A_97] : memref<640x32xf32, #tpu.memory_space<vmem>>[vector<16xi32>, vector<16xi32>], vector<16xf32>,
        %gather3A_99 = tpu.vector_load_idx %arg13[%add3A_65, %and3A_97] : memref<640x32xf32, #tpu.memory_space<vmem>>[vector<16xi32>, vector<16xi32>], vector<16xf32>,
        %mul3A_100 = arith.mulf %gather3A_98, %gather3A_99 : vector<16xf32>
        %add3A_101 = arith.addf %broadcast_in_dim3A_71, %mul3A_100 : vector<16xf32>
        %add3A_102 = arith.constant 3 : i32
        %add3A_103 = vector.broadcast %add3A_102 : i32 to vector<16xi32>
        %add3A_104 = arith.addi %iota3A_66, %add3A_103 : vector<16xi32>
        %and3A_105 = arith.constant 31 : i32
        %and3A_106 = vector.broadcast %and3A_105 : i32 to vector<16xi32>
        %and3A_107 = arith.andi %add3A_104, %and3A_106 : vector<16xi32>
        %gather3A_108 = tpu.vector_load_idx %arg11[%add3A_65, %and3A_107] : memref<640x32xf32, #tpu.memory_space<vmem>>[vector<16xi32>, vector<16xi32>], vector<16xf32>,
        %gather3A_109 = tpu.vector_load_idx %arg13[%add3A_65, %and3A_107] : memref<640x32xf32, #tpu.memory_space<vmem>>[vector<16xi32>, vector<16xi32>], vector<16xf32>,
        %mul3A_110 = arith.mulf %gather3A_108, %gather3A_109 : vector<16xf32>
        %add3A_111 = arith.addf %broadcast_in_dim3A_73, %mul3A_110 : vector<16xf32>
        %add3A_112 = arith.constant 4 : i32
        %add3A_113 = vector.broadcast %add3A_112 : i32 to vector<16xi32>
        %add3A_114 = arith.addi %iota3A_66, %add3A_113 : vector<16xi32>
        %and3A_115 = arith.constant 31 : i32
        %and3A_116 = vector.broadcast %and3A_115 : i32 to vector<16xi32>
        %and3A_117 = arith.andi %add3A_114, %and3A_116 : vector<16xi32>
        %gather3A_118 = tpu.vector_load_idx %arg11[%add3A_65, %and3A_117] : memref<640x32xf32, #tpu.memory_space<vmem>>[vector<16xi32>, vector<16xi32>], vector<16xf32>,
        %gather3A_119 = tpu.vector_load_idx %arg13[%add3A_65, %and3A_117] : memref<640x32xf32, #tpu.memory_space<vmem>>[vector<16xi32>, vector<16xi32>], vector<16xf32>,
        %mul3A_120 = arith.mulf %gather3A_118, %gather3A_119 : vector<16xf32>
        %add3A_121 = arith.addf %add3A_81, %mul3A_120 : vector<16xf32>
        %add3A_122 = arith.constant 5 : i32
        %add3A_123 = vector.broadcast %add3A_122 : i32 to vector<16xi32>
        %add3A_124 = arith.addi %iota3A_66, %add3A_123 : vector<16xi32>
        %and3A_125 = arith.constant 31 : i32
        %and3A_126 = vector.broadcast %and3A_125 : i32 to vector<16xi32>
        %and3A_127 = arith.andi %add3A_124, %and3A_126 : vector<16xi32>
        %gather3A_128 = tpu.vector_load_idx %arg11[%add3A_65, %and3A_127] : memref<640x32xf32, #tpu.memory_space<vmem>>[vector<16xi32>, vector<16xi32>], vector<16xf32>,
        %gather3A_129 = tpu.vector_load_idx %arg13[%add3A_65, %and3A_127] : memref<640x32xf32, #tpu.memory_space<vmem>>[vector<16xi32>, vector<16xi32>], vector<16xf32>,
        %mul3A_130 = arith.mulf %gather3A_128, %gather3A_129 : vector<16xf32>
        %add3A_131 = arith.addf %add3A_91, %mul3A_130 : vector<16xf32>
        %add3A_132 = arith.constant 6 : i32
        %add3A_133 = vector.broadcast %add3A_132 : i32 to vector<16xi32>
        %add3A_134 = arith.addi %iota3A_66, %add3A_133 : vector<16xi32>
        %and3A_135 = arith.constant 31 : i32
        %and3A_136 = vector.broadcast %and3A_135 : i32 to vector<16xi32>
        %and3A_137 = arith.andi %add3A_134, %and3A_136 : vector<16xi32>
        %gather3A_138 = tpu.vector_load_idx %arg11[%add3A_65, %and3A_137] : memref<640x32xf32, #tpu.memory_space<vmem>>[vector<16xi32>, vector<16xi32>], vector<16xf32>,
        %gather3A_139 = tpu.vector_load_idx %arg13[%add3A_65, %and3A_137] : memref<640x32xf32, #tpu.memory_space<vmem>>[vector<16xi32>, vector<16xi32>], vector<16xf32>,
        %mul3A_140 = arith.mulf %gather3A_138, %gather3A_139 : vector<16xf32>
        %add3A_141 = arith.addf %add3A_101, %mul3A_140 : vector<16xf32>
        %add3A_142 = arith.constant 7 : i32
        %add3A_143 = vector.broadcast %add3A_142 : i32 to vector<16xi32>
        %add3A_144 = arith.addi %iota3A_66, %add3A_143 : vector<16xi32>
        %and3A_145 = arith.constant 31 : i32
        %and3A_146 = vector.broadcast %and3A_145 : i32 to vector<16xi32>
        %and3A_147 = arith.andi %add3A_144, %and3A_146 : vector<16xi32>
        %gather3A_148 = tpu.vector_load_idx %arg11[%add3A_65, %and3A_147] : memref<640x32xf32, #tpu.memory_space<vmem>>[vector<16xi32>, vector<16xi32>], vector<16xf32>,
        %gather3A_149 = tpu.vector_load_idx %arg13[%add3A_65, %and3A_147] : memref<640x32xf32, #tpu.memory_space<vmem>>[vector<16xi32>, vector<16xi32>], vector<16xf32>,
        %mul3A_150 = arith.mulf %gather3A_148, %gather3A_149 : vector<16xf32>
        %add3A_151 = arith.addf %add3A_111, %mul3A_150 : vector<16xf32>
        %add3A_152 = arith.constant 8 : i32
        %add3A_153 = vector.broadcast %add3A_152 : i32 to vector<16xi32>
        %add3A_154 = arith.addi %iota3A_66, %add3A_153 : vector<16xi32>
        %and3A_155 = arith.constant 31 : i32
        %and3A_156 = vector.broadcast %and3A_155 : i32 to vector<16xi32>
        %and3A_157 = arith.andi %add3A_154, %and3A_156 : vector<16xi32>
        %gather3A_158 = tpu.vector_load_idx %arg11[%add3A_65, %and3A_157] : memref<640x32xf32, #tpu.memory_space<vmem>>[vector<16xi32>, vector<16xi32>], vector<16xf32>,
        %gather3A_159 = tpu.vector_load_idx %arg13[%add3A_65, %and3A_157] : memref<640x32xf32, #tpu.memory_space<vmem>>[vector<16xi32>, vector<16xi32>], vector<16xf32>,
        %mul3A_160 = arith.mulf %gather3A_158, %gather3A_159 : vector<16xf32>
        %add3A_161 = arith.addf %add3A_121, %mul3A_160 : vector<16xf32>
        %add3A_162 = arith.constant 9 : i32
        %add3A_163 = vector.broadcast %add3A_162 : i32 to vector<16xi32>
        %add3A_164 = arith.addi %iota3A_66, %add3A_163 : vector<16xi32>
        %and3A_165 = arith.constant 31 : i32
        %and3A_166 = vector.broadcast %and3A_165 : i32 to vector<16xi32>
        %and3A_167 = arith.andi %add3A_164, %and3A_166 : vector<16xi32>
        %gather3A_168 = tpu.vector_load_idx %arg11[%add3A_65, %and3A_167] : memref<640x32xf32, #tpu.memory_space<vmem>>[vector<16xi32>, vector<16xi32>], vector<16xf32>,
        %gather3A_169 = tpu.vector_load_idx %arg13[%add3A_65, %and3A_167] : memref<640x32xf32, #tpu.memory_space<vmem>>[vector<16xi32>, vector<16xi32>], vector<16xf32>,
        %mul3A_170 = arith.mulf %gather3A_168, %gather3A_169 : vector<16xf32>
        %add3A_171 = arith.addf %add3A_131, %mul3A_170 : vector<16xf32>
        %add3A_172 = arith.constant 10 : i32
        %add3A_173 = vector.broadcast %add3A_172 : i32 to vector<16xi32>
        %add3A_174 = arith.addi %iota3A_66, %add3A_173 : vector<16xi32>
        %and3A_175 = arith.constant 31 : i32
        %and3A_176 = vector.broadcast %and3A_175 : i32 to vector<16xi32>
        %and3A_177 = arith.andi %add3A_174, %and3A_176 : vector<16xi32>
        %gather3A_178 = tpu.vector_load_idx %arg11[%add3A_65, %and3A_177] : memref<640x32xf32, #tpu.memory_space<vmem>>[vector<16xi32>, vector<16xi32>], vector<16xf32>,
        %gather3A_179 = tpu.vector_load_idx %arg13[%add3A_65, %and3A_177] : memref<640x32xf32, #tpu.memory_space<vmem>>[vector<16xi32>, vector<16xi32>], vector<16xf32>,
        %mul3A_180 = arith.mulf %gather3A_178, %gather3A_179 : vector<16xf32>
        %add3A_181 = arith.addf %add3A_141, %mul3A_180 : vector<16xf32>
        %add3A_182 = arith.constant 11 : i32
        %add3A_183 = vector.broadcast %add3A_182 : i32 to vector<16xi32>
        %add3A_184 = arith.addi %iota3A_66, %add3A_183 : vector<16xi32>
        %and3A_185 = arith.constant 31 : i32
        %and3A_186 = vector.broadcast %and3A_185 : i32 to vector<16xi32>
        %and3A_187 = arith.andi %add3A_184, %and3A_186 : vector<16xi32>
        %gather3A_188 = tpu.vector_load_idx %arg11[%add3A_65, %and3A_187] : memref<640x32xf32, #tpu.memory_space<vmem>>[vector<16xi32>, vector<16xi32>], vector<16xf32>,
        %gather3A_189 = tpu.vector_load_idx %arg13[%add3A_65, %and3A_187] : memref<640x32xf32, #tpu.memory_space<vmem>>[vector<16xi32>, vector<16xi32>], vector<16xf32>,
        %mul3A_190 = arith.mulf %gather3A_188, %gather3A_189 : vector<16xf32>
        %add3A_191 = arith.addf %add3A_151, %mul3A_190 : vector<16xf32>
        %add3A_192 = arith.constant 12 : i32
        %add3A_193 = vector.broadcast %add3A_192 : i32 to vector<16xi32>
        %add3A_194 = arith.addi %iota3A_66, %add3A_193 : vector<16xi32>
        %and3A_195 = arith.constant 31 : i32
        %and3A_196 = vector.broadcast %and3A_195 : i32 to vector<16xi32>
        %and3A_197 = arith.andi %add3A_194, %and3A_196 : vector<16xi32>
        %gather3A_198 = tpu.vector_load_idx %arg11[%add3A_65, %and3A_197] : memref<640x32xf32, #tpu.memory_space<vmem>>[vector<16xi32>, vector<16xi32>], vector<16xf32>,
        %gather3A_199 = tpu.vector_load_idx %arg13[%add3A_65, %and3A_197] : memref<640x32xf32, #tpu.memory_space<vmem>>[vector<16xi32>, vector<16xi32>], vector<16xf32>,
        %mul3A_200 = arith.mulf %gather3A_198, %gather3A_199 : vector<16xf32>
        %add3A_201 = arith.addf %add3A_161, %mul3A_200 : vector<16xf32>
        %add3A_202 = arith.constant 13 : i32
        %add3A_203 = vector.broadcast %add3A_202 : i32 to vector<16xi32>
        %add3A_204 = arith.addi %iota3A_66, %add3A_203 : vector<16xi32>
        %and3A_205 = arith.constant 31 : i32
        %and3A_206 = vector.broadcast %and3A_205 : i32 to vector<16xi32>
        %and3A_207 = arith.andi %add3A_204, %and3A_206 : vector<16xi32>
        %gather3A_208 = tpu.vector_load_idx %arg11[%add3A_65, %and3A_207] : memref<640x32xf32, #tpu.memory_space<vmem>>[vector<16xi32>, vector<16xi32>], vector<16xf32>,
        %gather3A_209 = tpu.vector_load_idx %arg13[%add3A_65, %and3A_207] : memref<640x32xf32, #tpu.memory_space<vmem>>[vector<16xi32>, vector<16xi32>], vector<16xf32>,
        %mul3A_210 = arith.mulf %gather3A_208, %gather3A_209 : vector<16xf32>
        %add3A_211 = arith.addf %add3A_171, %mul3A_210 : vector<16xf32>
        %add3A_212 = arith.constant 14 : i32
        %add3A_213 = vector.broadcast %add3A_212 : i32 to vector<16xi32>
        %add3A_214 = arith.addi %iota3A_66, %add3A_213 : vector<16xi32>
        %and3A_215 = arith.constant 31 : i32
        %and3A_216 = vector.broadcast %and3A_215 : i32 to vector<16xi32>
        %and3A_217 = arith.andi %add3A_214, %and3A_216 : vector<16xi32>
        %gather3A_218 = tpu.vector_load_idx %arg11[%add3A_65, %and3A_217] : memref<640x32xf32, #tpu.memory_space<vmem>>[vector<16xi32>, vector<16xi32>], vector<16xf32>,
        %gather3A_219 = tpu.vector_load_idx %arg13[%add3A_65, %and3A_217] : memref<640x32xf32, #tpu.memory_space<vmem>>[vector<16xi32>, vector<16xi32>], vector<16xf32>,
        %mul3A_220 = arith.mulf %gather3A_218, %gather3A_219 : vector<16xf32>
        %add3A_221 = arith.addf %add3A_181, %mul3A_220 : vector<16xf32>
        %add3A_222 = arith.constant 15 : i32
        %add3A_223 = vector.broadcast %add3A_222 : i32 to vector<16xi32>
        %add3A_224 = arith.addi %iota3A_66, %add3A_223 : vector<16xi32>
        %and3A_225 = arith.constant 31 : i32
        %and3A_226 = vector.broadcast %and3A_225 : i32 to vector<16xi32>
        %and3A_227 = arith.andi %add3A_224, %and3A_226 : vector<16xi32>
        %gather3A_228 = tpu.vector_load_idx %arg11[%add3A_65, %and3A_227] : memref<640x32xf32, #tpu.memory_space<vmem>>[vector<16xi32>, vector<16xi32>], vector<16xf32>,
        %gather3A_229 = tpu.vector_load_idx %arg13[%add3A_65, %and3A_227] : memref<640x32xf32, #tpu.memory_space<vmem>>[vector<16xi32>, vector<16xi32>], vector<16xf32>,
        %mul3A_230 = arith.mulf %gather3A_228, %gather3A_229 : vector<16xf32>
        %add3A_231 = arith.addf %add3A_191, %mul3A_230 : vector<16xf32>
        %add3A_232 = arith.constant 16 : i32
        %add3A_233 = vector.broadcast %add3A_232 : i32 to vector<16xi32>
        %add3A_234 = arith.addi %iota3A_66, %add3A_233 : vector<16xi32>
        %and3A_235 = arith.constant 31 : i32
        %and3A_236 = vector.broadcast %and3A_235 : i32 to vector<16xi32>
        %and3A_237 = arith.andi %add3A_234, %and3A_236 : vector<16xi32>
        %gather3A_238 = tpu.vector_load_idx %arg11[%add3A_65, %and3A_237] : memref<640x32xf32, #tpu.memory_space<vmem>>[vector<16xi32>, vector<16xi32>], vector<16xf32>,
        %gather3A_239 = tpu.vector_load_idx %arg13[%add3A_65, %and3A_237] : memref<640x32xf32, #tpu.memory_space<vmem>>[vector<16xi32>, vector<16xi32>], vector<16xf32>,
        %mul3A_240 = arith.mulf %gather3A_238, %gather3A_239 : vector<16xf32>
        %add3A_241 = arith.addf %add3A_201, %mul3A_240 : vector<16xf32>
        %add3A_242 = arith.constant 17 : i32
        %add3A_243 = vector.broadcast %add3A_242 : i32 to vector<16xi32>
        %add3A_244 = arith.addi %iota3A_66, %add3A_243 : vector<16xi32>
        %and3A_245 = arith.constant 31 : i32
        %and3A_246 = vector.broadcast %and3A_245 : i32 to vector<16xi32>
        %and3A_247 = arith.andi %add3A_244, %and3A_246 : vector<16xi32>
        %gather3A_248 = tpu.vector_load_idx %arg11[%add3A_65, %and3A_247] : memref<640x32xf32, #tpu.memory_space<vmem>>[vector<16xi32>, vector<16xi32>], vector<16xf32>,
        %gather3A_249 = tpu.vector_load_idx %arg13[%add3A_65, %and3A_247] : memref<640x32xf32, #tpu.memory_space<vmem>>[vector<16xi32>, vector<16xi32>], vector<16xf32>,
        %mul3A_250 = arith.mulf %gather3A_248, %gather3A_249 : vector<16xf32>
        %add3A_251 = arith.addf %add3A_211, %mul3A_250 : vector<16xf32>
        %add3A_252 = arith.constant 18 : i32
        %add3A_253 = vector.broadcast %add3A_252 : i32 to vector<16xi32>
        %add3A_254 = arith.addi %iota3A_66, %add3A_253 : vector<16xi32>
        %and3A_255 = arith.constant 31 : i32
        %and3A_256 = vector.broadcast %and3A_255 : i32 to vector<16xi32>
        %and3A_257 = arith.andi %add3A_254, %and3A_256 : vector<16xi32>
        %gather3A_258 = tpu.vector_load_idx %arg11[%add3A_65, %and3A_257] : memref<640x32xf32, #tpu.memory_space<vmem>>[vector<16xi32>, vector<16xi32>], vector<16xf32>,
        %gather3A_259 = tpu.vector_load_idx %arg13[%add3A_65, %and3A_257] : memref<640x32xf32, #tpu.memory_space<vmem>>[vector<16xi32>, vector<16xi32>], vector<16xf32>,
        %mul3A_260 = arith.mulf %gather3A_258, %gather3A_259 : vector<16xf32>
        %add3A_261 = arith.addf %add3A_221, %mul3A_260 : vector<16xf32>
        %add3A_262 = arith.constant 19 : i32
        %add3A_263 = vector.broadcast %add3A_262 : i32 to vector<16xi32>
        %add3A_264 = arith.addi %iota3A_66, %add3A_263 : vector<16xi32>
        %and3A_265 = arith.constant 31 : i32
        %and3A_266 = vector.broadcast %and3A_265 : i32 to vector<16xi32>
        %and3A_267 = arith.andi %add3A_264, %and3A_266 : vector<16xi32>
        %gather3A_268 = tpu.vector_load_idx %arg11[%add3A_65, %and3A_267] : memref<640x32xf32, #tpu.memory_space<vmem>>[vector<16xi32>, vector<16xi32>], vector<16xf32>,
        %gather3A_269 = tpu.vector_load_idx %arg13[%add3A_65, %and3A_267] : memref<640x32xf32, #tpu.memory_space<vmem>>[vector<16xi32>, vector<16xi32>], vector<16xf32>,
        %mul3A_270 = arith.mulf %gather3A_268, %gather3A_269 : vector<16xf32>
        %add3A_271 = arith.addf %add3A_231, %mul3A_270 : vector<16xf32>
        %add3A_272 = arith.constant 20 : i32
        %add3A_273 = vector.broadcast %add3A_272 : i32 to vector<16xi32>
        %add3A_274 = arith.addi %iota3A_66, %add3A_273 : vector<16xi32>
        %and3A_275 = arith.constant 31 : i32
        %and3A_276 = vector.broadcast %and3A_275 : i32 to vector<16xi32>
        %and3A_277 = arith.andi %add3A_274, %and3A_276 : vector<16xi32>
        %gather3A_278 = tpu.vector_load_idx %arg11[%add3A_65, %and3A_277] : memref<640x32xf32, #tpu.memory_space<vmem>>[vector<16xi32>, vector<16xi32>], vector<16xf32>,
        %gather3A_279 = tpu.vector_load_idx %arg13[%add3A_65, %and3A_277] : memref<640x32xf32, #tpu.memory_space<vmem>>[vector<16xi32>, vector<16xi32>], vector<16xf32>,
        %mul3A_280 = arith.mulf %gather3A_278, %gather3A_279 : vector<16xf32>
        %add3A_281 = arith.addf %add3A_241, %mul3A_280 : vector<16xf32>
        %add3A_282 = arith.constant 21 : i32
        %add3A_283 = vector.broadcast %add3A_282 : i32 to vector<16xi32>
        %add3A_284 = arith.addi %iota3A_66, %add3A_283 : vector<16xi32>
        %and3A_285 = arith.constant 31 : i32
        %and3A_286 = vector.broadcast %and3A_285 : i32 to vector<16xi32>
        %and3A_287 = arith.andi %add3A_284, %and3A_286 : vector<16xi32>
        %gather3A_288 = tpu.vector_load_idx %arg11[%add3A_65, %and3A_287] : memref<640x32xf32, #tpu.memory_space<vmem>>[vector<16xi32>, vector<16xi32>], vector<16xf32>,
        %gather3A_289 = tpu.vector_load_idx %arg13[%add3A_65, %and3A_287] : memref<640x32xf32, #tpu.memory_space<vmem>>[vector<16xi32>, vector<16xi32>], vector<16xf32>,
        %mul3A_290 = arith.mulf %gather3A_288, %gather3A_289 : vector<16xf32>
        %add3A_291 = arith.addf %add3A_251, %mul3A_290 : vector<16xf32>
        %add3A_292 = arith.constant 22 : i32
        %add3A_293 = vector.broadcast %add3A_292 : i32 to vector<16xi32>
        %add3A_294 = arith.addi %iota3A_66, %add3A_293 : vector<16xi32>
        %and3A_295 = arith.constant 31 : i32
        %and3A_296 = vector.broadcast %and3A_295 : i32 to vector<16xi32>
        %and3A_297 = arith.andi %add3A_294, %and3A_296 : vector<16xi32>
        %gather3A_298 = tpu.vector_load_idx %arg11[%add3A_65, %and3A_297] : memref<640x32xf32, #tpu.memory_space<vmem>>[vector<16xi32>, vector<16xi32>], vector<16xf32>,
        %gather3A_299 = tpu.vector_load_idx %arg13[%add3A_65, %and3A_297] : memref<640x32xf32, #tpu.memory_space<vmem>>[vector<16xi32>, vector<16xi32>], vector<16xf32>,
        %mul3A_300 = arith.mulf %gather3A_298, %gather3A_299 : vector<16xf32>
        %add3A_301 = arith.addf %add3A_261, %mul3A_300 : vector<16xf32>
        %add3A_302 = arith.constant 23 : i32
        %add3A_303 = vector.broadcast %add3A_302 : i32 to vector<16xi32>
        %add3A_304 = arith.addi %iota3A_66, %add3A_303 : vector<16xi32>
        %and3A_305 = arith.constant 31 : i32
        %and3A_306 = vector.broadcast %and3A_305 : i32 to vector<16xi32>
        %and3A_307 = arith.andi %add3A_304, %and3A_306 : vector<16xi32>
        %gather3A_308 = tpu.vector_load_idx %arg11[%add3A_65, %and3A_307] : memref<640x32xf32, #tpu.memory_space<vmem>>[vector<16xi32>, vector<16xi32>], vector<16xf32>,
        %gather3A_309 = tpu.vector_load_idx %arg13[%add3A_65, %and3A_307] : memref<640x32xf32, #tpu.memory_space<vmem>>[vector<16xi32>, vector<16xi32>], vector<16xf32>,
        %mul3A_310 = arith.mulf %gather3A_308, %gather3A_309 : vector<16xf32>
        %add3A_311 = arith.addf %add3A_271, %mul3A_310 : vector<16xf32>
        %add3A_312 = arith.constant 24 : i32
        %add3A_313 = vector.broadcast %add3A_312 : i32 to vector<16xi32>
        %add3A_314 = arith.addi %iota3A_66, %add3A_313 : vector<16xi32>
        %and3A_315 = arith.constant 31 : i32
        %and3A_316 = vector.broadcast %and3A_315 : i32 to vector<16xi32>
        %and3A_317 = arith.andi %add3A_314, %and3A_316 : vector<16xi32>
        %gather3A_318 = tpu.vector_load_idx %arg11[%add3A_65, %and3A_317] : memref<640x32xf32, #tpu.memory_space<vmem>>[vector<16xi32>, vector<16xi32>], vector<16xf32>,
        %gather3A_319 = tpu.vector_load_idx %arg13[%add3A_65, %and3A_317] : memref<640x32xf32, #tpu.memory_space<vmem>>[vector<16xi32>, vector<16xi32>], vector<16xf32>,
        %mul3A_320 = arith.mulf %gather3A_318, %gather3A_319 : vector<16xf32>
        %add3A_321 = arith.addf %add3A_281, %mul3A_320 : vector<16xf32>
        %add3A_322 = arith.constant 25 : i32
        %add3A_323 = vector.broadcast %add3A_322 : i32 to vector<16xi32>
        %add3A_324 = arith.addi %iota3A_66, %add3A_323 : vector<16xi32>
        %and3A_325 = arith.constant 31 : i32
        %and3A_326 = vector.broadcast %and3A_325 : i32 to vector<16xi32>
        %and3A_327 = arith.andi %add3A_324, %and3A_326 : vector<16xi32>
        %gather3A_328 = tpu.vector_load_idx %arg11[%add3A_65, %and3A_327] : memref<640x32xf32, #tpu.memory_space<vmem>>[vector<16xi32>, vector<16xi32>], vector<16xf32>,
        %gather3A_329 = tpu.vector_load_idx %arg13[%add3A_65, %and3A_327] : memref<640x32xf32, #tpu.memory_space<vmem>>[vector<16xi32>, vector<16xi32>], vector<16xf32>,
        %mul3A_330 = arith.mulf %gather3A_328, %gather3A_329 : vector<16xf32>
        %add3A_331 = arith.addf %add3A_291, %mul3A_330 : vector<16xf32>
        %add3A_332 = arith.constant 26 : i32
        %add3A_333 = vector.broadcast %add3A_332 : i32 to vector<16xi32>
        %add3A_334 = arith.addi %iota3A_66, %add3A_333 : vector<16xi32>
        %and3A_335 = arith.constant 31 : i32
        %and3A_336 = vector.broadcast %and3A_335 : i32 to vector<16xi32>
        %and3A_337 = arith.andi %add3A_334, %and3A_336 : vector<16xi32>
        %gather3A_338 = tpu.vector_load_idx %arg11[%add3A_65, %and3A_337] : memref<640x32xf32, #tpu.memory_space<vmem>>[vector<16xi32>, vector<16xi32>], vector<16xf32>,
        %gather3A_339 = tpu.vector_load_idx %arg13[%add3A_65, %and3A_337] : memref<640x32xf32, #tpu.memory_space<vmem>>[vector<16xi32>, vector<16xi32>], vector<16xf32>,
        %mul3A_340 = arith.mulf %gather3A_338, %gather3A_339 : vector<16xf32>
        %add3A_341 = arith.addf %add3A_301, %mul3A_340 : vector<16xf32>
        %add3A_342 = arith.constant 27 : i32
        %add3A_343 = vector.broadcast %add3A_342 : i32 to vector<16xi32>
        %add3A_344 = arith.addi %iota3A_66, %add3A_343 : vector<16xi32>
        %and3A_345 = arith.constant 31 : i32
        %and3A_346 = vector.broadcast %and3A_345 : i32 to vector<16xi32>
        %and3A_347 = arith.andi %add3A_344, %and3A_346 : vector<16xi32>
        %gather3A_348 = tpu.vector_load_idx %arg11[%add3A_65, %and3A_347] : memref<640x32xf32, #tpu.memory_space<vmem>>[vector<16xi32>, vector<16xi32>], vector<16xf32>,
        %gather3A_349 = tpu.vector_load_idx %arg13[%add3A_65, %and3A_347] : memref<640x32xf32, #tpu.memory_space<vmem>>[vector<16xi32>, vector<16xi32>], vector<16xf32>,
        %mul3A_350 = arith.mulf %gather3A_348, %gather3A_349 : vector<16xf32>
        %add3A_351 = arith.addf %add3A_311, %mul3A_350 : vector<16xf32>
        %add3A_352 = arith.constant 28 : i32
        %add3A_353 = vector.broadcast %add3A_352 : i32 to vector<16xi32>
        %add3A_354 = arith.addi %iota3A_66, %add3A_353 : vector<16xi32>
        %and3A_355 = arith.constant 31 : i32
        %and3A_356 = vector.broadcast %and3A_355 : i32 to vector<16xi32>
        %and3A_357 = arith.andi %add3A_354, %and3A_356 : vector<16xi32>
        %gather3A_358 = tpu.vector_load_idx %arg11[%add3A_65, %and3A_357] : memref<640x32xf32, #tpu.memory_space<vmem>>[vector<16xi32>, vector<16xi32>], vector<16xf32>,
        %gather3A_359 = tpu.vector_load_idx %arg13[%add3A_65, %and3A_357] : memref<640x32xf32, #tpu.memory_space<vmem>>[vector<16xi32>, vector<16xi32>], vector<16xf32>,
        %mul3A_360 = arith.mulf %gather3A_358, %gather3A_359 : vector<16xf32>
        %add3A_361 = arith.addf %add3A_321, %mul3A_360 : vector<16xf32>
        %add3A_362 = arith.constant 29 : i32
        %add3A_363 = vector.broadcast %add3A_362 : i32 to vector<16xi32>
        %add3A_364 = arith.addi %iota3A_66, %add3A_363 : vector<16xi32>
        %and3A_365 = arith.constant 31 : i32
        %and3A_366 = vector.broadcast %and3A_365 : i32 to vector<16xi32>
        %and3A_367 = arith.andi %add3A_364, %and3A_366 : vector<16xi32>
        %gather3A_368 = tpu.vector_load_idx %arg11[%add3A_65, %and3A_367] : memref<640x32xf32, #tpu.memory_space<vmem>>[vector<16xi32>, vector<16xi32>], vector<16xf32>,
        %gather3A_369 = tpu.vector_load_idx %arg13[%add3A_65, %and3A_367] : memref<640x32xf32, #tpu.memory_space<vmem>>[vector<16xi32>, vector<16xi32>], vector<16xf32>,
        %mul3A_370 = arith.mulf %gather3A_368, %gather3A_369 : vector<16xf32>
        %add3A_371 = arith.addf %add3A_331, %mul3A_370 : vector<16xf32>
        %add3A_372 = arith.constant 30 : i32
        %add3A_373 = vector.broadcast %add3A_372 : i32 to vector<16xi32>
        %add3A_374 = arith.addi %iota3A_66, %add3A_373 : vector<16xi32>
        %and3A_375 = arith.constant 31 : i32
        %and3A_376 = vector.broadcast %and3A_375 : i32 to vector<16xi32>
        %and3A_377 = arith.andi %add3A_374, %and3A_376 : vector<16xi32>
        %gather3A_378 = tpu.vector_load_idx %arg11[%add3A_65, %and3A_377] : memref<640x32xf32, #tpu.memory_space<vmem>>[vector<16xi32>, vector<16xi32>], vector<16xf32>,
        %gather3A_379 = tpu.vector_load_idx %arg13[%add3A_65, %and3A_377] : memref<640x32xf32, #tpu.memory_space<vmem>>[vector<16xi32>, vector<16xi32>], vector<16xf32>,
        %mul3A_380 = arith.mulf %gather3A_378, %gather3A_379 : vector<16xf32>
        %add3A_381 = arith.addf %add3A_341, %mul3A_380 : vector<16xf32>
        %add3A_382 = arith.constant 31 : i32
        %add3A_383 = vector.broadcast %add3A_382 : i32 to vector<16xi32>
        %add3A_384 = arith.addi %iota3A_66, %add3A_383 : vector<16xi32>
        %and3A_385 = arith.constant 31 : i32
        %and3A_386 = vector.broadcast %and3A_385 : i32 to vector<16xi32>
        %and3A_387 = arith.andi %add3A_384, %and3A_386 : vector<16xi32>
        %gather3A_388 = tpu.vector_load_idx %arg11[%add3A_65, %and3A_387] : memref<640x32xf32, #tpu.memory_space<vmem>>[vector<16xi32>, vector<16xi32>], vector<16xf32>,
        %gather3A_389 = tpu.vector_load_idx %arg13[%add3A_65, %and3A_387] : memref<640x32xf32, #tpu.memory_space<vmem>>[vector<16xi32>, vector<16xi32>], vector<16xf32>,
        %mul3A_390 = arith.mulf %gather3A_388, %gather3A_389 : vector<16xf32>
        %add3A_391 = arith.addf %add3A_351, %mul3A_390 : vector<16xf32>
        %add3A_392 = arith.addf %add3A_361, %add3A_371 : vector<16xf32>
        %add3A_393 = arith.addf %add3A_381, %add3A_391 : vector<16xf32>
        %add3A_394 = arith.addf %add3A_392, %add3A_393 : vector<16xf32>
        %neg3A = arith.constant 0.000000e+00 : f32
        %neg3A_395 = vector.broadcast %neg3A : f32 to vector<16xf32>
        %neg3A_396 = arith.subf %neg3A_395, %add3A_394 : vector<16xf32>
        %exp3A = math.exp %neg3A_396 : vector<16xf32>
        %add3A_397 = arith.constant 1.000000e+00 : f32
        %add3A_398 = vector.broadcast %add3A_397 : f32 to vector<16xf32>
        %add3A_399 = arith.addf %add3A_398, %exp3A : vector<16xf32>
        %div3A = arith.constant 1.000000e+00 : f32
        %div3A_400 = vector.broadcast %div3A : f32 to vector<16xf32>
        %div3A_401 = arith.divf %div3A_400, %add3A_399 : vector<16xf32>
        %mul3A_402 = arith.constant 16 : i32
        %mul3A_403 = arith.muli %scan3A_61, %mul3A_402 : i32
        %swap3A = arith.index_cast %mul3A_403 : i32 to index
        %swap3A_404 = tpu.vector_load %arg15[%swap3A] {strides = array<i32>} : memref<640xf32, #tpu.memory_space<vmem>>, vector<16xf32>,
        tpu.vector_store %arg15[%swap3A], %div3A_401 {strides = array<i32>} : memref<640xf32, #tpu.memory_space<vmem>>, vector<16xf32>,
      }
      %scan3A_37 = arith.constant 40 : i32
      %mul3A_38 = arith.constant 640 : i32
      %mul3A_39 = arith.muli %mul3A_16, %mul3A_38 : i32
      %add3A_40 = arith.addi %mul3A_2, %mul3A_39 : i32
      "tpu.region"() ({
        %run_scoped3A = tpu.sem_alloc : memref<!tpu.dma_semaphore, #tpu.memory_space<semaphore_mem>>
        %dma_start3A_61 = tpu.memref_slice %arg6[%add3A_40] : memref<819200xf32, #tpu.memory_space<hbm>> -> memref<640xf32, #tpu.memory_space<hbm>>
        %dma_start3A_62 = tpu.memref_slice %arg6[%add3A_40] : memref<819200xf32, #tpu.memory_space<hbm>> -> memref<640xf32, #tpu.memory_space<hbm>>
        tpu.enqueue_dma source(%arg15 : memref<640xf32, #tpu.memory_space<vmem>>) target(%dma_start3A_62 : memref<640xf32, #tpu.memory_space<hbm>>) target_semaphore(%run_scoped3A : memref<!tpu.dma_semaphore, #tpu.memory_space<semaphore_mem>>)
        %dma_wait3A_63 = tpu.memref_slice %arg6[%add3A_40] : memref<819200xf32, #tpu.memory_space<hbm>> -> memref<640xf32, #tpu.memory_space<hbm>>
        %dma_wait3A_64 = tpu.memref_slice %arg6[%add3A_40] : memref<819200xf32, #tpu.memory_space<hbm>> -> memref<640xf32, #tpu.memory_space<hbm>>
        tpu.wait_dma2 semaphore(%run_scoped3A : memref<!tpu.dma_semaphore, #tpu.memory_space<semaphore_mem>>) src(%arg15 : memref<640xf32, #tpu.memory_space<vmem>>) dst(%dma_wait3A_64 : memref<640xf32, #tpu.memory_space<hbm>>)
        tpu.yield
      }) : () -> ()
      %add3A_41 = arith.constant 2 : i32
      %add3A_42 = arith.addi %mul3A_16, %add3A_41 : i32
      %lt3A = arith.constant 40 : i32
      %lt3A_43 = arith.cmpi slt, %add3A_42, %lt3A : i32
      %convert_element_type3A = arith.extui %lt3A_43 : i1 to i32
      %cond3A = arith.constant 0 : i32
      %cond3A_44 = arith.cmpi ne, %convert_element_type3A, %cond3A : i32
      scf.if %cond3A_44 {
        %add3A_61 = arith.constant 2 : i32
        %add3A_62 = arith.addi %mul3A_16, %add3A_61 : i32
        %mul3A_63 = arith.constant 640 : i32
        %mul3A_64 = arith.muli %add3A_62, %mul3A_63 : i32
        %add3A_65 = arith.addi %mul3A_2, %mul3A_64 : i32
        "tpu.region"() ({
          %run_scoped3A = tpu.sem_alloc : memref<!tpu.dma_semaphore, #tpu.memory_space<semaphore_mem>>
          %dma_start3A_72 = tpu.memref_slice %arg4[%add3A_65] : memref<819200xi32, #tpu.memory_space<hbm>> -> memref<640xi32, #tpu.memory_space<hbm>>
          %dma_start3A_73 = tpu.memref_slice %arg4[%add3A_65] : memref<819200xi32, #tpu.memory_space<hbm>> -> memref<640xi32, #tpu.memory_space<hbm>>
          tpu.enqueue_dma source(%dma_start3A_73 : memref<640xi32, #tpu.memory_space<hbm>>) target(%arg7 : memref<640xi32, #tpu.memory_space<vmem>>) target_semaphore(%run_scoped3A : memref<!tpu.dma_semaphore, #tpu.memory_space<semaphore_mem>>)
          %dma_wait3A_74 = tpu.memref_slice %arg4[%add3A_65] : memref<819200xi32, #tpu.memory_space<hbm>> -> memref<640xi32, #tpu.memory_space<hbm>>
          %dma_wait3A_75 = tpu.memref_slice %arg4[%add3A_65] : memref<819200xi32, #tpu.memory_space<hbm>> -> memref<640xi32, #tpu.memory_space<hbm>>
          tpu.wait_dma2 semaphore(%run_scoped3A : memref<!tpu.dma_semaphore, #tpu.memory_space<semaphore_mem>>) src(%dma_wait3A_75 : memref<640xi32, #tpu.memory_space<hbm>>) dst(%arg7 : memref<640xi32, #tpu.memory_space<vmem>>)
          tpu.yield
        }) : () -> ()
        "tpu.region"() ({
          %run_scoped3A = tpu.sem_alloc : memref<!tpu.dma_semaphore, #tpu.memory_space<semaphore_mem>>
          %dma_start3A_72 = tpu.memref_slice %arg5[%add3A_65] : memref<819200xi32, #tpu.memory_space<hbm>> -> memref<640xi32, #tpu.memory_space<hbm>>
          %dma_start3A_73 = tpu.memref_slice %arg5[%add3A_65] : memref<819200xi32, #tpu.memory_space<hbm>> -> memref<640xi32, #tpu.memory_space<hbm>>
          tpu.enqueue_dma source(%dma_start3A_73 : memref<640xi32, #tpu.memory_space<hbm>>) target(%arg9 : memref<640xi32, #tpu.memory_space<vmem>>) target_semaphore(%run_scoped3A : memref<!tpu.dma_semaphore, #tpu.memory_space<semaphore_mem>>)
          %dma_wait3A_74 = tpu.memref_slice %arg5[%add3A_65] : memref<819200xi32, #tpu.memory_space<hbm>> -> memref<640xi32, #tpu.memory_space<hbm>>
          %dma_wait3A_75 = tpu.memref_slice %arg5[%add3A_65] : memref<819200xi32, #tpu.memory_space<hbm>> -> memref<640xi32, #tpu.memory_space<hbm>>
          tpu.wait_dma2 semaphore(%run_scoped3A : memref<!tpu.dma_semaphore, #tpu.memory_space<semaphore_mem>>) src(%dma_wait3A_75 : memref<640xi32, #tpu.memory_space<hbm>>) dst(%arg9 : memref<640xi32, #tpu.memory_space<vmem>>)
          tpu.yield
        }) : () -> ()
        %dma_start3A_66 = arith.constant 0 : i32
        %dma_start3A_67 = arith.constant 0 : i32
        %dma_start3A_68 = tpu.memref_slice %arg2[%dma_start3A_66, %dma_start3A_67] : memref<1000000x32xf32, #tpu.memory_space<hbm>> -> memref<1000000x32xf32, #tpu.memory_space<hbm>>
        tpu.enqueue_indirect_dma source(%dma_start3A_68 : memref<1000000x32xf32, #tpu.memory_space<hbm>>) target(%arg11 : memref<640x32xf32, #tpu.memory_space<vmem>>) offsets(%arg7 : memref<640xi32, #tpu.memory_space<vmem>>) semaphore(%arg16 : memref<!tpu.dma_semaphore, #tpu.memory_space<semaphore_mem>>)
        %dma_start3A_69 = arith.constant 0 : i32
        %dma_start3A_70 = arith.constant 0 : i32
        %dma_start3A_71 = tpu.memref_slice %arg3[%dma_start3A_69, %dma_start3A_70] : memref<1000000x32xf32, #tpu.memory_space<hbm>> -> memref<1000000x32xf32, #tpu.memory_space<hbm>>
        tpu.enqueue_indirect_dma source(%dma_start3A_71 : memref<1000000x32xf32, #tpu.memory_space<hbm>>) target(%arg13 : memref<640x32xf32, #tpu.memory_space<vmem>>) offsets(%arg9 : memref<640xi32, #tpu.memory_space<vmem>>) semaphore(%arg18 : memref<!tpu.dma_semaphore, #tpu.memory_space<semaphore_mem>>)
      } else {
      }
      %add3A_45 = arith.constant 1 : i32
      %add3A_46 = arith.addi %mul3A_16, %add3A_45 : i32
      %dma_wait3A_47 = arith.constant 0 : i32
      %dma_wait3A_48 = arith.constant 0 : i32
      %dma_wait3A_49 = tpu.memref_slice %arg2[%dma_wait3A_47, %dma_wait3A_48] : memref<1000000x32xf32, #tpu.memory_space<hbm>> -> memref<1000000x32xf32, #tpu.memory_space<hbm>>
      tpu.wait_indirect_dma semaphore(%arg17 : memref<!tpu.dma_semaphore, #tpu.memory_space<semaphore_mem>>) src(%dma_wait3A_49 : memref<1000000x32xf32, #tpu.memory_space<hbm>>) dst(%arg12 : memref<640x32xf32, #tpu.memory_space<vmem>>)
      %dma_wait3A_50 = arith.constant 0 : i32
      %dma_wait3A_51 = arith.constant 0 : i32
      %dma_wait3A_52 = tpu.memref_slice %arg3[%dma_wait3A_50, %dma_wait3A_51] : memref<1000000x32xf32, #tpu.memory_space<hbm>> -> memref<1000000x32xf32, #tpu.memory_space<hbm>>
      tpu.wait_indirect_dma semaphore(%arg19 : memref<!tpu.dma_semaphore, #tpu.memory_space<semaphore_mem>>) src(%dma_wait3A_52 : memref<1000000x32xf32, #tpu.memory_space<hbm>>) dst(%arg14 : memref<640x32xf32, #tpu.memory_space<vmem>>)
      %scan3A_53 = arith.constant 0 : i32
      %scan3A_54 = arith.constant 40 : i32
      %scan3A_55 = arith.addi %scan3A_53, %scan3A_54 : i32
      %scan3A_56 = arith.constant 1 : i32
      scf.for %scan3A_61 = %scan3A_53 to %scan3A_55 step %scan3A_56  : i32 {
        %mul3A_62 = arith.constant 16 : i32
        %mul3A_63 = arith.muli %scan3A_61, %mul3A_62 : i32
        %iota3A = tpu.iota {dimensions = array<i32: 0>} : vector<16xi32>
        %add3A_64 = vector.broadcast %mul3A_63 : i32 to vector<16xi32>
        %add3A_65 = arith.addi %add3A_64, %iota3A : vector<16xi32>
        %iota3A_66 = tpu.iota {dimensions = array<i32: 0>} : vector<16xi32>
        %broadcast_in_dim3A = arith.constant 0.000000e+00 : f32
        %broadcast_in_dim3A_67 = vector.broadcast %broadcast_in_dim3A : f32 to vector<16xf32>
        %broadcast_in_dim3A_68 = arith.constant 0.000000e+00 : f32
        %broadcast_in_dim3A_69 = vector.broadcast %broadcast_in_dim3A_68 : f32 to vector<16xf32>
        %broadcast_in_dim3A_70 = arith.constant 0.000000e+00 : f32
        %broadcast_in_dim3A_71 = vector.broadcast %broadcast_in_dim3A_70 : f32 to vector<16xf32>
        %broadcast_in_dim3A_72 = arith.constant 0.000000e+00 : f32
        %broadcast_in_dim3A_73 = vector.broadcast %broadcast_in_dim3A_72 : f32 to vector<16xf32>
        %add3A_74 = arith.constant 0 : i32
        %add3A_75 = vector.broadcast %add3A_74 : i32 to vector<16xi32>
        %add3A_76 = arith.addi %iota3A_66, %add3A_75 : vector<16xi32>
        %and3A = arith.constant 31 : i32
        %and3A_77 = vector.broadcast %and3A : i32 to vector<16xi32>
        %and3A_78 = arith.andi %add3A_76, %and3A_77 : vector<16xi32>
        %gather3A = tpu.vector_load_idx %arg12[%add3A_65, %and3A_78] : memref<640x32xf32, #tpu.memory_space<vmem>>[vector<16xi32>, vector<16xi32>], vector<16xf32>,
        %gather3A_79 = tpu.vector_load_idx %arg14[%add3A_65, %and3A_78] : memref<640x32xf32, #tpu.memory_space<vmem>>[vector<16xi32>, vector<16xi32>], vector<16xf32>,
        %mul3A_80 = arith.mulf %gather3A, %gather3A_79 : vector<16xf32>
        %add3A_81 = arith.addf %broadcast_in_dim3A_67, %mul3A_80 : vector<16xf32>
        %add3A_82 = arith.constant 1 : i32
        %add3A_83 = vector.broadcast %add3A_82 : i32 to vector<16xi32>
        %add3A_84 = arith.addi %iota3A_66, %add3A_83 : vector<16xi32>
        %and3A_85 = arith.constant 31 : i32
        %and3A_86 = vector.broadcast %and3A_85 : i32 to vector<16xi32>
        %and3A_87 = arith.andi %add3A_84, %and3A_86 : vector<16xi32>
        %gather3A_88 = tpu.vector_load_idx %arg12[%add3A_65, %and3A_87] : memref<640x32xf32, #tpu.memory_space<vmem>>[vector<16xi32>, vector<16xi32>], vector<16xf32>,
        %gather3A_89 = tpu.vector_load_idx %arg14[%add3A_65, %and3A_87] : memref<640x32xf32, #tpu.memory_space<vmem>>[vector<16xi32>, vector<16xi32>], vector<16xf32>,
        %mul3A_90 = arith.mulf %gather3A_88, %gather3A_89 : vector<16xf32>
        %add3A_91 = arith.addf %broadcast_in_dim3A_69, %mul3A_90 : vector<16xf32>
        %add3A_92 = arith.constant 2 : i32
        %add3A_93 = vector.broadcast %add3A_92 : i32 to vector<16xi32>
        %add3A_94 = arith.addi %iota3A_66, %add3A_93 : vector<16xi32>
        %and3A_95 = arith.constant 31 : i32
        %and3A_96 = vector.broadcast %and3A_95 : i32 to vector<16xi32>
        %and3A_97 = arith.andi %add3A_94, %and3A_96 : vector<16xi32>
        %gather3A_98 = tpu.vector_load_idx %arg12[%add3A_65, %and3A_97] : memref<640x32xf32, #tpu.memory_space<vmem>>[vector<16xi32>, vector<16xi32>], vector<16xf32>,
        %gather3A_99 = tpu.vector_load_idx %arg14[%add3A_65, %and3A_97] : memref<640x32xf32, #tpu.memory_space<vmem>>[vector<16xi32>, vector<16xi32>], vector<16xf32>,
        %mul3A_100 = arith.mulf %gather3A_98, %gather3A_99 : vector<16xf32>
        %add3A_101 = arith.addf %broadcast_in_dim3A_71, %mul3A_100 : vector<16xf32>
        %add3A_102 = arith.constant 3 : i32
        %add3A_103 = vector.broadcast %add3A_102 : i32 to vector<16xi32>
        %add3A_104 = arith.addi %iota3A_66, %add3A_103 : vector<16xi32>
        %and3A_105 = arith.constant 31 : i32
        %and3A_106 = vector.broadcast %and3A_105 : i32 to vector<16xi32>
        %and3A_107 = arith.andi %add3A_104, %and3A_106 : vector<16xi32>
        %gather3A_108 = tpu.vector_load_idx %arg12[%add3A_65, %and3A_107] : memref<640x32xf32, #tpu.memory_space<vmem>>[vector<16xi32>, vector<16xi32>], vector<16xf32>,
        %gather3A_109 = tpu.vector_load_idx %arg14[%add3A_65, %and3A_107] : memref<640x32xf32, #tpu.memory_space<vmem>>[vector<16xi32>, vector<16xi32>], vector<16xf32>,
        %mul3A_110 = arith.mulf %gather3A_108, %gather3A_109 : vector<16xf32>
        %add3A_111 = arith.addf %broadcast_in_dim3A_73, %mul3A_110 : vector<16xf32>
        %add3A_112 = arith.constant 4 : i32
        %add3A_113 = vector.broadcast %add3A_112 : i32 to vector<16xi32>
        %add3A_114 = arith.addi %iota3A_66, %add3A_113 : vector<16xi32>
        %and3A_115 = arith.constant 31 : i32
        %and3A_116 = vector.broadcast %and3A_115 : i32 to vector<16xi32>
        %and3A_117 = arith.andi %add3A_114, %and3A_116 : vector<16xi32>
        %gather3A_118 = tpu.vector_load_idx %arg12[%add3A_65, %and3A_117] : memref<640x32xf32, #tpu.memory_space<vmem>>[vector<16xi32>, vector<16xi32>], vector<16xf32>,
        %gather3A_119 = tpu.vector_load_idx %arg14[%add3A_65, %and3A_117] : memref<640x32xf32, #tpu.memory_space<vmem>>[vector<16xi32>, vector<16xi32>], vector<16xf32>,
        %mul3A_120 = arith.mulf %gather3A_118, %gather3A_119 : vector<16xf32>
        %add3A_121 = arith.addf %add3A_81, %mul3A_120 : vector<16xf32>
        %add3A_122 = arith.constant 5 : i32
        %add3A_123 = vector.broadcast %add3A_122 : i32 to vector<16xi32>
        %add3A_124 = arith.addi %iota3A_66, %add3A_123 : vector<16xi32>
        %and3A_125 = arith.constant 31 : i32
        %and3A_126 = vector.broadcast %and3A_125 : i32 to vector<16xi32>
        %and3A_127 = arith.andi %add3A_124, %and3A_126 : vector<16xi32>
        %gather3A_128 = tpu.vector_load_idx %arg12[%add3A_65, %and3A_127] : memref<640x32xf32, #tpu.memory_space<vmem>>[vector<16xi32>, vector<16xi32>], vector<16xf32>,
        %gather3A_129 = tpu.vector_load_idx %arg14[%add3A_65, %and3A_127] : memref<640x32xf32, #tpu.memory_space<vmem>>[vector<16xi32>, vector<16xi32>], vector<16xf32>,
        %mul3A_130 = arith.mulf %gather3A_128, %gather3A_129 : vector<16xf32>
        %add3A_131 = arith.addf %add3A_91, %mul3A_130 : vector<16xf32>
        %add3A_132 = arith.constant 6 : i32
        %add3A_133 = vector.broadcast %add3A_132 : i32 to vector<16xi32>
        %add3A_134 = arith.addi %iota3A_66, %add3A_133 : vector<16xi32>
        %and3A_135 = arith.constant 31 : i32
        %and3A_136 = vector.broadcast %and3A_135 : i32 to vector<16xi32>
        %and3A_137 = arith.andi %add3A_134, %and3A_136 : vector<16xi32>
        %gather3A_138 = tpu.vector_load_idx %arg12[%add3A_65, %and3A_137] : memref<640x32xf32, #tpu.memory_space<vmem>>[vector<16xi32>, vector<16xi32>], vector<16xf32>,
        %gather3A_139 = tpu.vector_load_idx %arg14[%add3A_65, %and3A_137] : memref<640x32xf32, #tpu.memory_space<vmem>>[vector<16xi32>, vector<16xi32>], vector<16xf32>,
        %mul3A_140 = arith.mulf %gather3A_138, %gather3A_139 : vector<16xf32>
        %add3A_141 = arith.addf %add3A_101, %mul3A_140 : vector<16xf32>
        %add3A_142 = arith.constant 7 : i32
        %add3A_143 = vector.broadcast %add3A_142 : i32 to vector<16xi32>
        %add3A_144 = arith.addi %iota3A_66, %add3A_143 : vector<16xi32>
        %and3A_145 = arith.constant 31 : i32
        %and3A_146 = vector.broadcast %and3A_145 : i32 to vector<16xi32>
        %and3A_147 = arith.andi %add3A_144, %and3A_146 : vector<16xi32>
        %gather3A_148 = tpu.vector_load_idx %arg12[%add3A_65, %and3A_147] : memref<640x32xf32, #tpu.memory_space<vmem>>[vector<16xi32>, vector<16xi32>], vector<16xf32>,
        %gather3A_149 = tpu.vector_load_idx %arg14[%add3A_65, %and3A_147] : memref<640x32xf32, #tpu.memory_space<vmem>>[vector<16xi32>, vector<16xi32>], vector<16xf32>,
        %mul3A_150 = arith.mulf %gather3A_148, %gather3A_149 : vector<16xf32>
        %add3A_151 = arith.addf %add3A_111, %mul3A_150 : vector<16xf32>
        %add3A_152 = arith.constant 8 : i32
        %add3A_153 = vector.broadcast %add3A_152 : i32 to vector<16xi32>
        %add3A_154 = arith.addi %iota3A_66, %add3A_153 : vector<16xi32>
        %and3A_155 = arith.constant 31 : i32
        %and3A_156 = vector.broadcast %and3A_155 : i32 to vector<16xi32>
        %and3A_157 = arith.andi %add3A_154, %and3A_156 : vector<16xi32>
        %gather3A_158 = tpu.vector_load_idx %arg12[%add3A_65, %and3A_157] : memref<640x32xf32, #tpu.memory_space<vmem>>[vector<16xi32>, vector<16xi32>], vector<16xf32>,
        %gather3A_159 = tpu.vector_load_idx %arg14[%add3A_65, %and3A_157] : memref<640x32xf32, #tpu.memory_space<vmem>>[vector<16xi32>, vector<16xi32>], vector<16xf32>,
        %mul3A_160 = arith.mulf %gather3A_158, %gather3A_159 : vector<16xf32>
        %add3A_161 = arith.addf %add3A_121, %mul3A_160 : vector<16xf32>
        %add3A_162 = arith.constant 9 : i32
        %add3A_163 = vector.broadcast %add3A_162 : i32 to vector<16xi32>
        %add3A_164 = arith.addi %iota3A_66, %add3A_163 : vector<16xi32>
        %and3A_165 = arith.constant 31 : i32
        %and3A_166 = vector.broadcast %and3A_165 : i32 to vector<16xi32>
        %and3A_167 = arith.andi %add3A_164, %and3A_166 : vector<16xi32>
        %gather3A_168 = tpu.vector_load_idx %arg12[%add3A_65, %and3A_167] : memref<640x32xf32, #tpu.memory_space<vmem>>[vector<16xi32>, vector<16xi32>], vector<16xf32>,
        %gather3A_169 = tpu.vector_load_idx %arg14[%add3A_65, %and3A_167] : memref<640x32xf32, #tpu.memory_space<vmem>>[vector<16xi32>, vector<16xi32>], vector<16xf32>,
        %mul3A_170 = arith.mulf %gather3A_168, %gather3A_169 : vector<16xf32>
        %add3A_171 = arith.addf %add3A_131, %mul3A_170 : vector<16xf32>
        %add3A_172 = arith.constant 10 : i32
        %add3A_173 = vector.broadcast %add3A_172 : i32 to vector<16xi32>
        %add3A_174 = arith.addi %iota3A_66, %add3A_173 : vector<16xi32>
        %and3A_175 = arith.constant 31 : i32
        %and3A_176 = vector.broadcast %and3A_175 : i32 to vector<16xi32>
        %and3A_177 = arith.andi %add3A_174, %and3A_176 : vector<16xi32>
        %gather3A_178 = tpu.vector_load_idx %arg12[%add3A_65, %and3A_177] : memref<640x32xf32, #tpu.memory_space<vmem>>[vector<16xi32>, vector<16xi32>], vector<16xf32>,
        %gather3A_179 = tpu.vector_load_idx %arg14[%add3A_65, %and3A_177] : memref<640x32xf32, #tpu.memory_space<vmem>>[vector<16xi32>, vector<16xi32>], vector<16xf32>,
        %mul3A_180 = arith.mulf %gather3A_178, %gather3A_179 : vector<16xf32>
        %add3A_181 = arith.addf %add3A_141, %mul3A_180 : vector<16xf32>
        %add3A_182 = arith.constant 11 : i32
        %add3A_183 = vector.broadcast %add3A_182 : i32 to vector<16xi32>
        %add3A_184 = arith.addi %iota3A_66, %add3A_183 : vector<16xi32>
        %and3A_185 = arith.constant 31 : i32
        %and3A_186 = vector.broadcast %and3A_185 : i32 to vector<16xi32>
        %and3A_187 = arith.andi %add3A_184, %and3A_186 : vector<16xi32>
        %gather3A_188 = tpu.vector_load_idx %arg12[%add3A_65, %and3A_187] : memref<640x32xf32, #tpu.memory_space<vmem>>[vector<16xi32>, vector<16xi32>], vector<16xf32>,
        %gather3A_189 = tpu.vector_load_idx %arg14[%add3A_65, %and3A_187] : memref<640x32xf32, #tpu.memory_space<vmem>>[vector<16xi32>, vector<16xi32>], vector<16xf32>,
        %mul3A_190 = arith.mulf %gather3A_188, %gather3A_189 : vector<16xf32>
        %add3A_191 = arith.addf %add3A_151, %mul3A_190 : vector<16xf32>
        %add3A_192 = arith.constant 12 : i32
        %add3A_193 = vector.broadcast %add3A_192 : i32 to vector<16xi32>
        %add3A_194 = arith.addi %iota3A_66, %add3A_193 : vector<16xi32>
        %and3A_195 = arith.constant 31 : i32
        %and3A_196 = vector.broadcast %and3A_195 : i32 to vector<16xi32>
        %and3A_197 = arith.andi %add3A_194, %and3A_196 : vector<16xi32>
        %gather3A_198 = tpu.vector_load_idx %arg12[%add3A_65, %and3A_197] : memref<640x32xf32, #tpu.memory_space<vmem>>[vector<16xi32>, vector<16xi32>], vector<16xf32>,
        %gather3A_199 = tpu.vector_load_idx %arg14[%add3A_65, %and3A_197] : memref<640x32xf32, #tpu.memory_space<vmem>>[vector<16xi32>, vector<16xi32>], vector<16xf32>,
        %mul3A_200 = arith.mulf %gather3A_198, %gather3A_199 : vector<16xf32>
        %add3A_201 = arith.addf %add3A_161, %mul3A_200 : vector<16xf32>
        %add3A_202 = arith.constant 13 : i32
        %add3A_203 = vector.broadcast %add3A_202 : i32 to vector<16xi32>
        %add3A_204 = arith.addi %iota3A_66, %add3A_203 : vector<16xi32>
        %and3A_205 = arith.constant 31 : i32
        %and3A_206 = vector.broadcast %and3A_205 : i32 to vector<16xi32>
        %and3A_207 = arith.andi %add3A_204, %and3A_206 : vector<16xi32>
        %gather3A_208 = tpu.vector_load_idx %arg12[%add3A_65, %and3A_207] : memref<640x32xf32, #tpu.memory_space<vmem>>[vector<16xi32>, vector<16xi32>], vector<16xf32>,
        %gather3A_209 = tpu.vector_load_idx %arg14[%add3A_65, %and3A_207] : memref<640x32xf32, #tpu.memory_space<vmem>>[vector<16xi32>, vector<16xi32>], vector<16xf32>,
        %mul3A_210 = arith.mulf %gather3A_208, %gather3A_209 : vector<16xf32>
        %add3A_211 = arith.addf %add3A_171, %mul3A_210 : vector<16xf32>
        %add3A_212 = arith.constant 14 : i32
        %add3A_213 = vector.broadcast %add3A_212 : i32 to vector<16xi32>
        %add3A_214 = arith.addi %iota3A_66, %add3A_213 : vector<16xi32>
        %and3A_215 = arith.constant 31 : i32
        %and3A_216 = vector.broadcast %and3A_215 : i32 to vector<16xi32>
        %and3A_217 = arith.andi %add3A_214, %and3A_216 : vector<16xi32>
        %gather3A_218 = tpu.vector_load_idx %arg12[%add3A_65, %and3A_217] : memref<640x32xf32, #tpu.memory_space<vmem>>[vector<16xi32>, vector<16xi32>], vector<16xf32>,
        %gather3A_219 = tpu.vector_load_idx %arg14[%add3A_65, %and3A_217] : memref<640x32xf32, #tpu.memory_space<vmem>>[vector<16xi32>, vector<16xi32>], vector<16xf32>,
        %mul3A_220 = arith.mulf %gather3A_218, %gather3A_219 : vector<16xf32>
        %add3A_221 = arith.addf %add3A_181, %mul3A_220 : vector<16xf32>
        %add3A_222 = arith.constant 15 : i32
        %add3A_223 = vector.broadcast %add3A_222 : i32 to vector<16xi32>
        %add3A_224 = arith.addi %iota3A_66, %add3A_223 : vector<16xi32>
        %and3A_225 = arith.constant 31 : i32
        %and3A_226 = vector.broadcast %and3A_225 : i32 to vector<16xi32>
        %and3A_227 = arith.andi %add3A_224, %and3A_226 : vector<16xi32>
        %gather3A_228 = tpu.vector_load_idx %arg12[%add3A_65, %and3A_227] : memref<640x32xf32, #tpu.memory_space<vmem>>[vector<16xi32>, vector<16xi32>], vector<16xf32>,
        %gather3A_229 = tpu.vector_load_idx %arg14[%add3A_65, %and3A_227] : memref<640x32xf32, #tpu.memory_space<vmem>>[vector<16xi32>, vector<16xi32>], vector<16xf32>,
        %mul3A_230 = arith.mulf %gather3A_228, %gather3A_229 : vector<16xf32>
        %add3A_231 = arith.addf %add3A_191, %mul3A_230 : vector<16xf32>
        %add3A_232 = arith.constant 16 : i32
        %add3A_233 = vector.broadcast %add3A_232 : i32 to vector<16xi32>
        %add3A_234 = arith.addi %iota3A_66, %add3A_233 : vector<16xi32>
        %and3A_235 = arith.constant 31 : i32
        %and3A_236 = vector.broadcast %and3A_235 : i32 to vector<16xi32>
        %and3A_237 = arith.andi %add3A_234, %and3A_236 : vector<16xi32>
        %gather3A_238 = tpu.vector_load_idx %arg12[%add3A_65, %and3A_237] : memref<640x32xf32, #tpu.memory_space<vmem>>[vector<16xi32>, vector<16xi32>], vector<16xf32>,
        %gather3A_239 = tpu.vector_load_idx %arg14[%add3A_65, %and3A_237] : memref<640x32xf32, #tpu.memory_space<vmem>>[vector<16xi32>, vector<16xi32>], vector<16xf32>,
        %mul3A_240 = arith.mulf %gather3A_238, %gather3A_239 : vector<16xf32>
        %add3A_241 = arith.addf %add3A_201, %mul3A_240 : vector<16xf32>
        %add3A_242 = arith.constant 17 : i32
        %add3A_243 = vector.broadcast %add3A_242 : i32 to vector<16xi32>
        %add3A_244 = arith.addi %iota3A_66, %add3A_243 : vector<16xi32>
        %and3A_245 = arith.constant 31 : i32
        %and3A_246 = vector.broadcast %and3A_245 : i32 to vector<16xi32>
        %and3A_247 = arith.andi %add3A_244, %and3A_246 : vector<16xi32>
        %gather3A_248 = tpu.vector_load_idx %arg12[%add3A_65, %and3A_247] : memref<640x32xf32, #tpu.memory_space<vmem>>[vector<16xi32>, vector<16xi32>], vector<16xf32>,
        %gather3A_249 = tpu.vector_load_idx %arg14[%add3A_65, %and3A_247] : memref<640x32xf32, #tpu.memory_space<vmem>>[vector<16xi32>, vector<16xi32>], vector<16xf32>,
        %mul3A_250 = arith.mulf %gather3A_248, %gather3A_249 : vector<16xf32>
        %add3A_251 = arith.addf %add3A_211, %mul3A_250 : vector<16xf32>
        %add3A_252 = arith.constant 18 : i32
        %add3A_253 = vector.broadcast %add3A_252 : i32 to vector<16xi32>
        %add3A_254 = arith.addi %iota3A_66, %add3A_253 : vector<16xi32>
        %and3A_255 = arith.constant 31 : i32
        %and3A_256 = vector.broadcast %and3A_255 : i32 to vector<16xi32>
        %and3A_257 = arith.andi %add3A_254, %and3A_256 : vector<16xi32>
        %gather3A_258 = tpu.vector_load_idx %arg12[%add3A_65, %and3A_257] : memref<640x32xf32, #tpu.memory_space<vmem>>[vector<16xi32>, vector<16xi32>], vector<16xf32>,
        %gather3A_259 = tpu.vector_load_idx %arg14[%add3A_65, %and3A_257] : memref<640x32xf32, #tpu.memory_space<vmem>>[vector<16xi32>, vector<16xi32>], vector<16xf32>,
        %mul3A_260 = arith.mulf %gather3A_258, %gather3A_259 : vector<16xf32>
        %add3A_261 = arith.addf %add3A_221, %mul3A_260 : vector<16xf32>
        %add3A_262 = arith.constant 19 : i32
        %add3A_263 = vector.broadcast %add3A_262 : i32 to vector<16xi32>
        %add3A_264 = arith.addi %iota3A_66, %add3A_263 : vector<16xi32>
        %and3A_265 = arith.constant 31 : i32
        %and3A_266 = vector.broadcast %and3A_265 : i32 to vector<16xi32>
        %and3A_267 = arith.andi %add3A_264, %and3A_266 : vector<16xi32>
        %gather3A_268 = tpu.vector_load_idx %arg12[%add3A_65, %and3A_267] : memref<640x32xf32, #tpu.memory_space<vmem>>[vector<16xi32>, vector<16xi32>], vector<16xf32>,
        %gather3A_269 = tpu.vector_load_idx %arg14[%add3A_65, %and3A_267] : memref<640x32xf32, #tpu.memory_space<vmem>>[vector<16xi32>, vector<16xi32>], vector<16xf32>,
        %mul3A_270 = arith.mulf %gather3A_268, %gather3A_269 : vector<16xf32>
        %add3A_271 = arith.addf %add3A_231, %mul3A_270 : vector<16xf32>
        %add3A_272 = arith.constant 20 : i32
        %add3A_273 = vector.broadcast %add3A_272 : i32 to vector<16xi32>
        %add3A_274 = arith.addi %iota3A_66, %add3A_273 : vector<16xi32>
        %and3A_275 = arith.constant 31 : i32
        %and3A_276 = vector.broadcast %and3A_275 : i32 to vector<16xi32>
        %and3A_277 = arith.andi %add3A_274, %and3A_276 : vector<16xi32>
        %gather3A_278 = tpu.vector_load_idx %arg12[%add3A_65, %and3A_277] : memref<640x32xf32, #tpu.memory_space<vmem>>[vector<16xi32>, vector<16xi32>], vector<16xf32>,
        %gather3A_279 = tpu.vector_load_idx %arg14[%add3A_65, %and3A_277] : memref<640x32xf32, #tpu.memory_space<vmem>>[vector<16xi32>, vector<16xi32>], vector<16xf32>,
        %mul3A_280 = arith.mulf %gather3A_278, %gather3A_279 : vector<16xf32>
        %add3A_281 = arith.addf %add3A_241, %mul3A_280 : vector<16xf32>
        %add3A_282 = arith.constant 21 : i32
        %add3A_283 = vector.broadcast %add3A_282 : i32 to vector<16xi32>
        %add3A_284 = arith.addi %iota3A_66, %add3A_283 : vector<16xi32>
        %and3A_285 = arith.constant 31 : i32
        %and3A_286 = vector.broadcast %and3A_285 : i32 to vector<16xi32>
        %and3A_287 = arith.andi %add3A_284, %and3A_286 : vector<16xi32>
        %gather3A_288 = tpu.vector_load_idx %arg12[%add3A_65, %and3A_287] : memref<640x32xf32, #tpu.memory_space<vmem>>[vector<16xi32>, vector<16xi32>], vector<16xf32>,
        %gather3A_289 = tpu.vector_load_idx %arg14[%add3A_65, %and3A_287] : memref<640x32xf32, #tpu.memory_space<vmem>>[vector<16xi32>, vector<16xi32>], vector<16xf32>,
        %mul3A_290 = arith.mulf %gather3A_288, %gather3A_289 : vector<16xf32>
        %add3A_291 = arith.addf %add3A_251, %mul3A_290 : vector<16xf32>
        %add3A_292 = arith.constant 22 : i32
        %add3A_293 = vector.broadcast %add3A_292 : i32 to vector<16xi32>
        %add3A_294 = arith.addi %iota3A_66, %add3A_293 : vector<16xi32>
        %and3A_295 = arith.constant 31 : i32
        %and3A_296 = vector.broadcast %and3A_295 : i32 to vector<16xi32>
        %and3A_297 = arith.andi %add3A_294, %and3A_296 : vector<16xi32>
        %gather3A_298 = tpu.vector_load_idx %arg12[%add3A_65, %and3A_297] : memref<640x32xf32, #tpu.memory_space<vmem>>[vector<16xi32>, vector<16xi32>], vector<16xf32>,
        %gather3A_299 = tpu.vector_load_idx %arg14[%add3A_65, %and3A_297] : memref<640x32xf32, #tpu.memory_space<vmem>>[vector<16xi32>, vector<16xi32>], vector<16xf32>,
        %mul3A_300 = arith.mulf %gather3A_298, %gather3A_299 : vector<16xf32>
        %add3A_301 = arith.addf %add3A_261, %mul3A_300 : vector<16xf32>
        %add3A_302 = arith.constant 23 : i32
        %add3A_303 = vector.broadcast %add3A_302 : i32 to vector<16xi32>
        %add3A_304 = arith.addi %iota3A_66, %add3A_303 : vector<16xi32>
        %and3A_305 = arith.constant 31 : i32
        %and3A_306 = vector.broadcast %and3A_305 : i32 to vector<16xi32>
        %and3A_307 = arith.andi %add3A_304, %and3A_306 : vector<16xi32>
        %gather3A_308 = tpu.vector_load_idx %arg12[%add3A_65, %and3A_307] : memref<640x32xf32, #tpu.memory_space<vmem>>[vector<16xi32>, vector<16xi32>], vector<16xf32>,
        %gather3A_309 = tpu.vector_load_idx %arg14[%add3A_65, %and3A_307] : memref<640x32xf32, #tpu.memory_space<vmem>>[vector<16xi32>, vector<16xi32>], vector<16xf32>,
        %mul3A_310 = arith.mulf %gather3A_308, %gather3A_309 : vector<16xf32>
        %add3A_311 = arith.addf %add3A_271, %mul3A_310 : vector<16xf32>
        %add3A_312 = arith.constant 24 : i32
        %add3A_313 = vector.broadcast %add3A_312 : i32 to vector<16xi32>
        %add3A_314 = arith.addi %iota3A_66, %add3A_313 : vector<16xi32>
        %and3A_315 = arith.constant 31 : i32
        %and3A_316 = vector.broadcast %and3A_315 : i32 to vector<16xi32>
        %and3A_317 = arith.andi %add3A_314, %and3A_316 : vector<16xi32>
        %gather3A_318 = tpu.vector_load_idx %arg12[%add3A_65, %and3A_317] : memref<640x32xf32, #tpu.memory_space<vmem>>[vector<16xi32>, vector<16xi32>], vector<16xf32>,
        %gather3A_319 = tpu.vector_load_idx %arg14[%add3A_65, %and3A_317] : memref<640x32xf32, #tpu.memory_space<vmem>>[vector<16xi32>, vector<16xi32>], vector<16xf32>,
        %mul3A_320 = arith.mulf %gather3A_318, %gather3A_319 : vector<16xf32>
        %add3A_321 = arith.addf %add3A_281, %mul3A_320 : vector<16xf32>
        %add3A_322 = arith.constant 25 : i32
        %add3A_323 = vector.broadcast %add3A_322 : i32 to vector<16xi32>
        %add3A_324 = arith.addi %iota3A_66, %add3A_323 : vector<16xi32>
        %and3A_325 = arith.constant 31 : i32
        %and3A_326 = vector.broadcast %and3A_325 : i32 to vector<16xi32>
        %and3A_327 = arith.andi %add3A_324, %and3A_326 : vector<16xi32>
        %gather3A_328 = tpu.vector_load_idx %arg12[%add3A_65, %and3A_327] : memref<640x32xf32, #tpu.memory_space<vmem>>[vector<16xi32>, vector<16xi32>], vector<16xf32>,
        %gather3A_329 = tpu.vector_load_idx %arg14[%add3A_65, %and3A_327] : memref<640x32xf32, #tpu.memory_space<vmem>>[vector<16xi32>, vector<16xi32>], vector<16xf32>,
        %mul3A_330 = arith.mulf %gather3A_328, %gather3A_329 : vector<16xf32>
        %add3A_331 = arith.addf %add3A_291, %mul3A_330 : vector<16xf32>
        %add3A_332 = arith.constant 26 : i32
        %add3A_333 = vector.broadcast %add3A_332 : i32 to vector<16xi32>
        %add3A_334 = arith.addi %iota3A_66, %add3A_333 : vector<16xi32>
        %and3A_335 = arith.constant 31 : i32
        %and3A_336 = vector.broadcast %and3A_335 : i32 to vector<16xi32>
        %and3A_337 = arith.andi %add3A_334, %and3A_336 : vector<16xi32>
        %gather3A_338 = tpu.vector_load_idx %arg12[%add3A_65, %and3A_337] : memref<640x32xf32, #tpu.memory_space<vmem>>[vector<16xi32>, vector<16xi32>], vector<16xf32>,
        %gather3A_339 = tpu.vector_load_idx %arg14[%add3A_65, %and3A_337] : memref<640x32xf32, #tpu.memory_space<vmem>>[vector<16xi32>, vector<16xi32>], vector<16xf32>,
        %mul3A_340 = arith.mulf %gather3A_338, %gather3A_339 : vector<16xf32>
        %add3A_341 = arith.addf %add3A_301, %mul3A_340 : vector<16xf32>
        %add3A_342 = arith.constant 27 : i32
        %add3A_343 = vector.broadcast %add3A_342 : i32 to vector<16xi32>
        %add3A_344 = arith.addi %iota3A_66, %add3A_343 : vector<16xi32>
        %and3A_345 = arith.constant 31 : i32
        %and3A_346 = vector.broadcast %and3A_345 : i32 to vector<16xi32>
        %and3A_347 = arith.andi %add3A_344, %and3A_346 : vector<16xi32>
        %gather3A_348 = tpu.vector_load_idx %arg12[%add3A_65, %and3A_347] : memref<640x32xf32, #tpu.memory_space<vmem>>[vector<16xi32>, vector<16xi32>], vector<16xf32>,
        %gather3A_349 = tpu.vector_load_idx %arg14[%add3A_65, %and3A_347] : memref<640x32xf32, #tpu.memory_space<vmem>>[vector<16xi32>, vector<16xi32>], vector<16xf32>,
        %mul3A_350 = arith.mulf %gather3A_348, %gather3A_349 : vector<16xf32>
        %add3A_351 = arith.addf %add3A_311, %mul3A_350 : vector<16xf32>
        %add3A_352 = arith.constant 28 : i32
        %add3A_353 = vector.broadcast %add3A_352 : i32 to vector<16xi32>
        %add3A_354 = arith.addi %iota3A_66, %add3A_353 : vector<16xi32>
        %and3A_355 = arith.constant 31 : i32
        %and3A_356 = vector.broadcast %and3A_355 : i32 to vector<16xi32>
        %and3A_357 = arith.andi %add3A_354, %and3A_356 : vector<16xi32>
        %gather3A_358 = tpu.vector_load_idx %arg12[%add3A_65, %and3A_357] : memref<640x32xf32, #tpu.memory_space<vmem>>[vector<16xi32>, vector<16xi32>], vector<16xf32>,
        %gather3A_359 = tpu.vector_load_idx %arg14[%add3A_65, %and3A_357] : memref<640x32xf32, #tpu.memory_space<vmem>>[vector<16xi32>, vector<16xi32>], vector<16xf32>,
        %mul3A_360 = arith.mulf %gather3A_358, %gather3A_359 : vector<16xf32>
        %add3A_361 = arith.addf %add3A_321, %mul3A_360 : vector<16xf32>
        %add3A_362 = arith.constant 29 : i32
        %add3A_363 = vector.broadcast %add3A_362 : i32 to vector<16xi32>
        %add3A_364 = arith.addi %iota3A_66, %add3A_363 : vector<16xi32>
        %and3A_365 = arith.constant 31 : i32
        %and3A_366 = vector.broadcast %and3A_365 : i32 to vector<16xi32>
        %and3A_367 = arith.andi %add3A_364, %and3A_366 : vector<16xi32>
        %gather3A_368 = tpu.vector_load_idx %arg12[%add3A_65, %and3A_367] : memref<640x32xf32, #tpu.memory_space<vmem>>[vector<16xi32>, vector<16xi32>], vector<16xf32>,
        %gather3A_369 = tpu.vector_load_idx %arg14[%add3A_65, %and3A_367] : memref<640x32xf32, #tpu.memory_space<vmem>>[vector<16xi32>, vector<16xi32>], vector<16xf32>,
        %mul3A_370 = arith.mulf %gather3A_368, %gather3A_369 : vector<16xf32>
        %add3A_371 = arith.addf %add3A_331, %mul3A_370 : vector<16xf32>
        %add3A_372 = arith.constant 30 : i32
        %add3A_373 = vector.broadcast %add3A_372 : i32 to vector<16xi32>
        %add3A_374 = arith.addi %iota3A_66, %add3A_373 : vector<16xi32>
        %and3A_375 = arith.constant 31 : i32
        %and3A_376 = vector.broadcast %and3A_375 : i32 to vector<16xi32>
        %and3A_377 = arith.andi %add3A_374, %and3A_376 : vector<16xi32>
        %gather3A_378 = tpu.vector_load_idx %arg12[%add3A_65, %and3A_377] : memref<640x32xf32, #tpu.memory_space<vmem>>[vector<16xi32>, vector<16xi32>], vector<16xf32>,
        %gather3A_379 = tpu.vector_load_idx %arg14[%add3A_65, %and3A_377] : memref<640x32xf32, #tpu.memory_space<vmem>>[vector<16xi32>, vector<16xi32>], vector<16xf32>,
        %mul3A_380 = arith.mulf %gather3A_378, %gather3A_379 : vector<16xf32>
        %add3A_381 = arith.addf %add3A_341, %mul3A_380 : vector<16xf32>
        %add3A_382 = arith.constant 31 : i32
        %add3A_383 = vector.broadcast %add3A_382 : i32 to vector<16xi32>
        %add3A_384 = arith.addi %iota3A_66, %add3A_383 : vector<16xi32>
        %and3A_385 = arith.constant 31 : i32
        %and3A_386 = vector.broadcast %and3A_385 : i32 to vector<16xi32>
        %and3A_387 = arith.andi %add3A_384, %and3A_386 : vector<16xi32>
        %gather3A_388 = tpu.vector_load_idx %arg12[%add3A_65, %and3A_387] : memref<640x32xf32, #tpu.memory_space<vmem>>[vector<16xi32>, vector<16xi32>], vector<16xf32>,
        %gather3A_389 = tpu.vector_load_idx %arg14[%add3A_65, %and3A_387] : memref<640x32xf32, #tpu.memory_space<vmem>>[vector<16xi32>, vector<16xi32>], vector<16xf32>,
        %mul3A_390 = arith.mulf %gather3A_388, %gather3A_389 : vector<16xf32>
        %add3A_391 = arith.addf %add3A_351, %mul3A_390 : vector<16xf32>
        %add3A_392 = arith.addf %add3A_361, %add3A_371 : vector<16xf32>
        %add3A_393 = arith.addf %add3A_381, %add3A_391 : vector<16xf32>
        %add3A_394 = arith.addf %add3A_392, %add3A_393 : vector<16xf32>
        %neg3A = arith.constant 0.000000e+00 : f32
        %neg3A_395 = vector.broadcast %neg3A : f32 to vector<16xf32>
        %neg3A_396 = arith.subf %neg3A_395, %add3A_394 : vector<16xf32>
        %exp3A = math.exp %neg3A_396 : vector<16xf32>
        %add3A_397 = arith.constant 1.000000e+00 : f32
        %add3A_398 = vector.broadcast %add3A_397 : f32 to vector<16xf32>
        %add3A_399 = arith.addf %add3A_398, %exp3A : vector<16xf32>
        %div3A = arith.constant 1.000000e+00 : f32
        %div3A_400 = vector.broadcast %div3A : f32 to vector<16xf32>
        %div3A_401 = arith.divf %div3A_400, %add3A_399 : vector<16xf32>
        %mul3A_402 = arith.constant 16 : i32
        %mul3A_403 = arith.muli %scan3A_61, %mul3A_402 : i32
        %swap3A = arith.index_cast %mul3A_403 : i32 to index
        %swap3A_404 = tpu.vector_load %arg15[%swap3A] {strides = array<i32>} : memref<640xf32, #tpu.memory_space<vmem>>, vector<16xf32>,
        tpu.vector_store %arg15[%swap3A], %div3A_401 {strides = array<i32>} : memref<640xf32, #tpu.memory_space<vmem>>, vector<16xf32>,
      }
      %scan3A_57 = arith.constant 40 : i32
      %mul3A_58 = arith.constant 640 : i32
      %mul3A_59 = arith.muli %add3A_46, %mul3A_58 : i32
      %add3A_60 = arith.addi %mul3A_2, %mul3A_59 : i32
      "tpu.region"() ({
        %run_scoped3A = tpu.sem_alloc : memref<!tpu.dma_semaphore, #tpu.memory_space<semaphore_mem>>
        %dma_start3A_61 = tpu.memref_slice %arg6[%add3A_60] : memref<819200xf32, #tpu.memory_space<hbm>> -> memref<640xf32, #tpu.memory_space<hbm>>
        %dma_start3A_62 = tpu.memref_slice %arg6[%add3A_60] : memref<819200xf32, #tpu.memory_space<hbm>> -> memref<640xf32, #tpu.memory_space<hbm>>
        tpu.enqueue_dma source(%arg15 : memref<640xf32, #tpu.memory_space<vmem>>) target(%dma_start3A_62 : memref<640xf32, #tpu.memory_space<hbm>>) target_semaphore(%run_scoped3A : memref<!tpu.dma_semaphore, #tpu.memory_space<semaphore_mem>>)
        %dma_wait3A_63 = tpu.memref_slice %arg6[%add3A_60] : memref<819200xf32, #tpu.memory_space<hbm>> -> memref<640xf32, #tpu.memory_space<hbm>>
        %dma_wait3A_64 = tpu.memref_slice %arg6[%add3A_60] : memref<819200xf32, #tpu.memory_space<hbm>> -> memref<640xf32, #tpu.memory_space<hbm>>
        tpu.wait_dma2 semaphore(%run_scoped3A : memref<!tpu.dma_semaphore, #tpu.memory_space<semaphore_mem>>) src(%arg15 : memref<640xf32, #tpu.memory_space<vmem>>) dst(%dma_wait3A_64 : memref<640xf32, #tpu.memory_space<hbm>>)
        tpu.yield
      }) : () -> ()
    }
    %scan3A_13 = arith.constant 20 : i32
    return
  }
}

#map = affine_map<(d0, d1) -> (0, 0)>
#map1 = affine_map<(d0, d1) -> (0)>
module attributes {stable_mosaic.version = 14 : i64} {
  func.func @run(%arg0: i32, %arg1: i32, %arg2: memref<1000000x32xf32, #tpu.memory_space<hbm>>, %arg3: memref<1000000x32xf32, #tpu.memory_space<hbm>>, %arg4: memref<327680xi32, #tpu.memory_space<hbm>>, %arg5: memref<327680xi32, #tpu.memory_space<hbm>>, %arg6: memref<327680xf32, #tpu.memory_space<hbm>>, %arg7: memref<640xi32, #tpu.memory_space<vmem>>, %arg8: memref<640xi32, #tpu.memory_space<vmem>>, %arg9: memref<640xi32, #tpu.memory_space<vmem>>, %arg10: memref<640xi32, #tpu.memory_space<vmem>>, %arg11: memref<640x32xf32, #tpu.memory_space<vmem>>, %arg12: memref<640x32xf32, #tpu.memory_space<vmem>>, %arg13: memref<640x32xf32, #tpu.memory_space<vmem>>, %arg14: memref<640x32xf32, #tpu.memory_space<vmem>>, %arg15: memref<640xf32, #tpu.memory_space<vmem>>, %arg16: memref<!tpu.dma_semaphore, #tpu.memory_space<semaphore_mem>>, %arg17: memref<!tpu.dma_semaphore, #tpu.memory_space<semaphore_mem>>, %arg18: memref<!tpu.dma_semaphore, #tpu.memory_space<semaphore_mem>>, %arg19: memref<!tpu.dma_semaphore, #tpu.memory_space<semaphore_mem>>) attributes {dimension_semantics = [#tpu.dimension_semantics<core_parallel>, #tpu.dimension_semantics<subcore_parallel>], iteration_bounds = array<i64: 2, 16>, scalar_prefetch = 0 : i64, scratch_operands = 13 : i64, tpu.core_type = #tpu.core_type<sc_vector_subcore>, window_params = [{transform_indices = #map}, {transform_indices = #map}, {transform_indices = #map1}, {transform_indices = #map1}, {transform_indices = #map1}]} {
    %mul3A = arith.constant 2 : i32
    %mul3A_0 = arith.muli %arg1, %mul3A : i32
    %add3A = arith.addi %mul3A_0, %arg0 : i32
    %mul3A_1 = arith.constant 10240 : i32
    %mul3A_2 = arith.muli %add3A, %mul3A_1 : i32
    %add3A_3 = arith.constant 0 : i32
    %add3A_4 = arith.addi %mul3A_2, %add3A_3 : i32
    "tpu.region"() ({
      %run_scoped3A = tpu.sem_alloc : memref<!tpu.dma_semaphore, #tpu.memory_space<semaphore_mem>>
      %dma_start3A_14 = tpu.memref_slice %arg4[%add3A_4] : memref<327680xi32, #tpu.memory_space<hbm>> -> memref<640xi32, #tpu.memory_space<hbm>>
      %dma_start3A_15 = tpu.memref_slice %arg4[%add3A_4] : memref<327680xi32, #tpu.memory_space<hbm>> -> memref<640xi32, #tpu.memory_space<hbm>>
      tpu.enqueue_dma source(%dma_start3A_15 : memref<640xi32, #tpu.memory_space<hbm>>) target(%arg7 : memref<640xi32, #tpu.memory_space<vmem>>) target_semaphore(%run_scoped3A : memref<!tpu.dma_semaphore, #tpu.memory_space<semaphore_mem>>)
      %dma_wait3A = tpu.memref_slice %arg4[%add3A_4] : memref<327680xi32, #tpu.memory_space<hbm>> -> memref<640xi32, #tpu.memory_space<hbm>>
      %dma_wait3A_16 = tpu.memref_slice %arg4[%add3A_4] : memref<327680xi32, #tpu.memory_space<hbm>> -> memref<640xi32, #tpu.memory_space<hbm>>
      tpu.wait_dma2 semaphore(%run_scoped3A : memref<!tpu.dma_semaphore, #tpu.memory_space<semaphore_mem>>) src(%dma_wait3A_16 : memref<640xi32, #tpu.memory_space<hbm>>) dst(%arg7 : memref<640xi32, #tpu.memory_space<vmem>>)
      tpu.yield
    }) : () -> ()
    "tpu.region"() ({
      %run_scoped3A = tpu.sem_alloc : memref<!tpu.dma_semaphore, #tpu.memory_space<semaphore_mem>>
      %dma_start3A_14 = tpu.memref_slice %arg5[%add3A_4] : memref<327680xi32, #tpu.memory_space<hbm>> -> memref<640xi32, #tpu.memory_space<hbm>>
      %dma_start3A_15 = tpu.memref_slice %arg5[%add3A_4] : memref<327680xi32, #tpu.memory_space<hbm>> -> memref<640xi32, #tpu.memory_space<hbm>>
      tpu.enqueue_dma source(%dma_start3A_15 : memref<640xi32, #tpu.memory_space<hbm>>) target(%arg9 : memref<640xi32, #tpu.memory_space<vmem>>) target_semaphore(%run_scoped3A : memref<!tpu.dma_semaphore, #tpu.memory_space<semaphore_mem>>)
      %dma_wait3A = tpu.memref_slice %arg5[%add3A_4] : memref<327680xi32, #tpu.memory_space<hbm>> -> memref<640xi32, #tpu.memory_space<hbm>>
      %dma_wait3A_16 = tpu.memref_slice %arg5[%add3A_4] : memref<327680xi32, #tpu.memory_space<hbm>> -> memref<640xi32, #tpu.memory_space<hbm>>
      tpu.wait_dma2 semaphore(%run_scoped3A : memref<!tpu.dma_semaphore, #tpu.memory_space<semaphore_mem>>) src(%dma_wait3A_16 : memref<640xi32, #tpu.memory_space<hbm>>) dst(%arg9 : memref<640xi32, #tpu.memory_space<vmem>>)
      tpu.yield
    }) : () -> ()
    %dma_start3A = arith.constant 0 : i32
    %dma_start3A_5 = arith.constant 0 : i32
    %dma_start3A_6 = tpu.memref_slice %arg2[%dma_start3A, %dma_start3A_5] : memref<1000000x32xf32, #tpu.memory_space<hbm>> -> memref<1000000x32xf32, #tpu.memory_space<hbm>>
    tpu.enqueue_indirect_dma source(%dma_start3A_6 : memref<1000000x32xf32, #tpu.memory_space<hbm>>) target(%arg11 : memref<640x32xf32, #tpu.memory_space<vmem>>) offsets(%arg7 : memref<640xi32, #tpu.memory_space<vmem>>) semaphore(%arg16 : memref<!tpu.dma_semaphore, #tpu.memory_space<semaphore_mem>>)
    %dma_start3A_7 = arith.constant 0 : i32
    %dma_start3A_8 = arith.constant 0 : i32
    %dma_start3A_9 = tpu.memref_slice %arg3[%dma_start3A_7, %dma_start3A_8] : memref<1000000x32xf32, #tpu.memory_space<hbm>> -> memref<1000000x32xf32, #tpu.memory_space<hbm>>
    tpu.enqueue_indirect_dma source(%dma_start3A_9 : memref<1000000x32xf32, #tpu.memory_space<hbm>>) target(%arg13 : memref<640x32xf32, #tpu.memory_space<vmem>>) offsets(%arg9 : memref<640xi32, #tpu.memory_space<vmem>>) semaphore(%arg18 : memref<!tpu.dma_semaphore, #tpu.memory_space<semaphore_mem>>)
    %scan3A = arith.constant 0 : i32
    %scan3A_10 = arith.constant 8 : i32
    %scan3A_11 = arith.addi %scan3A, %scan3A_10 : i32
    %scan3A_12 = arith.constant 1 : i32
    scf.for %scan3A_14 = %scan3A to %scan3A_11 step %scan3A_12  : i32 {
      %mul3A_15 = arith.constant 2 : i32
      %mul3A_16 = arith.muli %scan3A_14, %mul3A_15 : i32
      %add3A_17 = arith.constant 1 : i32
      %add3A_18 = arith.addi %mul3A_16, %add3A_17 : i32
      %mul3A_19 = arith.constant 640 : i32
      %mul3A_20 = arith.muli %add3A_18, %mul3A_19 : i32
      %add3A_21 = arith.addi %mul3A_2, %mul3A_20 : i32
      "tpu.region"() ({
        %run_scoped3A = tpu.sem_alloc : memref<!tpu.dma_semaphore, #tpu.memory_space<semaphore_mem>>
        %dma_start3A_61 = tpu.memref_slice %arg4[%add3A_21] : memref<327680xi32, #tpu.memory_space<hbm>> -> memref<640xi32, #tpu.memory_space<hbm>>
        %dma_start3A_62 = tpu.memref_slice %arg4[%add3A_21] : memref<327680xi32, #tpu.memory_space<hbm>> -> memref<640xi32, #tpu.memory_space<hbm>>
        tpu.enqueue_dma source(%dma_start3A_62 : memref<640xi32, #tpu.memory_space<hbm>>) target(%arg8 : memref<640xi32, #tpu.memory_space<vmem>>) target_semaphore(%run_scoped3A : memref<!tpu.dma_semaphore, #tpu.memory_space<semaphore_mem>>)
        %dma_wait3A_63 = tpu.memref_slice %arg4[%add3A_21] : memref<327680xi32, #tpu.memory_space<hbm>> -> memref<640xi32, #tpu.memory_space<hbm>>
        %dma_wait3A_64 = tpu.memref_slice %arg4[%add3A_21] : memref<327680xi32, #tpu.memory_space<hbm>> -> memref<640xi32, #tpu.memory_space<hbm>>
        tpu.wait_dma2 semaphore(%run_scoped3A : memref<!tpu.dma_semaphore, #tpu.memory_space<semaphore_mem>>) src(%dma_wait3A_64 : memref<640xi32, #tpu.memory_space<hbm>>) dst(%arg8 : memref<640xi32, #tpu.memory_space<vmem>>)
        tpu.yield
      }) : () -> ()
      "tpu.region"() ({
        %run_scoped3A = tpu.sem_alloc : memref<!tpu.dma_semaphore, #tpu.memory_space<semaphore_mem>>
        %dma_start3A_61 = tpu.memref_slice %arg5[%add3A_21] : memref<327680xi32, #tpu.memory_space<hbm>> -> memref<640xi32, #tpu.memory_space<hbm>>
        %dma_start3A_62 = tpu.memref_slice %arg5[%add3A_21] : memref<327680xi32, #tpu.memory_space<hbm>> -> memref<640xi32, #tpu.memory_space<hbm>>
        tpu.enqueue_dma source(%dma_start3A_62 : memref<640xi32, #tpu.memory_space<hbm>>) target(%arg10 : memref<640xi32, #tpu.memory_space<vmem>>) target_semaphore(%run_scoped3A : memref<!tpu.dma_semaphore, #tpu.memory_space<semaphore_mem>>)
        %dma_wait3A_63 = tpu.memref_slice %arg5[%add3A_21] : memref<327680xi32, #tpu.memory_space<hbm>> -> memref<640xi32, #tpu.memory_space<hbm>>
        %dma_wait3A_64 = tpu.memref_slice %arg5[%add3A_21] : memref<327680xi32, #tpu.memory_space<hbm>> -> memref<640xi32, #tpu.memory_space<hbm>>
        tpu.wait_dma2 semaphore(%run_scoped3A : memref<!tpu.dma_semaphore, #tpu.memory_space<semaphore_mem>>) src(%dma_wait3A_64 : memref<640xi32, #tpu.memory_space<hbm>>) dst(%arg10 : memref<640xi32, #tpu.memory_space<vmem>>)
        tpu.yield
      }) : () -> ()
      %dma_start3A_22 = arith.constant 0 : i32
      %dma_start3A_23 = arith.constant 0 : i32
      %dma_start3A_24 = tpu.memref_slice %arg2[%dma_start3A_22, %dma_start3A_23] : memref<1000000x32xf32, #tpu.memory_space<hbm>> -> memref<1000000x32xf32, #tpu.memory_space<hbm>>
      tpu.enqueue_indirect_dma source(%dma_start3A_24 : memref<1000000x32xf32, #tpu.memory_space<hbm>>) target(%arg12 : memref<640x32xf32, #tpu.memory_space<vmem>>) offsets(%arg8 : memref<640xi32, #tpu.memory_space<vmem>>) semaphore(%arg17 : memref<!tpu.dma_semaphore, #tpu.memory_space<semaphore_mem>>)
      %dma_start3A_25 = arith.constant 0 : i32
      %dma_start3A_26 = arith.constant 0 : i32
      %dma_start3A_27 = tpu.memref_slice %arg3[%dma_start3A_25, %dma_start3A_26] : memref<1000000x32xf32, #tpu.memory_space<hbm>> -> memref<1000000x32xf32, #tpu.memory_space<hbm>>
      tpu.enqueue_indirect_dma source(%dma_start3A_27 : memref<1000000x32xf32, #tpu.memory_space<hbm>>) target(%arg14 : memref<640x32xf32, #tpu.memory_space<vmem>>) offsets(%arg10 : memref<640xi32, #tpu.memory_space<vmem>>) semaphore(%arg19 : memref<!tpu.dma_semaphore, #tpu.memory_space<semaphore_mem>>)
      %dma_wait3A = arith.constant 0 : i32
      %dma_wait3A_28 = arith.constant 0 : i32
      %dma_wait3A_29 = tpu.memref_slice %arg2[%dma_wait3A, %dma_wait3A_28] : memref<1000000x32xf32, #tpu.memory_space<hbm>> -> memref<1000000x32xf32, #tpu.memory_space<hbm>>
      tpu.wait_indirect_dma semaphore(%arg16 : memref<!tpu.dma_semaphore, #tpu.memory_space<semaphore_mem>>) src(%dma_wait3A_29 : memref<1000000x32xf32, #tpu.memory_space<hbm>>) dst(%arg11 : memref<640x32xf32, #tpu.memory_space<vmem>>)
      %dma_wait3A_30 = arith.constant 0 : i32
      %dma_wait3A_31 = arith.constant 0 : i32
      %dma_wait3A_32 = tpu.memref_slice %arg3[%dma_wait3A_30, %dma_wait3A_31] : memref<1000000x32xf32, #tpu.memory_space<hbm>> -> memref<1000000x32xf32, #tpu.memory_space<hbm>>
      tpu.wait_indirect_dma semaphore(%arg18 : memref<!tpu.dma_semaphore, #tpu.memory_space<semaphore_mem>>) src(%dma_wait3A_32 : memref<1000000x32xf32, #tpu.memory_space<hbm>>) dst(%arg13 : memref<640x32xf32, #tpu.memory_space<vmem>>)
      %scan3A_33 = arith.constant 0 : i32
      %scan3A_34 = arith.constant 40 : i32
      %scan3A_35 = arith.addi %scan3A_33, %scan3A_34 : i32
      %scan3A_36 = arith.constant 1 : i32
      scf.for %scan3A_61 = %scan3A_33 to %scan3A_35 step %scan3A_36  : i32 {
        %mul3A_62 = arith.constant 16 : i32
        %mul3A_63 = arith.muli %scan3A_61, %mul3A_62 : i32
        %iota3A = tpu.iota {dimensions = array<i32: 0>} : vector<16xi32>
        %add3A_64 = vector.broadcast %mul3A_63 : i32 to vector<16xi32>
        %add3A_65 = arith.addi %add3A_64, %iota3A : vector<16xi32>
        %iota3A_66 = tpu.iota {dimensions = array<i32: 0>} : vector<16xi32>
        %broadcast_in_dim3A = arith.constant 0.000000e+00 : f32
        %broadcast_in_dim3A_67 = vector.broadcast %broadcast_in_dim3A : f32 to vector<16xf32>
        %broadcast_in_dim3A_68 = arith.constant 0.000000e+00 : f32
        %broadcast_in_dim3A_69 = vector.broadcast %broadcast_in_dim3A_68 : f32 to vector<16xf32>
        %broadcast_in_dim3A_70 = arith.constant 0.000000e+00 : f32
        %broadcast_in_dim3A_71 = vector.broadcast %broadcast_in_dim3A_70 : f32 to vector<16xf32>
        %broadcast_in_dim3A_72 = arith.constant 0.000000e+00 : f32
        %broadcast_in_dim3A_73 = vector.broadcast %broadcast_in_dim3A_72 : f32 to vector<16xf32>
        %add3A_74 = arith.constant 0 : i32
        %add3A_75 = vector.broadcast %add3A_74 : i32 to vector<16xi32>
        %add3A_76 = arith.addi %iota3A_66, %add3A_75 : vector<16xi32>
        %and3A = arith.constant 31 : i32
        %and3A_77 = vector.broadcast %and3A : i32 to vector<16xi32>
        %and3A_78 = arith.andi %add3A_76, %and3A_77 : vector<16xi32>
        %gather3A = tpu.vector_load_idx %arg11[%add3A_65, %and3A_78] : memref<640x32xf32, #tpu.memory_space<vmem>>[vector<16xi32>, vector<16xi32>], vector<16xf32>,
        %gather3A_79 = tpu.vector_load_idx %arg13[%add3A_65, %and3A_78] : memref<640x32xf32, #tpu.memory_space<vmem>>[vector<16xi32>, vector<16xi32>], vector<16xf32>,
        %mul3A_80 = arith.mulf %gather3A, %gather3A_79 : vector<16xf32>
        %add3A_81 = arith.addf %broadcast_in_dim3A_67, %mul3A_80 : vector<16xf32>
        %add3A_82 = arith.constant 1 : i32
        %add3A_83 = vector.broadcast %add3A_82 : i32 to vector<16xi32>
        %add3A_84 = arith.addi %iota3A_66, %add3A_83 : vector<16xi32>
        %and3A_85 = arith.constant 31 : i32
        %and3A_86 = vector.broadcast %and3A_85 : i32 to vector<16xi32>
        %and3A_87 = arith.andi %add3A_84, %and3A_86 : vector<16xi32>
        %gather3A_88 = tpu.vector_load_idx %arg11[%add3A_65, %and3A_87] : memref<640x32xf32, #tpu.memory_space<vmem>>[vector<16xi32>, vector<16xi32>], vector<16xf32>,
        %gather3A_89 = tpu.vector_load_idx %arg13[%add3A_65, %and3A_87] : memref<640x32xf32, #tpu.memory_space<vmem>>[vector<16xi32>, vector<16xi32>], vector<16xf32>,
        %mul3A_90 = arith.mulf %gather3A_88, %gather3A_89 : vector<16xf32>
        %add3A_91 = arith.addf %broadcast_in_dim3A_69, %mul3A_90 : vector<16xf32>
        %add3A_92 = arith.constant 2 : i32
        %add3A_93 = vector.broadcast %add3A_92 : i32 to vector<16xi32>
        %add3A_94 = arith.addi %iota3A_66, %add3A_93 : vector<16xi32>
        %and3A_95 = arith.constant 31 : i32
        %and3A_96 = vector.broadcast %and3A_95 : i32 to vector<16xi32>
        %and3A_97 = arith.andi %add3A_94, %and3A_96 : vector<16xi32>
        %gather3A_98 = tpu.vector_load_idx %arg11[%add3A_65, %and3A_97] : memref<640x32xf32, #tpu.memory_space<vmem>>[vector<16xi32>, vector<16xi32>], vector<16xf32>,
        %gather3A_99 = tpu.vector_load_idx %arg13[%add3A_65, %and3A_97] : memref<640x32xf32, #tpu.memory_space<vmem>>[vector<16xi32>, vector<16xi32>], vector<16xf32>,
        %mul3A_100 = arith.mulf %gather3A_98, %gather3A_99 : vector<16xf32>
        %add3A_101 = arith.addf %broadcast_in_dim3A_71, %mul3A_100 : vector<16xf32>
        %add3A_102 = arith.constant 3 : i32
        %add3A_103 = vector.broadcast %add3A_102 : i32 to vector<16xi32>
        %add3A_104 = arith.addi %iota3A_66, %add3A_103 : vector<16xi32>
        %and3A_105 = arith.constant 31 : i32
        %and3A_106 = vector.broadcast %and3A_105 : i32 to vector<16xi32>
        %and3A_107 = arith.andi %add3A_104, %and3A_106 : vector<16xi32>
        %gather3A_108 = tpu.vector_load_idx %arg11[%add3A_65, %and3A_107] : memref<640x32xf32, #tpu.memory_space<vmem>>[vector<16xi32>, vector<16xi32>], vector<16xf32>,
        %gather3A_109 = tpu.vector_load_idx %arg13[%add3A_65, %and3A_107] : memref<640x32xf32, #tpu.memory_space<vmem>>[vector<16xi32>, vector<16xi32>], vector<16xf32>,
        %mul3A_110 = arith.mulf %gather3A_108, %gather3A_109 : vector<16xf32>
        %add3A_111 = arith.addf %broadcast_in_dim3A_73, %mul3A_110 : vector<16xf32>
        %add3A_112 = arith.constant 4 : i32
        %add3A_113 = vector.broadcast %add3A_112 : i32 to vector<16xi32>
        %add3A_114 = arith.addi %iota3A_66, %add3A_113 : vector<16xi32>
        %and3A_115 = arith.constant 31 : i32
        %and3A_116 = vector.broadcast %and3A_115 : i32 to vector<16xi32>
        %and3A_117 = arith.andi %add3A_114, %and3A_116 : vector<16xi32>
        %gather3A_118 = tpu.vector_load_idx %arg11[%add3A_65, %and3A_117] : memref<640x32xf32, #tpu.memory_space<vmem>>[vector<16xi32>, vector<16xi32>], vector<16xf32>,
        %gather3A_119 = tpu.vector_load_idx %arg13[%add3A_65, %and3A_117] : memref<640x32xf32, #tpu.memory_space<vmem>>[vector<16xi32>, vector<16xi32>], vector<16xf32>,
        %mul3A_120 = arith.mulf %gather3A_118, %gather3A_119 : vector<16xf32>
        %add3A_121 = arith.addf %add3A_81, %mul3A_120 : vector<16xf32>
        %add3A_122 = arith.constant 5 : i32
        %add3A_123 = vector.broadcast %add3A_122 : i32 to vector<16xi32>
        %add3A_124 = arith.addi %iota3A_66, %add3A_123 : vector<16xi32>
        %and3A_125 = arith.constant 31 : i32
        %and3A_126 = vector.broadcast %and3A_125 : i32 to vector<16xi32>
        %and3A_127 = arith.andi %add3A_124, %and3A_126 : vector<16xi32>
        %gather3A_128 = tpu.vector_load_idx %arg11[%add3A_65, %and3A_127] : memref<640x32xf32, #tpu.memory_space<vmem>>[vector<16xi32>, vector<16xi32>], vector<16xf32>,
        %gather3A_129 = tpu.vector_load_idx %arg13[%add3A_65, %and3A_127] : memref<640x32xf32, #tpu.memory_space<vmem>>[vector<16xi32>, vector<16xi32>], vector<16xf32>,
        %mul3A_130 = arith.mulf %gather3A_128, %gather3A_129 : vector<16xf32>
        %add3A_131 = arith.addf %add3A_91, %mul3A_130 : vector<16xf32>
        %add3A_132 = arith.constant 6 : i32
        %add3A_133 = vector.broadcast %add3A_132 : i32 to vector<16xi32>
        %add3A_134 = arith.addi %iota3A_66, %add3A_133 : vector<16xi32>
        %and3A_135 = arith.constant 31 : i32
        %and3A_136 = vector.broadcast %and3A_135 : i32 to vector<16xi32>
        %and3A_137 = arith.andi %add3A_134, %and3A_136 : vector<16xi32>
        %gather3A_138 = tpu.vector_load_idx %arg11[%add3A_65, %and3A_137] : memref<640x32xf32, #tpu.memory_space<vmem>>[vector<16xi32>, vector<16xi32>], vector<16xf32>,
        %gather3A_139 = tpu.vector_load_idx %arg13[%add3A_65, %and3A_137] : memref<640x32xf32, #tpu.memory_space<vmem>>[vector<16xi32>, vector<16xi32>], vector<16xf32>,
        %mul3A_140 = arith.mulf %gather3A_138, %gather3A_139 : vector<16xf32>
        %add3A_141 = arith.addf %add3A_101, %mul3A_140 : vector<16xf32>
        %add3A_142 = arith.constant 7 : i32
        %add3A_143 = vector.broadcast %add3A_142 : i32 to vector<16xi32>
        %add3A_144 = arith.addi %iota3A_66, %add3A_143 : vector<16xi32>
        %and3A_145 = arith.constant 31 : i32
        %and3A_146 = vector.broadcast %and3A_145 : i32 to vector<16xi32>
        %and3A_147 = arith.andi %add3A_144, %and3A_146 : vector<16xi32>
        %gather3A_148 = tpu.vector_load_idx %arg11[%add3A_65, %and3A_147] : memref<640x32xf32, #tpu.memory_space<vmem>>[vector<16xi32>, vector<16xi32>], vector<16xf32>,
        %gather3A_149 = tpu.vector_load_idx %arg13[%add3A_65, %and3A_147] : memref<640x32xf32, #tpu.memory_space<vmem>>[vector<16xi32>, vector<16xi32>], vector<16xf32>,
        %mul3A_150 = arith.mulf %gather3A_148, %gather3A_149 : vector<16xf32>
        %add3A_151 = arith.addf %add3A_111, %mul3A_150 : vector<16xf32>
        %add3A_152 = arith.constant 8 : i32
        %add3A_153 = vector.broadcast %add3A_152 : i32 to vector<16xi32>
        %add3A_154 = arith.addi %iota3A_66, %add3A_153 : vector<16xi32>
        %and3A_155 = arith.constant 31 : i32
        %and3A_156 = vector.broadcast %and3A_155 : i32 to vector<16xi32>
        %and3A_157 = arith.andi %add3A_154, %and3A_156 : vector<16xi32>
        %gather3A_158 = tpu.vector_load_idx %arg11[%add3A_65, %and3A_157] : memref<640x32xf32, #tpu.memory_space<vmem>>[vector<16xi32>, vector<16xi32>], vector<16xf32>,
        %gather3A_159 = tpu.vector_load_idx %arg13[%add3A_65, %and3A_157] : memref<640x32xf32, #tpu.memory_space<vmem>>[vector<16xi32>, vector<16xi32>], vector<16xf32>,
        %mul3A_160 = arith.mulf %gather3A_158, %gather3A_159 : vector<16xf32>
        %add3A_161 = arith.addf %add3A_121, %mul3A_160 : vector<16xf32>
        %add3A_162 = arith.constant 9 : i32
        %add3A_163 = vector.broadcast %add3A_162 : i32 to vector<16xi32>
        %add3A_164 = arith.addi %iota3A_66, %add3A_163 : vector<16xi32>
        %and3A_165 = arith.constant 31 : i32
        %and3A_166 = vector.broadcast %and3A_165 : i32 to vector<16xi32>
        %and3A_167 = arith.andi %add3A_164, %and3A_166 : vector<16xi32>
        %gather3A_168 = tpu.vector_load_idx %arg11[%add3A_65, %and3A_167] : memref<640x32xf32, #tpu.memory_space<vmem>>[vector<16xi32>, vector<16xi32>], vector<16xf32>,
        %gather3A_169 = tpu.vector_load_idx %arg13[%add3A_65, %and3A_167] : memref<640x32xf32, #tpu.memory_space<vmem>>[vector<16xi32>, vector<16xi32>], vector<16xf32>,
        %mul3A_170 = arith.mulf %gather3A_168, %gather3A_169 : vector<16xf32>
        %add3A_171 = arith.addf %add3A_131, %mul3A_170 : vector<16xf32>
        %add3A_172 = arith.constant 10 : i32
        %add3A_173 = vector.broadcast %add3A_172 : i32 to vector<16xi32>
        %add3A_174 = arith.addi %iota3A_66, %add3A_173 : vector<16xi32>
        %and3A_175 = arith.constant 31 : i32
        %and3A_176 = vector.broadcast %and3A_175 : i32 to vector<16xi32>
        %and3A_177 = arith.andi %add3A_174, %and3A_176 : vector<16xi32>
        %gather3A_178 = tpu.vector_load_idx %arg11[%add3A_65, %and3A_177] : memref<640x32xf32, #tpu.memory_space<vmem>>[vector<16xi32>, vector<16xi32>], vector<16xf32>,
        %gather3A_179 = tpu.vector_load_idx %arg13[%add3A_65, %and3A_177] : memref<640x32xf32, #tpu.memory_space<vmem>>[vector<16xi32>, vector<16xi32>], vector<16xf32>,
        %mul3A_180 = arith.mulf %gather3A_178, %gather3A_179 : vector<16xf32>
        %add3A_181 = arith.addf %add3A_141, %mul3A_180 : vector<16xf32>
        %add3A_182 = arith.constant 11 : i32
        %add3A_183 = vector.broadcast %add3A_182 : i32 to vector<16xi32>
        %add3A_184 = arith.addi %iota3A_66, %add3A_183 : vector<16xi32>
        %and3A_185 = arith.constant 31 : i32
        %and3A_186 = vector.broadcast %and3A_185 : i32 to vector<16xi32>
        %and3A_187 = arith.andi %add3A_184, %and3A_186 : vector<16xi32>
        %gather3A_188 = tpu.vector_load_idx %arg11[%add3A_65, %and3A_187] : memref<640x32xf32, #tpu.memory_space<vmem>>[vector<16xi32>, vector<16xi32>], vector<16xf32>,
        %gather3A_189 = tpu.vector_load_idx %arg13[%add3A_65, %and3A_187] : memref<640x32xf32, #tpu.memory_space<vmem>>[vector<16xi32>, vector<16xi32>], vector<16xf32>,
        %mul3A_190 = arith.mulf %gather3A_188, %gather3A_189 : vector<16xf32>
        %add3A_191 = arith.addf %add3A_151, %mul3A_190 : vector<16xf32>
        %add3A_192 = arith.constant 12 : i32
        %add3A_193 = vector.broadcast %add3A_192 : i32 to vector<16xi32>
        %add3A_194 = arith.addi %iota3A_66, %add3A_193 : vector<16xi32>
        %and3A_195 = arith.constant 31 : i32
        %and3A_196 = vector.broadcast %and3A_195 : i32 to vector<16xi32>
        %and3A_197 = arith.andi %add3A_194, %and3A_196 : vector<16xi32>
        %gather3A_198 = tpu.vector_load_idx %arg11[%add3A_65, %and3A_197] : memref<640x32xf32, #tpu.memory_space<vmem>>[vector<16xi32>, vector<16xi32>], vector<16xf32>,
        %gather3A_199 = tpu.vector_load_idx %arg13[%add3A_65, %and3A_197] : memref<640x32xf32, #tpu.memory_space<vmem>>[vector<16xi32>, vector<16xi32>], vector<16xf32>,
        %mul3A_200 = arith.mulf %gather3A_198, %gather3A_199 : vector<16xf32>
        %add3A_201 = arith.addf %add3A_161, %mul3A_200 : vector<16xf32>
        %add3A_202 = arith.constant 13 : i32
        %add3A_203 = vector.broadcast %add3A_202 : i32 to vector<16xi32>
        %add3A_204 = arith.addi %iota3A_66, %add3A_203 : vector<16xi32>
        %and3A_205 = arith.constant 31 : i32
        %and3A_206 = vector.broadcast %and3A_205 : i32 to vector<16xi32>
        %and3A_207 = arith.andi %add3A_204, %and3A_206 : vector<16xi32>
        %gather3A_208 = tpu.vector_load_idx %arg11[%add3A_65, %and3A_207] : memref<640x32xf32, #tpu.memory_space<vmem>>[vector<16xi32>, vector<16xi32>], vector<16xf32>,
        %gather3A_209 = tpu.vector_load_idx %arg13[%add3A_65, %and3A_207] : memref<640x32xf32, #tpu.memory_space<vmem>>[vector<16xi32>, vector<16xi32>], vector<16xf32>,
        %mul3A_210 = arith.mulf %gather3A_208, %gather3A_209 : vector<16xf32>
        %add3A_211 = arith.addf %add3A_171, %mul3A_210 : vector<16xf32>
        %add3A_212 = arith.constant 14 : i32
        %add3A_213 = vector.broadcast %add3A_212 : i32 to vector<16xi32>
        %add3A_214 = arith.addi %iota3A_66, %add3A_213 : vector<16xi32>
        %and3A_215 = arith.constant 31 : i32
        %and3A_216 = vector.broadcast %and3A_215 : i32 to vector<16xi32>
        %and3A_217 = arith.andi %add3A_214, %and3A_216 : vector<16xi32>
        %gather3A_218 = tpu.vector_load_idx %arg11[%add3A_65, %and3A_217] : memref<640x32xf32, #tpu.memory_space<vmem>>[vector<16xi32>, vector<16xi32>], vector<16xf32>,
        %gather3A_219 = tpu.vector_load_idx %arg13[%add3A_65, %and3A_217] : memref<640x32xf32, #tpu.memory_space<vmem>>[vector<16xi32>, vector<16xi32>], vector<16xf32>,
        %mul3A_220 = arith.mulf %gather3A_218, %gather3A_219 : vector<16xf32>
        %add3A_221 = arith.addf %add3A_181, %mul3A_220 : vector<16xf32>
        %add3A_222 = arith.constant 15 : i32
        %add3A_223 = vector.broadcast %add3A_222 : i32 to vector<16xi32>
        %add3A_224 = arith.addi %iota3A_66, %add3A_223 : vector<16xi32>
        %and3A_225 = arith.constant 31 : i32
        %and3A_226 = vector.broadcast %and3A_225 : i32 to vector<16xi32>
        %and3A_227 = arith.andi %add3A_224, %and3A_226 : vector<16xi32>
        %gather3A_228 = tpu.vector_load_idx %arg11[%add3A_65, %and3A_227] : memref<640x32xf32, #tpu.memory_space<vmem>>[vector<16xi32>, vector<16xi32>], vector<16xf32>,
        %gather3A_229 = tpu.vector_load_idx %arg13[%add3A_65, %and3A_227] : memref<640x32xf32, #tpu.memory_space<vmem>>[vector<16xi32>, vector<16xi32>], vector<16xf32>,
        %mul3A_230 = arith.mulf %gather3A_228, %gather3A_229 : vector<16xf32>
        %add3A_231 = arith.addf %add3A_191, %mul3A_230 : vector<16xf32>
        %add3A_232 = arith.constant 16 : i32
        %add3A_233 = vector.broadcast %add3A_232 : i32 to vector<16xi32>
        %add3A_234 = arith.addi %iota3A_66, %add3A_233 : vector<16xi32>
        %and3A_235 = arith.constant 31 : i32
        %and3A_236 = vector.broadcast %and3A_235 : i32 to vector<16xi32>
        %and3A_237 = arith.andi %add3A_234, %and3A_236 : vector<16xi32>
        %gather3A_238 = tpu.vector_load_idx %arg11[%add3A_65, %and3A_237] : memref<640x32xf32, #tpu.memory_space<vmem>>[vector<16xi32>, vector<16xi32>], vector<16xf32>,
        %gather3A_239 = tpu.vector_load_idx %arg13[%add3A_65, %and3A_237] : memref<640x32xf32, #tpu.memory_space<vmem>>[vector<16xi32>, vector<16xi32>], vector<16xf32>,
        %mul3A_240 = arith.mulf %gather3A_238, %gather3A_239 : vector<16xf32>
        %add3A_241 = arith.addf %add3A_201, %mul3A_240 : vector<16xf32>
        %add3A_242 = arith.constant 17 : i32
        %add3A_243 = vector.broadcast %add3A_242 : i32 to vector<16xi32>
        %add3A_244 = arith.addi %iota3A_66, %add3A_243 : vector<16xi32>
        %and3A_245 = arith.constant 31 : i32
        %and3A_246 = vector.broadcast %and3A_245 : i32 to vector<16xi32>
        %and3A_247 = arith.andi %add3A_244, %and3A_246 : vector<16xi32>
        %gather3A_248 = tpu.vector_load_idx %arg11[%add3A_65, %and3A_247] : memref<640x32xf32, #tpu.memory_space<vmem>>[vector<16xi32>, vector<16xi32>], vector<16xf32>,
        %gather3A_249 = tpu.vector_load_idx %arg13[%add3A_65, %and3A_247] : memref<640x32xf32, #tpu.memory_space<vmem>>[vector<16xi32>, vector<16xi32>], vector<16xf32>,
        %mul3A_250 = arith.mulf %gather3A_248, %gather3A_249 : vector<16xf32>
        %add3A_251 = arith.addf %add3A_211, %mul3A_250 : vector<16xf32>
        %add3A_252 = arith.constant 18 : i32
        %add3A_253 = vector.broadcast %add3A_252 : i32 to vector<16xi32>
        %add3A_254 = arith.addi %iota3A_66, %add3A_253 : vector<16xi32>
        %and3A_255 = arith.constant 31 : i32
        %and3A_256 = vector.broadcast %and3A_255 : i32 to vector<16xi32>
        %and3A_257 = arith.andi %add3A_254, %and3A_256 : vector<16xi32>
        %gather3A_258 = tpu.vector_load_idx %arg11[%add3A_65, %and3A_257] : memref<640x32xf32, #tpu.memory_space<vmem>>[vector<16xi32>, vector<16xi32>], vector<16xf32>,
        %gather3A_259 = tpu.vector_load_idx %arg13[%add3A_65, %and3A_257] : memref<640x32xf32, #tpu.memory_space<vmem>>[vector<16xi32>, vector<16xi32>], vector<16xf32>,
        %mul3A_260 = arith.mulf %gather3A_258, %gather3A_259 : vector<16xf32>
        %add3A_261 = arith.addf %add3A_221, %mul3A_260 : vector<16xf32>
        %add3A_262 = arith.constant 19 : i32
        %add3A_263 = vector.broadcast %add3A_262 : i32 to vector<16xi32>
        %add3A_264 = arith.addi %iota3A_66, %add3A_263 : vector<16xi32>
        %and3A_265 = arith.constant 31 : i32
        %and3A_266 = vector.broadcast %and3A_265 : i32 to vector<16xi32>
        %and3A_267 = arith.andi %add3A_264, %and3A_266 : vector<16xi32>
        %gather3A_268 = tpu.vector_load_idx %arg11[%add3A_65, %and3A_267] : memref<640x32xf32, #tpu.memory_space<vmem>>[vector<16xi32>, vector<16xi32>], vector<16xf32>,
        %gather3A_269 = tpu.vector_load_idx %arg13[%add3A_65, %and3A_267] : memref<640x32xf32, #tpu.memory_space<vmem>>[vector<16xi32>, vector<16xi32>], vector<16xf32>,
        %mul3A_270 = arith.mulf %gather3A_268, %gather3A_269 : vector<16xf32>
        %add3A_271 = arith.addf %add3A_231, %mul3A_270 : vector<16xf32>
        %add3A_272 = arith.constant 20 : i32
        %add3A_273 = vector.broadcast %add3A_272 : i32 to vector<16xi32>
        %add3A_274 = arith.addi %iota3A_66, %add3A_273 : vector<16xi32>
        %and3A_275 = arith.constant 31 : i32
        %and3A_276 = vector.broadcast %and3A_275 : i32 to vector<16xi32>
        %and3A_277 = arith.andi %add3A_274, %and3A_276 : vector<16xi32>
        %gather3A_278 = tpu.vector_load_idx %arg11[%add3A_65, %and3A_277] : memref<640x32xf32, #tpu.memory_space<vmem>>[vector<16xi32>, vector<16xi32>], vector<16xf32>,
        %gather3A_279 = tpu.vector_load_idx %arg13[%add3A_65, %and3A_277] : memref<640x32xf32, #tpu.memory_space<vmem>>[vector<16xi32>, vector<16xi32>], vector<16xf32>,
        %mul3A_280 = arith.mulf %gather3A_278, %gather3A_279 : vector<16xf32>
        %add3A_281 = arith.addf %add3A_241, %mul3A_280 : vector<16xf32>
        %add3A_282 = arith.constant 21 : i32
        %add3A_283 = vector.broadcast %add3A_282 : i32 to vector<16xi32>
        %add3A_284 = arith.addi %iota3A_66, %add3A_283 : vector<16xi32>
        %and3A_285 = arith.constant 31 : i32
        %and3A_286 = vector.broadcast %and3A_285 : i32 to vector<16xi32>
        %and3A_287 = arith.andi %add3A_284, %and3A_286 : vector<16xi32>
        %gather3A_288 = tpu.vector_load_idx %arg11[%add3A_65, %and3A_287] : memref<640x32xf32, #tpu.memory_space<vmem>>[vector<16xi32>, vector<16xi32>], vector<16xf32>,
        %gather3A_289 = tpu.vector_load_idx %arg13[%add3A_65, %and3A_287] : memref<640x32xf32, #tpu.memory_space<vmem>>[vector<16xi32>, vector<16xi32>], vector<16xf32>,
        %mul3A_290 = arith.mulf %gather3A_288, %gather3A_289 : vector<16xf32>
        %add3A_291 = arith.addf %add3A_251, %mul3A_290 : vector<16xf32>
        %add3A_292 = arith.constant 22 : i32
        %add3A_293 = vector.broadcast %add3A_292 : i32 to vector<16xi32>
        %add3A_294 = arith.addi %iota3A_66, %add3A_293 : vector<16xi32>
        %and3A_295 = arith.constant 31 : i32
        %and3A_296 = vector.broadcast %and3A_295 : i32 to vector<16xi32>
        %and3A_297 = arith.andi %add3A_294, %and3A_296 : vector<16xi32>
        %gather3A_298 = tpu.vector_load_idx %arg11[%add3A_65, %and3A_297] : memref<640x32xf32, #tpu.memory_space<vmem>>[vector<16xi32>, vector<16xi32>], vector<16xf32>,
        %gather3A_299 = tpu.vector_load_idx %arg13[%add3A_65, %and3A_297] : memref<640x32xf32, #tpu.memory_space<vmem>>[vector<16xi32>, vector<16xi32>], vector<16xf32>,
        %mul3A_300 = arith.mulf %gather3A_298, %gather3A_299 : vector<16xf32>
        %add3A_301 = arith.addf %add3A_261, %mul3A_300 : vector<16xf32>
        %add3A_302 = arith.constant 23 : i32
        %add3A_303 = vector.broadcast %add3A_302 : i32 to vector<16xi32>
        %add3A_304 = arith.addi %iota3A_66, %add3A_303 : vector<16xi32>
        %and3A_305 = arith.constant 31 : i32
        %and3A_306 = vector.broadcast %and3A_305 : i32 to vector<16xi32>
        %and3A_307 = arith.andi %add3A_304, %and3A_306 : vector<16xi32>
        %gather3A_308 = tpu.vector_load_idx %arg11[%add3A_65, %and3A_307] : memref<640x32xf32, #tpu.memory_space<vmem>>[vector<16xi32>, vector<16xi32>], vector<16xf32>,
        %gather3A_309 = tpu.vector_load_idx %arg13[%add3A_65, %and3A_307] : memref<640x32xf32, #tpu.memory_space<vmem>>[vector<16xi32>, vector<16xi32>], vector<16xf32>,
        %mul3A_310 = arith.mulf %gather3A_308, %gather3A_309 : vector<16xf32>
        %add3A_311 = arith.addf %add3A_271, %mul3A_310 : vector<16xf32>
        %add3A_312 = arith.constant 24 : i32
        %add3A_313 = vector.broadcast %add3A_312 : i32 to vector<16xi32>
        %add3A_314 = arith.addi %iota3A_66, %add3A_313 : vector<16xi32>
        %and3A_315 = arith.constant 31 : i32
        %and3A_316 = vector.broadcast %and3A_315 : i32 to vector<16xi32>
        %and3A_317 = arith.andi %add3A_314, %and3A_316 : vector<16xi32>
        %gather3A_318 = tpu.vector_load_idx %arg11[%add3A_65, %and3A_317] : memref<640x32xf32, #tpu.memory_space<vmem>>[vector<16xi32>, vector<16xi32>], vector<16xf32>,
        %gather3A_319 = tpu.vector_load_idx %arg13[%add3A_65, %and3A_317] : memref<640x32xf32, #tpu.memory_space<vmem>>[vector<16xi32>, vector<16xi32>], vector<16xf32>,
        %mul3A_320 = arith.mulf %gather3A_318, %gather3A_319 : vector<16xf32>
        %add3A_321 = arith.addf %add3A_281, %mul3A_320 : vector<16xf32>
        %add3A_322 = arith.constant 25 : i32
        %add3A_323 = vector.broadcast %add3A_322 : i32 to vector<16xi32>
        %add3A_324 = arith.addi %iota3A_66, %add3A_323 : vector<16xi32>
        %and3A_325 = arith.constant 31 : i32
        %and3A_326 = vector.broadcast %and3A_325 : i32 to vector<16xi32>
        %and3A_327 = arith.andi %add3A_324, %and3A_326 : vector<16xi32>
        %gather3A_328 = tpu.vector_load_idx %arg11[%add3A_65, %and3A_327] : memref<640x32xf32, #tpu.memory_space<vmem>>[vector<16xi32>, vector<16xi32>], vector<16xf32>,
        %gather3A_329 = tpu.vector_load_idx %arg13[%add3A_65, %and3A_327] : memref<640x32xf32, #tpu.memory_space<vmem>>[vector<16xi32>, vector<16xi32>], vector<16xf32>,
        %mul3A_330 = arith.mulf %gather3A_328, %gather3A_329 : vector<16xf32>
        %add3A_331 = arith.addf %add3A_291, %mul3A_330 : vector<16xf32>
        %add3A_332 = arith.constant 26 : i32
        %add3A_333 = vector.broadcast %add3A_332 : i32 to vector<16xi32>
        %add3A_334 = arith.addi %iota3A_66, %add3A_333 : vector<16xi32>
        %and3A_335 = arith.constant 31 : i32
        %and3A_336 = vector.broadcast %and3A_335 : i32 to vector<16xi32>
        %and3A_337 = arith.andi %add3A_334, %and3A_336 : vector<16xi32>
        %gather3A_338 = tpu.vector_load_idx %arg11[%add3A_65, %and3A_337] : memref<640x32xf32, #tpu.memory_space<vmem>>[vector<16xi32>, vector<16xi32>], vector<16xf32>,
        %gather3A_339 = tpu.vector_load_idx %arg13[%add3A_65, %and3A_337] : memref<640x32xf32, #tpu.memory_space<vmem>>[vector<16xi32>, vector<16xi32>], vector<16xf32>,
        %mul3A_340 = arith.mulf %gather3A_338, %gather3A_339 : vector<16xf32>
        %add3A_341 = arith.addf %add3A_301, %mul3A_340 : vector<16xf32>
        %add3A_342 = arith.constant 27 : i32
        %add3A_343 = vector.broadcast %add3A_342 : i32 to vector<16xi32>
        %add3A_344 = arith.addi %iota3A_66, %add3A_343 : vector<16xi32>
        %and3A_345 = arith.constant 31 : i32
        %and3A_346 = vector.broadcast %and3A_345 : i32 to vector<16xi32>
        %and3A_347 = arith.andi %add3A_344, %and3A_346 : vector<16xi32>
        %gather3A_348 = tpu.vector_load_idx %arg11[%add3A_65, %and3A_347] : memref<640x32xf32, #tpu.memory_space<vmem>>[vector<16xi32>, vector<16xi32>], vector<16xf32>,
        %gather3A_349 = tpu.vector_load_idx %arg13[%add3A_65, %and3A_347] : memref<640x32xf32, #tpu.memory_space<vmem>>[vector<16xi32>, vector<16xi32>], vector<16xf32>,
        %mul3A_350 = arith.mulf %gather3A_348, %gather3A_349 : vector<16xf32>
        %add3A_351 = arith.addf %add3A_311, %mul3A_350 : vector<16xf32>
        %add3A_352 = arith.constant 28 : i32
        %add3A_353 = vector.broadcast %add3A_352 : i32 to vector<16xi32>
        %add3A_354 = arith.addi %iota3A_66, %add3A_353 : vector<16xi32>
        %and3A_355 = arith.constant 31 : i32
        %and3A_356 = vector.broadcast %and3A_355 : i32 to vector<16xi32>
        %and3A_357 = arith.andi %add3A_354, %and3A_356 : vector<16xi32>
        %gather3A_358 = tpu.vector_load_idx %arg11[%add3A_65, %and3A_357] : memref<640x32xf32, #tpu.memory_space<vmem>>[vector<16xi32>, vector<16xi32>], vector<16xf32>,
        %gather3A_359 = tpu.vector_load_idx %arg13[%add3A_65, %and3A_357] : memref<640x32xf32, #tpu.memory_space<vmem>>[vector<16xi32>, vector<16xi32>], vector<16xf32>,
        %mul3A_360 = arith.mulf %gather3A_358, %gather3A_359 : vector<16xf32>
        %add3A_361 = arith.addf %add3A_321, %mul3A_360 : vector<16xf32>
        %add3A_362 = arith.constant 29 : i32
        %add3A_363 = vector.broadcast %add3A_362 : i32 to vector<16xi32>
        %add3A_364 = arith.addi %iota3A_66, %add3A_363 : vector<16xi32>
        %and3A_365 = arith.constant 31 : i32
        %and3A_366 = vector.broadcast %and3A_365 : i32 to vector<16xi32>
        %and3A_367 = arith.andi %add3A_364, %and3A_366 : vector<16xi32>
        %gather3A_368 = tpu.vector_load_idx %arg11[%add3A_65, %and3A_367] : memref<640x32xf32, #tpu.memory_space<vmem>>[vector<16xi32>, vector<16xi32>], vector<16xf32>,
        %gather3A_369 = tpu.vector_load_idx %arg13[%add3A_65, %and3A_367] : memref<640x32xf32, #tpu.memory_space<vmem>>[vector<16xi32>, vector<16xi32>], vector<16xf32>,
        %mul3A_370 = arith.mulf %gather3A_368, %gather3A_369 : vector<16xf32>
        %add3A_371 = arith.addf %add3A_331, %mul3A_370 : vector<16xf32>
        %add3A_372 = arith.constant 30 : i32
        %add3A_373 = vector.broadcast %add3A_372 : i32 to vector<16xi32>
        %add3A_374 = arith.addi %iota3A_66, %add3A_373 : vector<16xi32>
        %and3A_375 = arith.constant 31 : i32
        %and3A_376 = vector.broadcast %and3A_375 : i32 to vector<16xi32>
        %and3A_377 = arith.andi %add3A_374, %and3A_376 : vector<16xi32>
        %gather3A_378 = tpu.vector_load_idx %arg11[%add3A_65, %and3A_377] : memref<640x32xf32, #tpu.memory_space<vmem>>[vector<16xi32>, vector<16xi32>], vector<16xf32>,
        %gather3A_379 = tpu.vector_load_idx %arg13[%add3A_65, %and3A_377] : memref<640x32xf32, #tpu.memory_space<vmem>>[vector<16xi32>, vector<16xi32>], vector<16xf32>,
        %mul3A_380 = arith.mulf %gather3A_378, %gather3A_379 : vector<16xf32>
        %add3A_381 = arith.addf %add3A_341, %mul3A_380 : vector<16xf32>
        %add3A_382 = arith.constant 31 : i32
        %add3A_383 = vector.broadcast %add3A_382 : i32 to vector<16xi32>
        %add3A_384 = arith.addi %iota3A_66, %add3A_383 : vector<16xi32>
        %and3A_385 = arith.constant 31 : i32
        %and3A_386 = vector.broadcast %and3A_385 : i32 to vector<16xi32>
        %and3A_387 = arith.andi %add3A_384, %and3A_386 : vector<16xi32>
        %gather3A_388 = tpu.vector_load_idx %arg11[%add3A_65, %and3A_387] : memref<640x32xf32, #tpu.memory_space<vmem>>[vector<16xi32>, vector<16xi32>], vector<16xf32>,
        %gather3A_389 = tpu.vector_load_idx %arg13[%add3A_65, %and3A_387] : memref<640x32xf32, #tpu.memory_space<vmem>>[vector<16xi32>, vector<16xi32>], vector<16xf32>,
        %mul3A_390 = arith.mulf %gather3A_388, %gather3A_389 : vector<16xf32>
        %add3A_391 = arith.addf %add3A_351, %mul3A_390 : vector<16xf32>
        %add3A_392 = arith.addf %add3A_361, %add3A_371 : vector<16xf32>
        %add3A_393 = arith.addf %add3A_381, %add3A_391 : vector<16xf32>
        %add3A_394 = arith.addf %add3A_392, %add3A_393 : vector<16xf32>
        %neg3A = arith.constant 0.000000e+00 : f32
        %neg3A_395 = vector.broadcast %neg3A : f32 to vector<16xf32>
        %neg3A_396 = arith.subf %neg3A_395, %add3A_394 : vector<16xf32>
        %exp3A = math.exp %neg3A_396 : vector<16xf32>
        %add3A_397 = arith.constant 1.000000e+00 : f32
        %add3A_398 = vector.broadcast %add3A_397 : f32 to vector<16xf32>
        %add3A_399 = arith.addf %add3A_398, %exp3A : vector<16xf32>
        %div3A = arith.constant 1.000000e+00 : f32
        %div3A_400 = vector.broadcast %div3A : f32 to vector<16xf32>
        %div3A_401 = arith.divf %div3A_400, %add3A_399 : vector<16xf32>
        %mul3A_402 = arith.constant 16 : i32
        %mul3A_403 = arith.muli %scan3A_61, %mul3A_402 : i32
        %swap3A = arith.index_cast %mul3A_403 : i32 to index
        %swap3A_404 = tpu.vector_load %arg15[%swap3A] {strides = array<i32>} : memref<640xf32, #tpu.memory_space<vmem>>, vector<16xf32>,
        tpu.vector_store %arg15[%swap3A], %div3A_401 {strides = array<i32>} : memref<640xf32, #tpu.memory_space<vmem>>, vector<16xf32>,
      }
      %scan3A_37 = arith.constant 40 : i32
      %mul3A_38 = arith.constant 640 : i32
      %mul3A_39 = arith.muli %mul3A_16, %mul3A_38 : i32
      %add3A_40 = arith.addi %mul3A_2, %mul3A_39 : i32
      "tpu.region"() ({
        %run_scoped3A = tpu.sem_alloc : memref<!tpu.dma_semaphore, #tpu.memory_space<semaphore_mem>>
        %dma_start3A_61 = tpu.memref_slice %arg6[%add3A_40] : memref<327680xf32, #tpu.memory_space<hbm>> -> memref<640xf32, #tpu.memory_space<hbm>>
        %dma_start3A_62 = tpu.memref_slice %arg6[%add3A_40] : memref<327680xf32, #tpu.memory_space<hbm>> -> memref<640xf32, #tpu.memory_space<hbm>>
        tpu.enqueue_dma source(%arg15 : memref<640xf32, #tpu.memory_space<vmem>>) target(%dma_start3A_62 : memref<640xf32, #tpu.memory_space<hbm>>) target_semaphore(%run_scoped3A : memref<!tpu.dma_semaphore, #tpu.memory_space<semaphore_mem>>)
        %dma_wait3A_63 = tpu.memref_slice %arg6[%add3A_40] : memref<327680xf32, #tpu.memory_space<hbm>> -> memref<640xf32, #tpu.memory_space<hbm>>
        %dma_wait3A_64 = tpu.memref_slice %arg6[%add3A_40] : memref<327680xf32, #tpu.memory_space<hbm>> -> memref<640xf32, #tpu.memory_space<hbm>>
        tpu.wait_dma2 semaphore(%run_scoped3A : memref<!tpu.dma_semaphore, #tpu.memory_space<semaphore_mem>>) src(%arg15 : memref<640xf32, #tpu.memory_space<vmem>>) dst(%dma_wait3A_64 : memref<640xf32, #tpu.memory_space<hbm>>)
        tpu.yield
      }) : () -> ()
      %add3A_41 = arith.constant 2 : i32
      %add3A_42 = arith.addi %mul3A_16, %add3A_41 : i32
      %lt3A = arith.constant 16 : i32
      %lt3A_43 = arith.cmpi slt, %add3A_42, %lt3A : i32
      %convert_element_type3A = arith.extui %lt3A_43 : i1 to i32
      %cond3A = arith.constant 0 : i32
      %cond3A_44 = arith.cmpi ne, %convert_element_type3A, %cond3A : i32
      scf.if %cond3A_44 {
        %add3A_61 = arith.constant 2 : i32
        %add3A_62 = arith.addi %mul3A_16, %add3A_61 : i32
        %mul3A_63 = arith.constant 640 : i32
        %mul3A_64 = arith.muli %add3A_62, %mul3A_63 : i32
        %add3A_65 = arith.addi %mul3A_2, %mul3A_64 : i32
        "tpu.region"() ({
          %run_scoped3A = tpu.sem_alloc : memref<!tpu.dma_semaphore, #tpu.memory_space<semaphore_mem>>
          %dma_start3A_72 = tpu.memref_slice %arg4[%add3A_65] : memref<327680xi32, #tpu.memory_space<hbm>> -> memref<640xi32, #tpu.memory_space<hbm>>
          %dma_start3A_73 = tpu.memref_slice %arg4[%add3A_65] : memref<327680xi32, #tpu.memory_space<hbm>> -> memref<640xi32, #tpu.memory_space<hbm>>
          tpu.enqueue_dma source(%dma_start3A_73 : memref<640xi32, #tpu.memory_space<hbm>>) target(%arg7 : memref<640xi32, #tpu.memory_space<vmem>>) target_semaphore(%run_scoped3A : memref<!tpu.dma_semaphore, #tpu.memory_space<semaphore_mem>>)
          %dma_wait3A_74 = tpu.memref_slice %arg4[%add3A_65] : memref<327680xi32, #tpu.memory_space<hbm>> -> memref<640xi32, #tpu.memory_space<hbm>>
          %dma_wait3A_75 = tpu.memref_slice %arg4[%add3A_65] : memref<327680xi32, #tpu.memory_space<hbm>> -> memref<640xi32, #tpu.memory_space<hbm>>
          tpu.wait_dma2 semaphore(%run_scoped3A : memref<!tpu.dma_semaphore, #tpu.memory_space<semaphore_mem>>) src(%dma_wait3A_75 : memref<640xi32, #tpu.memory_space<hbm>>) dst(%arg7 : memref<640xi32, #tpu.memory_space<vmem>>)
          tpu.yield
        }) : () -> ()
        "tpu.region"() ({
          %run_scoped3A = tpu.sem_alloc : memref<!tpu.dma_semaphore, #tpu.memory_space<semaphore_mem>>
          %dma_start3A_72 = tpu.memref_slice %arg5[%add3A_65] : memref<327680xi32, #tpu.memory_space<hbm>> -> memref<640xi32, #tpu.memory_space<hbm>>
          %dma_start3A_73 = tpu.memref_slice %arg5[%add3A_65] : memref<327680xi32, #tpu.memory_space<hbm>> -> memref<640xi32, #tpu.memory_space<hbm>>
          tpu.enqueue_dma source(%dma_start3A_73 : memref<640xi32, #tpu.memory_space<hbm>>) target(%arg9 : memref<640xi32, #tpu.memory_space<vmem>>) target_semaphore(%run_scoped3A : memref<!tpu.dma_semaphore, #tpu.memory_space<semaphore_mem>>)
          %dma_wait3A_74 = tpu.memref_slice %arg5[%add3A_65] : memref<327680xi32, #tpu.memory_space<hbm>> -> memref<640xi32, #tpu.memory_space<hbm>>
          %dma_wait3A_75 = tpu.memref_slice %arg5[%add3A_65] : memref<327680xi32, #tpu.memory_space<hbm>> -> memref<640xi32, #tpu.memory_space<hbm>>
          tpu.wait_dma2 semaphore(%run_scoped3A : memref<!tpu.dma_semaphore, #tpu.memory_space<semaphore_mem>>) src(%dma_wait3A_75 : memref<640xi32, #tpu.memory_space<hbm>>) dst(%arg9 : memref<640xi32, #tpu.memory_space<vmem>>)
          tpu.yield
        }) : () -> ()
        %dma_start3A_66 = arith.constant 0 : i32
        %dma_start3A_67 = arith.constant 0 : i32
        %dma_start3A_68 = tpu.memref_slice %arg2[%dma_start3A_66, %dma_start3A_67] : memref<1000000x32xf32, #tpu.memory_space<hbm>> -> memref<1000000x32xf32, #tpu.memory_space<hbm>>
        tpu.enqueue_indirect_dma source(%dma_start3A_68 : memref<1000000x32xf32, #tpu.memory_space<hbm>>) target(%arg11 : memref<640x32xf32, #tpu.memory_space<vmem>>) offsets(%arg7 : memref<640xi32, #tpu.memory_space<vmem>>) semaphore(%arg16 : memref<!tpu.dma_semaphore, #tpu.memory_space<semaphore_mem>>)
        %dma_start3A_69 = arith.constant 0 : i32
        %dma_start3A_70 = arith.constant 0 : i32
        %dma_start3A_71 = tpu.memref_slice %arg3[%dma_start3A_69, %dma_start3A_70] : memref<1000000x32xf32, #tpu.memory_space<hbm>> -> memref<1000000x32xf32, #tpu.memory_space<hbm>>
        tpu.enqueue_indirect_dma source(%dma_start3A_71 : memref<1000000x32xf32, #tpu.memory_space<hbm>>) target(%arg13 : memref<640x32xf32, #tpu.memory_space<vmem>>) offsets(%arg9 : memref<640xi32, #tpu.memory_space<vmem>>) semaphore(%arg18 : memref<!tpu.dma_semaphore, #tpu.memory_space<semaphore_mem>>)
      } else {
      }
      %add3A_45 = arith.constant 1 : i32
      %add3A_46 = arith.addi %mul3A_16, %add3A_45 : i32
      %dma_wait3A_47 = arith.constant 0 : i32
      %dma_wait3A_48 = arith.constant 0 : i32
      %dma_wait3A_49 = tpu.memref_slice %arg2[%dma_wait3A_47, %dma_wait3A_48] : memref<1000000x32xf32, #tpu.memory_space<hbm>> -> memref<1000000x32xf32, #tpu.memory_space<hbm>>
      tpu.wait_indirect_dma semaphore(%arg17 : memref<!tpu.dma_semaphore, #tpu.memory_space<semaphore_mem>>) src(%dma_wait3A_49 : memref<1000000x32xf32, #tpu.memory_space<hbm>>) dst(%arg12 : memref<640x32xf32, #tpu.memory_space<vmem>>)
      %dma_wait3A_50 = arith.constant 0 : i32
      %dma_wait3A_51 = arith.constant 0 : i32
      %dma_wait3A_52 = tpu.memref_slice %arg3[%dma_wait3A_50, %dma_wait3A_51] : memref<1000000x32xf32, #tpu.memory_space<hbm>> -> memref<1000000x32xf32, #tpu.memory_space<hbm>>
      tpu.wait_indirect_dma semaphore(%arg19 : memref<!tpu.dma_semaphore, #tpu.memory_space<semaphore_mem>>) src(%dma_wait3A_52 : memref<1000000x32xf32, #tpu.memory_space<hbm>>) dst(%arg14 : memref<640x32xf32, #tpu.memory_space<vmem>>)
      %scan3A_53 = arith.constant 0 : i32
      %scan3A_54 = arith.constant 40 : i32
      %scan3A_55 = arith.addi %scan3A_53, %scan3A_54 : i32
      %scan3A_56 = arith.constant 1 : i32
      scf.for %scan3A_61 = %scan3A_53 to %scan3A_55 step %scan3A_56  : i32 {
        %mul3A_62 = arith.constant 16 : i32
        %mul3A_63 = arith.muli %scan3A_61, %mul3A_62 : i32
        %iota3A = tpu.iota {dimensions = array<i32: 0>} : vector<16xi32>
        %add3A_64 = vector.broadcast %mul3A_63 : i32 to vector<16xi32>
        %add3A_65 = arith.addi %add3A_64, %iota3A : vector<16xi32>
        %iota3A_66 = tpu.iota {dimensions = array<i32: 0>} : vector<16xi32>
        %broadcast_in_dim3A = arith.constant 0.000000e+00 : f32
        %broadcast_in_dim3A_67 = vector.broadcast %broadcast_in_dim3A : f32 to vector<16xf32>
        %broadcast_in_dim3A_68 = arith.constant 0.000000e+00 : f32
        %broadcast_in_dim3A_69 = vector.broadcast %broadcast_in_dim3A_68 : f32 to vector<16xf32>
        %broadcast_in_dim3A_70 = arith.constant 0.000000e+00 : f32
        %broadcast_in_dim3A_71 = vector.broadcast %broadcast_in_dim3A_70 : f32 to vector<16xf32>
        %broadcast_in_dim3A_72 = arith.constant 0.000000e+00 : f32
        %broadcast_in_dim3A_73 = vector.broadcast %broadcast_in_dim3A_72 : f32 to vector<16xf32>
        %add3A_74 = arith.constant 0 : i32
        %add3A_75 = vector.broadcast %add3A_74 : i32 to vector<16xi32>
        %add3A_76 = arith.addi %iota3A_66, %add3A_75 : vector<16xi32>
        %and3A = arith.constant 31 : i32
        %and3A_77 = vector.broadcast %and3A : i32 to vector<16xi32>
        %and3A_78 = arith.andi %add3A_76, %and3A_77 : vector<16xi32>
        %gather3A = tpu.vector_load_idx %arg12[%add3A_65, %and3A_78] : memref<640x32xf32, #tpu.memory_space<vmem>>[vector<16xi32>, vector<16xi32>], vector<16xf32>,
        %gather3A_79 = tpu.vector_load_idx %arg14[%add3A_65, %and3A_78] : memref<640x32xf32, #tpu.memory_space<vmem>>[vector<16xi32>, vector<16xi32>], vector<16xf32>,
        %mul3A_80 = arith.mulf %gather3A, %gather3A_79 : vector<16xf32>
        %add3A_81 = arith.addf %broadcast_in_dim3A_67, %mul3A_80 : vector<16xf32>
        %add3A_82 = arith.constant 1 : i32
        %add3A_83 = vector.broadcast %add3A_82 : i32 to vector<16xi32>
        %add3A_84 = arith.addi %iota3A_66, %add3A_83 : vector<16xi32>
        %and3A_85 = arith.constant 31 : i32
        %and3A_86 = vector.broadcast %and3A_85 : i32 to vector<16xi32>
        %and3A_87 = arith.andi %add3A_84, %and3A_86 : vector<16xi32>
        %gather3A_88 = tpu.vector_load_idx %arg12[%add3A_65, %and3A_87] : memref<640x32xf32, #tpu.memory_space<vmem>>[vector<16xi32>, vector<16xi32>], vector<16xf32>,
        %gather3A_89 = tpu.vector_load_idx %arg14[%add3A_65, %and3A_87] : memref<640x32xf32, #tpu.memory_space<vmem>>[vector<16xi32>, vector<16xi32>], vector<16xf32>,
        %mul3A_90 = arith.mulf %gather3A_88, %gather3A_89 : vector<16xf32>
        %add3A_91 = arith.addf %broadcast_in_dim3A_69, %mul3A_90 : vector<16xf32>
        %add3A_92 = arith.constant 2 : i32
        %add3A_93 = vector.broadcast %add3A_92 : i32 to vector<16xi32>
        %add3A_94 = arith.addi %iota3A_66, %add3A_93 : vector<16xi32>
        %and3A_95 = arith.constant 31 : i32
        %and3A_96 = vector.broadcast %and3A_95 : i32 to vector<16xi32>
        %and3A_97 = arith.andi %add3A_94, %and3A_96 : vector<16xi32>
        %gather3A_98 = tpu.vector_load_idx %arg12[%add3A_65, %and3A_97] : memref<640x32xf32, #tpu.memory_space<vmem>>[vector<16xi32>, vector<16xi32>], vector<16xf32>,
        %gather3A_99 = tpu.vector_load_idx %arg14[%add3A_65, %and3A_97] : memref<640x32xf32, #tpu.memory_space<vmem>>[vector<16xi32>, vector<16xi32>], vector<16xf32>,
        %mul3A_100 = arith.mulf %gather3A_98, %gather3A_99 : vector<16xf32>
        %add3A_101 = arith.addf %broadcast_in_dim3A_71, %mul3A_100 : vector<16xf32>
        %add3A_102 = arith.constant 3 : i32
        %add3A_103 = vector.broadcast %add3A_102 : i32 to vector<16xi32>
        %add3A_104 = arith.addi %iota3A_66, %add3A_103 : vector<16xi32>
        %and3A_105 = arith.constant 31 : i32
        %and3A_106 = vector.broadcast %and3A_105 : i32 to vector<16xi32>
        %and3A_107 = arith.andi %add3A_104, %and3A_106 : vector<16xi32>
        %gather3A_108 = tpu.vector_load_idx %arg12[%add3A_65, %and3A_107] : memref<640x32xf32, #tpu.memory_space<vmem>>[vector<16xi32>, vector<16xi32>], vector<16xf32>,
        %gather3A_109 = tpu.vector_load_idx %arg14[%add3A_65, %and3A_107] : memref<640x32xf32, #tpu.memory_space<vmem>>[vector<16xi32>, vector<16xi32>], vector<16xf32>,
        %mul3A_110 = arith.mulf %gather3A_108, %gather3A_109 : vector<16xf32>
        %add3A_111 = arith.addf %broadcast_in_dim3A_73, %mul3A_110 : vector<16xf32>
        %add3A_112 = arith.constant 4 : i32
        %add3A_113 = vector.broadcast %add3A_112 : i32 to vector<16xi32>
        %add3A_114 = arith.addi %iota3A_66, %add3A_113 : vector<16xi32>
        %and3A_115 = arith.constant 31 : i32
        %and3A_116 = vector.broadcast %and3A_115 : i32 to vector<16xi32>
        %and3A_117 = arith.andi %add3A_114, %and3A_116 : vector<16xi32>
        %gather3A_118 = tpu.vector_load_idx %arg12[%add3A_65, %and3A_117] : memref<640x32xf32, #tpu.memory_space<vmem>>[vector<16xi32>, vector<16xi32>], vector<16xf32>,
        %gather3A_119 = tpu.vector_load_idx %arg14[%add3A_65, %and3A_117] : memref<640x32xf32, #tpu.memory_space<vmem>>[vector<16xi32>, vector<16xi32>], vector<16xf32>,
        %mul3A_120 = arith.mulf %gather3A_118, %gather3A_119 : vector<16xf32>
        %add3A_121 = arith.addf %add3A_81, %mul3A_120 : vector<16xf32>
        %add3A_122 = arith.constant 5 : i32
        %add3A_123 = vector.broadcast %add3A_122 : i32 to vector<16xi32>
        %add3A_124 = arith.addi %iota3A_66, %add3A_123 : vector<16xi32>
        %and3A_125 = arith.constant 31 : i32
        %and3A_126 = vector.broadcast %and3A_125 : i32 to vector<16xi32>
        %and3A_127 = arith.andi %add3A_124, %and3A_126 : vector<16xi32>
        %gather3A_128 = tpu.vector_load_idx %arg12[%add3A_65, %and3A_127] : memref<640x32xf32, #tpu.memory_space<vmem>>[vector<16xi32>, vector<16xi32>], vector<16xf32>,
        %gather3A_129 = tpu.vector_load_idx %arg14[%add3A_65, %and3A_127] : memref<640x32xf32, #tpu.memory_space<vmem>>[vector<16xi32>, vector<16xi32>], vector<16xf32>,
        %mul3A_130 = arith.mulf %gather3A_128, %gather3A_129 : vector<16xf32>
        %add3A_131 = arith.addf %add3A_91, %mul3A_130 : vector<16xf32>
        %add3A_132 = arith.constant 6 : i32
        %add3A_133 = vector.broadcast %add3A_132 : i32 to vector<16xi32>
        %add3A_134 = arith.addi %iota3A_66, %add3A_133 : vector<16xi32>
        %and3A_135 = arith.constant 31 : i32
        %and3A_136 = vector.broadcast %and3A_135 : i32 to vector<16xi32>
        %and3A_137 = arith.andi %add3A_134, %and3A_136 : vector<16xi32>
        %gather3A_138 = tpu.vector_load_idx %arg12[%add3A_65, %and3A_137] : memref<640x32xf32, #tpu.memory_space<vmem>>[vector<16xi32>, vector<16xi32>], vector<16xf32>,
        %gather3A_139 = tpu.vector_load_idx %arg14[%add3A_65, %and3A_137] : memref<640x32xf32, #tpu.memory_space<vmem>>[vector<16xi32>, vector<16xi32>], vector<16xf32>,
        %mul3A_140 = arith.mulf %gather3A_138, %gather3A_139 : vector<16xf32>
        %add3A_141 = arith.addf %add3A_101, %mul3A_140 : vector<16xf32>
        %add3A_142 = arith.constant 7 : i32
        %add3A_143 = vector.broadcast %add3A_142 : i32 to vector<16xi32>
        %add3A_144 = arith.addi %iota3A_66, %add3A_143 : vector<16xi32>
        %and3A_145 = arith.constant 31 : i32
        %and3A_146 = vector.broadcast %and3A_145 : i32 to vector<16xi32>
        %and3A_147 = arith.andi %add3A_144, %and3A_146 : vector<16xi32>
        %gather3A_148 = tpu.vector_load_idx %arg12[%add3A_65, %and3A_147] : memref<640x32xf32, #tpu.memory_space<vmem>>[vector<16xi32>, vector<16xi32>], vector<16xf32>,
        %gather3A_149 = tpu.vector_load_idx %arg14[%add3A_65, %and3A_147] : memref<640x32xf32, #tpu.memory_space<vmem>>[vector<16xi32>, vector<16xi32>], vector<16xf32>,
        %mul3A_150 = arith.mulf %gather3A_148, %gather3A_149 : vector<16xf32>
        %add3A_151 = arith.addf %add3A_111, %mul3A_150 : vector<16xf32>
        %add3A_152 = arith.constant 8 : i32
        %add3A_153 = vector.broadcast %add3A_152 : i32 to vector<16xi32>
        %add3A_154 = arith.addi %iota3A_66, %add3A_153 : vector<16xi32>
        %and3A_155 = arith.constant 31 : i32
        %and3A_156 = vector.broadcast %and3A_155 : i32 to vector<16xi32>
        %and3A_157 = arith.andi %add3A_154, %and3A_156 : vector<16xi32>
        %gather3A_158 = tpu.vector_load_idx %arg12[%add3A_65, %and3A_157] : memref<640x32xf32, #tpu.memory_space<vmem>>[vector<16xi32>, vector<16xi32>], vector<16xf32>,
        %gather3A_159 = tpu.vector_load_idx %arg14[%add3A_65, %and3A_157] : memref<640x32xf32, #tpu.memory_space<vmem>>[vector<16xi32>, vector<16xi32>], vector<16xf32>,
        %mul3A_160 = arith.mulf %gather3A_158, %gather3A_159 : vector<16xf32>
        %add3A_161 = arith.addf %add3A_121, %mul3A_160 : vector<16xf32>
        %add3A_162 = arith.constant 9 : i32
        %add3A_163 = vector.broadcast %add3A_162 : i32 to vector<16xi32>
        %add3A_164 = arith.addi %iota3A_66, %add3A_163 : vector<16xi32>
        %and3A_165 = arith.constant 31 : i32
        %and3A_166 = vector.broadcast %and3A_165 : i32 to vector<16xi32>
        %and3A_167 = arith.andi %add3A_164, %and3A_166 : vector<16xi32>
        %gather3A_168 = tpu.vector_load_idx %arg12[%add3A_65, %and3A_167] : memref<640x32xf32, #tpu.memory_space<vmem>>[vector<16xi32>, vector<16xi32>], vector<16xf32>,
        %gather3A_169 = tpu.vector_load_idx %arg14[%add3A_65, %and3A_167] : memref<640x32xf32, #tpu.memory_space<vmem>>[vector<16xi32>, vector<16xi32>], vector<16xf32>,
        %mul3A_170 = arith.mulf %gather3A_168, %gather3A_169 : vector<16xf32>
        %add3A_171 = arith.addf %add3A_131, %mul3A_170 : vector<16xf32>
        %add3A_172 = arith.constant 10 : i32
        %add3A_173 = vector.broadcast %add3A_172 : i32 to vector<16xi32>
        %add3A_174 = arith.addi %iota3A_66, %add3A_173 : vector<16xi32>
        %and3A_175 = arith.constant 31 : i32
        %and3A_176 = vector.broadcast %and3A_175 : i32 to vector<16xi32>
        %and3A_177 = arith.andi %add3A_174, %and3A_176 : vector<16xi32>
        %gather3A_178 = tpu.vector_load_idx %arg12[%add3A_65, %and3A_177] : memref<640x32xf32, #tpu.memory_space<vmem>>[vector<16xi32>, vector<16xi32>], vector<16xf32>,
        %gather3A_179 = tpu.vector_load_idx %arg14[%add3A_65, %and3A_177] : memref<640x32xf32, #tpu.memory_space<vmem>>[vector<16xi32>, vector<16xi32>], vector<16xf32>,
        %mul3A_180 = arith.mulf %gather3A_178, %gather3A_179 : vector<16xf32>
        %add3A_181 = arith.addf %add3A_141, %mul3A_180 : vector<16xf32>
        %add3A_182 = arith.constant 11 : i32
        %add3A_183 = vector.broadcast %add3A_182 : i32 to vector<16xi32>
        %add3A_184 = arith.addi %iota3A_66, %add3A_183 : vector<16xi32>
        %and3A_185 = arith.constant 31 : i32
        %and3A_186 = vector.broadcast %and3A_185 : i32 to vector<16xi32>
        %and3A_187 = arith.andi %add3A_184, %and3A_186 : vector<16xi32>
        %gather3A_188 = tpu.vector_load_idx %arg12[%add3A_65, %and3A_187] : memref<640x32xf32, #tpu.memory_space<vmem>>[vector<16xi32>, vector<16xi32>], vector<16xf32>,
        %gather3A_189 = tpu.vector_load_idx %arg14[%add3A_65, %and3A_187] : memref<640x32xf32, #tpu.memory_space<vmem>>[vector<16xi32>, vector<16xi32>], vector<16xf32>,
        %mul3A_190 = arith.mulf %gather3A_188, %gather3A_189 : vector<16xf32>
        %add3A_191 = arith.addf %add3A_151, %mul3A_190 : vector<16xf32>
        %add3A_192 = arith.constant 12 : i32
        %add3A_193 = vector.broadcast %add3A_192 : i32 to vector<16xi32>
        %add3A_194 = arith.addi %iota3A_66, %add3A_193 : vector<16xi32>
        %and3A_195 = arith.constant 31 : i32
        %and3A_196 = vector.broadcast %and3A_195 : i32 to vector<16xi32>
        %and3A_197 = arith.andi %add3A_194, %and3A_196 : vector<16xi32>
        %gather3A_198 = tpu.vector_load_idx %arg12[%add3A_65, %and3A_197] : memref<640x32xf32, #tpu.memory_space<vmem>>[vector<16xi32>, vector<16xi32>], vector<16xf32>,
        %gather3A_199 = tpu.vector_load_idx %arg14[%add3A_65, %and3A_197] : memref<640x32xf32, #tpu.memory_space<vmem>>[vector<16xi32>, vector<16xi32>], vector<16xf32>,
        %mul3A_200 = arith.mulf %gather3A_198, %gather3A_199 : vector<16xf32>
        %add3A_201 = arith.addf %add3A_161, %mul3A_200 : vector<16xf32>
        %add3A_202 = arith.constant 13 : i32
        %add3A_203 = vector.broadcast %add3A_202 : i32 to vector<16xi32>
        %add3A_204 = arith.addi %iota3A_66, %add3A_203 : vector<16xi32>
        %and3A_205 = arith.constant 31 : i32
        %and3A_206 = vector.broadcast %and3A_205 : i32 to vector<16xi32>
        %and3A_207 = arith.andi %add3A_204, %and3A_206 : vector<16xi32>
        %gather3A_208 = tpu.vector_load_idx %arg12[%add3A_65, %and3A_207] : memref<640x32xf32, #tpu.memory_space<vmem>>[vector<16xi32>, vector<16xi32>], vector<16xf32>,
        %gather3A_209 = tpu.vector_load_idx %arg14[%add3A_65, %and3A_207] : memref<640x32xf32, #tpu.memory_space<vmem>>[vector<16xi32>, vector<16xi32>], vector<16xf32>,
        %mul3A_210 = arith.mulf %gather3A_208, %gather3A_209 : vector<16xf32>
        %add3A_211 = arith.addf %add3A_171, %mul3A_210 : vector<16xf32>
        %add3A_212 = arith.constant 14 : i32
        %add3A_213 = vector.broadcast %add3A_212 : i32 to vector<16xi32>
        %add3A_214 = arith.addi %iota3A_66, %add3A_213 : vector<16xi32>
        %and3A_215 = arith.constant 31 : i32
        %and3A_216 = vector.broadcast %and3A_215 : i32 to vector<16xi32>
        %and3A_217 = arith.andi %add3A_214, %and3A_216 : vector<16xi32>
        %gather3A_218 = tpu.vector_load_idx %arg12[%add3A_65, %and3A_217] : memref<640x32xf32, #tpu.memory_space<vmem>>[vector<16xi32>, vector<16xi32>], vector<16xf32>,
        %gather3A_219 = tpu.vector_load_idx %arg14[%add3A_65, %and3A_217] : memref<640x32xf32, #tpu.memory_space<vmem>>[vector<16xi32>, vector<16xi32>], vector<16xf32>,
        %mul3A_220 = arith.mulf %gather3A_218, %gather3A_219 : vector<16xf32>
        %add3A_221 = arith.addf %add3A_181, %mul3A_220 : vector<16xf32>
        %add3A_222 = arith.constant 15 : i32
        %add3A_223 = vector.broadcast %add3A_222 : i32 to vector<16xi32>
        %add3A_224 = arith.addi %iota3A_66, %add3A_223 : vector<16xi32>
        %and3A_225 = arith.constant 31 : i32
        %and3A_226 = vector.broadcast %and3A_225 : i32 to vector<16xi32>
        %and3A_227 = arith.andi %add3A_224, %and3A_226 : vector<16xi32>
        %gather3A_228 = tpu.vector_load_idx %arg12[%add3A_65, %and3A_227] : memref<640x32xf32, #tpu.memory_space<vmem>>[vector<16xi32>, vector<16xi32>], vector<16xf32>,
        %gather3A_229 = tpu.vector_load_idx %arg14[%add3A_65, %and3A_227] : memref<640x32xf32, #tpu.memory_space<vmem>>[vector<16xi32>, vector<16xi32>], vector<16xf32>,
        %mul3A_230 = arith.mulf %gather3A_228, %gather3A_229 : vector<16xf32>
        %add3A_231 = arith.addf %add3A_191, %mul3A_230 : vector<16xf32>
        %add3A_232 = arith.constant 16 : i32
        %add3A_233 = vector.broadcast %add3A_232 : i32 to vector<16xi32>
        %add3A_234 = arith.addi %iota3A_66, %add3A_233 : vector<16xi32>
        %and3A_235 = arith.constant 31 : i32
        %and3A_236 = vector.broadcast %and3A_235 : i32 to vector<16xi32>
        %and3A_237 = arith.andi %add3A_234, %and3A_236 : vector<16xi32>
        %gather3A_238 = tpu.vector_load_idx %arg12[%add3A_65, %and3A_237] : memref<640x32xf32, #tpu.memory_space<vmem>>[vector<16xi32>, vector<16xi32>], vector<16xf32>,
        %gather3A_239 = tpu.vector_load_idx %arg14[%add3A_65, %and3A_237] : memref<640x32xf32, #tpu.memory_space<vmem>>[vector<16xi32>, vector<16xi32>], vector<16xf32>,
        %mul3A_240 = arith.mulf %gather3A_238, %gather3A_239 : vector<16xf32>
        %add3A_241 = arith.addf %add3A_201, %mul3A_240 : vector<16xf32>
        %add3A_242 = arith.constant 17 : i32
        %add3A_243 = vector.broadcast %add3A_242 : i32 to vector<16xi32>
        %add3A_244 = arith.addi %iota3A_66, %add3A_243 : vector<16xi32>
        %and3A_245 = arith.constant 31 : i32
        %and3A_246 = vector.broadcast %and3A_245 : i32 to vector<16xi32>
        %and3A_247 = arith.andi %add3A_244, %and3A_246 : vector<16xi32>
        %gather3A_248 = tpu.vector_load_idx %arg12[%add3A_65, %and3A_247] : memref<640x32xf32, #tpu.memory_space<vmem>>[vector<16xi32>, vector<16xi32>], vector<16xf32>,
        %gather3A_249 = tpu.vector_load_idx %arg14[%add3A_65, %and3A_247] : memref<640x32xf32, #tpu.memory_space<vmem>>[vector<16xi32>, vector<16xi32>], vector<16xf32>,
        %mul3A_250 = arith.mulf %gather3A_248, %gather3A_249 : vector<16xf32>
        %add3A_251 = arith.addf %add3A_211, %mul3A_250 : vector<16xf32>
        %add3A_252 = arith.constant 18 : i32
        %add3A_253 = vector.broadcast %add3A_252 : i32 to vector<16xi32>
        %add3A_254 = arith.addi %iota3A_66, %add3A_253 : vector<16xi32>
        %and3A_255 = arith.constant 31 : i32
        %and3A_256 = vector.broadcast %and3A_255 : i32 to vector<16xi32>
        %and3A_257 = arith.andi %add3A_254, %and3A_256 : vector<16xi32>
        %gather3A_258 = tpu.vector_load_idx %arg12[%add3A_65, %and3A_257] : memref<640x32xf32, #tpu.memory_space<vmem>>[vector<16xi32>, vector<16xi32>], vector<16xf32>,
        %gather3A_259 = tpu.vector_load_idx %arg14[%add3A_65, %and3A_257] : memref<640x32xf32, #tpu.memory_space<vmem>>[vector<16xi32>, vector<16xi32>], vector<16xf32>,
        %mul3A_260 = arith.mulf %gather3A_258, %gather3A_259 : vector<16xf32>
        %add3A_261 = arith.addf %add3A_221, %mul3A_260 : vector<16xf32>
        %add3A_262 = arith.constant 19 : i32
        %add3A_263 = vector.broadcast %add3A_262 : i32 to vector<16xi32>
        %add3A_264 = arith.addi %iota3A_66, %add3A_263 : vector<16xi32>
        %and3A_265 = arith.constant 31 : i32
        %and3A_266 = vector.broadcast %and3A_265 : i32 to vector<16xi32>
        %and3A_267 = arith.andi %add3A_264, %and3A_266 : vector<16xi32>
        %gather3A_268 = tpu.vector_load_idx %arg12[%add3A_65, %and3A_267] : memref<640x32xf32, #tpu.memory_space<vmem>>[vector<16xi32>, vector<16xi32>], vector<16xf32>,
        %gather3A_269 = tpu.vector_load_idx %arg14[%add3A_65, %and3A_267] : memref<640x32xf32, #tpu.memory_space<vmem>>[vector<16xi32>, vector<16xi32>], vector<16xf32>,
        %mul3A_270 = arith.mulf %gather3A_268, %gather3A_269 : vector<16xf32>
        %add3A_271 = arith.addf %add3A_231, %mul3A_270 : vector<16xf32>
        %add3A_272 = arith.constant 20 : i32
        %add3A_273 = vector.broadcast %add3A_272 : i32 to vector<16xi32>
        %add3A_274 = arith.addi %iota3A_66, %add3A_273 : vector<16xi32>
        %and3A_275 = arith.constant 31 : i32
        %and3A_276 = vector.broadcast %and3A_275 : i32 to vector<16xi32>
        %and3A_277 = arith.andi %add3A_274, %and3A_276 : vector<16xi32>
        %gather3A_278 = tpu.vector_load_idx %arg12[%add3A_65, %and3A_277] : memref<640x32xf32, #tpu.memory_space<vmem>>[vector<16xi32>, vector<16xi32>], vector<16xf32>,
        %gather3A_279 = tpu.vector_load_idx %arg14[%add3A_65, %and3A_277] : memref<640x32xf32, #tpu.memory_space<vmem>>[vector<16xi32>, vector<16xi32>], vector<16xf32>,
        %mul3A_280 = arith.mulf %gather3A_278, %gather3A_279 : vector<16xf32>
        %add3A_281 = arith.addf %add3A_241, %mul3A_280 : vector<16xf32>
        %add3A_282 = arith.constant 21 : i32
        %add3A_283 = vector.broadcast %add3A_282 : i32 to vector<16xi32>
        %add3A_284 = arith.addi %iota3A_66, %add3A_283 : vector<16xi32>
        %and3A_285 = arith.constant 31 : i32
        %and3A_286 = vector.broadcast %and3A_285 : i32 to vector<16xi32>
        %and3A_287 = arith.andi %add3A_284, %and3A_286 : vector<16xi32>
        %gather3A_288 = tpu.vector_load_idx %arg12[%add3A_65, %and3A_287] : memref<640x32xf32, #tpu.memory_space<vmem>>[vector<16xi32>, vector<16xi32>], vector<16xf32>,
        %gather3A_289 = tpu.vector_load_idx %arg14[%add3A_65, %and3A_287] : memref<640x32xf32, #tpu.memory_space<vmem>>[vector<16xi32>, vector<16xi32>], vector<16xf32>,
        %mul3A_290 = arith.mulf %gather3A_288, %gather3A_289 : vector<16xf32>
        %add3A_291 = arith.addf %add3A_251, %mul3A_290 : vector<16xf32>
        %add3A_292 = arith.constant 22 : i32
        %add3A_293 = vector.broadcast %add3A_292 : i32 to vector<16xi32>
        %add3A_294 = arith.addi %iota3A_66, %add3A_293 : vector<16xi32>
        %and3A_295 = arith.constant 31 : i32
        %and3A_296 = vector.broadcast %and3A_295 : i32 to vector<16xi32>
        %and3A_297 = arith.andi %add3A_294, %and3A_296 : vector<16xi32>
        %gather3A_298 = tpu.vector_load_idx %arg12[%add3A_65, %and3A_297] : memref<640x32xf32, #tpu.memory_space<vmem>>[vector<16xi32>, vector<16xi32>], vector<16xf32>,
        %gather3A_299 = tpu.vector_load_idx %arg14[%add3A_65, %and3A_297] : memref<640x32xf32, #tpu.memory_space<vmem>>[vector<16xi32>, vector<16xi32>], vector<16xf32>,
        %mul3A_300 = arith.mulf %gather3A_298, %gather3A_299 : vector<16xf32>
        %add3A_301 = arith.addf %add3A_261, %mul3A_300 : vector<16xf32>
        %add3A_302 = arith.constant 23 : i32
        %add3A_303 = vector.broadcast %add3A_302 : i32 to vector<16xi32>
        %add3A_304 = arith.addi %iota3A_66, %add3A_303 : vector<16xi32>
        %and3A_305 = arith.constant 31 : i32
        %and3A_306 = vector.broadcast %and3A_305 : i32 to vector<16xi32>
        %and3A_307 = arith.andi %add3A_304, %and3A_306 : vector<16xi32>
        %gather3A_308 = tpu.vector_load_idx %arg12[%add3A_65, %and3A_307] : memref<640x32xf32, #tpu.memory_space<vmem>>[vector<16xi32>, vector<16xi32>], vector<16xf32>,
        %gather3A_309 = tpu.vector_load_idx %arg14[%add3A_65, %and3A_307] : memref<640x32xf32, #tpu.memory_space<vmem>>[vector<16xi32>, vector<16xi32>], vector<16xf32>,
        %mul3A_310 = arith.mulf %gather3A_308, %gather3A_309 : vector<16xf32>
        %add3A_311 = arith.addf %add3A_271, %mul3A_310 : vector<16xf32>
        %add3A_312 = arith.constant 24 : i32
        %add3A_313 = vector.broadcast %add3A_312 : i32 to vector<16xi32>
        %add3A_314 = arith.addi %iota3A_66, %add3A_313 : vector<16xi32>
        %and3A_315 = arith.constant 31 : i32
        %and3A_316 = vector.broadcast %and3A_315 : i32 to vector<16xi32>
        %and3A_317 = arith.andi %add3A_314, %and3A_316 : vector<16xi32>
        %gather3A_318 = tpu.vector_load_idx %arg12[%add3A_65, %and3A_317] : memref<640x32xf32, #tpu.memory_space<vmem>>[vector<16xi32>, vector<16xi32>], vector<16xf32>,
        %gather3A_319 = tpu.vector_load_idx %arg14[%add3A_65, %and3A_317] : memref<640x32xf32, #tpu.memory_space<vmem>>[vector<16xi32>, vector<16xi32>], vector<16xf32>,
        %mul3A_320 = arith.mulf %gather3A_318, %gather3A_319 : vector<16xf32>
        %add3A_321 = arith.addf %add3A_281, %mul3A_320 : vector<16xf32>
        %add3A_322 = arith.constant 25 : i32
        %add3A_323 = vector.broadcast %add3A_322 : i32 to vector<16xi32>
        %add3A_324 = arith.addi %iota3A_66, %add3A_323 : vector<16xi32>
        %and3A_325 = arith.constant 31 : i32
        %and3A_326 = vector.broadcast %and3A_325 : i32 to vector<16xi32>
        %and3A_327 = arith.andi %add3A_324, %and3A_326 : vector<16xi32>
        %gather3A_328 = tpu.vector_load_idx %arg12[%add3A_65, %and3A_327] : memref<640x32xf32, #tpu.memory_space<vmem>>[vector<16xi32>, vector<16xi32>], vector<16xf32>,
        %gather3A_329 = tpu.vector_load_idx %arg14[%add3A_65, %and3A_327] : memref<640x32xf32, #tpu.memory_space<vmem>>[vector<16xi32>, vector<16xi32>], vector<16xf32>,
        %mul3A_330 = arith.mulf %gather3A_328, %gather3A_329 : vector<16xf32>
        %add3A_331 = arith.addf %add3A_291, %mul3A_330 : vector<16xf32>
        %add3A_332 = arith.constant 26 : i32
        %add3A_333 = vector.broadcast %add3A_332 : i32 to vector<16xi32>
        %add3A_334 = arith.addi %iota3A_66, %add3A_333 : vector<16xi32>
        %and3A_335 = arith.constant 31 : i32
        %and3A_336 = vector.broadcast %and3A_335 : i32 to vector<16xi32>
        %and3A_337 = arith.andi %add3A_334, %and3A_336 : vector<16xi32>
        %gather3A_338 = tpu.vector_load_idx %arg12[%add3A_65, %and3A_337] : memref<640x32xf32, #tpu.memory_space<vmem>>[vector<16xi32>, vector<16xi32>], vector<16xf32>,
        %gather3A_339 = tpu.vector_load_idx %arg14[%add3A_65, %and3A_337] : memref<640x32xf32, #tpu.memory_space<vmem>>[vector<16xi32>, vector<16xi32>], vector<16xf32>,
        %mul3A_340 = arith.mulf %gather3A_338, %gather3A_339 : vector<16xf32>
        %add3A_341 = arith.addf %add3A_301, %mul3A_340 : vector<16xf32>
        %add3A_342 = arith.constant 27 : i32
        %add3A_343 = vector.broadcast %add3A_342 : i32 to vector<16xi32>
        %add3A_344 = arith.addi %iota3A_66, %add3A_343 : vector<16xi32>
        %and3A_345 = arith.constant 31 : i32
        %and3A_346 = vector.broadcast %and3A_345 : i32 to vector<16xi32>
        %and3A_347 = arith.andi %add3A_344, %and3A_346 : vector<16xi32>
        %gather3A_348 = tpu.vector_load_idx %arg12[%add3A_65, %and3A_347] : memref<640x32xf32, #tpu.memory_space<vmem>>[vector<16xi32>, vector<16xi32>], vector<16xf32>,
        %gather3A_349 = tpu.vector_load_idx %arg14[%add3A_65, %and3A_347] : memref<640x32xf32, #tpu.memory_space<vmem>>[vector<16xi32>, vector<16xi32>], vector<16xf32>,
        %mul3A_350 = arith.mulf %gather3A_348, %gather3A_349 : vector<16xf32>
        %add3A_351 = arith.addf %add3A_311, %mul3A_350 : vector<16xf32>
        %add3A_352 = arith.constant 28 : i32
        %add3A_353 = vector.broadcast %add3A_352 : i32 to vector<16xi32>
        %add3A_354 = arith.addi %iota3A_66, %add3A_353 : vector<16xi32>
        %and3A_355 = arith.constant 31 : i32
        %and3A_356 = vector.broadcast %and3A_355 : i32 to vector<16xi32>
        %and3A_357 = arith.andi %add3A_354, %and3A_356 : vector<16xi32>
        %gather3A_358 = tpu.vector_load_idx %arg12[%add3A_65, %and3A_357] : memref<640x32xf32, #tpu.memory_space<vmem>>[vector<16xi32>, vector<16xi32>], vector<16xf32>,
        %gather3A_359 = tpu.vector_load_idx %arg14[%add3A_65, %and3A_357] : memref<640x32xf32, #tpu.memory_space<vmem>>[vector<16xi32>, vector<16xi32>], vector<16xf32>,
        %mul3A_360 = arith.mulf %gather3A_358, %gather3A_359 : vector<16xf32>
        %add3A_361 = arith.addf %add3A_321, %mul3A_360 : vector<16xf32>
        %add3A_362 = arith.constant 29 : i32
        %add3A_363 = vector.broadcast %add3A_362 : i32 to vector<16xi32>
        %add3A_364 = arith.addi %iota3A_66, %add3A_363 : vector<16xi32>
        %and3A_365 = arith.constant 31 : i32
        %and3A_366 = vector.broadcast %and3A_365 : i32 to vector<16xi32>
        %and3A_367 = arith.andi %add3A_364, %and3A_366 : vector<16xi32>
        %gather3A_368 = tpu.vector_load_idx %arg12[%add3A_65, %and3A_367] : memref<640x32xf32, #tpu.memory_space<vmem>>[vector<16xi32>, vector<16xi32>], vector<16xf32>,
        %gather3A_369 = tpu.vector_load_idx %arg14[%add3A_65, %and3A_367] : memref<640x32xf32, #tpu.memory_space<vmem>>[vector<16xi32>, vector<16xi32>], vector<16xf32>,
        %mul3A_370 = arith.mulf %gather3A_368, %gather3A_369 : vector<16xf32>
        %add3A_371 = arith.addf %add3A_331, %mul3A_370 : vector<16xf32>
        %add3A_372 = arith.constant 30 : i32
        %add3A_373 = vector.broadcast %add3A_372 : i32 to vector<16xi32>
        %add3A_374 = arith.addi %iota3A_66, %add3A_373 : vector<16xi32>
        %and3A_375 = arith.constant 31 : i32
        %and3A_376 = vector.broadcast %and3A_375 : i32 to vector<16xi32>
        %and3A_377 = arith.andi %add3A_374, %and3A_376 : vector<16xi32>
        %gather3A_378 = tpu.vector_load_idx %arg12[%add3A_65, %and3A_377] : memref<640x32xf32, #tpu.memory_space<vmem>>[vector<16xi32>, vector<16xi32>], vector<16xf32>,
        %gather3A_379 = tpu.vector_load_idx %arg14[%add3A_65, %and3A_377] : memref<640x32xf32, #tpu.memory_space<vmem>>[vector<16xi32>, vector<16xi32>], vector<16xf32>,
        %mul3A_380 = arith.mulf %gather3A_378, %gather3A_379 : vector<16xf32>
        %add3A_381 = arith.addf %add3A_341, %mul3A_380 : vector<16xf32>
        %add3A_382 = arith.constant 31 : i32
        %add3A_383 = vector.broadcast %add3A_382 : i32 to vector<16xi32>
        %add3A_384 = arith.addi %iota3A_66, %add3A_383 : vector<16xi32>
        %and3A_385 = arith.constant 31 : i32
        %and3A_386 = vector.broadcast %and3A_385 : i32 to vector<16xi32>
        %and3A_387 = arith.andi %add3A_384, %and3A_386 : vector<16xi32>
        %gather3A_388 = tpu.vector_load_idx %arg12[%add3A_65, %and3A_387] : memref<640x32xf32, #tpu.memory_space<vmem>>[vector<16xi32>, vector<16xi32>], vector<16xf32>,
        %gather3A_389 = tpu.vector_load_idx %arg14[%add3A_65, %and3A_387] : memref<640x32xf32, #tpu.memory_space<vmem>>[vector<16xi32>, vector<16xi32>], vector<16xf32>,
        %mul3A_390 = arith.mulf %gather3A_388, %gather3A_389 : vector<16xf32>
        %add3A_391 = arith.addf %add3A_351, %mul3A_390 : vector<16xf32>
        %add3A_392 = arith.addf %add3A_361, %add3A_371 : vector<16xf32>
        %add3A_393 = arith.addf %add3A_381, %add3A_391 : vector<16xf32>
        %add3A_394 = arith.addf %add3A_392, %add3A_393 : vector<16xf32>
        %neg3A = arith.constant 0.000000e+00 : f32
        %neg3A_395 = vector.broadcast %neg3A : f32 to vector<16xf32>
        %neg3A_396 = arith.subf %neg3A_395, %add3A_394 : vector<16xf32>
        %exp3A = math.exp %neg3A_396 : vector<16xf32>
        %add3A_397 = arith.constant 1.000000e+00 : f32
        %add3A_398 = vector.broadcast %add3A_397 : f32 to vector<16xf32>
        %add3A_399 = arith.addf %add3A_398, %exp3A : vector<16xf32>
        %div3A = arith.constant 1.000000e+00 : f32
        %div3A_400 = vector.broadcast %div3A : f32 to vector<16xf32>
        %div3A_401 = arith.divf %div3A_400, %add3A_399 : vector<16xf32>
        %mul3A_402 = arith.constant 16 : i32
        %mul3A_403 = arith.muli %scan3A_61, %mul3A_402 : i32
        %swap3A = arith.index_cast %mul3A_403 : i32 to index
        %swap3A_404 = tpu.vector_load %arg15[%swap3A] {strides = array<i32>} : memref<640xf32, #tpu.memory_space<vmem>>, vector<16xf32>,
        tpu.vector_store %arg15[%swap3A], %div3A_401 {strides = array<i32>} : memref<640xf32, #tpu.memory_space<vmem>>, vector<16xf32>,
      }
      %scan3A_57 = arith.constant 40 : i32
      %mul3A_58 = arith.constant 640 : i32
      %mul3A_59 = arith.muli %add3A_46, %mul3A_58 : i32
      %add3A_60 = arith.addi %mul3A_2, %mul3A_59 : i32
      "tpu.region"() ({
        %run_scoped3A = tpu.sem_alloc : memref<!tpu.dma_semaphore, #tpu.memory_space<semaphore_mem>>
        %dma_start3A_61 = tpu.memref_slice %arg6[%add3A_60] : memref<327680xf32, #tpu.memory_space<hbm>> -> memref<640xf32, #tpu.memory_space<hbm>>
        %dma_start3A_62 = tpu.memref_slice %arg6[%add3A_60] : memref<327680xf32, #tpu.memory_space<hbm>> -> memref<640xf32, #tpu.memory_space<hbm>>
        tpu.enqueue_dma source(%arg15 : memref<640xf32, #tpu.memory_space<vmem>>) target(%dma_start3A_62 : memref<640xf32, #tpu.memory_space<hbm>>) target_semaphore(%run_scoped3A : memref<!tpu.dma_semaphore, #tpu.memory_space<semaphore_mem>>)
        %dma_wait3A_63 = tpu.memref_slice %arg6[%add3A_60] : memref<327680xf32, #tpu.memory_space<hbm>> -> memref<640xf32, #tpu.memory_space<hbm>>
        %dma_wait3A_64 = tpu.memref_slice %arg6[%add3A_60] : memref<327680xf32, #tpu.memory_space<hbm>> -> memref<640xf32, #tpu.memory_space<hbm>>
        tpu.wait_dma2 semaphore(%run_scoped3A : memref<!tpu.dma_semaphore, #tpu.memory_space<semaphore_mem>>) src(%arg15 : memref<640xf32, #tpu.memory_space<vmem>>) dst(%dma_wait3A_64 : memref<640xf32, #tpu.memory_space<hbm>>)
        tpu.yield
      }) : () -> ()
    }
    %scan3A_13 = arith.constant 8 : i32
    return
  }
}

</mosaic_0001>

<sc_bundles>
// kernel: kernel.4.cloned.1.call-start
scs
__scs_entry_jumppad:
0x0: {  	(pc) =	sbr.rel $0x88, $3  }
0x1: {  	(tag) =	ssettag $0x0;
	lr =	simm.s32 $0x1  }
0x2: {  	[smem:$0x3F9A] =	sst lr;
	_ =	strace $0xD0000000  }
0x3: {  	_ = 	snop  }
0x4: {  	_ = 	snop  }
0x5: {  	_ = 	snop  }
0x6: {  	_ = 	snop  }
0x7: {  	_ = 	snop  }
__scs_overlays_trampoline_lowered:
0x8: {  	[smem:$0x3FA9] =	sst s0  }
0x9: {  	[smem:$0x3FAA] =	sst s1  }
0xa: {  	[smem:$0x3FAB] =	sst s2  }
0xb: {  	[smem:$0x3FAC] =	sst s3  }
0xc: {  	[smem:$0x3FAD] =	sst s4  }
0xd: {  	[smem:$0x3FAE] =	sst s5  }
0xe: {  	[smem:$0x3FAF] =	sst s6  }
0xf: {  	[smem:$0x3FB0] =	sst s7  }
0x10: {  	[smem:$0x3FB1] =	sst s8  }
0x11: {  	[smem:$0x3FB2] =	sst s9;
	s0 =	simm.s32 @!p0 $0x0  }
0x12: {  	s1 =	sld [smem:$0x3F98];
	s0 =	simm.s32 @p0 $0x1  }
0x13: {  	[smem:$0x3FB3] =	sst s0;
	s0 =	simm.s32 @!p1 $0x0  }
0x14: {  	s2 =	sld [smem:$0x3F97];
	s0 =	simm.s32 @p1 $0x1  }
0x15: {  	[smem:$0x3FB4] =	sst s0;
	s0 =	simm.s32 @!p2 $0x0  }
0x16: {  	s3 =	sld [smem:$0x3FDB];
	s0 =	simm.s32 @p2 $0x1  }
0x17: {  	s4 =	simm.s32 $0x1BF5;
	[smem:$0x3FB6] =	sst s0  }
0x18: {  	s0 =	sld [smem:$0x3F99];
	_ =	swait.ge [sflag:s4], $0x0  }
0x19: {  	s7 =	sld [smem:$0x3F9A]  }
0x1a: {  	s8 =	sadd.s32 $0xFFFFE003, lr  }
0x1b: {  	s9 =	sadd.s32 $0xFFFFFEF7, lr;
	s5 =	simm.s32 $0xFFFFFFFF;
	p2 =	slt.u32 s8, $0xFFFFF086  }
0x1c: {  	p1 =	slt.u32 s9, $0xF7A;
	s5 =	simm.s32 @!p2 $0x0  }
0x1d: {  	s5 =	simm.s32 @p1 $0x1;
	p0 =	seq.s32 s7, s2  }
0x1e: {  	s7 =	smul.u32 @!p0 $0xF7A, s2;
	p2 =	seq.s32 @!p0 s5, $0x0  }
0x1f: {  	s9 =	smul.u32 $0xF7A, s1;
	s8 =	simm.s32 @!p0 $0x1BF5;
	p2 =	por !p2, p0  }
0x20: {  	[sflag:s8] =	ssyncset.s32 @!p0 $0xFFFFF086;
	s6 =	sadd.s32 @!p0 s3, s7;
	s7 =	simm.s32 @!p0 $0x108  }
0x21: {  	s3 =	sadd.s32 s3, s9;
	s6 =	sadd.s32 @!p0 $0x88, s6;
	s7 =	simm.s32 @p2 $0x1082  }
0x22: {  	[simem:s7], [sflag:s8] =	dma.local @!p0 [hbm:s6], $0xF7A  }
0x23: {  	s9 =	sor.u32 $0xD0000000, s2;
	s6 =	simm.s32 $0x108;
	_ =	swait.ge @!p0 [sflag:s8], $0x0  }
0x24: {  	s3 =	sadd.s32 $0x88, s3;
	s6 =	simm.s32 @!p1 $0x1082;
	[sflag:s4] =	ssyncset.s32 $0xFFFFF086  }
0x25: {  	[simem:s6], [sflag:s4] =	dma.local [hbm:s3], $0xF7A  }
0x26: {  	[smem:$0x3F9A] =	sst s1;
	(tag) =	ssettag s2;
	_ =	strace s9  }
0x27: {  	s1 =	sld [smem:$0x3FAA]  }
0x28: {  	s2 =	sld [smem:$0x3FAB]  }
0x29: {  	s4 =	sld [smem:$0x3FAD]  }
0x2a: {  	p0 =	seq.s32 s5, $0x0;
	s5 =	sld [smem:$0x3FAE]  }
0x2b: {  	s6 =	sld [smem:$0x3FAF]  }
0x2c: {  	s7 =	sld [smem:$0x3FB0]  }
0x2d: {  	s3 =	simm.s32 $0x108;
	s8 =	sld [smem:$0x3FB1]  }
0x2e: {  	s3 =	simm.s32 @!p0 $0x1082;
	s9 =	sld [smem:$0x3FB2]  }
0x2f: {  	lr =	sadd.s32 s0, s3;
	s0 =	sld [smem:$0x3FA9]  }
0x30: {  	s3 =	sld [smem:$0x3FAC]  }
0x31: {  	[smem:$0x3FB5] =	sst s10  }
0x32: {  	s10 =	sld [smem:$0x3FB3];
	_ =	sdelay $0x3  }
0x33: {  	p0 =	seq.s32 s10, $0x1;
	s10 =	sld [smem:$0x3FB5];
	_ =	sdelay $0x3  }
0x34: {  	[smem:$0x3FB5] =	sst s10  }
0x35: {  	s10 =	sld [smem:$0x3FB4];
	_ =	sdelay $0x3  }
0x36: {  	p1 =	seq.s32 s10, $0x1;
	s10 =	sld [smem:$0x3FB5];
	_ =	sdelay $0x3  }
0x37: {  	[smem:$0x3FB5] =	sst s10  }
0x38: {  	s10 =	sld [smem:$0x3FB6]  }
0x39: {  	_ = 	snop;
	(pc) =	sbr.ind lr, $3  }
0x3a: {  	_ = 	snop  }
0x3b: {  	_ = 	snop  }
0x3c: {  	p2 =	seq.s32 s10, $0x1;
	s10 =	sld [smem:$0x3FB5]  }
0x3d: {  	_ =	shalt  }
0x3e: {  	_ =	shalt  }
0x3f: {  	_ =	shalt  }
0x40: {  	_ =	shalt  }
0x41: {  	_ =	shalt  }
0x42: {  	_ =	shalt  }
0x43: {  	_ =	shalt  }
0x44: {  	_ =	shalt  }
0x45: {  	_ =	shalt  }
0x46: {  	_ =	shalt  }
0x47: {  	_ =	shalt  }
0x48: {  	_ =	shalt  }
0x49: {  	_ =	shalt  }
0x4a: {  	_ =	shalt  }
0x4b: {  	_ =	shalt  }
0x4c: {  	_ =	shalt  }
0x4d: {  	_ =	shalt  }
0x4e: {  	_ =	shalt  }
0x4f: {  	_ =	shalt  }
0x50: {  	_ =	shalt  }
0x51: {  	_ =	shalt  }
0x52: {  	_ =	shalt  }
0x53: {  	_ =	shalt  }
0x54: {  	_ =	shalt  }
0x55: {  	_ =	shalt  }
0x56: {  	_ =	shalt  }
0x57: {  	_ =	shalt  }
0x58: {  	_ =	shalt  }
0x59: {  	_ =	shalt  }
0x5a: {  	_ =	shalt  }
0x5b: {  	_ =	shalt  }
0x5c: {  	_ =	shalt  }
0x5d: {  	_ =	shalt  }
0x5e: {  	_ =	shalt  }
0x5f: {  	_ =	shalt  }
0x60: {  	_ =	shalt  }
0x61: {  	_ =	shalt  }
0x62: {  	_ =	shalt  }
0x63: {  	_ =	shalt  }
0x64: {  	_ =	shalt  }
0x65: {  	_ =	shalt  }
0x66: {  	_ =	shalt  }
0x67: {  	_ =	shalt  }
0x68: {  	_ =	shalt  }
0x69: {  	_ =	shalt  }
0x6a: {  	_ =	shalt  }
0x6b: {  	_ =	shalt  }
0x6c: {  	_ =	shalt  }
0x6d: {  	_ =	shalt  }
0x6e: {  	_ =	shalt  }
0x6f: {  	_ =	shalt  }
0x70: {  	_ =	shalt  }
0x71: {  	_ =	shalt  }
0x72: {  	_ =	shalt  }
0x73: {  	_ =	shalt  }
0x74: {  	_ =	shalt  }
0x75: {  	_ =	shalt  }
0x76: {  	_ =	shalt  }
0x77: {  	_ =	shalt  }
0x78: {  	_ =	shalt  }
0x79: {  	_ =	shalt  }
0x7a: {  	_ =	shalt  }
0x7b: {  	_ =	shalt  }
0x7c: {  	_ =	shalt  }
0x7d: {  	_ =	shalt  }
0x7e: {  	_ =	shalt  }
0x7f: {  	_ =	shalt  }
0x80: {  	_ =	shalt  }
0x81: {  	_ =	shalt  }
0x82: {  	_ =	shalt  }
0x83: {  	_ =	shalt  }
0x84: {  	_ =	shalt  }
0x85: {  	_ =	shalt  }
0x86: {  	_ =	shalt  }
0x87: {  	_ =	shalt  }
.Lfunc_end0:
.L_simem_size_0:
called_computation_lowered:
.L_overlay_start_0:
0x88: {  	s2 =	sld [smem:$0x3FD9]  }
0x89: {  	s3 =	sld [smem:$0x3FFE];
	_ =	sdelay $0x1  }
0x8a: {  	s1 =	srdreg.scid  }
0x8b: {  	s0 =	sand.u32 $0x1, s1  }
0x8c: {  	s14 =	sshll.u32 s0, $0xA;
	s2 =	sadd.s32 s3, s2  }
0x8d: {  	s2 =	sadd.s32 s2, s14  }
0x8e: {  	[smem:$0x3FC1] =	sst s2  }
0x8f: {  	_ = 	snop  }
0x90: {  	s2 =	sld [smem:$0x3FD0];
	_ =	sdelay $0x1  }
0x91: {  	s15 =	sld [smem:$0x3FC6]  }
0x92: {  	s5 =	simm.s32 $0xA;
	s6 =	simm.s32 $0x10;
	s4 =	sld [smem:$0x3FC5]  }
0x93: {  	[smem:s6], [sflag:s5] =	dma.local [hbm:s2], $0x1  }
0x94: {  	_ =	swait.eq [sflag:s5], $0x1  }
0x95: {  	[sflag:s5] =	ssyncset.done $0x0  }
0x96: {  	[sflag:s5] =	ssyncadd.s32 $0xFFFFFFFF  }
0x97: {  	s16 =	sld [smem:$0x10];
	(tm) =	ssettm $0x1  }
0x98: {  	s17 =	sld [smem:$0x3FFB];
	_ =	sdelay $0x3  }
0x99: {  	_ =	strace s17  }
0x9a: {  	s5 =	sld [smem:$0x3FFC];
	_ =	sdelay $0x3  }
0x9b: {  	_ =	strace s5  }
0x9c: {  	s5 =	sld [smem:$0x3FFD];
	_ =	sdelay $0x3  }
0x9d: {  	_ =	strace s5  }
0x9e: {  	_ =	strace $0x8FFFFFFF  }
0x9f: {  	s18 =	sld [smem:$0x3FDB];
	_ =	sdelay $0x1  }
0xa0: {  	s19 =	simm.s32 $_scs_section_size  }
0xa1: {  	s7 =	simm.s32 $_size__tile_overlayer_lowered;
	s8 =	simm.s32 $_tile_overlayer_lowered  }
0xa2: {  	s22 =	simm.s32 $0x1BFF;
	s21 =	sshll.u32 s8, $0x1;
	s5 =	sadd.s32 s19, s18  }
0xa3: {  	s9 =	simm.s32 $0x0;
	s20 =	sshll.u32 s7, $0x1;
	s7 =	sadd.s32 s21, s5  }
0xa4: {  	[timem:s9], [sflag:s22] =	dma.local [hbm:s7], s20  }
0xa5: {  	_ =	swait.ge [sflag:s22], s20  }
0xa6: {  	s6 =	ssub.s32 $0x0, s20;
	[sflag:s22] =	ssyncset.done $0x0  }
0xa7: {  	[sflag:s22] =	ssyncadd.s32 s6;
	_ =	sdelay $0x1  }
0xa8: {  	s23 =	simm.s32 $0x1B8B  }
0xa9: {  	_ =	swait.ge [sflag:s23], $0x1  }
0xaa: {  	[sflag:s23] =	ssyncset.done $0x0  }
0xab: {  	s25 =	simm.s32 $0x1B8E;
	s24 =	sld [smem:$0x3FFE];
	[sflag:s23] =	ssyncadd.s32 $0xFFFFFFFF  }
0xac: {  	s26 =	simm.s32 $execute0_lowered;
	[smem:$0x3FD2] =	sst s25  }
0xad: {  	s7 =	sshll.u32 s26, $0x1;
	_ =	strace $0x80000046;
	[dreg:$0x1] =	wrdreg $0xFFFFFFFF  }
0xae: {  	s28 =	simm.s32 $_size_execute0_lowered;
	s5 =	sadd.s32 s5, s7;
	[dreg:$0x0] =	wrdreg $0x0  }
0xaf: {  	s7 =	sshll.u32 s28, $0x1;
	[dreg:$0x2] =	wrdreg s5  }
0xb0: {  	[dreg:$0x3] =	wrdreg s7  }
0xb1: {  	[dreg:$0x4] =	wrdreg $0xC0  }
0xb2: {  	_ =	task [dreg:s9], $0x5FFFF  }
0xb3: {  	[dreg:$0x1] =	wrdreg $0xFFFFFFFF  }
0xb4: {  	[dreg:$0x0] =	wrdreg $0x60  }
0xb5: {  	[dreg:$0x2] =	wrdreg s24  }
0xb6: {  	[dreg:$0x3] =	wrdreg s15  }
0xb7: {  	[dreg:$0x4] =	wrdreg s4  }
0xb8: {  	[dreg:$0x5] =	wrdreg s16  }
0xb9: {  	[dreg:$0x6] =	wrdreg $0x9  }
0xba: {  	_ =	task.clear_ibuf [dreg:s9], $0x7FFFF;
	_ =	strace $0x90000046  }
0xbb: {  	s29 =	simm.s32 $0x9;
	_ =	strace $0x80000048  }
0xbc: {  	_ =	swait.ge [sflag:s29], $0x1  }
0xbd: {  	[sflag:s29] =	ssyncadd.s32 $0xFFFFFFFF  }
0xbe: {  	_ =	strace $0x90000048  }
0xbf: {  	_ =	sfence  }
0xc0: {  	s30 =	sld [smem:$0x0];
	_ =	sdelay $0x2  }
0xc1: {  	s31 =	sshll.u32 s1, $0xD;
	s1 =	sshrl.u32 s1, $0x2  }
0xc2: {  	s3 =	sand.u32 $0x4000, s31;
	s1 =	sadd.s32 s1, s30  }
0xc3: {  	s0 =	sor.u32 s3, s0;
	s1 =	sshll.u32 s1, $0x11  }
0xc4: {  	s0 =	sor.u32 s1, s0  }
0xc5: {  	s0 =	sadd.s32 $0x8F2B, s0  }
0xc6: {  	[sflag:s0] =	ssyncadd.remote.s32 $0x1  }
0xc7: {  	_ =	sfence.sel $0xFFFF  }
0xc8: {  	[dreg:$0x0] =	wrdreg $0xFFFFFFFF;
	(pc) =	sbr.abs _section_cstart, $3  }
0xc9: {  	[dreg:$0x1] =	wrdreg $0xFFFFFFFF  }
0xca: {  	_ =	task.clear_ibuf [dreg:s9], $0x2FFFF;
	_ =	strace $0x9FFFFFFF  }
0xcb: {  	(tm) =	ssettm $0x7FFFFFFF  }
tec
execute0_lowered:
.L_overlay_start_1:
0x0: {  	(tag) =	ssettag $0x1  }
0x1: {  	v61 =	vlaneseq.u32  }
0x2: {  	v53 =	vimm.s32 $0x14131211;
	v1 =	vimm.s32 $0x18171615;
	v2 =	vimm.s32 $0x1C1B1A19  }
0x3: {  	v3 =	vimm.s32 $0x1F1E1D;
	v4 =	vimm.s32 $0x15141312;
	v5 =	vimm.s32 $0x19181716  }
0x4: {  	vm0 =	vcmask $0x1F10;
	v7 =	vimm.s32 $0x1D1C1B1A;
	v60 =	vimm.s32 $0x1001F1E  }
0x5: {  	v8 =	vimm.s32 $0x16151413;
	v9 =	vimm.s32 $0x1A191817;
	v10 =	vimm.s32 $0x1E1D1C1B  }
0x6: {  	v11 =	vimm.s32 $0x201001F;
	v12 =	vimm.s32 $0x3020100;
	v13 =	vimm.s32 $0x1F1E1D1C  }
0x7: {  	v14 =	vimm.s32 $0x17161514;
	v18 =	vimm.s32 $0x1B1A1918;
	v19 =	vimm.s32 $0x4030201  }
0x8: {  	v41 =	vimm.s32 $0x76543210;
	v42 =	vimm.s32 $0x87654321;
	v44 =	vimm.s32 $0x98765432  }
0x9: {  	v48 =	vimm.s32 $0xA9876543;
	v56 =	vimm.s32 $0x6543A987;
	vm15 =	vcmask $0x2F10  }
0xa: {  	v57 =	vimm.s32 $0xB0A0908;
	vm1 =	vcmask $0x3F30;
	v34 =	vmul.u32 $0x20, v61  }
0xb: {  	v36 =	vadd.s32 $0x1, v61;
	v38 =	vadd.s32 $0x2, v61;
	v16 =	vadd.s32 $0x3, v61  }
0xc: {  	v17 =	vadd.s32 $0x4, v61;
	v28 =	vadd.s32 $0x7, v61;
	v22 =	vadd.s32 $0x9, v61  }
0xd: {  	v29 =	vadd.s32 $0xA, v61;
	v32 =	vadd.s32 $0xB, v61;
	v33 =	vadd.s32 $0xC, v61  }
0xe: {  	v43 =	vadd.s32 $0xD, v61;
	v45 =	vadd.s32 $0xE, v61;
	v0 =	vadd.s32 $0xF, v61  }
0xf: {  	v1 =	vunpack.c.0.s8.s32 v1;
	v2 =	vunpack.c.0.s8.s32 v2;
	v3 =	vunpack.c.0.s8.s32 v3  }
0x10: {  	s2 =	rddreg [dreg:$0x0];
	v4 =	vunpack.c.0.s8.s32 v4;
	v5 =	vunpack.c.0.s8.s32 v5;
	v55 =	vunpack.c.0.s8.s32 v7  }
0x11: {  	s0 =	rddreg [dreg:$0x1];
	s5 =	stileid.u32;
	v7 =	vunpack.c.0.s8.s32 v60;
	v8 =	vunpack.c.0.s8.s32 v8;
	v9 =	vunpack.c.0.s8.s32 v9  }
0x12: {  	s1 =	rddreg [dreg:$0x2];
	v10 =	vunpack.c.0.s8.s32 v10;
	v11 =	vunpack.c.0.s8.s32 v11;
	v12 =	vunpack.c.0.s8.s32 v12;
	s6 =	sshll.u32 s5, $0x1;
	s5 =	simm.s32 $0x0  }
0x13: {  	v13 =	vunpack.c.0.s8.s32 v13;
	v14 =	vunpack.c.0.s8.s32 v14;
	v24 =	vunpack.c.0.s8.s32 v18;
	[tilespmem:$0x1FE40] =	vst v0;
	[smem:$0x7FF] =	sst s5  }
0x14: {  	s4 =	rddreg [dreg:$0x3];
	v47 =	vunpack.c.l.s4.s8 v44;
	v0 =	vunpack.c.0.s8.s32 v53;
	v6 =	vsel vm0, v3, v2;
	_ =	strace $0x80000047;
	[tilespmem:$0x1FEA0] =	vst v43  }
0x15: {  	v54 =	vsel vm0, v5, v4;
	v26 =	vsel vm0, v7, v55;
	v8 =	vsel vm0, v9, v8;
	[tilespmem:$0x1FEB0] =	vst v45  }
0x16: {  	v27 =	vsel vm0, v11, v10;
	v12 =	vsel vm0, v12, v13;
	v14 =	vsel vm0, v24, v14;
	[tilespmem:$0x1FF20] =	vst v34  }
0x17: {  	v4 =	vsel vm0, v55, v5;
	v40 =	vsel vm0, v10, v9;
	v46 =	vsel vm0, v13, v24;
	[tilespmem:$0x1FF50] =	vst v16  }
0x18: {  	v5 =	vunpack.c.l.s4.s8 v48;
	v55 =	vimm.s32 $0x54329876;
	[tilespmem:$0x1FF70] =	vst v32;
	v0 =	vsel vm0, v1, v0  }
0x19: {  	[tilespmem:$0x1FF80] =	vst v38;
	v39 =	vcombine.low v14, v12;
	v12 =	vunpack.c.0.s8.s32 v19;
	v14 =	vimm.s32 $0x5040302  }
0x1a: {  	[tilespmem:$0x1FF90] =	vst v36;
	v1 =	vsel vm0, v2, v1;
	v19 =	vcombine.low v54, v26;
	v58 =	vcombine.low v8, v27  }
0x1b: {  	[tilespmem:$0x1FFA0] =	vst v29;
	v54 =	vimm.s32 $0x43218765;
	v37 =	vcombine.low v0, v6;
	v62 =	vunpack.c.0.s8.s32 v14  }
0x1c: {  	[tilespmem:$0x1FFB0] =	vst v22;
	v14 =	vimm.s32 $0x6050403;
	v52 =	vunpack.c.0.s8.s32 v5;
	v5 =	vunpack.c.l.s4.s8 v56  }
0x1d: {  	[tilespmem:$0x1FFC0] =	vst v28;
	v24 =	vmovc v17;
	v17 =	vor.u32 $0x10, v61;
	v63 =	vunpack.c.0.s8.s32 v14;
	v8 =	vsel vm0, v12, v3  }
0x1e: {  	[tilespmem:$0x1FFD0] =	vst v33;
	v2 =	vsel vm0, v62, v7;
	v14 =	vcombine.low v1, v8;
	v1 =	vunpack.c.0.s8.s32 v47  }
0x1f: {  	[tilespmem:$0x1FEC0] =	vst v58;
	v8 =	vimm.s32 $0x32107654;
	v5 =	vunpack.c.0.s8.s32 v5;
	v62 =	vimm.s32 $0xC0B0A09  }
0x20: {  	[tilespmem:$0x1FEF0] =	vst v17;
	v35 =	vcombine.low v4, v2;
	v0 =	vsel vm0, v63, v11;
	v2 =	vunpack.c.l.s4.s8 v41  }
0x21: {  	[tilespmem:$0x1FFE0] =	vst v19;
	v4 =	vunpack.c.l.s4.s8 v42;
	v50 =	vunpack.c.l.s4.s8 v8;
	v63 =	vimm.s32 $0xD0C0B0A  }
0x22: {  	[tilespmem:$0x1FFF0] =	vst v39;
	v8 =	vimm.s32 $0xE0D0C0B;
	v59 =	vcombine.low v40, v0;
	v51 =	vand.u32 $0xF, v1  }
0x23: {  	[tilespmem:$0x1FE90] =	vst v37;
	v1 =	vand.u32 $0xF, v52;
	v5 =	vand.u32 $0xF, v5;
	v2 =	vunpack.c.0.s8.s32 v2  }
0x24: {  	[tilespmem:$0x1FE70] =	vst v14;
	v4 =	vunpack.c.0.s8.s32 v4;
	v40 =	vcombine.low v26, v51;
	v53 =	vunpack.c.0.s8.s32 v50  }
0x25: {  	s3 =	srdreg.scid;
	v48 =	vcombine.low v27, v1;
	[tilespmem:$0x1FE80] =	vst v35;
	v9 =	vcombine.low v46, v2;
	v2 =	vunpack.c.l.s4.s8 v54  }
0x26: {  	s15 =	simm.s32 $0x280;
	s16 =	simm.s32 $0x5;
	s17 =	simm.s32 $0xA00;
	[tilespmem:$0x1FED0] =	vst v59;
	v49 =	vand.u32 $0xF, v4;
	v0 =	vand.u32 $0xF, v53;
	v4 =	vunpack.c.l.s4.s8 v55  }
0x27: {  	s18 =	simm.s32 $0xAA00;
	s19 =	simm.s32 $0x780;
	s20 =	simm.s32 $0x5A00;
	[tilespmem:$0x1FF40] =	vst v48;
	v10 =	vcombine.low v6, v49;
	v6 =	vunpack.c.0.s8.s32 v57;
	v2 =	vunpack.c.0.s8.s32 v2  }
0x28: {  	s21 =	simm.s32 $0xFA00;
	s22 =	simm.s32 $0x1;
	s23 =	simm.s32 $0x3;
	v8 =	vunpack.c.0.s8.s32 v8;
	[tilespmem:$0x1FF60] =	vst v40;
	v0 =	vsel vm15, v0, v13;
	v4 =	vunpack.c.0.s8.s32 v4  }
0x29: {  	s24 =	simm.s32 $0x14A00;
	s25 =	simm.s32 $0x2;
	s3 =	sand.u32 $0x1, s3;
	v5 =	vsel vm15, v5, v11;
	[tilespmem:$0x1FE50] =	vst v9;
	v23 =	vsel vm1, v6, v0;
	v2 =	vand.u32 $0xF, v2  }
0x2a: {  	s26 =	simm.s32 $0x4;
	s6 =	sor.u32 s3, s6;
	s3 =	ssub.s32 $0x2, s3;
	[tilespmem:$0x1FE60] =	vst v10;
	v60 =	vand.u32 $0xF, v4;
	v4 =	vunpack.c.0.s8.s32 v62;
	v2 =	vsel vm15, v2, v3  }
0x2b: {  	s28 =	simm.s32 $0x0;
	s6 =	smul.u32 $0x6400, s6;
	s9 =	sshrl.u32 s3, $0x1;
	[tilespmem:$0x1FF00] =	vst v23;
	v3 =	vsel vm15, v60, v7;
	v7 =	vunpack.c.0.s8.s32 v63;
	v60 =	vsel vm1, v8, v5  }
0x2c: {  	s7 =	sadd.s32 $0xF42E00, s2;
	s8 =	sadd.s32 $0x1313800, s2;
	s31 =	ssub.s32 s3, s9;
	v15 =	vsel vm1, v4, v2;
	[tilespmem:$0x1FF30] =	vst v60  }
0x2d: {  	v20 =	vadd.s32 $0x6, v61;
	s10 =	sshrl.u32 s6, $0x3;
	s11 =	sor.u32 $0x280, s6;
	s12 =	sadd.s32 $0x500, s6;
	v30 =	vsel vm1, v7, v3;
	[tilespmem:$0x1FF10] =	vst v15  }
0x2e: {  	v25 =	vadd.s32 $0x5, v61;
	v21 =	vadd.s32 $0x8, v61;
	v18 =	vmovc v33;
	s13 =	smax.u32 s31, $0x1;
	s9 =	sadd.s32 s0, s10;
	s10 =	sadd.s32 s1, s10;
	v26 =	vmov v20;
	[tilespmem:$0x1FEE0] =	vst v30  }
.LBB2_1:
0x2f: {  	[tilespmem:s5], [sflag:$0x5] =	stream.linear.gather [hbm4b:s9+s5], $0x280, $0x38;
	[tilespmem:$0x14C80] =	vst v63  }
0x30: {  	_ =	swait.ge [sflag:s16], $0x280  }
0x31: {  	[sflag:s16] =	ssyncset.done $0x0  }
0x32: {  	s2 =	simm.s32 $0x500;
	[sflag:s16] =	ssyncadd.s32 $0xFFFFFD80  }
0x33: {  	[tilespmem:s2], [sflag:$0x5] =	stream.linear.gather [hbm4b:s10+s5], $0x280, $0x38;
	[tilespmem:$0x14C80] =	vst v63  }
0x34: {  	_ =	swait.ge [sflag:s16], $0x280  }
0x35: {  	[sflag:s16] =	ssyncset.done $0x0  }
0x36: {  	[sflag:s16] =	ssyncadd.s32 $0xFFFFFD80  }
0x37: {  	[tilespmem:s17], [sflag:$0x1] =	stream.indirect.gather [hbm4b:s7+s15], $0x20, s5, s15, $0xb8;
	[tilespmem:$0x14C80] =	vst v63  }
0x38: {  	s29 =	simm.s32 $0x0  }
0x39: {  	[tilespmem:s18], [sflag:$0x3] =	stream.indirect.gather [hbm4b:s8+s15], $0x20, s2, s15, $0xb8;
	[tilespmem:$0x14C80] =	vst v63  }
.LBB2_2:
0x3a: {  	s31 =	smul.u32 $0x500, s29;
	_ =	sdelay $0x1  }
0x3b: {  	s2 =	sadd.s32 s31, s11  }
0x3c: {  	s30 =	sshrl.u32 s2, $0x3  }
0x3d: {  	s3 =	simm.s32 $0x0;
	s2 =	sadd.s32 s0, s30  }
0x3e: {  	[tilespmem:s15], [sflag:$0x5] =	stream.linear.gather [hbm4b:s2+s3], $0x280, $0x38;
	[tilespmem:$0x14C80] =	vst v63  }
0x3f: {  	_ =	swait.ge [sflag:s16], $0x280  }
0x40: {  	[sflag:s16] =	ssyncset.done $0x0  }
0x41: {  	s14 =	sadd.s32 s1, s30;
	[sflag:s16] =	ssyncadd.s32 $0xFFFFFD80  }
0x42: {  	[tilespmem:s19], [sflag:$0x5] =	stream.linear.gather [hbm4b:s14+s3], $0x280, $0x38;
	[tilespmem:$0x14C80] =	vst v63  }
0x43: {  	_ =	swait.ge [sflag:s16], $0x280  }
0x44: {  	[sflag:s16] =	ssyncset.done $0x0  }
0x45: {  	[sflag:s16] =	ssyncadd.s32 $0xFFFFFD80  }
0x46: {  	[tilespmem:s20], [sflag:$0x2] =	stream.indirect.gather [hbm4b:s7+s15], $0x20, s15, s15, $0xb8;
	[tilespmem:$0x14C80] =	vst v63  }
0x47: {  	v0 =	vmov s3  }
0x48: {  	v0 =	vshll.u32 v0, $0x5;
	[tilespmem:s21], [sflag:$0x4] =	stream.indirect.gather [hbm4b:s8+s15], $0x20, s19, s15, $0xb8;
	[tilespmem:$0x14C80] =	vst v63  }
0x49: {  	v0 =	vor.u32 v34, v0;
	_ =	swait.ge [sflag:s22], $0x5000  }
0x4a: {  	v1 =	vor.u32 v23, v0;
	[sflag:s22] =	ssyncset.done $0x0  }
0x4b: {  	[sflag:s22] =	ssyncadd.s32 $0xFFFFB000  }
0x4c: {  	v2 =	vor.u32 v15, v0;
	_ =	swait.ge [sflag:s23], $0x5000  }
0x4d: {  	v51 =	vor.u32 v29, v0;
	[sflag:s23] =	ssyncset.done $0x0;
	v29 =	vld [tilespmem:$0x1FFC0]  }
0x4e: {  	v27 =	vmov v21;
	v3 =	vor.u32 v30, v0;
	v47 =	vor.u32 v21, v0;
	v21 =	vld [tilespmem:$0x1FF70];
	[sflag:s23] =	ssyncadd.s32 $0xFFFFB000  }
0x4f: {  	v4 =	vmov v38;
	v5 =	vor.u32 v9, v0;
	v38 =	vld.idx.msk [tilespmem:v1+s17+$0x0], $0xffff  }
0x50: {  	v34 =	vld.idx.msk [tilespmem:v1+s18+$0x0], $0xffff  }
0x51: {  	v7 =	vor.u32 v10, v0;
	v33 =	vld.idx.msk [tilespmem:v2+s17+$0x0], $0xffff  }
0x52: {  	v12 =	vld.idx.msk [tilespmem:v2+s18+$0x0], $0xffff  }
0x53: {  	v28 =	vmov v9;
	v9 =	vor.u32 v39, v0;
	v1 =	vld.idx.msk [tilespmem:v3+s17+$0x0], $0xffff  }
0x54: {  	v6 =	vld.idx.msk [tilespmem:v5+s17+$0x0], $0xffff  }
0x55: {  	v13 =	vor.u32 v35, v0;
	v5 =	vld.idx.msk [tilespmem:v5+s18+$0x0], $0xffff  }
0x56: {  	v32 =	vmov v10;
	v56 =	vor.u32 v17, v0;
	v10 =	vld.idx.msk [tilespmem:v7+s17+$0x0], $0xffff  }
0x57: {  	v7 =	vld.idx.msk [tilespmem:v7+s18+$0x0], $0xffff  }
0x58: {  	v11 =	vor.u32 v14, v0;
	v57 =	vor.u32 v37, v0;
	v14 =	vld.idx.msk [tilespmem:v9+s17+$0x0], $0xffff  }
0x59: {  	v9 =	vld.idx.msk [tilespmem:v9+s18+$0x0], $0xffff  }
0x5a: {  	v60 =	vor.u32 v19, v0;
	v2 =	vld.idx.msk [tilespmem:v13+s17+$0x0], $0xffff  }
0x5b: {  	v8 =	vor.u32 v40, v0;
	v40 =	vld.idx.msk [tilespmem:v56+s17+$0x0], $0xffff  }
0x5c: {  	v41 =	vor.u32 v18, v0;
	v35 =	vld.idx.msk [tilespmem:v56+s18+$0x0], $0xffff  }
0x5d: {  	v42 =	vld.idx.msk [tilespmem:v57+s17+$0x0], $0xffff  }
0x5e: {  	v20 =	vmov v37;
	v62 =	vor.u32 v43, v0;
	v37 =	vld.idx.msk [tilespmem:v57+s18+$0x0], $0xffff  }
0x5f: {  	v63 =	vor.u32 v45, v0;
	v44 =	vld.idx.msk [tilespmem:v60+s17+$0x0], $0xffff  }
0x60: {  	v39 =	vld.idx.msk [tilespmem:v60+s18+$0x0], $0xffff  }
0x61: {  	v46 =	vld.idx.msk [tilespmem:v41+s17+$0x0], $0xffff  }
0x62: {  	v41 =	vld.idx.msk [tilespmem:v41+s18+$0x0], $0xffff  }
0x63: {  	v48 =	vld.idx.msk [tilespmem:v62+s17+$0x0], $0xffff  }
0x64: {  	v49 =	vor.u32 v22, v0;
	v50 =	vld.idx.msk [tilespmem:v63+s17+$0x0], $0xffff  }
0x65: {  	v19 =	vmov v45;
	v45 =	vld.idx.msk [tilespmem:v63+s18+$0x0], $0xffff  }
0x66: {  	v52 =	vld.idx.msk [tilespmem:v47+s17+$0x0], $0xffff  }
0x67: {  	v47 =	vld.idx.msk [tilespmem:v47+s18+$0x0], $0xffff  }
0x68: {  	[tilespmem:$0x1FE20] =	vst v1;
	v1 =	vld.idx.msk [tilespmem:v3+s18+$0x0], $0xffff  }
0x69: {  	v53 =	vor.u32 v24, v0;
	v54 =	vld.idx.msk [tilespmem:v49+s17+$0x0], $0xffff  }
0x6a: {  	v49 =	vld.idx.msk [tilespmem:v49+s18+$0x0], $0xffff  }
0x6b: {  	v55 =	vor.u32 v25, v0;
	v56 =	vld.idx.msk [tilespmem:v51+s17+$0x0], $0xffff  }
0x6c: {  	v51 =	vld.idx.msk [tilespmem:v51+s18+$0x0], $0xffff  }
0x6d: {  	[tilespmem:$0x1FE30] =	vst v1;
	v1 =	vld.idx.msk [tilespmem:v8+s17+$0x0], $0xffff  }
0x6e: {  	v18 =	vmov v59;
	v59 =	vor.u32 v61, v0;
	v31 =	vld.idx.msk [tilespmem:v53+s17+$0x0], $0xffff  }
0x6f: {  	v53 =	vld.idx.msk [tilespmem:v53+s18+$0x0], $0xffff  }
0x70: {  	v60 =	vld.idx.msk [tilespmem:v55+s17+$0x0], $0xffff;
	v63 =	vor.u32 v4, v0  }
0x71: {  	v55 =	vld.idx.msk [tilespmem:v55+s18+$0x0], $0xffff  }
0x72: {  	[tilespmem:$0x1FE00] =	vst v1;
	v1 =	vld.idx.msk [tilespmem:v8+s18+$0x0], $0xffff  }
0x73: {  	v4 =	vld.idx.msk [tilespmem:v59+s18+$0x0], $0xffff  }
0x74: {  	v59 =	vld.idx.msk [tilespmem:v59+s17+$0x0], $0xffff;
	[tilespmem:$0x1FDF0] =	vst v2;
	v2 =	vor.u32 v29, v0  }
0x75: {  	v12 =	vmul.f32 v12, v33;
	v33 =	vld.idx.msk [tilespmem:v63+s17+$0x0], $0xffff  }
0x76: {  	v5 =	vmul.f32 v5, v6;
	v6 =	vld.idx.msk [tilespmem:v63+s18+$0x0], $0xffff  }
0x77: {  	[tilespmem:$0x1FE10] =	vst v1;
	v1 =	vmov v36;
	v36 =	vld.idx.msk [tilespmem:v11+s17+$0x0], $0xffff  }
0x78: {  	v11 =	vld.idx.msk [tilespmem:v11+s18+$0x0], $0xffff  }
0x79: {  	v57 =	vor.u32 v26, v0;
	v35 =	vmul.f32 v35, v40;
	v40 =	vld.idx.msk [tilespmem:v2+s17+$0x0], $0xffff  }
0x7a: {  	v8 =	vld.idx.msk [tilespmem:v13+s18+$0x0], $0xffff  }
0x7b: {  	v7 =	vmul.f32 v7, v10;
	v10 =	vor.u32 v21, v0;
	v13 =	vmov v43;
	v43 =	vld.idx.msk [tilespmem:v62+s18+$0x0], $0xffff  }
0x7c: {  	v2 =	vld.idx.msk [tilespmem:v2+s18+$0x0], $0xffff;
	v61 =	vor.u32 v1, v0;
	v1 =	vor.u32 v16, v0  }
0x7d: {  	v11 =	vmul.f32 v11, v36;
	v36 =	vmul.f32 v37, v42;
	v42 =	vld [tilespmem:$0x1FE40]  }
0x7e: {  	v62 =	vld.idx.msk [tilespmem:v57+s17+$0x0], $0xffff  }
0x7f: {  	v34 =	vmul.f32 v34, v38;
	v38 =	vmul.f32 v41, v46;
	v57 =	vld.idx.msk [tilespmem:v57+s18+$0x0], $0xffff  }
0x80: {  	v41 =	vmul.f32 v43, v48;
	v43 =	vmul.f32 v47, v52;
	v47 =	vld.idx.msk [tilespmem:v10+s17+$0x0], $0xffff  }
0x81: {  	v9 =	vmul.f32 v9, v14;
	v14 =	vld.idx.msk [tilespmem:v1+s17+$0x0], $0xffff  }
0x82: {  	v4 =	vmul.f32 v4, v59;
	v1 =	vld.idx.msk [tilespmem:v1+s18+$0x0], $0xffff;
	v37 =	vor.u32 v42, v0  }
0x83: {  	v42 =	vor.u32 v58, v0;
	v58 =	vmul.f32 v55, v60;
	v60 =	vor.u32 v18, v0;
	v18 =	vld [tilespmem:$0x1FF30]  }
0x84: {  	v10 =	vld.idx.msk [tilespmem:v10+s18+$0x0], $0xffff  }
0x85: {  	v4 =	vadd.f32 $0.0e+00, v4;
	v48 =	vmul.f32 v53, v31;
	v3 =	vld.idx.msk [tilespmem:v61+s17+$0x0], $0xffff  }
0x86: {  	v61 =	vld.idx.msk [tilespmem:v61+s18+$0x0], $0xffff  }
0x87: {  	v46 =	vmul.f32 v49, v54;
	v4 =	vadd.f32 v48, v4;
	v54 =	vld.idx.msk [tilespmem:v37+s17+$0x0], $0xffff  }
0x88: {  	v1 =	vmul.f32 v1, v14;
	v53 =	vor.u32 v18, v0;
	v18 =	vld [tilespmem:$0x1FF40]  }
0x89: {  	v4 =	vadd.f32 v43, v4;
	v14 =	vld.idx.msk [tilespmem:v37+s18+$0x0], $0xffff  }
0x8a: {  	v2 =	vmul.f32 v2, v40;
	v1 =	vadd.f32 $0.0e+00, v1;
	v55 =	vld.idx.msk [tilespmem:v42+s17+$0x0], $0xffff  }
0x8b: {  	v63 =	vmul.f32 v57, v62;
	v4 =	vadd.f32 v38, v4;
	v3 =	vmul.f32 v61, v3;
	v57 =	vld.idx.msk [tilespmem:v42+s18+$0x0], $0xffff  }
0x8c: {  	v59 =	vld.idx.msk [tilespmem:v60+s17+$0x0], $0xffff;
	v1 =	vadd.f32 v2, v1;
	v2 =	vmul.f32 v10, v47  }
0x8d: {  	v6 =	vmul.f32 v6, v33;
	v4 =	vadd.f32 v35, v4;
	v3 =	vadd.f32 $0.0e+00, v3;
	v10 =	vld.idx.msk [tilespmem:v60+s18+$0x0], $0xffff  }
0x8e: {  	v1 =	vadd.f32 v2, v1;
	v0 =	vor.u32 v18, v0;
	v2 =	vmul.f32 v14, v54  }
0x8f: {  	v6 =	vadd.f32 $0.0e+00, v6;
	v31 =	vld [tilespmem:$0x1FDF0];
	v4 =	vadd.f32 v9, v4  }
0x90: {  	v9 =	vld [tilespmem:$0x1FE00];
	v3 =	vadd.f32 v58, v3;
	v1 =	vadd.f32 v2, v1;
	v2 =	vmul.f32 v57, v55  }
0x91: {  	v6 =	vadd.f32 v63, v6;
	v58 =	vmul.f32 v51, v56;
	v62 =	vld.idx.msk [tilespmem:v53+s17+$0x0], $0xffff  }
0x92: {  	v3 =	vadd.f32 v46, v3;
	v1 =	vadd.f32 v2, v1;
	v2 =	vmul.f32 v10, v59;
	v10 =	vld [tilespmem:$0x1FE10]  }
0x93: {  	v61 =	vld.idx.msk [tilespmem:v0+s17+$0x0], $0xffff  }
0x94: {  	v60 =	vmul.f32 v45, v50;
	v6 =	vadd.f32 v58, v6;
	v3 =	vadd.f32 v41, v3;
	v0 =	vld.idx.msk [tilespmem:v0+s18+$0x0], $0xffff  }
0x95: {  	v1 =	vadd.f32 v2, v1;
	v2 =	vadd.f32 v5, v4;
	v4 =	vld [tilespmem:$0x1FE20]  }
0x96: {  	v6 =	vadd.f32 v60, v6;
	v14 =	vmul.f32 v39, v44;
	v5 =	vld [tilespmem:$0x1FE30]  }
0x97: {  	v63 =	vld.idx.msk [tilespmem:v53+s18+$0x0], $0xffff;
	v3 =	vadd.f32 v36, v3  }
0x98: {  	v8 =	vmul.f32 v8, v31;
	v6 =	vadd.f32 v14, v6  }
0x99: {  	v3 =	vadd.f32 v11, v3  }
0x9a: {  	v6 =	vadd.f32 v8, v6;
	v9 =	vmul.f32 v10, v9;
	v0 =	vmul.f32 v0, v61  }
0x9b: {  	v3 =	vadd.f32 v7, v3;
	v4 =	vmul.f32 v5, v4  }
0x9c: {  	v5 =	vadd.f32 v9, v6;
	v0 =	vadd.f32 v0, v1;
	v1 =	vmul.f32 v63, v62  }
0x9d: {  	v3 =	vadd.f32 v12, v3;
	v2 =	vadd.f32 v34, v2  }
0x9e: {  	v4 =	vadd.f32 v4, v5;
	v0 =	vadd.f32 v1, v0;
	_ =	sdelay $0x1  }
0x9f: {  	v1 =	vadd.f32 v3, v2;
	v0 =	vadd.f32 v0, v4;
	_ =	sdelay $0x1  }
0xa0: {  	v0 =	vadd.f32 v0, v1;
	_ =	sdelay $0x1  }
0xa1: {  	v0 =	vsub.f32 $0.0e+00, v0;
	_ =	sdelay $0x1  }
0xa2: {  	v0 =	vmul.f32 $1.442695020e+00, v0;
	_ =	sdelay $0x1  }
0xa3: {  	(erf) = vpow2.f32 v0;
	_ =	sdelay $0x8  }
0xa4: {  	v0 =	vpop (erf)  }
0xa5: {  	v0 =	vadd.f32 $1.000000000e+00, v0;
	_ =	sdelay $0x1  }
0xa6: {  	v1 =	vld [tilespmem:$0x1FF20];
	(erf) = vrcp.f32 v0;
	_ =	sdelay $0x1  }
0xa7: {  	s14 =	simm.s32 $0x10  }
0xa8: {  	v0 =	vmov s14  }
0xa9: {  	v0 =	vshll.u32 v0, $0x5  }
0xaa: {  	v37 =	vor.u32 v1, v0  }
0xab: {  	v0 =	vor.u32 v23, v37  }
0xac: {  	v31 =	vld [tilespmem:$0x1FFD0]  }
0xad: {  	v12 =	vlaneseq.u32;
	v1 =	vor.u32 v15, v37;
	v23 =	vld [tilespmem:$0x1FFF0]  }
0xae: {  	s3 =	simm.s32 $0x14A00;
	v14 =	vor.u32 v12, v37;
	v12 =	vld [tilespmem:$0x1FF90];
	v2 =	vpop (erf)  }
0xaf: {  	v3 =	vor.u32 v30, v37;
	[tilespmem:s3+$0x0] =	vst v2;
	v2 =	vor.u32 v28, v37;
	v28 =	vld [tilespmem:$0x1FFE0]  }
0xb0: {  	v43 =	vld.idx.msk [tilespmem:v0+s17+$0x0], $0xffff  }
0xb1: {  	v45 =	vld.idx.msk [tilespmem:v0+s18+$0x0], $0xffff  }
0xb2: {  	v6 =	vor.u32 v22, v37;
	v46 =	vld.idx.msk [tilespmem:v1+s17+$0x0], $0xffff  }
0xb3: {  	v47 =	vld.idx.msk [tilespmem:v1+s18+$0x0], $0xffff  }
0xb4: {  	v33 =	vld.idx.msk [tilespmem:v3+s17+$0x0], $0xffff  }
0xb5: {  	v0 =	vor.u32 v32, v37;
	v32 =	vld [tilespmem:$0x1FF60]  }
0xb6: {  	v34 =	vld.idx.msk [tilespmem:v3+s18+$0x0], $0xffff  }
0xb7: {  	v5 =	vld.idx.msk [tilespmem:v6+s17+$0x0], $0xffff  }
0xb8: {  	v7 =	vld.idx.msk [tilespmem:v6+s18+$0x0], $0xffff  }
0xb9: {  	v48 =	vld.idx.msk [tilespmem:v2+s17+$0x0], $0xffff  }
0xba: {  	v3 =	vor.u32 v23, v37;
	v49 =	vld.idx.msk [tilespmem:v2+s18+$0x0], $0xffff  }
0xbb: {  	v2 =	vld [tilespmem:$0x1FE70]  }
0xbc: {  	v11 =	vor.u32 v25, v37;
	v50 =	vld.idx.msk [tilespmem:v0+s17+$0x0], $0xffff  }
0xbd: {  	v51 =	vld.idx.msk [tilespmem:v0+s18+$0x0], $0xffff  }
0xbe: {  	v1 =	vor.u32 v32, v37;
	v0 =	vld [tilespmem:$0x1FE80]  }
0xbf: {  	v52 =	vld.idx.msk [tilespmem:v3+s17+$0x0], $0xffff  }
0xc0: {  	v53 =	vld.idx.msk [tilespmem:v3+s18+$0x0], $0xffff;
	v3 =	vor.u32 v20, v37  }
0xc1: {  	v10 =	vld.idx.msk [tilespmem:v11+s17+$0x0], $0xffff  }
0xc2: {  	v11 =	vld.idx.msk [tilespmem:v11+s18+$0x0], $0xffff;
	v2 =	vor.u32 v2, v37  }
0xc3: {  	v35 =	vld.idx.msk [tilespmem:v1+s17+$0x0], $0xffff  }
0xc4: {  	v0 =	vor.u32 v0, v37;
	v36 =	vld.idx.msk [tilespmem:v1+s18+$0x0], $0xffff  }
0xc5: {  	v60 =	vld.idx.msk [tilespmem:v3+s17+$0x0], $0xffff  }
0xc6: {  	v1 =	vor.u32 v17, v37;
	v61 =	vld.idx.msk [tilespmem:v3+s18+$0x0], $0xffff  }
0xc7: {  	v54 =	vld.idx.msk [tilespmem:v2+s17+$0x0], $0xffff  }
0xc8: {  	v3 =	vor.u32 v19, v37;
	v56 =	vld.idx.msk [tilespmem:v2+s18+$0x0], $0xffff  }
0xc9: {  	v2 =	vor.u32 v28, v37;
	v38 =	vld.idx.msk [tilespmem:v0+s17+$0x0], $0xffff  }
0xca: {  	v39 =	vld.idx.msk [tilespmem:v0+s18+$0x0], $0xffff  }
0xcb: {  	v58 =	vld.idx.msk [tilespmem:v1+s17+$0x0], $0xffff  }
0xcc: {  	v59 =	vld.idx.msk [tilespmem:v1+s18+$0x0], $0xffff  }
0xcd: {  	v42 =	vld.idx.msk [tilespmem:v3+s17+$0x0], $0xffff  }
0xce: {  	v0 =	vor.u32 v31, v37;
	v40 =	vld.idx.msk [tilespmem:v2+s17+$0x0], $0xffff  }
0xcf: {  	v41 =	vld.idx.msk [tilespmem:v2+s18+$0x0], $0xffff  }
0xd0: {  	v1 =	vor.u32 v13, v37;
	v2 =	vld [tilespmem:$0x1FFA0]  }
0xd1: {  	v44 =	vld.idx.msk [tilespmem:v3+s18+$0x0], $0xffff  }
0xd2: {  	v3 =	vor.u32 v24, v37;
	v13 =	vor.u32 v12, v37;
	v12 =	vld [tilespmem:$0x1FF80]  }
0xd3: {  	v4 =	vor.u32 v27, v37;
	v62 =	vld.idx.msk [tilespmem:v0+s17+$0x0], $0xffff  }
0xd4: {  	v63 =	vld.idx.msk [tilespmem:v0+s18+$0x0], $0xffff  }
0xd5: {  	v0 =	vld.idx.msk [tilespmem:v1+s17+$0x0], $0xffff;
	v8 =	vor.u32 v2, v37  }
0xd6: {  	v1 =	vld.idx.msk [tilespmem:v1+s18+$0x0], $0xffff  }
0xd7: {  	v9 =	vld.idx.msk [tilespmem:v3+s18+$0x0], $0xffff  }
0xd8: {  	v6 =	vor.u32 v26, v37;
	v2 =	vld.idx.msk [tilespmem:v4+s17+$0x0], $0xffff  }
0xd9: {  	v4 =	vld.idx.msk [tilespmem:v4+s18+$0x0], $0xffff  }
0xda: {  	v55 =	vld.idx.msk [tilespmem:v8+s17+$0x0], $0xffff  }
0xdb: {  	v57 =	vld.idx.msk [tilespmem:v8+s18+$0x0], $0xffff  }
0xdc: {  	v8 =	vld.idx.msk [tilespmem:v3+s17+$0x0], $0xffff  }
0xdd: {  	v3 =	vld.idx.msk [tilespmem:v6+s17+$0x0], $0xffff  }
0xde: {  	s2 =	simm.s32 $0x20;
	v22 =	vmovc v27;
	v30 =	vmov v29;
	v29 =	vmov v18;
	v12 =	vor.u32 v12, v37;
	v6 =	vld.idx.msk [tilespmem:v6+s18+$0x0], $0xffff  }
.LBB2_3:
0xdf: {  	_ = 	snop  }
0xe0: {  	v15 =	vld.idx.msk [tilespmem:v14+s18+$0x0], $0xffff  }
0xe1: {  	v14 =	vld.idx.msk [tilespmem:v14+s17+$0x0], $0xffff  }
0xe2: {  	v17 =	vld.idx.msk [tilespmem:v13+s17+$0x0], $0xffff  }
0xe3: {  	v13 =	vld.idx.msk [tilespmem:v13+s18+$0x0], $0xffff  }
0xe4: {  	v27 =	vmovc v26;
	v26 =	vmovc v25;
	v25 =	vmov v24;
	v24 =	vmov v16;
	v16 =	vor.u32 v16, v37;
	v19 =	vld.idx.msk [tilespmem:v12+s17+$0x0], $0xffff  }
0xe5: {  	v12 =	vld.idx.msk [tilespmem:v12+s18+$0x0], $0xffff;
	v43 =	vmul.f32 v45, v43;
	v45 =	vmul.f32 v47, v46  }
0xe6: {  	v18 =	vor.u32 v30, v37;
	v47 =	vmul.f32 v49, v48;
	v49 =	vld [tilespmem:$0x1FE40];
	v0 =	vmul.f32 v1, v0  }
0xe7: {  	v1 =	vld [tilespmem:$0x1FEC0];
	v2 =	vmul.f32 v4, v2;
	v4 =	vmul.f32 v7, v5  }
0xe8: {  	v20 =	vor.u32 v21, v37;
	v7 =	vmul.f32 v9, v8;
	v8 =	vmul.f32 v11, v10;
	v10 =	vld [tilespmem:$0x1FED0]  }
0xe9: {  	v46 =	vld.idx.msk [tilespmem:v16+s17+$0x0], $0xffff  }
0xea: {  	v16 =	vld.idx.msk [tilespmem:v16+s18+$0x0], $0xffff  }
0xeb: {  	v48 =	vmul.f32 v51, v50;
	v50 =	vmul.f32 v53, v52;
	v49 =	vor.u32 v49, v37;
	v52 =	vld.idx.msk [tilespmem:v18+s17+$0x0], $0xffff  }
0xec: {  	v51 =	vmul.f32 v56, v54;
	v53 =	vmul.f32 v59, v58;
	v18 =	vld.idx.msk [tilespmem:v18+s18+$0x0], $0xffff  }
0xed: {  	v61 =	vmul.f32 v61, v60;
	v5 =	vld.idx.msk [tilespmem:v20+s17+$0x0], $0xffff;
	v11 =	vmul.f32 v15, v14;
	v1 =	vor.u32 v1, v37  }
0xee: {  	v63 =	vmul.f32 v63, v62;
	v13 =	vmul.f32 v13, v17;
	v15 =	vld [tilespmem:$0x1FF30]  }
0xef: {  	v9 =	vld.idx.msk [tilespmem:v20+s18+$0x0], $0xffff;
	v12 =	vmul.f32 v12, v19;
	v11 =	vadd.f32 $0.0e+00, v11;
	v10 =	vor.u32 v10, v37  }
0xf0: {  	v3 =	vmul.f32 v6, v3;
	v13 =	vadd.f32 $0.0e+00, v13;
	v14 =	vld.idx.msk [tilespmem:v49+s17+$0x0], $0xffff;
	v16 =	vmul.f32 v16, v46  }
0xf1: {  	v19 =	vor.u32 v29, v37;
	v12 =	vadd.f32 $0.0e+00, v12;
	v7 =	vadd.f32 v7, v11;
	v17 =	vld.idx.msk [tilespmem:v49+s18+$0x0], $0xffff  }
0xf2: {  	v8 =	vadd.f32 v8, v13;
	v18 =	vmul.f32 v18, v52;
	v20 =	vadd.f32 $0.0e+00, v16;
	v6 =	vld.idx.msk [tilespmem:v1+s17+$0x0], $0xffff  }
0xf3: {  	v11 =	vmul.f32 v57, v55;
	v3 =	vadd.f32 v3, v12;
	v15 =	vor.u32 v15, v37;
	v1 =	vld.idx.msk [tilespmem:v1+s18+$0x0], $0xffff  }
0xf4: {  	v5 =	vmul.f32 v9, v5;
	v2 =	vadd.f32 v2, v7;
	v13 =	vld.idx.msk [tilespmem:v10+s17+$0x0], $0xffff;
	v12 =	vadd.f32 v18, v20  }
0xf5: {  	v4 =	vadd.f32 v4, v8;
	v7 =	vmul.f32 v44, v42;
	v3 =	vadd.f32 v11, v3;
	v9 =	vld.idx.msk [tilespmem:v10+s18+$0x0], $0xffff  }
0xf6: {  	v8 =	vld.idx.msk [tilespmem:v19+s17+$0x0], $0xffff;
	v2 =	vadd.f32 v63, v2;
	v10 =	vmul.f32 v17, v14;
	v5 =	vadd.f32 v5, v12  }
0xf7: {  	v11 =	vld.idx.msk [tilespmem:v19+s18+$0x0], $0xffff;
	v0 =	vadd.f32 v0, v4;
	v4 =	vmul.f32 v41, v40;
	v3 =	vadd.f32 v7, v3  }
0xf8: {  	v2 =	vadd.f32 v53, v2;
	v12 =	vld.idx.msk [tilespmem:v15+s17+$0x0], $0xffff;
	v5 =	vadd.f32 v10, v5;
	v1 =	vmul.f32 v1, v6  }
0xf9: {  	v7 =	vmul.f32 v39, v38;
	v0 =	vadd.f32 v61, v0;
	v3 =	vadd.f32 v4, v3;
	v6 =	vld.idx.msk [tilespmem:v15+s18+$0x0], $0xffff  }
0xfa: {  	v2 =	vadd.f32 v50, v2;
	v4 =	vmul.f32 v9, v13;
	v1 =	vadd.f32 v1, v5  }
0xfb: {  	v0 =	vadd.f32 v51, v0;
	v3 =	vadd.f32 v7, v3  }
0xfc: {  	v5 =	vmul.f32 v36, v35;
	v1 =	vadd.f32 v4, v1;
	v4 =	vmul.f32 v11, v8  }
0xfd: {  	v7 =	vmul.f32 v34, v33;
	v2 =	vadd.f32 v47, v2;
	v0 =	vadd.f32 v48, v0  }
0xfe: {  	v3 =	vadd.f32 v5, v3;
	v1 =	vadd.f32 v4, v1;
	v4 =	vmul.f32 v6, v12  }
0xff: {  	v2 =	vadd.f32 v43, v2;
	v0 =	vadd.f32 v45, v0  }
0x100: {  	v3 =	vadd.f32 v7, v3;
	v1 =	vadd.f32 v4, v1;
	_ =	sdelay $0x1  }
0x101: {  	v0 =	vadd.f32 v0, v2;
	v1 =	vadd.f32 v1, v3;
	_ =	sdelay $0x1  }
0x102: {  	v0 =	vadd.f32 v1, v0;
	_ =	sdelay $0x1  }
0x103: {  	v0 =	vsub.f32 $0.0e+00, v0;
	_ =	sdelay $0x1  }
0x104: {  	v0 =	vmul.f32 $1.442695020e+00, v0;
	_ =	sdelay $0x1  }
0x105: {  	(erf) = vpow2.f32 v0;
	_ =	sdelay $0x8  }
0x106: {  	v0 =	vpop (erf)  }
0x107: {  	v0 =	vadd.f32 $1.000000000e+00, v0  }
0x108: {  	v1 =	vld [tilespmem:$0x1FF20]  }
0x109: {  	(erf) = vrcp.f32 v0;
	_ =	sdelay $0x1  }
0x10a: {  	v3 =	vld [tilespmem:$0x1FEE0];
	v0 =	vmov s2  }
0x10b: {  	v0 =	vshll.u32 v0, $0x5  }
0x10c: {  	v37 =	vor.u32 v1, v0;
	v0 =	vld [tilespmem:$0x1FF00];
	_ =	sdelay $0x1  }
0x10d: {  	v1 =	vld [tilespmem:$0x1FF10]  }
0x10e: {  	v3 =	vor.u32 v3, v37;
	_ =	sdelay $0x1  }
0x10f: {  	s3 =	sadd.s32 $0x10, s3;
	v0 =	vor.u32 v0, v37;
	v2 =	vpop (erf)  }
0x110: {  	[tilespmem:s3+$0x0] =	vst v2;
	v2 =	vld [tilespmem:$0x1FE50]  }
0x111: {  	v1 =	vor.u32 v1, v37  }
0x112: {  	v33 =	vld.idx.msk [tilespmem:v3+s17+$0x0], $0xffff  }
0x113: {  	v34 =	vld.idx.msk [tilespmem:v3+s18+$0x0], $0xffff  }
0x114: {  	v3 =	vor.u32 v23, v37;
	v43 =	vld.idx.msk [tilespmem:v0+s17+$0x0], $0xffff  }
0x115: {  	v45 =	vld.idx.msk [tilespmem:v0+s18+$0x0], $0xffff;
	v2 =	vor.u32 v2, v37  }
0x116: {  	v46 =	vld.idx.msk [tilespmem:v1+s17+$0x0], $0xffff  }
0x117: {  	v0 =	vld [tilespmem:$0x1FE60]  }
0x118: {  	v47 =	vld.idx.msk [tilespmem:v1+s18+$0x0], $0xffff  }
0x119: {  	v52 =	vld.idx.msk [tilespmem:v3+s17+$0x0], $0xffff  }
0x11a: {  	v48 =	vld.idx.msk [tilespmem:v2+s17+$0x0], $0xffff  }
0x11b: {  	v1 =	vor.u32 v32, v37;
	v49 =	vld.idx.msk [tilespmem:v2+s18+$0x0], $0xffff  }
0x11c: {  	v2 =	vld [tilespmem:$0x1FE70]  }
0x11d: {  	v53 =	vld.idx.msk [tilespmem:v3+s18+$0x0], $0xffff  }
0x11e: {  	v3 =	vld [tilespmem:$0x1FE90];
	v0 =	vor.u32 v0, v37  }
0x11f: {  	v12 =	vld [tilespmem:$0x1FF80]  }
0x120: {  	v35 =	vld.idx.msk [tilespmem:v1+s17+$0x0], $0xffff  }
0x121: {  	v36 =	vld.idx.msk [tilespmem:v1+s18+$0x0], $0xffff;
	v2 =	vor.u32 v2, v37  }
0x122: {  	v1 =	vld [tilespmem:$0x1FEF0]  }
0x123: {  	v3 =	vor.u32 v3, v37;
	v50 =	vld.idx.msk [tilespmem:v0+s17+$0x0], $0xffff  }
0x124: {  	v51 =	vld.idx.msk [tilespmem:v0+s18+$0x0], $0xffff  }
0x125: {  	v16 =	vmov v24;
	v24 =	vmov v25;
	v25 =	vmov v26;
	v0 =	vld [tilespmem:$0x1FE80]  }
0x126: {  	v11 =	vor.u32 v25, v37;
	v54 =	vld.idx.msk [tilespmem:v2+s17+$0x0], $0xffff  }
0x127: {  	v56 =	vld.idx.msk [tilespmem:v2+s18+$0x0], $0xffff;
	v2 =	vor.u32 v28, v37  }
0x128: {  	v60 =	vld.idx.msk [tilespmem:v3+s17+$0x0], $0xffff  }
0x129: {  	v61 =	vld.idx.msk [tilespmem:v3+s18+$0x0], $0xffff  }
0x12a: {  	v3 =	vld [tilespmem:$0x1FEB0]  }
0x12b: {  	v10 =	vld.idx.msk [tilespmem:v11+s17+$0x0], $0xffff;
	v1 =	vor.u32 v1, v37  }
0x12c: {  	v0 =	vor.u32 v0, v37;
	v40 =	vld.idx.msk [tilespmem:v2+s17+$0x0], $0xffff  }
0x12d: {  	v41 =	vld.idx.msk [tilespmem:v2+s18+$0x0], $0xffff  }
0x12e: {  	v2 =	vld [tilespmem:$0x1FFB0]  }
0x12f: {  	v11 =	vld.idx.msk [tilespmem:v11+s18+$0x0], $0xffff;
	v3 =	vor.u32 v3, v37  }
0x130: {  	v58 =	vld.idx.msk [tilespmem:v1+s17+$0x0], $0xffff  }
0x131: {  	v38 =	vld.idx.msk [tilespmem:v0+s17+$0x0], $0xffff  }
0x132: {  	v39 =	vld.idx.msk [tilespmem:v0+s18+$0x0], $0xffff  }
0x133: {  	v0 =	vor.u32 v31, v37;
	v6 =	vor.u32 v2, v37;
	v2 =	vld [tilespmem:$0x1FFA0]  }
0x134: {  	v42 =	vld.idx.msk [tilespmem:v3+s17+$0x0], $0xffff  }
0x135: {  	v44 =	vld.idx.msk [tilespmem:v3+s18+$0x0], $0xffff;
	v3 =	vor.u32 v24, v37  }
0x136: {  	v59 =	vld.idx.msk [tilespmem:v1+s18+$0x0], $0xffff  }
0x137: {  	v1 =	vld [tilespmem:$0x1FEA0]  }
0x138: {  	v62 =	vld.idx.msk [tilespmem:v0+s17+$0x0], $0xffff;
	v8 =	vor.u32 v2, v37  }
0x139: {  	v9 =	vlaneseq.u32;
	v63 =	vld.idx.msk [tilespmem:v0+s18+$0x0], $0xffff  }
0x13a: {  	v14 =	vor.u32 v9, v37;
	v9 =	vld.idx.msk [tilespmem:v3+s18+$0x0], $0xffff  }
0x13b: {  	v5 =	vld.idx.msk [tilespmem:v6+s17+$0x0], $0xffff  }
0x13c: {  	v1 =	vor.u32 v1, v37;
	v7 =	vld.idx.msk [tilespmem:v6+s18+$0x0], $0xffff  }
0x13d: {  	v55 =	vld.idx.msk [tilespmem:v8+s17+$0x0], $0xffff  }
0x13e: {  	v4 =	vor.u32 v22, v37;
	v57 =	vld.idx.msk [tilespmem:v8+s18+$0x0], $0xffff  }
0x13f: {  	v8 =	vld.idx.msk [tilespmem:v3+s17+$0x0], $0xffff  }
0x140: {  	v6 =	vor.u32 v27, v37;
	v3 =	vld [tilespmem:$0x1FF90]  }
0x141: {  	p0 =	sne.s32 s2, $0x270;
	v0 =	vld.idx.msk [tilespmem:v1+s17+$0x0], $0xffff  }
.Ltmp0:
0x142: {  	v1 =	vld.idx.msk [tilespmem:v1+s18+$0x0], $0xffff;
	(pc) =	sbr.rel @p0 .LBB2_3-.Ltmp0, $4  }
0x143: {  	v2 =	vld.idx.msk [tilespmem:v4+s17+$0x0], $0xffff  }
0x144: {  	v4 =	vld.idx.msk [tilespmem:v4+s18+$0x0], $0xffff  }
0x145: {  	v13 =	vor.u32 v3, v37;
	v3 =	vld.idx.msk [tilespmem:v6+s17+$0x0], $0xffff  }
0x146: {  	v26 =	vmov v27;
	s2 =	sadd.s32 $0x10, s2;
	v12 =	vor.u32 v12, v37;
	v6 =	vld.idx.msk [tilespmem:v6+s18+$0x0], $0xffff  }
0x147: {  	_ =	sdelay $0x3  }
0x148: {  	v15 =	vld.idx.msk [tilespmem:v14+s18+$0x0], $0xffff  }
0x149: {  	v14 =	vld.idx.msk [tilespmem:v14+s17+$0x0], $0xffff  }
0x14a: {  	v17 =	vld.idx.msk [tilespmem:v13+s17+$0x0], $0xffff;
	v18 =	vor.u32 v30, v37  }
0x14b: {  	v13 =	vld.idx.msk [tilespmem:v13+s18+$0x0], $0xffff  }
0x14c: {  	v20 =	vld.idx.msk [tilespmem:v12+s17+$0x0], $0xffff  }
0x14d: {  	v12 =	vld.idx.msk [tilespmem:v12+s18+$0x0], $0xffff  }
0x14e: {  	v16 =	vor.u32 v16, v37;
	v19 =	vmul.f32 v45, v43;
	v45 =	vor.u32 v21, v37;
	v21 =	vld [tilespmem:$0x1FE40]  }
0x14f: {  	v60 =	vmul.f32 v61, v60;
	v61 =	vld.idx.msk [tilespmem:v18+s17+$0x0], $0xffff  }
0x150: {  	v0 =	vmul.f32 v1, v0;
	v1 =	vld.idx.msk [tilespmem:v18+s18+$0x0], $0xffff  }
0x151: {  	v2 =	vmul.f32 v4, v2;
	v18 =	vld [tilespmem:$0x1FEC0]  }
0x152: {  	v4 =	vmul.f32 v7, v5;
	v7 =	vmul.f32 v9, v8;
	v9 =	vld [tilespmem:$0x1FED0]  }
0x153: {  	v43 =	vmul.f32 v47, v46;
	v46 =	vmul.f32 v49, v48;
	v48 =	vld.idx.msk [tilespmem:v16+s17+$0x0], $0xffff  }
0x154: {  	v47 =	vmul.f32 v51, v50;
	v49 =	vmul.f32 v53, v52;
	v16 =	vld.idx.msk [tilespmem:v16+s18+$0x0], $0xffff;
	v51 =	vor.u32 v21, v37  }
0x155: {  	v50 =	vmul.f32 v56, v54;
	v52 =	vmul.f32 v59, v58  }
0x156: {  	v8 =	vmul.f32 v11, v10;
	v5 =	vld.idx.msk [tilespmem:v45+s17+$0x0], $0xffff;
	v11 =	vmul.f32 v15, v14;
	v18 =	vor.u32 v18, v37  }
0x157: {  	v63 =	vmul.f32 v63, v62;
	v13 =	vmul.f32 v13, v17;
	v14 =	vld [tilespmem:$0x1FF30]  }
0x158: {  	v10 =	vld.idx.msk [tilespmem:v45+s18+$0x0], $0xffff;
	v12 =	vmul.f32 v12, v20;
	v9 =	vor.u32 v9, v37;
	v11 =	vadd.f32 $0.0e+00, v11  }
0x159: {  	v3 =	vmul.f32 v6, v3;
	v13 =	vadd.f32 $0.0e+00, v13;
	v15 =	vld.idx.msk [tilespmem:v51+s17+$0x0], $0xffff;
	v16 =	vmul.f32 v16, v48  }
0x15a: {  	v17 =	vor.u32 v29, v37;
	v12 =	vadd.f32 $0.0e+00, v12;
	v7 =	vadd.f32 v7, v11;
	v20 =	vld.idx.msk [tilespmem:v51+s18+$0x0], $0xffff  }
0x15b: {  	v8 =	vadd.f32 v8, v13;
	v1 =	vmul.f32 v1, v61;
	v16 =	vadd.f32 $0.0e+00, v16;
	v6 =	vld.idx.msk [tilespmem:v18+s17+$0x0], $0xffff  }
0x15c: {  	v11 =	vmul.f32 v57, v55;
	v3 =	vadd.f32 v3, v12;
	v14 =	vor.u32 v14, v37;
	v18 =	vld.idx.msk [tilespmem:v18+s18+$0x0], $0xffff  }
0x15d: {  	v5 =	vmul.f32 v10, v5;
	v2 =	vadd.f32 v2, v7;
	v13 =	vld.idx.msk [tilespmem:v9+s17+$0x0], $0xffff;
	v1 =	vadd.f32 v1, v16  }
0x15e: {  	v4 =	vadd.f32 v4, v8;
	v7 =	vmul.f32 v44, v42;
	v3 =	vadd.f32 v11, v3;
	v9 =	vld.idx.msk [tilespmem:v9+s18+$0x0], $0xffff  }
0x15f: {  	v10 =	vld.idx.msk [tilespmem:v17+s18+$0x0], $0xffff;
	v2 =	vadd.f32 v63, v2;
	v1 =	vadd.f32 v5, v1;
	v5 =	vmul.f32 v20, v15  }
0x160: {  	v8 =	vld.idx.msk [tilespmem:v17+s17+$0x0], $0xffff;
	v0 =	vadd.f32 v0, v4;
	v4 =	vmul.f32 v41, v40;
	v3 =	vadd.f32 v7, v3  }
0x161: {  	v11 =	vld.idx.msk [tilespmem:v14+s17+$0x0], $0xffff;
	v2 =	vadd.f32 v52, v2;
	v1 =	vadd.f32 v5, v1;
	v5 =	vmul.f32 v18, v6  }
0x162: {  	v7 =	vmul.f32 v39, v38;
	v0 =	vadd.f32 v60, v0;
	v3 =	vadd.f32 v4, v3;
	v6 =	vld.idx.msk [tilespmem:v14+s18+$0x0], $0xffff  }
0x163: {  	v4 =	vmul.f32 v9, v13;
	v2 =	vadd.f32 v49, v2;
	v1 =	vadd.f32 v5, v1  }
0x164: {  	v0 =	vadd.f32 v50, v0;
	v3 =	vadd.f32 v7, v3  }
0x165: {  	v5 =	vmul.f32 v36, v35;
	v1 =	vadd.f32 v4, v1;
	v4 =	vmul.f32 v10, v8  }
0x166: {  	v7 =	vmul.f32 v34, v33;
	v2 =	vadd.f32 v46, v2;
	v0 =	vadd.f32 v47, v0  }
0x167: {  	v3 =	vadd.f32 v5, v3;
	v1 =	vadd.f32 v4, v1;
	v4 =	vmul.f32 v6, v11  }
0x168: {  	v2 =	vadd.f32 v19, v2;
	v0 =	vadd.f32 v43, v0  }
0x169: {  	v3 =	vadd.f32 v7, v3;
	v1 =	vadd.f32 v4, v1;
	_ =	sdelay $0x1  }
0x16a: {  	v0 =	vadd.f32 v0, v2;
	v1 =	vadd.f32 v1, v3;
	_ =	sdelay $0x1  }
0x16b: {  	v0 =	vadd.f32 v1, v0;
	_ =	sdelay $0x1  }
0x16c: {  	v0 =	vsub.f32 $0.0e+00, v0;
	_ =	sdelay $0x1  }
0x16d: {  	v0 =	vmul.f32 $1.442695020e+00, v0;
	_ =	sdelay $0x1  }
0x16e: {  	(erf) = vpow2.f32 v0;
	_ =	sdelay $0x8  }
0x16f: {  	v0 =	vpop (erf)  }
0x170: {  	v0 =	vadd.f32 $1.000000000e+00, v0;
	_ =	sdelay $0x1  }
0x171: {  	(erf) = vrcp.f32 v0;
	_ =	sdelay $0x7  }
0x172: {  	s2 =	sadd.s32 s6, s31  }
0x173: {  	s3 =	sadd.s32 $0x10, s3;
	s2 =	sshrl.u32 s2, $0x3;
	v0 =	vpop (erf)  }
0x174: {  	p0 =	seq.s32 s29, $0x13;
	s2 =	sadd.s32 s4, s2;
	[tilespmem:s3+$0x0] =	vst v0  }
0x175: {  	[hbm4b:s2+s5] =	stream.linear.scatter [tilespmem:s24], [sflag:$0x5], $0x280, $0x38;
	[tilespmem:$0x14C80] =	vst v63  }
0x176: {  	s2 =	sadd.s32 @!p0 s31, s12;
	_ =	swait.ge [sflag:s16], $0x280  }
0x177: {  	s2 =	sshrl.u32 @!p0 s2, $0x3;
	[sflag:s16] =	ssyncset.done $0x0  }
0x178: {  	s31 =	simm.s32 @!p0 $0x0;
	s3 =	sadd.s32 @!p0 s0, s2;
	[sflag:s16] =	ssyncadd.s32 $0xFFFFFD80  }
0x179: {  	[tilespmem:s31], [sflag:$0x5] =	stream.linear.gather @!p0 [hbm4b:s3+s31], $0x280, $0x38;
	[tilespmem:$0x14C80] =	vst v63  }
0x17a: {  	s3 =	simm.s32 @!p0 $0x5  }
0x17b: {  	_ =	swait.ge @!p0 [sflag:s3], $0x280  }
0x17c: {  	[sflag:s3] =	ssyncset.done @!p0 $0x0  }
0x17d: {  	s14 =	simm.s32 @!p0 $0x500;
	s2 =	sadd.s32 @!p0 s1, s2;
	[sflag:s3] =	ssyncadd.s32 @!p0 $0xFFFFFD80  }
0x17e: {  	[tilespmem:s14], [sflag:$0x5] =	stream.linear.gather @!p0 [hbm4b:s2+s31], $0x280, $0x38;
	[tilespmem:$0x14C80] =	vst v63  }
0x17f: {  	_ =	swait.ge @!p0 [sflag:s3], $0x280  }
0x180: {  	[sflag:s3] =	ssyncset.done @!p0 $0x0  }
0x181: {  	s2 =	simm.s32 @!p0 $0x280;
	[sflag:s3] =	ssyncadd.s32 @!p0 $0xFFFFFD80;
	s3 =	simm.s32 @!p0 $0xA00  }
0x182: {  	[tilespmem:s3], [sflag:$0x1] =	stream.indirect.gather @!p0 [hbm4b:s7+s2], $0x20, s31, s2, $0xb8;
	[tilespmem:$0x14C80] =	vst v63  }
0x183: {  	s31 =	simm.s32 @!p0 $0xAA00  }
0x184: {  	[tilespmem:s31], [sflag:$0x3] =	stream.indirect.gather @!p0 [hbm4b:s8+s2], $0x20, s14, s2, $0xb8;
	[tilespmem:$0x14C80] =	vst v63  }
0x185: {  	_ =	swait.ge [sflag:s25], $0x5000  }
0x186: {  	v34 =	vld [tilespmem:$0x1FF20];
	[sflag:s25] =	ssyncset.done $0x0  }
0x187: {  	v33 =	vld [tilespmem:$0x1FF00];
	[sflag:s25] =	ssyncadd.s32 $0xFFFFB000  }
0x188: {  	s3 =	simm.s32 $0x0;
	_ =	swait.ge [sflag:s26], $0x5000  }
0x189: {  	v0 =	vmov s3;
	v18 =	vld [tilespmem:$0x1FF10]  }
0x18a: {  	v0 =	vshll.u32 v0, $0x5;
	v30 =	vld [tilespmem:$0x1FEE0]  }
0x18b: {  	v62 =	vld [tilespmem:$0x1FE50];
	v0 =	vor.u32 v34, v0  }
0x18c: {  	v63 =	vld [tilespmem:$0x1FE60];
	v1 =	vor.u32 v33, v0  }
0x18d: {  	v11 =	vld [tilespmem:$0x1FE70]  }
0x18e: {  	v27 =	vmov v29;
	v29 =	vld [tilespmem:$0x1FFA0];
	v9 =	vor.u32 v23, v0  }
0x18f: {  	[sflag:s26] =	ssyncset.done $0x0;
	v21 =	vld [tilespmem:$0x1FF80]  }
0x190: {  	[sflag:s26] =	ssyncadd.s32 $0xFFFFB000;
	v52 =	vor.u32 v31, v0;
	v31 =	vld [tilespmem:$0x1FFB0]  }
0x191: {  	v4 =	vld.idx.msk [tilespmem:v1+s20+$0x0], $0xffff  }
0x192: {  	v55 =	vor.u32 v22, v0;
	v1 =	vld.idx.msk [tilespmem:v1+s21+$0x0], $0xffff  }
0x193: {  	v14 =	vld.idx.msk [tilespmem:v9+s20+$0x0], $0xffff  }
0x194: {  	v58 =	vor.u32 v24, v0;
	v9 =	vld.idx.msk [tilespmem:v9+s21+$0x0], $0xffff  }
0x195: {  	v40 =	vld.idx.msk [tilespmem:v52+s20+$0x0], $0xffff  }
0x196: {  	v59 =	vor.u32 v25, v0;
	v35 =	vld.idx.msk [tilespmem:v52+s21+$0x0], $0xffff  }
0x197: {  	v3 =	vor.u32 v30, v0;
	v46 =	vld.idx.msk [tilespmem:v55+s20+$0x0], $0xffff  }
0x198: {  	v60 =	vor.u32 v26, v0;
	v41 =	vld.idx.msk [tilespmem:v55+s21+$0x0], $0xffff  }
0x199: {  	v2 =	vor.u32 v18, v0;
	v52 =	vld.idx.msk [tilespmem:v58+s20+$0x0], $0xffff  }
0x19a: {  	v47 =	vld.idx.msk [tilespmem:v58+s21+$0x0], $0xffff  }
0x19b: {  	v49 =	vld.idx.msk [tilespmem:v59+s21+$0x0], $0xffff  }
0x19c: {  	v7 =	vor.u32 v63, v0;
	v8 =	vld.idx.msk [tilespmem:v3+s20+$0x0], $0xffff  }
0x19d: {  	v51 =	vld.idx.msk [tilespmem:v60+s21+$0x0], $0xffff  }
0x19e: {  	v11 =	vor.u32 v11, v0;
	v6 =	vld.idx.msk [tilespmem:v2+s20+$0x0], $0xffff  }
0x19f: {  	v2 =	vld.idx.msk [tilespmem:v2+s21+$0x0], $0xffff  }
0x1a0: {  	v57 =	vor.u32 v29, v0;
	v3 =	vld.idx.msk [tilespmem:v3+s21+$0x0], $0xffff  }
0x1a1: {  	v10 =	vld.idx.msk [tilespmem:v7+s20+$0x0], $0xffff;
	[tilespmem:$0x1FDD0] =	vst v8;
	v8 =	vor.u32 v32, v0  }
0x1a2: {  	v7 =	vld.idx.msk [tilespmem:v7+s21+$0x0], $0xffff  }
0x1a3: {  	v16 =	vld.idx.msk [tilespmem:v11+s20+$0x0], $0xffff  }
0x1a4: {  	v56 =	vor.u32 v31, v0;
	v11 =	vld.idx.msk [tilespmem:v11+s21+$0x0], $0xffff  }
0x1a5: {  	v50 =	vld.idx.msk [tilespmem:v57+s20+$0x0], $0xffff  }
0x1a6: {  	v12 =	vld.idx.msk [tilespmem:v8+s20+$0x0], $0xffff  }
0x1a7: {  	v8 =	vld.idx.msk [tilespmem:v8+s21+$0x0], $0xffff  }
0x1a8: {  	v45 =	vld.idx.msk [tilespmem:v57+s21+$0x0], $0xffff  }
0x1a9: {  	v5 =	vor.u32 v62, v0;
	v48 =	vld.idx.msk [tilespmem:v56+s20+$0x0], $0xffff  }
0x1aa: {  	v43 =	vld.idx.msk [tilespmem:v56+s21+$0x0], $0xffff  }
0x1ab: {  	[tilespmem:$0x1FDB0] =	vst v12;
	v12 =	vld [tilespmem:$0x1FE80]  }
0x1ac: {  	[tilespmem:$0x1FDC0] =	vst v8;
	v8 =	vld [tilespmem:$0x1FEF0]  }
0x1ad: {  	v56 =	vld.idx.msk [tilespmem:v60+s20+$0x0], $0xffff  }
0x1ae: {  	v57 =	vor.u32 v21, v0;
	[tilespmem:$0x1FDE0] =	vst v3;
	v3 =	vld.idx.msk [tilespmem:v5+s20+$0x0], $0xffff  }
0x1af: {  	v5 =	vld.idx.msk [tilespmem:v5+s21+$0x0], $0xffff  }
0x1b0: {  	v13 =	vor.u32 v12, v0;
	v12 =	vld [tilespmem:$0x1FEA0]  }
0x1b1: {  	v15 =	vor.u32 v8, v0;
	v8 =	vld [tilespmem:$0x1FE90]  }
0x1b2: {  	v60 =	vld [tilespmem:$0x1FF50]  }
0x1b3: {  	v1 =	vmul.f32 v1, v4;
	v4 =	vld.idx.msk [tilespmem:v57+s20+$0x0], $0xffff  }
0x1b4: {  	v2 =	vmul.f32 v2, v6;
	v6 =	vmul.f32 v7, v10;
	v7 =	vld [tilespmem:$0x1FF70]  }
0x1b5: {  	v53 =	vor.u32 v12, v0;
	v12 =	vld [tilespmem:$0x1FEB0]  }
0x1b6: {  	v3 =	vmul.f32 v5, v3;
	v5 =	vld.idx.msk [tilespmem:v57+s21+$0x0], $0xffff;
	v17 =	vor.u32 v8, v0  }
0x1b7: {  	v57 =	vld [tilespmem:$0x1FED0]  }
0x1b8: {  	v8 =	vld.idx.msk [tilespmem:v13+s20+$0x0], $0xffff  }
0x1b9: {  	v13 =	vld.idx.msk [tilespmem:v13+s21+$0x0], $0xffff  }
0x1ba: {  	v20 =	vld.idx.msk [tilespmem:v15+s20+$0x0], $0xffff;
	v54 =	vor.u32 v12, v0;
	v12 =	vlaneseq.u32  }
0x1bb: {  	v36 =	vld.idx.msk [tilespmem:v17+s20+$0x0], $0xffff;
	v61 =	vor.u32 v12, v0  }
0x1bc: {  	v17 =	vld.idx.msk [tilespmem:v17+s21+$0x0], $0xffff  }
0x1bd: {  	v42 =	vld.idx.msk [tilespmem:v53+s20+$0x0], $0xffff  }
0x1be: {  	v37 =	vld.idx.msk [tilespmem:v53+s21+$0x0], $0xffff  }
0x1bf: {  	v12 =	vld [tilespmem:$0x1FF90]  }
0x1c0: {  	v58 =	vld.idx.msk [tilespmem:v61+s21+$0x0], $0xffff  }
0x1c1: {  	v53 =	vld.idx.msk [tilespmem:v61+s20+$0x0], $0xffff  }
0x1c2: {  	v61 =	vld [tilespmem:$0x1FFC0]  }
0x1c3: {  	v44 =	vmovc v28;
	v19 =	vor.u32 v28, v0;
	v28 =	vmov v22;
	v7 =	vor.u32 v7, v0;
	v22 =	vld.idx.msk [tilespmem:v54+s20+$0x0], $0xffff  }
0x1c4: {  	v39 =	vld.idx.msk [tilespmem:v54+s21+$0x0], $0xffff  }
0x1c5: {  	v54 =	vld.idx.msk [tilespmem:v59+s20+$0x0], $0xffff;
	v59 =	vor.u32 v60, v0  }
0x1c6: {  	v15 =	vld.idx.msk [tilespmem:v15+s21+$0x0], $0xffff  }
0x1c7: {  	v10 =	vmul.f32 v11, v16;
	v16 =	vmul.f32 v17, v36;
	v17 =	vld [tilespmem:$0x1FE40];
	v61 =	vor.u32 v61, v0  }
0x1c8: {  	v36 =	vmul.f32 v37, v42;
	v42 =	vmul.f32 v43, v48;
	v43 =	vld.idx.msk [tilespmem:v7+s20+$0x0], $0xffff  }
0x1c9: {  	v7 =	vld.idx.msk [tilespmem:v7+s21+$0x0], $0xffff  }
0x1ca: {  	v55 =	vor.u32 v12, v0;
	v11 =	vld.idx.msk [tilespmem:v59+s20+$0x0], $0xffff  }
0x1cb: {  	v9 =	vmul.f32 v9, v14;
	v14 =	vmul.f32 v15, v20;
	v15 =	vld.idx.msk [tilespmem:v59+s21+$0x0], $0xffff  }
0x1cc: {  	v20 =	vmul.f32 v35, v40;
	v17 =	vor.u32 v17, v0;
	v35 =	vld.idx.msk [tilespmem:v61+s20+$0x0], $0xffff  }
0x1cd: {  	v37 =	vld.idx.msk [tilespmem:v61+s21+$0x0], $0xffff  }
0x1ce: {  	v61 =	vld [tilespmem:$0x1FEC0]  }
0x1cf: {  	v41 =	vmul.f32 v41, v46;
	v46 =	vmul.f32 v47, v52;
	v60 =	vld.idx.msk [tilespmem:v55+s20+$0x0], $0xffff  }
0x1d0: {  	v4 =	vmul.f32 v5, v4;
	v55 =	vld.idx.msk [tilespmem:v55+s21+$0x0], $0xffff;
	v59 =	vmul.f32 v58, v53  }
0x1d1: {  	v47 =	vmul.f32 v49, v54;
	v54 =	vld.idx.msk [tilespmem:v17+s20+$0x0], $0xffff;
	v5 =	vmul.f32 v15, v11  }
0x1d2: {  	v11 =	vld.idx.msk [tilespmem:v17+s21+$0x0], $0xffff;
	v15 =	vadd.f32 $0.0e+00, v59  }
0x1d3: {  	v5 =	vadd.f32 $0.0e+00, v5;
	v40 =	vor.u32 v61, v0;
	v61 =	vld [tilespmem:$0x1FF30];
	v35 =	vmul.f32 v37, v35  }
0x1d4: {  	v38 =	vmov v23;
	v15 =	vadd.f32 v46, v15  }
0x1d5: {  	v23 =	vld.idx.msk [tilespmem:v19+s20+$0x0], $0xffff;
	v48 =	vor.u32 v57, v0;
	v7 =	vmul.f32 v7, v43;
	v5 =	vadd.f32 v35, v5  }
0x1d6: {  	v19 =	vld.idx.msk [tilespmem:v19+s21+$0x0], $0xffff;
	v13 =	vmul.f32 v13, v8;
	v60 =	vmul.f32 v55, v60;
	v15 =	vadd.f32 v41, v15  }
0x1d7: {  	v8 =	vld [tilespmem:$0x1FDB0];
	v55 =	vmul.f32 v51, v56;
	v5 =	vadd.f32 v7, v5;
	v7 =	vmul.f32 v11, v54  }
0x1d8: {  	v11 =	vadd.f32 v20, v15;
	v53 =	vor.u32 v61, v0;
	v0 =	vor.u32 v27, v0;
	v56 =	vld.idx.msk [tilespmem:v40+s20+$0x0], $0xffff  }
0x1d9: {  	v17 =	vadd.f32 $0.0e+00, v60;
	v57 =	vld.idx.msk [tilespmem:v40+s21+$0x0], $0xffff  }
0x1da: {  	v4 =	vadd.f32 $0.0e+00, v4;
	v59 =	vld.idx.msk [tilespmem:v48+s20+$0x0], $0xffff;
	v11 =	vadd.f32 v14, v11  }
0x1db: {  	v60 =	vld.idx.msk [tilespmem:v48+s21+$0x0], $0xffff;
	v17 =	vadd.f32 v47, v17  }
0x1dc: {  	v58 =	vmul.f32 v45, v50;
	v4 =	vadd.f32 v55, v4;
	v9 =	vadd.f32 v9, v11;
	v11 =	vld [tilespmem:$0x1FDC0]  }
0x1dd: {  	v39 =	vmul.f32 v39, v22;
	v17 =	vadd.f32 v42, v17;
	v61 =	vld.idx.msk [tilespmem:v0+s20+$0x0], $0xffff  }
0x1de: {  	v4 =	vadd.f32 v58, v4;
	v5 =	vadd.f32 v7, v5;
	v0 =	vld.idx.msk [tilespmem:v0+s21+$0x0], $0xffff;
	v7 =	vmul.f32 v57, v56  }
0x1df: {  	v15 =	vadd.f32 v36, v17;
	v17 =	vmul.f32 v19, v23;
	v19 =	vld.idx.msk [tilespmem:v53+s20+$0x0], $0xffff  }
0x1e0: {  	v4 =	vadd.f32 v39, v4;
	v20 =	vld.idx.msk [tilespmem:v53+s21+$0x0], $0xffff;
	v5 =	vadd.f32 v7, v5;
	v7 =	vmul.f32 v60, v59  }
0x1e1: {  	v14 =	vadd.f32 v16, v15;
	v3 =	vadd.f32 v3, v9;
	v9 =	vld [tilespmem:$0x1FDE0]  }
0x1e2: {  	v4 =	vadd.f32 v17, v4;
	v5 =	vadd.f32 v7, v5;
	v7 =	vld [tilespmem:$0x1FDD0];
	_ =	sdelay $0x1  }
0x1e3: {  	v10 =	vadd.f32 v10, v14;
	v4 =	vadd.f32 v13, v4;
	v8 =	vmul.f32 v11, v8  }
0x1e4: {  	v0 =	vmul.f32 v0, v61  }
0x1e5: {  	v6 =	vadd.f32 v6, v10;
	v4 =	vadd.f32 v8, v4  }
0x1e6: {  	v0 =	vadd.f32 v0, v5;
	v5 =	vmul.f32 v20, v19;
	v7 =	vmul.f32 v9, v7  }
0x1e7: {  	v1 =	vadd.f32 v1, v3;
	v2 =	vadd.f32 v2, v6  }
0x1e8: {  	v0 =	vadd.f32 v5, v0;
	v3 =	vadd.f32 v7, v4;
	_ =	sdelay $0x1  }
0x1e9: {  	v1 =	vadd.f32 v2, v1;
	v0 =	vadd.f32 v0, v3;
	_ =	sdelay $0x1  }
0x1ea: {  	v0 =	vadd.f32 v0, v1;
	_ =	sdelay $0x1  }
0x1eb: {  	v0 =	vsub.f32 $0.0e+00, v0;
	_ =	sdelay $0x1  }
0x1ec: {  	v0 =	vmul.f32 $1.442695020e+00, v0;
	_ =	sdelay $0x1  }
0x1ed: {  	(erf) = vpow2.f32 v0;
	_ =	sdelay $0x8  }
0x1ee: {  	v0 =	vpop (erf)  }
0x1ef: {  	v0 =	vadd.f32 $1.000000000e+00, v0;
	_ =	sdelay $0x1  }
0x1f0: {  	(erf) = vrcp.f32 v0;
	_ =	sdelay $0x1  }
0x1f1: {  	s31 =	simm.s32 $0x10  }
0x1f2: {  	v0 =	vmov s31  }
0x1f3: {  	v0 =	vshll.u32 v0, $0x5  }
0x1f4: {  	v37 =	vor.u32 v34, v0  }
0x1f5: {  	v0 =	vor.u32 v33, v37;
	_ =	sdelay $0x1  }
0x1f6: {  	v1 =	vor.u32 v18, v37  }
0x1f7: {  	s3 =	simm.s32 $0x14A00;
	v2 =	vpop (erf)  }
0x1f8: {  	v3 =	vor.u32 v30, v37;
	v18 =	vld [tilespmem:$0x1FFC0];
	[tilespmem:s3+$0x0] =	vst v2  }
0x1f9: {  	v43 =	vld.idx.msk [tilespmem:v0+s20+$0x0], $0xffff  }
0x1fa: {  	v27 =	vmov v31;
	v45 =	vld.idx.msk [tilespmem:v0+s21+$0x0], $0xffff  }
0x1fb: {  	v6 =	vor.u32 v27, v37;
	v46 =	vld.idx.msk [tilespmem:v1+s20+$0x0], $0xffff  }
0x1fc: {  	v47 =	vld.idx.msk [tilespmem:v1+s21+$0x0], $0xffff  }
0x1fd: {  	v8 =	vor.u32 v29, v37;
	v33 =	vld.idx.msk [tilespmem:v3+s20+$0x0], $0xffff  }
0x1fe: {  	v2 =	vor.u32 v62, v37;
	v34 =	vld.idx.msk [tilespmem:v3+s21+$0x0], $0xffff  }
0x1ff: {  	v1 =	vor.u32 v32, v37;
	v32 =	vld [tilespmem:$0x1FFD0]  }
0x200: {  	v5 =	vld.idx.msk [tilespmem:v6+s20+$0x0], $0xffff  }
0x201: {  	v0 =	vor.u32 v63, v37;
	v7 =	vld.idx.msk [tilespmem:v6+s21+$0x0], $0xffff  }
0x202: {  	v55 =	vld.idx.msk [tilespmem:v8+s20+$0x0], $0xffff  }
0x203: {  	v3 =	vor.u32 v38, v37;
	v48 =	vld.idx.msk [tilespmem:v2+s20+$0x0], $0xffff  }
0x204: {  	v49 =	vld.idx.msk [tilespmem:v2+s21+$0x0], $0xffff  }
0x205: {  	v2 =	vld [tilespmem:$0x1FE70]  }
0x206: {  	v50 =	vld.idx.msk [tilespmem:v0+s20+$0x0], $0xffff  }
0x207: {  	v51 =	vld.idx.msk [tilespmem:v0+s21+$0x0], $0xffff  }
0x208: {  	v52 =	vld.idx.msk [tilespmem:v3+s20+$0x0], $0xffff  }
0x209: {  	v53 =	vld.idx.msk [tilespmem:v3+s21+$0x0], $0xffff  }
0x20a: {  	v3 =	vld [tilespmem:$0x1FE90]  }
0x20b: {  	v11 =	vor.u32 v25, v37;
	v35 =	vld.idx.msk [tilespmem:v1+s20+$0x0], $0xffff  }
0x20c: {  	v0 =	vld [tilespmem:$0x1FE80]  }
0x20d: {  	v36 =	vld.idx.msk [tilespmem:v1+s21+$0x0], $0xffff;
	v2 =	vor.u32 v2, v37  }
0x20e: {  	v1 =	vld [tilespmem:$0x1FEF0]  }
0x20f: {  	v57 =	vld.idx.msk [tilespmem:v8+s21+$0x0], $0xffff;
	v3 =	vor.u32 v3, v37  }
0x210: {  	v10 =	vld.idx.msk [tilespmem:v11+s20+$0x0], $0xffff  }
0x211: {  	v11 =	vld.idx.msk [tilespmem:v11+s21+$0x0], $0xffff  }
0x212: {  	v0 =	vor.u32 v0, v37;
	v54 =	vld.idx.msk [tilespmem:v2+s20+$0x0], $0xffff  }
0x213: {  	v1 =	vor.u32 v1, v37;
	v56 =	vld.idx.msk [tilespmem:v2+s21+$0x0], $0xffff  }
0x214: {  	v60 =	vld.idx.msk [tilespmem:v3+s20+$0x0], $0xffff  }
0x215: {  	v61 =	vld.idx.msk [tilespmem:v3+s21+$0x0], $0xffff  }
0x216: {  	v3 =	vld [tilespmem:$0x1FEB0]  }
0x217: {  	v30 =	vmov v38;
	v2 =	vor.u32 v44, v37;
	v38 =	vld.idx.msk [tilespmem:v0+s20+$0x0], $0xffff  }
0x218: {  	v58 =	vld.idx.msk [tilespmem:v1+s20+$0x0], $0xffff  }
0x219: {  	v4 =	vor.u32 v28, v37;
	v59 =	vld.idx.msk [tilespmem:v1+s21+$0x0], $0xffff  }
0x21a: {  	v1 =	vld [tilespmem:$0x1FEA0]  }
0x21b: {  	v39 =	vld.idx.msk [tilespmem:v0+s21+$0x0], $0xffff;
	v3 =	vor.u32 v3, v37  }
0x21c: {  	v40 =	vld.idx.msk [tilespmem:v2+s20+$0x0], $0xffff  }
0x21d: {  	v0 =	vor.u32 v32, v37;
	v41 =	vld.idx.msk [tilespmem:v2+s21+$0x0], $0xffff  }
0x21e: {  	v2 =	vld.idx.msk [tilespmem:v4+s20+$0x0], $0xffff  }
0x21f: {  	v4 =	vld.idx.msk [tilespmem:v4+s21+$0x0], $0xffff;
	v1 =	vor.u32 v1, v37  }
0x220: {  	v42 =	vld.idx.msk [tilespmem:v3+s20+$0x0], $0xffff  }
0x221: {  	v31 =	vmov v44;
	v44 =	vld.idx.msk [tilespmem:v3+s21+$0x0], $0xffff;
	v3 =	vor.u32 v24, v37  }
0x222: {  	v62 =	vld.idx.msk [tilespmem:v0+s20+$0x0], $0xffff  }
0x223: {  	v6 =	vor.u32 v26, v37;
	v63 =	vld.idx.msk [tilespmem:v0+s21+$0x0], $0xffff  }
0x224: {  	v0 =	vld.idx.msk [tilespmem:v1+s20+$0x0], $0xffff  }
0x225: {  	v13 =	vlaneseq.u32;
	v1 =	vld.idx.msk [tilespmem:v1+s21+$0x0], $0xffff  }
0x226: {  	v14 =	vor.u32 v13, v37;
	v8 =	vld.idx.msk [tilespmem:v3+s20+$0x0], $0xffff  }
0x227: {  	v9 =	vld.idx.msk [tilespmem:v3+s21+$0x0], $0xffff  }
0x228: {  	v22 =	vmov v12;
	v3 =	vld.idx.msk [tilespmem:v6+s20+$0x0], $0xffff  }
0x229: {  	s2 =	simm.s32 $0x20;
	v23 =	vmovc v21;
	v13 =	vor.u32 v12, v37;
	v12 =	vor.u32 v21, v37;
	v21 =	vmov v28;
	v6 =	vld.idx.msk [tilespmem:v6+s21+$0x0], $0xffff  }
.LBB2_5:
0x22a: {  	_ = 	snop  }
0x22b: {  	v15 =	vld.idx.msk [tilespmem:v14+s21+$0x0], $0xffff  }
0x22c: {  	v14 =	vld.idx.msk [tilespmem:v14+s20+$0x0], $0xffff  }
0x22d: {  	v16 =	vld [tilespmem:$0x1FF50]  }
0x22e: {  	v17 =	vld.idx.msk [tilespmem:v13+s20+$0x0], $0xffff  }
0x22f: {  	v13 =	vld.idx.msk [tilespmem:v13+s21+$0x0], $0xffff  }
0x230: {  	v19 =	vld.idx.msk [tilespmem:v12+s20+$0x0], $0xffff  }
0x231: {  	v28 =	vmov v18;
	v18 =	vor.u32 v18, v37;
	v12 =	vld.idx.msk [tilespmem:v12+s21+$0x0], $0xffff  }
0x232: {  	v20 =	vld [tilespmem:$0x1FF70];
	v43 =	vmul.f32 v45, v43;
	v45 =	vmul.f32 v47, v46  }
0x233: {  	v47 =	vmul.f32 v49, v48;
	v49 =	vld [tilespmem:$0x1FE40];
	v0 =	vmul.f32 v1, v0;
	v16 =	vor.u32 v16, v37  }
0x234: {  	v1 =	vld [tilespmem:$0x1FEC0];
	v2 =	vmul.f32 v4, v2;
	v4 =	vmul.f32 v7, v5  }
0x235: {  	v7 =	vmul.f32 v9, v8;
	v8 =	vmul.f32 v11, v10;
	v10 =	vld [tilespmem:$0x1FED0]  }
0x236: {  	v48 =	vmul.f32 v51, v50;
	v50 =	vmul.f32 v53, v52;
	v52 =	vld.idx.msk [tilespmem:v18+s20+$0x0], $0xffff  }
0x237: {  	v20 =	vor.u32 v20, v37;
	v18 =	vld.idx.msk [tilespmem:v18+s21+$0x0], $0xffff  }
0x238: {  	v46 =	vld.idx.msk [tilespmem:v16+s20+$0x0], $0xffff  }
0x239: {  	v49 =	vor.u32 v49, v37;
	v16 =	vld.idx.msk [tilespmem:v16+s21+$0x0], $0xffff  }
0x23a: {  	v51 =	vmul.f32 v56, v54;
	v12 =	vmul.f32 v12, v19;
	v19 =	vld [tilespmem:$0x1FF40]  }
0x23b: {  	v53 =	vmul.f32 v59, v58;
	v11 =	vmul.f32 v15, v14;
	v15 =	vld [tilespmem:$0x1FF30];
	v1 =	vor.u32 v1, v37  }
0x23c: {  	v61 =	vmul.f32 v61, v60;
	v13 =	vmul.f32 v13, v17;
	v5 =	vld.idx.msk [tilespmem:v20+s20+$0x0], $0xffff  }
0x23d: {  	v63 =	vmul.f32 v63, v62;
	v11 =	vadd.f32 $0.0e+00, v11;
	v10 =	vor.u32 v10, v37;
	v9 =	vld.idx.msk [tilespmem:v20+s21+$0x0], $0xffff  }
0x23e: {  	v3 =	vmul.f32 v6, v3;
	v13 =	vadd.f32 $0.0e+00, v13;
	v14 =	vld.idx.msk [tilespmem:v49+s20+$0x0], $0xffff;
	v16 =	vmul.f32 v16, v46  }
0x23f: {  	v12 =	vadd.f32 $0.0e+00, v12;
	v7 =	vadd.f32 v7, v11;
	v17 =	vld.idx.msk [tilespmem:v49+s21+$0x0], $0xffff;
	v19 =	vor.u32 v19, v37  }
0x240: {  	v8 =	vadd.f32 v8, v13;
	v20 =	vmul.f32 v18, v52;
	v6 =	vld.idx.msk [tilespmem:v1+s20+$0x0], $0xffff;
	v16 =	vadd.f32 $0.0e+00, v16  }
0x241: {  	v11 =	vmul.f32 v57, v55;
	v3 =	vadd.f32 v3, v12;
	v15 =	vor.u32 v15, v37;
	v1 =	vld.idx.msk [tilespmem:v1+s21+$0x0], $0xffff  }
0x242: {  	v2 =	vadd.f32 v2, v7;
	v13 =	vld.idx.msk [tilespmem:v10+s20+$0x0], $0xffff;
	v5 =	vmul.f32 v9, v5;
	v12 =	vadd.f32 v20, v16  }
0x243: {  	v4 =	vadd.f32 v4, v8;
	v7 =	vmul.f32 v44, v42;
	v3 =	vadd.f32 v11, v3;
	v9 =	vld.idx.msk [tilespmem:v10+s21+$0x0], $0xffff  }
0x244: {  	v2 =	vadd.f32 v63, v2;
	v8 =	vld.idx.msk [tilespmem:v19+s20+$0x0], $0xffff;
	v10 =	vmul.f32 v17, v14;
	v5 =	vadd.f32 v5, v12  }
0x245: {  	v0 =	vadd.f32 v0, v4;
	v4 =	vmul.f32 v41, v40;
	v3 =	vadd.f32 v7, v3;
	v11 =	vld.idx.msk [tilespmem:v19+s21+$0x0], $0xffff  }
0x246: {  	v2 =	vadd.f32 v53, v2;
	v1 =	vmul.f32 v1, v6;
	v6 =	vld.idx.msk [tilespmem:v15+s21+$0x0], $0xffff;
	v5 =	vadd.f32 v10, v5  }
0x247: {  	v7 =	vmul.f32 v39, v38;
	v0 =	vadd.f32 v61, v0;
	v3 =	vadd.f32 v4, v3;
	v12 =	vld.idx.msk [tilespmem:v15+s20+$0x0], $0xffff  }
0x248: {  	v2 =	vadd.f32 v50, v2;
	v4 =	vmul.f32 v9, v13;
	v1 =	vadd.f32 v1, v5  }
0x249: {  	v0 =	vadd.f32 v51, v0;
	v3 =	vadd.f32 v7, v3  }
0x24a: {  	v5 =	vmul.f32 v36, v35;
	v1 =	vadd.f32 v4, v1;
	v4 =	vmul.f32 v11, v8  }
0x24b: {  	v7 =	vmul.f32 v34, v33;
	v2 =	vadd.f32 v47, v2;
	v0 =	vadd.f32 v48, v0  }
0x24c: {  	v3 =	vadd.f32 v5, v3;
	v1 =	vadd.f32 v4, v1;
	v4 =	vmul.f32 v6, v12  }
0x24d: {  	v2 =	vadd.f32 v43, v2;
	v0 =	vadd.f32 v45, v0  }
0x24e: {  	v3 =	vadd.f32 v7, v3;
	v1 =	vadd.f32 v4, v1;
	_ =	sdelay $0x1  }
0x24f: {  	v0 =	vadd.f32 v0, v2;
	v1 =	vadd.f32 v1, v3;
	_ =	sdelay $0x1  }
0x250: {  	v0 =	vadd.f32 v1, v0;
	_ =	sdelay $0x1  }
0x251: {  	v0 =	vsub.f32 $0.0e+00, v0;
	_ =	sdelay $0x1  }
0x252: {  	v0 =	vmul.f32 $1.442695020e+00, v0;
	_ =	sdelay $0x1  }
0x253: {  	(erf) = vpow2.f32 v0;
	_ =	sdelay $0x8  }
0x254: {  	v0 =	vpop (erf)  }
0x255: {  	v0 =	vadd.f32 $1.000000000e+00, v0;
	_ =	sdelay $0x1  }
0x256: {  	v1 =	vld [tilespmem:$0x1FF20];
	(erf) = vrcp.f32 v0  }
0x257: {  	v3 =	vld [tilespmem:$0x1FEE0];
	_ =	sdelay $0x1  }
0x258: {  	v0 =	vmov s2  }
0x259: {  	v0 =	vshll.u32 v0, $0x5  }
0x25a: {  	v37 =	vor.u32 v1, v0  }
0x25b: {  	v0 =	vld [tilespmem:$0x1FF00];
	v3 =	vor.u32 v3, v37;
	_ =	sdelay $0x1  }
0x25c: {  	v1 =	vld [tilespmem:$0x1FF10];
	v6 =	vor.u32 v27, v37  }
0x25d: {  	s3 =	sadd.s32 $0x10, s3;
	v2 =	vpop (erf)  }
0x25e: {  	v8 =	vor.u32 v29, v37;
	[tilespmem:s3+$0x0] =	vst v2;
	v2 =	vld [tilespmem:$0x1FE50]  }
0x25f: {  	v0 =	vor.u32 v0, v37;
	v33 =	vld.idx.msk [tilespmem:v3+s20+$0x0], $0xffff  }
0x260: {  	v34 =	vld.idx.msk [tilespmem:v3+s21+$0x0], $0xffff  }
0x261: {  	v1 =	vor.u32 v1, v37;
	v5 =	vld.idx.msk [tilespmem:v6+s20+$0x0], $0xffff  }
0x262: {  	v7 =	vld.idx.msk [tilespmem:v6+s21+$0x0], $0xffff  }
0x263: {  	v55 =	vld.idx.msk [tilespmem:v8+s20+$0x0], $0xffff  }
0x264: {  	v43 =	vld.idx.msk [tilespmem:v0+s20+$0x0], $0xffff  }
0x265: {  	v45 =	vld.idx.msk [tilespmem:v0+s21+$0x0], $0xffff  }
0x266: {  	v3 =	vor.u32 v30, v37;
	v46 =	vld.idx.msk [tilespmem:v1+s20+$0x0], $0xffff  }
0x267: {  	v0 =	vld [tilespmem:$0x1FE60]  }
0x268: {  	v47 =	vld.idx.msk [tilespmem:v1+s21+$0x0], $0xffff  }
0x269: {  	v1 =	vld [tilespmem:$0x1FF60];
	v2 =	vor.u32 v2, v37  }
0x26a: {  	v57 =	vld.idx.msk [tilespmem:v8+s21+$0x0], $0xffff  }
0x26b: {  	v52 =	vld.idx.msk [tilespmem:v3+s20+$0x0], $0xffff  }
0x26c: {  	v53 =	vld.idx.msk [tilespmem:v3+s21+$0x0], $0xffff;
	v0 =	vor.u32 v0, v37  }
0x26d: {  	v3 =	vld [tilespmem:$0x1FE90]  }
0x26e: {  	v1 =	vor.u32 v1, v37;
	v48 =	vld.idx.msk [tilespmem:v2+s20+$0x0], $0xffff  }
0x26f: {  	v49 =	vld.idx.msk [tilespmem:v2+s21+$0x0], $0xffff  }
0x270: {  	v2 =	vld [tilespmem:$0x1FE70]  }
0x271: {  	v50 =	vld.idx.msk [tilespmem:v0+s20+$0x0], $0xffff  }
0x272: {  	v11 =	vor.u32 v25, v37;
	v51 =	vld.idx.msk [tilespmem:v0+s21+$0x0], $0xffff  }
0x273: {  	v35 =	vld.idx.msk [tilespmem:v1+s20+$0x0], $0xffff  }
0x274: {  	v3 =	vor.u32 v3, v37;
	v0 =	vld [tilespmem:$0x1FE80]  }
0x275: {  	v36 =	vld.idx.msk [tilespmem:v1+s21+$0x0], $0xffff  }
0x276: {  	v1 =	vld [tilespmem:$0x1FEF0]  }
0x277: {  	v10 =	vld.idx.msk [tilespmem:v11+s20+$0x0], $0xffff;
	v2 =	vor.u32 v2, v37  }
0x278: {  	v11 =	vld.idx.msk [tilespmem:v11+s21+$0x0], $0xffff  }
0x279: {  	v60 =	vld.idx.msk [tilespmem:v3+s20+$0x0], $0xffff;
	v0 =	vor.u32 v0, v37  }
0x27a: {  	v61 =	vld.idx.msk [tilespmem:v3+s21+$0x0], $0xffff  }
0x27b: {  	v3 =	vld [tilespmem:$0x1FEB0];
	v1 =	vor.u32 v1, v37  }
0x27c: {  	v54 =	vld.idx.msk [tilespmem:v2+s20+$0x0], $0xffff  }
0x27d: {  	v56 =	vld.idx.msk [tilespmem:v2+s21+$0x0], $0xffff  }
0x27e: {  	v2 =	vor.u32 v31, v37;
	v38 =	vld.idx.msk [tilespmem:v0+s20+$0x0], $0xffff  }
0x27f: {  	v39 =	vld.idx.msk [tilespmem:v0+s21+$0x0], $0xffff  }
0x280: {  	v3 =	vor.u32 v3, v37;
	v58 =	vld.idx.msk [tilespmem:v1+s20+$0x0], $0xffff  }
0x281: {  	v59 =	vld.idx.msk [tilespmem:v1+s21+$0x0], $0xffff  }
0x282: {  	v4 =	vor.u32 v21, v37;
	v1 =	vld [tilespmem:$0x1FEA0]  }
0x283: {  	v40 =	vld.idx.msk [tilespmem:v2+s20+$0x0], $0xffff  }
0x284: {  	v0 =	vor.u32 v32, v37;
	v41 =	vld.idx.msk [tilespmem:v2+s21+$0x0], $0xffff  }
0x285: {  	v42 =	vld.idx.msk [tilespmem:v3+s20+$0x0], $0xffff  }
0x286: {  	v44 =	vld.idx.msk [tilespmem:v3+s21+$0x0], $0xffff;
	v3 =	vor.u32 v24, v37  }
0x287: {  	v2 =	vld.idx.msk [tilespmem:v4+s20+$0x0], $0xffff  }
0x288: {  	v6 =	vor.u32 v26, v37;
	v4 =	vld.idx.msk [tilespmem:v4+s21+$0x0], $0xffff  }
0x289: {  	v62 =	vld.idx.msk [tilespmem:v0+s20+$0x0], $0xffff  }
0x28a: {  	v1 =	vor.u32 v1, v37;
	v63 =	vld.idx.msk [tilespmem:v0+s21+$0x0], $0xffff  }
0x28b: {  	p0 =	sne.s32 s2, $0x270;
	v9 =	vlaneseq.u32;
	v8 =	vld.idx.msk [tilespmem:v3+s20+$0x0], $0xffff  }
.Ltmp1:
0x28c: {  	v14 =	vor.u32 v9, v37;
	v9 =	vld.idx.msk [tilespmem:v3+s21+$0x0], $0xffff;
	(pc) =	sbr.rel @p0 .LBB2_5-.Ltmp1, $4  }
0x28d: {  	v3 =	vld.idx.msk [tilespmem:v6+s20+$0x0], $0xffff  }
0x28e: {  	v6 =	vld.idx.msk [tilespmem:v6+s21+$0x0], $0xffff  }
0x28f: {  	v0 =	vld.idx.msk [tilespmem:v1+s20+$0x0], $0xffff  }
0x290: {  	v18 =	vmov v28;
	s2 =	sadd.s32 $0x10, s2;
	v13 =	vor.u32 v22, v37;
	v12 =	vor.u32 v23, v37;
	v1 =	vld.idx.msk [tilespmem:v1+s21+$0x0], $0xffff  }
0x291: {  	_ =	sdelay $0x3  }
0x292: {  	v15 =	vld.idx.msk [tilespmem:v14+s21+$0x0], $0xffff  }
0x293: {  	v14 =	vld.idx.msk [tilespmem:v14+s20+$0x0], $0xffff  }
0x294: {  	v20 =	vld [tilespmem:$0x1FF50]  }
0x295: {  	v17 =	vld.idx.msk [tilespmem:v13+s20+$0x0], $0xffff  }
0x296: {  	v13 =	vld.idx.msk [tilespmem:v13+s21+$0x0], $0xffff  }
0x297: {  	v19 =	vld.idx.msk [tilespmem:v12+s20+$0x0], $0xffff;
	v43 =	vmul.f32 v45, v43  }
0x298: {  	v18 =	vor.u32 v18, v37;
	v45 =	vld [tilespmem:$0x1FF70]  }
0x299: {  	v12 =	vld.idx.msk [tilespmem:v12+s21+$0x0], $0xffff;
	[tilespmem:$0x1FDA0] =	vst v43;
	v43 =	vmul.f32 v47, v46;
	v46 =	vmul.f32 v49, v48  }
0x29a: {  	v47 =	vmul.f32 v51, v50;
	v50 =	vmul.f32 v56, v54;
	v56 =	vld [tilespmem:$0x1FE40]  }
0x29b: {  	v49 =	vmul.f32 v53, v52;
	v52 =	vmul.f32 v59, v58;
	v58 =	vld [tilespmem:$0x1FEC0];
	v16 =	vor.u32 v20, v37  }
0x29c: {  	v59 =	vld [tilespmem:$0x1FED0]  }
0x29d: {  	v45 =	vor.u32 v45, v37;
	v54 =	vld.idx.msk [tilespmem:v18+s20+$0x0], $0xffff  }
0x29e: {  	v0 =	vmul.f32 v1, v0;
	v1 =	vld.idx.msk [tilespmem:v18+s21+$0x0], $0xffff  }
0x29f: {  	v51 =	vor.u32 v56, v37;
	v56 =	vmul.f32 v63, v62;
	v63 =	vld [tilespmem:$0x1FF40]  }
0x2a0: {  	v48 =	vld.idx.msk [tilespmem:v16+s20+$0x0], $0xffff  }
0x2a1: {  	v16 =	vld.idx.msk [tilespmem:v16+s21+$0x0], $0xffff  }
0x2a2: {  	v2 =	vmul.f32 v4, v2;
	v4 =	vmul.f32 v7, v5;
	v5 =	vld.idx.msk [tilespmem:v45+s20+$0x0], $0xffff  }
0x2a3: {  	v7 =	vmul.f32 v9, v8;
	v8 =	vmul.f32 v11, v10;
	v10 =	vld.idx.msk [tilespmem:v45+s21+$0x0], $0xffff  }
0x2a4: {  	v11 =	vmul.f32 v15, v14;
	v18 =	vor.u32 v58, v37;
	v45 =	vld [tilespmem:$0x1FF30]  }
0x2a5: {  	v13 =	vmul.f32 v13, v17  }
0x2a6: {  	v12 =	vmul.f32 v12, v19;
	v9 =	vor.u32 v59, v37;
	v11 =	vadd.f32 $0.0e+00, v11  }
0x2a7: {  	v3 =	vmul.f32 v6, v3;
	v13 =	vadd.f32 $0.0e+00, v13;
	v15 =	vld.idx.msk [tilespmem:v51+s20+$0x0], $0xffff;
	v16 =	vmul.f32 v16, v48  }
0x2a8: {  	v12 =	vadd.f32 $0.0e+00, v12;
	v7 =	vadd.f32 v7, v11;
	v17 =	vor.u32 v63, v37;
	v19 =	vld.idx.msk [tilespmem:v51+s21+$0x0], $0xffff  }
0x2a9: {  	v1 =	vmul.f32 v1, v54;
	v14 =	vor.u32 v45, v37;
	v37 =	vld.idx.msk [tilespmem:v18+s20+$0x0], $0xffff;
	v16 =	vadd.f32 $0.0e+00, v16  }
0x2aa: {  	v8 =	vadd.f32 v8, v13;
	v11 =	vmul.f32 v57, v55;
	v3 =	vadd.f32 v3, v12;
	v18 =	vld.idx.msk [tilespmem:v18+s21+$0x0], $0xffff  }
0x2ab: {  	v2 =	vadd.f32 v2, v7;
	v13 =	vld.idx.msk [tilespmem:v9+s20+$0x0], $0xffff;
	v5 =	vmul.f32 v10, v5;
	v1 =	vadd.f32 v1, v16  }
0x2ac: {  	v44 =	vmul.f32 v44, v42;
	v4 =	vadd.f32 v4, v8;
	v3 =	vadd.f32 v11, v3;
	v9 =	vld.idx.msk [tilespmem:v9+s21+$0x0], $0xffff  }
0x2ad: {  	v2 =	vadd.f32 v56, v2;
	v8 =	vld.idx.msk [tilespmem:v17+s20+$0x0], $0xffff;
	v45 =	vmul.f32 v19, v15;
	v1 =	vadd.f32 v5, v1  }
0x2ae: {  	v53 =	vmul.f32 v61, v60;
	v0 =	vadd.f32 v0, v4;
	v3 =	vadd.f32 v44, v3;
	v10 =	vld.idx.msk [tilespmem:v17+s21+$0x0], $0xffff  }
0x2af: {  	v48 =	vmul.f32 v41, v40;
	v11 =	vld.idx.msk [tilespmem:v14+s20+$0x0], $0xffff;
	v51 =	vmul.f32 v18, v37;
	v1 =	vadd.f32 v45, v1  }
0x2b0: {  	v55 =	vmul.f32 v39, v38;
	v2 =	vadd.f32 v52, v2;
	v0 =	vadd.f32 v53, v0;
	v54 =	vld.idx.msk [tilespmem:v14+s21+$0x0], $0xffff  }
0x2b1: {  	v63 =	vld [tilespmem:$0x1FDA0];
	v3 =	vadd.f32 v48, v3;
	v56 =	vmul.f32 v9, v13;
	v1 =	vadd.f32 v51, v1  }
0x2b2: {  	v57 =	vmul.f32 v36, v35;
	v2 =	vadd.f32 v49, v2;
	v0 =	vadd.f32 v50, v0  }
0x2b3: {  	v3 =	vadd.f32 v55, v3;
	v60 =	vmul.f32 v10, v8;
	v1 =	vadd.f32 v56, v1  }
0x2b4: {  	v61 =	vmul.f32 v34, v33;
	v2 =	vadd.f32 v46, v2;
	v0 =	vadd.f32 v47, v0  }
0x2b5: {  	v3 =	vadd.f32 v57, v3;
	v62 =	vmul.f32 v54, v11;
	v1 =	vadd.f32 v60, v1  }
0x2b6: {  	v2 =	vadd.f32 v63, v2;
	v0 =	vadd.f32 v43, v0  }
0x2b7: {  	v3 =	vadd.f32 v61, v3;
	v1 =	vadd.f32 v62, v1;
	_ =	sdelay $0x1  }
0x2b8: {  	v0 =	vadd.f32 v0, v2;
	v1 =	vadd.f32 v1, v3;
	_ =	sdelay $0x1  }
0x2b9: {  	v0 =	vadd.f32 v1, v0;
	_ =	sdelay $0x1  }
0x2ba: {  	v0 =	vsub.f32 $0.0e+00, v0;
	_ =	sdelay $0x1  }
0x2bb: {  	v0 =	vmul.f32 $1.442695020e+00, v0;
	_ =	sdelay $0x1  }
0x2bc: {  	(erf) = vpow2.f32 v0;
	_ =	sdelay $0x8  }
0x2bd: {  	v0 =	vpop (erf)  }
0x2be: {  	v0 =	vadd.f32 $1.000000000e+00, v0;
	_ =	sdelay $0x1  }
0x2bf: {  	(erf) = vrcp.f32 v0;
	_ =	sdelay $0x8  }
0x2c0: {  	s2 =	sadd.s32 $0x10, s3;
	v0 =	vpop (erf)  }
0x2c1: {  	s31 =	sadd.s32 s4, s30;
	[tilespmem:s2+$0x0] =	vst v0  }
0x2c2: {  	[hbm4b:s31+s5] =	stream.linear.scatter [tilespmem:s24], [sflag:$0x5], $0x280, $0x38;
	[tilespmem:$0x14C80] =	vst v63  }
0x2c3: {  	_ =	swait.ge [sflag:s16], $0x280  }
0x2c4: {  	v34 =	vld [tilespmem:$0x1FF20]  }
0x2c5: {  	v43 =	vld [tilespmem:$0x1FEA0]  }
0x2c6: {  	v45 =	vld [tilespmem:$0x1FEB0]  }
0x2c7: {  	v37 =	vld [tilespmem:$0x1FE90]  }
0x2c8: {  	v14 =	vld [tilespmem:$0x1FE70]  }
0x2c9: {  	v35 =	vld [tilespmem:$0x1FE80]  }
0x2ca: {  	s29 =	sadd.s32 $0x1, s29;
	v9 =	vld [tilespmem:$0x1FE50]  }
0x2cb: {  	p0 =	sne.s32 s29, $0x14;
	v10 =	vld [tilespmem:$0x1FE60]  }
.Ltmp2:
0x2cc: {  	v40 =	vld [tilespmem:$0x1FF60];
	(pc) =	sbr.rel @p0 .LBB2_2-.Ltmp2, $4  }
0x2cd: {  	v17 =	vld [tilespmem:$0x1FEF0]  }
0x2ce: {  	v38 =	vmov v23;
	v23 =	vld [tilespmem:$0x1FF00]  }
0x2cf: {  	v36 =	vmov v22;
	v39 =	vmov v30;
	[sflag:s16] =	ssyncset.done $0x0;
	v15 =	vld [tilespmem:$0x1FF10]  }
0x2d0: {  	v22 =	vmovc v27;
	v19 =	vmovc v31;
	v18 =	vmov v32;
	v16 =	vmov v20;
	v61 =	vlaneseq.u32;
	v30 =	vld [tilespmem:$0x1FEE0];
	[sflag:s16] =	ssyncadd.s32 $0xFFFFFD80  }
0x2d1: {  	s28 =	sadd.s32 $0x1, s28  }
0x2d2: {  	p0 =	sne.s32 s28, s13  }
.Ltmp3:
0x2d3: {  	_ = 	snop;
	(pc) =	sbr.rel @p0 .LBB2_1-.Ltmp3, $1  }
0x2d4: {  	_ =	sdelay $0x3  }
0x2d5: {  	_ =	sfence.sel $0x180000  }
0x2d6: {  	[bflag:$0x0] =	sbarrier.arrive $0xFFFF  }
0x2d7: {  	_ =	strace $0x90000047  }
0x2d8: {  	s0 =	stileid.u32;
	[bflag:$0x2] =	sbarrier.arrive $0xFFFF  }
0x2d9: {  	p0 =	sne.s32 s0, $0x0;
	s0 =	rddreg [dreg:$0x4]  }
0x2da: {  	s0 =	sadd.s32 @!p0 $0x100000, s0  }
0x2db: {  	[sflag:s0] =	ssyncadd.tile.s32 @!p0 $0x1;
	_ =	shalt  }
.Lfunc_end2:
_tile_overlayer_lowered:
.L_overlay_start_2:
0x2dc: {  	(tag) =	ssettag $0x2  }
0x2dd: {  	s0 =	rddreg [dreg:$0x0];
	s2 =	stileid.u32  }
0x2de: {  	s1 =	rddreg [dreg:$0x1];
	p0 =	sne.s32 s2, $0x0  }
0x2df: {  	s3 =	rddreg [dreg:$0x2];
	[bflag:$0x3] =	sbarrier.arrive $0xFFFF;
	s2 =	simm.s32 @!p0 $0x1C05  }
0x2e0: {  	[timem:s3], [sflag:s2] =	dma.local @!p0 [hbm:s0], s1  }
0x2e1: {  	s0 =	simm.s32 @!p0 $0x5  }
0x2e2: {  	_ =	swait.ge @!p0 [sflag:s0], s1  }
0x2e3: {  	s1 =	ssub.s32 @!p0 $0x0, s1;
	[sflag:s0] =	ssyncset.done @!p0 $0x0  }
0x2e4: {  	[sflag:s0] =	ssyncadd.s32 @!p0 s1  }
0x2e5: {  	[bflag:$0x3] =	sbarrier.arrive $0xFFFF  }
0x2e6: {  	_ =	shalt  }

// kernel: kernel.7.cloned.1.call-start
scs
__scs_entry_jumppad:
0x0: {  	(pc) =	sbr.rel $0x88, $3  }
0x1: {  	(tag) =	ssettag $0x0;
	lr =	simm.s32 $0x1  }
0x2: {  	[smem:$0x3F9A] =	sst lr;
	_ =	strace $0xD0000000  }
0x3: {  	_ = 	snop  }
0x4: {  	_ = 	snop  }
0x5: {  	_ = 	snop  }
0x6: {  	_ = 	snop  }
0x7: {  	_ = 	snop  }
__scs_overlays_trampoline_lowered:
0x8: {  	[smem:$0x3FA9] =	sst s0  }
0x9: {  	[smem:$0x3FAA] =	sst s1  }
0xa: {  	[smem:$0x3FAB] =	sst s2  }
0xb: {  	[smem:$0x3FAC] =	sst s3  }
0xc: {  	[smem:$0x3FAD] =	sst s4  }
0xd: {  	[smem:$0x3FAE] =	sst s5  }
0xe: {  	[smem:$0x3FAF] =	sst s6  }
0xf: {  	[smem:$0x3FB0] =	sst s7  }
0x10: {  	[smem:$0x3FB1] =	sst s8  }
0x11: {  	[smem:$0x3FB2] =	sst s9;
	s0 =	simm.s32 @!p0 $0x0  }
0x12: {  	s1 =	sld [smem:$0x3F98];
	s0 =	simm.s32 @p0 $0x1  }
0x13: {  	[smem:$0x3FB3] =	sst s0;
	s0 =	simm.s32 @!p1 $0x0  }
0x14: {  	s2 =	sld [smem:$0x3F97];
	s0 =	simm.s32 @p1 $0x1  }
0x15: {  	[smem:$0x3FB4] =	sst s0;
	s0 =	simm.s32 @!p2 $0x0  }
0x16: {  	s3 =	sld [smem:$0x3FDB];
	s0 =	simm.s32 @p2 $0x1  }
0x17: {  	s4 =	simm.s32 $0x1BF5;
	[smem:$0x3FB6] =	sst s0  }
0x18: {  	s0 =	sld [smem:$0x3F99];
	_ =	swait.ge [sflag:s4], $0x0  }
0x19: {  	s7 =	sld [smem:$0x3F9A]  }
0x1a: {  	s8 =	sadd.s32 $0xFFFFE003, lr  }
0x1b: {  	s9 =	sadd.s32 $0xFFFFFEF7, lr;
	s5 =	simm.s32 $0xFFFFFFFF;
	p2 =	slt.u32 s8, $0xFFFFF086  }
0x1c: {  	p1 =	slt.u32 s9, $0xF7A;
	s5 =	simm.s32 @!p2 $0x0  }
0x1d: {  	s5 =	simm.s32 @p1 $0x1;
	p0 =	seq.s32 s7, s2  }
0x1e: {  	s7 =	smul.u32 @!p0 $0xF7A, s2;
	p2 =	seq.s32 @!p0 s5, $0x0  }
0x1f: {  	s9 =	smul.u32 $0xF7A, s1;
	s8 =	simm.s32 @!p0 $0x1BF5;
	p2 =	por !p2, p0  }
0x20: {  	[sflag:s8] =	ssyncset.s32 @!p0 $0xFFFFF086;
	s6 =	sadd.s32 @!p0 s3, s7;
	s7 =	simm.s32 @!p0 $0x108  }
0x21: {  	s3 =	sadd.s32 s3, s9;
	s6 =	sadd.s32 @!p0 $0x88, s6;
	s7 =	simm.s32 @p2 $0x1082  }
0x22: {  	[simem:s7], [sflag:s8] =	dma.local @!p0 [hbm:s6], $0xF7A  }
0x23: {  	s9 =	sor.u32 $0xD0000000, s2;
	s6 =	simm.s32 $0x108;
	_ =	swait.ge @!p0 [sflag:s8], $0x0  }
0x24: {  	s3 =	sadd.s32 $0x88, s3;
	s6 =	simm.s32 @!p1 $0x1082;
	[sflag:s4] =	ssyncset.s32 $0xFFFFF086  }
0x25: {  	[simem:s6], [sflag:s4] =	dma.local [hbm:s3], $0xF7A  }
0x26: {  	[smem:$0x3F9A] =	sst s1;
	(tag) =	ssettag s2;
	_ =	strace s9  }
0x27: {  	s1 =	sld [smem:$0x3FAA]  }
0x28: {  	s2 =	sld [smem:$0x3FAB]  }
0x29: {  	s4 =	sld [smem:$0x3FAD]  }
0x2a: {  	p0 =	seq.s32 s5, $0x0;
	s5 =	sld [smem:$0x3FAE]  }
0x2b: {  	s6 =	sld [smem:$0x3FAF]  }
0x2c: {  	s7 =	sld [smem:$0x3FB0]  }
0x2d: {  	s3 =	simm.s32 $0x108;
	s8 =	sld [smem:$0x3FB1]  }
0x2e: {  	s3 =	simm.s32 @!p0 $0x1082;
	s9 =	sld [smem:$0x3FB2]  }
0x2f: {  	lr =	sadd.s32 s0, s3;
	s0 =	sld [smem:$0x3FA9]  }
0x30: {  	s3 =	sld [smem:$0x3FAC]  }
0x31: {  	[smem:$0x3FB5] =	sst s10  }
0x32: {  	s10 =	sld [smem:$0x3FB3];
	_ =	sdelay $0x3  }
0x33: {  	p0 =	seq.s32 s10, $0x1;
	s10 =	sld [smem:$0x3FB5];
	_ =	sdelay $0x3  }
0x34: {  	[smem:$0x3FB5] =	sst s10  }
0x35: {  	s10 =	sld [smem:$0x3FB4];
	_ =	sdelay $0x3  }
0x36: {  	p1 =	seq.s32 s10, $0x1;
	s10 =	sld [smem:$0x3FB5];
	_ =	sdelay $0x3  }
0x37: {  	[smem:$0x3FB5] =	sst s10  }
0x38: {  	s10 =	sld [smem:$0x3FB6]  }
0x39: {  	_ = 	snop;
	(pc) =	sbr.ind lr, $3  }
0x3a: {  	_ = 	snop  }
0x3b: {  	_ = 	snop  }
0x3c: {  	p2 =	seq.s32 s10, $0x1;
	s10 =	sld [smem:$0x3FB5]  }
0x3d: {  	_ =	shalt  }
0x3e: {  	_ =	shalt  }
0x3f: {  	_ =	shalt  }
0x40: {  	_ =	shalt  }
0x41: {  	_ =	shalt  }
0x42: {  	_ =	shalt  }
0x43: {  	_ =	shalt  }
0x44: {  	_ =	shalt  }
0x45: {  	_ =	shalt  }
0x46: {  	_ =	shalt  }
0x47: {  	_ =	shalt  }
0x48: {  	_ =	shalt  }
0x49: {  	_ =	shalt  }
0x4a: {  	_ =	shalt  }
0x4b: {  	_ =	shalt  }
0x4c: {  	_ =	shalt  }
0x4d: {  	_ =	shalt  }
0x4e: {  	_ =	shalt  }
0x4f: {  	_ =	shalt  }
0x50: {  	_ =	shalt  }
0x51: {  	_ =	shalt  }
0x52: {  	_ =	shalt  }
0x53: {  	_ =	shalt  }
0x54: {  	_ =	shalt  }
0x55: {  	_ =	shalt  }
0x56: {  	_ =	shalt  }
0x57: {  	_ =	shalt  }
0x58: {  	_ =	shalt  }
0x59: {  	_ =	shalt  }
0x5a: {  	_ =	shalt  }
0x5b: {  	_ =	shalt  }
0x5c: {  	_ =	shalt  }
0x5d: {  	_ =	shalt  }
0x5e: {  	_ =	shalt  }
0x5f: {  	_ =	shalt  }
0x60: {  	_ =	shalt  }
0x61: {  	_ =	shalt  }
0x62: {  	_ =	shalt  }
0x63: {  	_ =	shalt  }
0x64: {  	_ =	shalt  }
0x65: {  	_ =	shalt  }
0x66: {  	_ =	shalt  }
0x67: {  	_ =	shalt  }
0x68: {  	_ =	shalt  }
0x69: {  	_ =	shalt  }
0x6a: {  	_ =	shalt  }
0x6b: {  	_ =	shalt  }
0x6c: {  	_ =	shalt  }
0x6d: {  	_ =	shalt  }
0x6e: {  	_ =	shalt  }
0x6f: {  	_ =	shalt  }
0x70: {  	_ =	shalt  }
0x71: {  	_ =	shalt  }
0x72: {  	_ =	shalt  }
0x73: {  	_ =	shalt  }
0x74: {  	_ =	shalt  }
0x75: {  	_ =	shalt  }
0x76: {  	_ =	shalt  }
0x77: {  	_ =	shalt  }
0x78: {  	_ =	shalt  }
0x79: {  	_ =	shalt  }
0x7a: {  	_ =	shalt  }
0x7b: {  	_ =	shalt  }
0x7c: {  	_ =	shalt  }
0x7d: {  	_ =	shalt  }
0x7e: {  	_ =	shalt  }
0x7f: {  	_ =	shalt  }
0x80: {  	_ =	shalt  }
0x81: {  	_ =	shalt  }
0x82: {  	_ =	shalt  }
0x83: {  	_ =	shalt  }
0x84: {  	_ =	shalt  }
0x85: {  	_ =	shalt  }
0x86: {  	_ =	shalt  }
0x87: {  	_ =	shalt  }
.Lfunc_end0:
.L_simem_size_0:
called_computation.1_lowered:
.L_overlay_start_0:
0x88: {  	s2 =	sld [smem:$0x3FD9]  }
0x89: {  	s3 =	sld [smem:$0x3FFE];
	_ =	sdelay $0x1  }
0x8a: {  	s1 =	srdreg.scid  }
0x8b: {  	s0 =	sand.u32 $0x1, s1  }
0x8c: {  	s14 =	sshll.u32 s0, $0xA;
	s2 =	sadd.s32 s3, s2  }
0x8d: {  	s2 =	sadd.s32 s2, s14  }
0x8e: {  	[smem:$0x3FC1] =	sst s2  }
0x8f: {  	_ = 	snop  }
0x90: {  	s2 =	sld [smem:$0x3FD0];
	_ =	sdelay $0x2  }
0x91: {  	s4 =	simm.s32 $0xA;
	s5 =	simm.s32 $0x10;
	s15 =	sld [smem:$0x3FC3]  }
0x92: {  	[smem:s5], [sflag:s4] =	dma.local [hbm:s2], $0x1  }
0x93: {  	_ =	swait.eq [sflag:s4], $0x1  }
0x94: {  	[sflag:s4] =	ssyncset.done $0x0  }
0x95: {  	[sflag:s4] =	ssyncadd.s32 $0xFFFFFFFF  }
0x96: {  	s16 =	sld [smem:$0x11];
	(tm) =	ssettm $0x1  }
0x97: {  	s17 =	sld [smem:$0x3FFB];
	_ =	sdelay $0x3  }
0x98: {  	_ =	strace s17  }
0x99: {  	s4 =	sld [smem:$0x3FFC];
	_ =	sdelay $0x3  }
0x9a: {  	_ =	strace s4  }
0x9b: {  	s4 =	sld [smem:$0x3FFD];
	_ =	sdelay $0x3  }
0x9c: {  	_ =	strace s4  }
0x9d: {  	_ =	strace $0x8FFFFFFF  }
0x9e: {  	s18 =	sld [smem:$0x3FDB];
	_ =	sdelay $0x1  }
0x9f: {  	s19 =	simm.s32 $_scs_section_size  }
0xa0: {  	s6 =	simm.s32 $_size__tile_overlayer_lowered;
	s7 =	simm.s32 $_tile_overlayer_lowered  }
0xa1: {  	s22 =	simm.s32 $0x1BFF;
	s21 =	sshll.u32 s7, $0x1;
	s4 =	sadd.s32 s19, s18  }
0xa2: {  	s8 =	simm.s32 $0x0;
	s20 =	sshll.u32 s6, $0x1;
	s6 =	sadd.s32 s21, s4  }
0xa3: {  	[timem:s8], [sflag:s22] =	dma.local [hbm:s6], s20  }
0xa4: {  	_ =	swait.ge [sflag:s22], s20  }
0xa5: {  	s5 =	ssub.s32 $0x0, s20;
	[sflag:s22] =	ssyncset.done $0x0  }
0xa6: {  	[sflag:s22] =	ssyncadd.s32 s5;
	_ =	sdelay $0x1  }
0xa7: {  	s23 =	simm.s32 $0x1B8B  }
0xa8: {  	_ =	swait.ge [sflag:s23], $0x1  }
0xa9: {  	[sflag:s23] =	ssyncset.done $0x0  }
0xaa: {  	s25 =	simm.s32 $0x1B8E;
	s24 =	sld [smem:$0x3FFE];
	[sflag:s23] =	ssyncadd.s32 $0xFFFFFFFF  }
0xab: {  	s26 =	simm.s32 $execute0_lowered;
	[smem:$0x3FD2] =	sst s25  }
0xac: {  	s6 =	sshll.u32 s26, $0x1;
	_ =	strace $0x80000049;
	[dreg:$0x1] =	wrdreg $0xFFFFFFFF  }
0xad: {  	s28 =	simm.s32 $_size_execute0_lowered;
	s4 =	sadd.s32 s4, s6;
	[dreg:$0x0] =	wrdreg $0x0  }
0xae: {  	s6 =	sshll.u32 s28, $0x1;
	[dreg:$0x2] =	wrdreg s4  }
0xaf: {  	[dreg:$0x3] =	wrdreg s6  }
0xb0: {  	[dreg:$0x4] =	wrdreg $0xC0  }
0xb1: {  	_ =	task [dreg:s8], $0x5FFFF  }
0xb2: {  	[dreg:$0x1] =	wrdreg $0xFFFFFFFF  }
0xb3: {  	[dreg:$0x0] =	wrdreg $0x60  }
0xb4: {  	[dreg:$0x2] =	wrdreg s24  }
0xb5: {  	[dreg:$0x3] =	wrdreg s15  }
0xb6: {  	[dreg:$0x4] =	wrdreg s16  }
0xb7: {  	[dreg:$0x5] =	wrdreg $0x9  }
0xb8: {  	_ =	task.clear_ibuf [dreg:s8], $0x6FFFF;
	_ =	strace $0x90000049  }
0xb9: {  	s29 =	simm.s32 $0x9;
	_ =	strace $0x8000004B  }
0xba: {  	_ =	swait.ge [sflag:s29], $0x1  }
0xbb: {  	[sflag:s29] =	ssyncadd.s32 $0xFFFFFFFF  }
0xbc: {  	_ =	strace $0x9000004B  }
0xbd: {  	_ =	sfence  }
0xbe: {  	s30 =	sld [smem:$0x0];
	_ =	sdelay $0x2  }
0xbf: {  	s31 =	sshll.u32 s1, $0xD;
	s1 =	sshrl.u32 s1, $0x2  }
0xc0: {  	s3 =	sand.u32 $0x4000, s31;
	s1 =	sadd.s32 s1, s30  }
0xc1: {  	s0 =	sor.u32 s3, s0;
	s1 =	sshll.u32 s1, $0x11  }
0xc2: {  	s0 =	sor.u32 s1, s0  }
0xc3: {  	s0 =	sadd.s32 $0x8F2B, s0  }
0xc4: {  	[sflag:s0] =	ssyncadd.remote.s32 $0x1  }
0xc5: {  	_ =	sfence.sel $0xFFFF  }
0xc6: {  	[dreg:$0x0] =	wrdreg $0xFFFFFFFF;
	(pc) =	sbr.abs _section_cstart, $3  }
0xc7: {  	[dreg:$0x1] =	wrdreg $0xFFFFFFFF  }
0xc8: {  	_ =	task.clear_ibuf [dreg:s8], $0x2FFFF;
	_ =	strace $0x9FFFFFFF  }
0xc9: {  	(tm) =	ssettm $0x7FFFFFFF  }
tec
execute0_lowered:
.L_overlay_start_1:
0x0: {  	(tag) =	ssettag $0x1  }
0x1: {  	v61 =	vlaneseq.u32  }
0x2: {  	v53 =	vimm.s32 $0x14131211;
	v1 =	vimm.s32 $0x18171615;
	v2 =	vimm.s32 $0x1C1B1A19  }
0x3: {  	v3 =	vimm.s32 $0x1F1E1D;
	v4 =	vimm.s32 $0x15141312;
	v5 =	vimm.s32 $0x19181716  }
0x4: {  	vm0 =	vcmask $0x1F10;
	v7 =	vimm.s32 $0x1D1C1B1A;
	v60 =	vimm.s32 $0x1001F1E  }
0x5: {  	v8 =	vimm.s32 $0x16151413;
	v9 =	vimm.s32 $0x1A191817;
	v10 =	vimm.s32 $0x1E1D1C1B  }
0x6: {  	v11 =	vimm.s32 $0x201001F;
	v12 =	vimm.s32 $0x3020100;
	v13 =	vimm.s32 $0x1F1E1D1C  }
0x7: {  	v14 =	vimm.s32 $0x17161514;
	v18 =	vimm.s32 $0x1B1A1918;
	v19 =	vimm.s32 $0x4030201  }
0x8: {  	v41 =	vimm.s32 $0x76543210;
	v42 =	vimm.s32 $0x87654321;
	v44 =	vimm.s32 $0x98765432  }
0x9: {  	v48 =	vimm.s32 $0xA9876543;
	v56 =	vimm.s32 $0x6543A987;
	vm15 =	vcmask $0x2F10  }
0xa: {  	v57 =	vimm.s32 $0xB0A0908;
	vm1 =	vcmask $0x3F30;
	v34 =	vmul.u32 $0x20, v61  }
0xb: {  	v36 =	vadd.s32 $0x1, v61;
	v38 =	vadd.s32 $0x2, v61;
	v16 =	vadd.s32 $0x3, v61  }
0xc: {  	v17 =	vadd.s32 $0x4, v61;
	v28 =	vadd.s32 $0x7, v61;
	v22 =	vadd.s32 $0x9, v61  }
0xd: {  	v29 =	vadd.s32 $0xA, v61;
	v32 =	vadd.s32 $0xB, v61;
	v33 =	vadd.s32 $0xC, v61  }
0xe: {  	v43 =	vadd.s32 $0xD, v61;
	v45 =	vadd.s32 $0xE, v61;
	v0 =	vadd.s32 $0xF, v61  }
0xf: {  	v1 =	vunpack.c.0.s8.s32 v1;
	v2 =	vunpack.c.0.s8.s32 v2;
	v3 =	vunpack.c.0.s8.s32 v3  }
0x10: {  	v4 =	vunpack.c.0.s8.s32 v4;
	v5 =	vunpack.c.0.s8.s32 v5;
	v55 =	vunpack.c.0.s8.s32 v7  }
0x11: {  	s1 =	rddreg [dreg:$0x0];
	s4 =	stileid.u32;
	v7 =	vunpack.c.0.s8.s32 v60;
	v8 =	vunpack.c.0.s8.s32 v8;
	v9 =	vunpack.c.0.s8.s32 v9  }
0x12: {  	s0 =	rddreg [dreg:$0x1];
	v10 =	vunpack.c.0.s8.s32 v10;
	v11 =	vunpack.c.0.s8.s32 v11;
	v12 =	vunpack.c.0.s8.s32 v12;
	s5 =	sshll.u32 s4, $0x1;
	s4 =	simm.s32 $0x0  }
0x13: {  	v13 =	vunpack.c.0.s8.s32 v13;
	v14 =	vunpack.c.0.s8.s32 v14;
	v24 =	vunpack.c.0.s8.s32 v18;
	[tilespmem:$0x1FE40] =	vst v0;
	[smem:$0x7FF] =	sst s4  }
0x14: {  	s3 =	rddreg [dreg:$0x2];
	v47 =	vunpack.c.l.s4.s8 v44;
	v0 =	vunpack.c.0.s8.s32 v53;
	v6 =	vsel vm0, v3, v2;
	_ =	strace $0x8000004A;
	[tilespmem:$0x1FEA0] =	vst v43  }
0x15: {  	v54 =	vsel vm0, v5, v4;
	v26 =	vsel vm0, v7, v55;
	v8 =	vsel vm0, v9, v8;
	[tilespmem:$0x1FEB0] =	vst v45  }
0x16: {  	v27 =	vsel vm0, v11, v10;
	v12 =	vsel vm0, v12, v13;
	v14 =	vsel vm0, v24, v14;
	[tilespmem:$0x1FF20] =	vst v34  }
0x17: {  	v4 =	vsel vm0, v55, v5;
	v40 =	vsel vm0, v10, v9;
	v46 =	vsel vm0, v13, v24;
	[tilespmem:$0x1FF50] =	vst v16  }
0x18: {  	v5 =	vunpack.c.l.s4.s8 v48;
	v55 =	vimm.s32 $0x54329876;
	[tilespmem:$0x1FF70] =	vst v32;
	v0 =	vsel vm0, v1, v0  }
0x19: {  	[tilespmem:$0x1FF80] =	vst v38;
	v39 =	vcombine.low v14, v12;
	v12 =	vunpack.c.0.s8.s32 v19;
	v14 =	vimm.s32 $0x5040302  }
0x1a: {  	[tilespmem:$0x1FF90] =	vst v36;
	v1 =	vsel vm0, v2, v1;
	v19 =	vcombine.low v54, v26;
	v58 =	vcombine.low v8, v27  }
0x1b: {  	[tilespmem:$0x1FFA0] =	vst v29;
	v54 =	vimm.s32 $0x43218765;
	v37 =	vcombine.low v0, v6;
	v62 =	vunpack.c.0.s8.s32 v14  }
0x1c: {  	[tilespmem:$0x1FFB0] =	vst v22;
	v14 =	vimm.s32 $0x6050403;
	v52 =	vunpack.c.0.s8.s32 v5;
	v5 =	vunpack.c.l.s4.s8 v56  }
0x1d: {  	[tilespmem:$0x1FFC0] =	vst v28;
	v24 =	vmovc v17;
	v17 =	vor.u32 $0x10, v61;
	v63 =	vunpack.c.0.s8.s32 v14;
	v8 =	vsel vm0, v12, v3  }
0x1e: {  	[tilespmem:$0x1FFD0] =	vst v33;
	v2 =	vsel vm0, v62, v7;
	v14 =	vcombine.low v1, v8;
	v1 =	vunpack.c.0.s8.s32 v47  }
0x1f: {  	[tilespmem:$0x1FEC0] =	vst v58;
	v8 =	vimm.s32 $0x32107654;
	v5 =	vunpack.c.0.s8.s32 v5;
	v62 =	vimm.s32 $0xC0B0A09  }
0x20: {  	[tilespmem:$0x1FEF0] =	vst v17;
	v35 =	vcombine.low v4, v2;
	v0 =	vsel vm0, v63, v11;
	v2 =	vunpack.c.l.s4.s8 v41  }
0x21: {  	[tilespmem:$0x1FFE0] =	vst v19;
	v4 =	vunpack.c.l.s4.s8 v42;
	v50 =	vunpack.c.l.s4.s8 v8;
	v63 =	vimm.s32 $0xD0C0B0A  }
0x22: {  	[tilespmem:$0x1FFF0] =	vst v39;
	v8 =	vimm.s32 $0xE0D0C0B;
	v59 =	vcombine.low v40, v0;
	v51 =	vand.u32 $0xF, v1  }
0x23: {  	[tilespmem:$0x1FE90] =	vst v37;
	v1 =	vand.u32 $0xF, v52;
	v5 =	vand.u32 $0xF, v5;
	v2 =	vunpack.c.0.s8.s32 v2  }
0x24: {  	[tilespmem:$0x1FE70] =	vst v14;
	v4 =	vunpack.c.0.s8.s32 v4;
	v40 =	vcombine.low v26, v51;
	v53 =	vunpack.c.0.s8.s32 v50  }
0x25: {  	s2 =	srdreg.scid;
	s15 =	simm.s32 $0x280;
	v48 =	vcombine.low v27, v1;
	[tilespmem:$0x1FE80] =	vst v35;
	v9 =	vcombine.low v46, v2;
	v2 =	vunpack.c.l.s4.s8 v54  }
0x26: {  	s16 =	simm.s32 $0x5;
	s17 =	simm.s32 $0xA00;
	s18 =	simm.s32 $0xAA00;
	[tilespmem:$0x1FED0] =	vst v59;
	v49 =	vand.u32 $0xF, v4;
	v0 =	vand.u32 $0xF, v53;
	v4 =	vunpack.c.l.s4.s8 v55  }
0x27: {  	s19 =	simm.s32 $0x780;
	s20 =	simm.s32 $0x5A00;
	s21 =	simm.s32 $0xFA00;
	[tilespmem:$0x1FF40] =	vst v48;
	v10 =	vcombine.low v6, v49;
	v6 =	vunpack.c.0.s8.s32 v57;
	v2 =	vunpack.c.0.s8.s32 v2  }
0x28: {  	s22 =	simm.s32 $0x1;
	s23 =	simm.s32 $0x3;
	s24 =	simm.s32 $0x14A00;
	v8 =	vunpack.c.0.s8.s32 v8;
	[tilespmem:$0x1FF60] =	vst v40;
	v0 =	vsel vm15, v0, v13;
	v4 =	vunpack.c.0.s8.s32 v4  }
0x29: {  	s25 =	simm.s32 $0x2;
	s26 =	simm.s32 $0x4;
	s2 =	sand.u32 $0x1, s2;
	v5 =	vsel vm15, v5, v11;
	[tilespmem:$0x1FE50] =	vst v9;
	v23 =	vsel vm1, v6, v0;
	v2 =	vand.u32 $0xF, v2  }
0x2a: {  	s28 =	simm.s32 $0x0;
	s5 =	sor.u32 s2, s5;
	s2 =	ssub.s32 $0x2, s2;
	[tilespmem:$0x1FE60] =	vst v10;
	v60 =	vand.u32 $0xF, v4;
	v4 =	vunpack.c.0.s8.s32 v62;
	v2 =	vsel vm15, v2, v3  }
0x2b: {  	s6 =	sadd.s32 $0xF42E00, s1;
	s5 =	smul.u32 $0x2800, s5;
	s9 =	sshrl.u32 s2, $0x1;
	[tilespmem:$0x1FF00] =	vst v23;
	v3 =	vsel vm15, v60, v7;
	v7 =	vunpack.c.0.s8.s32 v63;
	v60 =	vsel vm1, v8, v5  }
0x2c: {  	s7 =	sadd.s32 $0x1313800, s1;
	s8 =	sadd.s32 $0x16E4200, s1;
	s31 =	ssub.s32 s2, s9;
	v15 =	vsel vm1, v4, v2;
	[tilespmem:$0x1FF30] =	vst v60  }
0x2d: {  	v20 =	vadd.s32 $0x6, v61;
	s10 =	sshrl.u32 s5, $0x3;
	s11 =	sor.u32 $0x280, s5;
	s12 =	sor.u32 $0x500, s5;
	v30 =	vsel vm1, v7, v3;
	[tilespmem:$0x1FF10] =	vst v15  }
0x2e: {  	v25 =	vadd.s32 $0x5, v61;
	v21 =	vadd.s32 $0x8, v61;
	v18 =	vmovc v33;
	s13 =	smax.u32 s31, $0x1;
	s9 =	sadd.s32 s7, s10;
	s10 =	sadd.s32 s0, s10;
	v26 =	vmov v20;
	[tilespmem:$0x1FEE0] =	vst v30  }
.LBB2_1:
0x2f: {  	[tilespmem:s4], [sflag:$0x5] =	stream.linear.gather [hbm4b:s9+s4], $0x280, $0x38;
	[tilespmem:$0x14C80] =	vst v63  }
0x30: {  	_ =	swait.ge [sflag:s16], $0x280  }
0x31: {  	[sflag:s16] =	ssyncset.done $0x0  }
0x32: {  	s1 =	simm.s32 $0x500;
	[sflag:s16] =	ssyncadd.s32 $0xFFFFFD80  }
0x33: {  	[tilespmem:s1], [sflag:$0x5] =	stream.linear.gather [hbm4b:s10+s4], $0x280, $0x38;
	[tilespmem:$0x14C80] =	vst v63  }
0x34: {  	_ =	swait.ge [sflag:s16], $0x280  }
0x35: {  	[sflag:s16] =	ssyncset.done $0x0  }
0x36: {  	[sflag:s16] =	ssyncadd.s32 $0xFFFFFD80  }
0x37: {  	[tilespmem:s17], [sflag:$0x1] =	stream.indirect.gather [hbm4b:s6+s15], $0x20, s4, s15, $0xb8;
	[tilespmem:$0x14C80] =	vst v63  }
0x38: {  	s29 =	simm.s32 $0x0  }
0x39: {  	[tilespmem:s18], [sflag:$0x3] =	stream.indirect.gather [hbm4b:s8+s15], $0x20, s1, s15, $0xb8;
	[tilespmem:$0x14C80] =	vst v63  }
.LBB2_2:
0x3a: {  	s31 =	smul.u32 $0x500, s29;
	_ =	sdelay $0x1  }
0x3b: {  	s1 =	sadd.s32 s31, s11  }
0x3c: {  	s30 =	sshrl.u32 s1, $0x3  }
0x3d: {  	s2 =	simm.s32 $0x0;
	s1 =	sadd.s32 s7, s30  }
0x3e: {  	[tilespmem:s15], [sflag:$0x5] =	stream.linear.gather [hbm4b:s1+s2], $0x280, $0x38;
	[tilespmem:$0x14C80] =	vst v63  }
0x3f: {  	_ =	swait.ge [sflag:s16], $0x280  }
0x40: {  	[sflag:s16] =	ssyncset.done $0x0  }
0x41: {  	s14 =	sadd.s32 s0, s30;
	[sflag:s16] =	ssyncadd.s32 $0xFFFFFD80  }
0x42: {  	[tilespmem:s19], [sflag:$0x5] =	stream.linear.gather [hbm4b:s14+s2], $0x280, $0x38;
	[tilespmem:$0x14C80] =	vst v63  }
0x43: {  	_ =	swait.ge [sflag:s16], $0x280  }
0x44: {  	[sflag:s16] =	ssyncset.done $0x0  }
0x45: {  	[sflag:s16] =	ssyncadd.s32 $0xFFFFFD80  }
0x46: {  	[tilespmem:s20], [sflag:$0x2] =	stream.indirect.gather [hbm4b:s6+s15], $0x20, s15, s15, $0xb8;
	[tilespmem:$0x14C80] =	vst v63  }
0x47: {  	v0 =	vmov s2  }
0x48: {  	v0 =	vshll.u32 v0, $0x5;
	[tilespmem:s21], [sflag:$0x4] =	stream.indirect.gather [hbm4b:s8+s15], $0x20, s19, s15, $0xb8;
	[tilespmem:$0x14C80] =	vst v63  }
0x49: {  	v0 =	vor.u32 v34, v0;
	_ =	swait.ge [sflag:s22], $0x5000  }
0x4a: {  	v1 =	vor.u32 v23, v0;
	[sflag:s22] =	ssyncset.done $0x0  }
0x4b: {  	[sflag:s22] =	ssyncadd.s32 $0xFFFFB000  }
0x4c: {  	v2 =	vor.u32 v15, v0;
	_ =	swait.ge [sflag:s23], $0x5000  }
0x4d: {  	v51 =	vor.u32 v29, v0;
	[sflag:s23] =	ssyncset.done $0x0;
	v29 =	vld [tilespmem:$0x1FFC0]  }
0x4e: {  	v27 =	vmov v21;
	v3 =	vor.u32 v30, v0;
	v47 =	vor.u32 v21, v0;
	v21 =	vld [tilespmem:$0x1FF70];
	[sflag:s23] =	ssyncadd.s32 $0xFFFFB000  }
0x4f: {  	v4 =	vmov v38;
	v5 =	vor.u32 v9, v0;
	v38 =	vld.idx.msk [tilespmem:v1+s17+$0x0], $0xffff  }
0x50: {  	v34 =	vld.idx.msk [tilespmem:v1+s18+$0x0], $0xffff  }
0x51: {  	v7 =	vor.u32 v10, v0;
	v33 =	vld.idx.msk [tilespmem:v2+s17+$0x0], $0xffff  }
0x52: {  	v12 =	vld.idx.msk [tilespmem:v2+s18+$0x0], $0xffff  }
0x53: {  	v28 =	vmov v9;
	v9 =	vor.u32 v39, v0;
	v1 =	vld.idx.msk [tilespmem:v3+s17+$0x0], $0xffff  }
0x54: {  	v6 =	vld.idx.msk [tilespmem:v5+s17+$0x0], $0xffff  }
0x55: {  	v13 =	vor.u32 v35, v0;
	v5 =	vld.idx.msk [tilespmem:v5+s18+$0x0], $0xffff  }
0x56: {  	v32 =	vmov v10;
	v56 =	vor.u32 v17, v0;
	v10 =	vld.idx.msk [tilespmem:v7+s17+$0x0], $0xffff  }
0x57: {  	v7 =	vld.idx.msk [tilespmem:v7+s18+$0x0], $0xffff  }
0x58: {  	v11 =	vor.u32 v14, v0;
	v57 =	vor.u32 v37, v0;
	v14 =	vld.idx.msk [tilespmem:v9+s17+$0x0], $0xffff  }
0x59: {  	v9 =	vld.idx.msk [tilespmem:v9+s18+$0x0], $0xffff  }
0x5a: {  	v60 =	vor.u32 v19, v0;
	v2 =	vld.idx.msk [tilespmem:v13+s17+$0x0], $0xffff  }
0x5b: {  	v8 =	vor.u32 v40, v0;
	v40 =	vld.idx.msk [tilespmem:v56+s17+$0x0], $0xffff  }
0x5c: {  	v41 =	vor.u32 v18, v0;
	v35 =	vld.idx.msk [tilespmem:v56+s18+$0x0], $0xffff  }
0x5d: {  	v42 =	vld.idx.msk [tilespmem:v57+s17+$0x0], $0xffff  }
0x5e: {  	v20 =	vmov v37;
	v62 =	vor.u32 v43, v0;
	v37 =	vld.idx.msk [tilespmem:v57+s18+$0x0], $0xffff  }
0x5f: {  	v63 =	vor.u32 v45, v0;
	v44 =	vld.idx.msk [tilespmem:v60+s17+$0x0], $0xffff  }
0x60: {  	v39 =	vld.idx.msk [tilespmem:v60+s18+$0x0], $0xffff  }
0x61: {  	v46 =	vld.idx.msk [tilespmem:v41+s17+$0x0], $0xffff  }
0x62: {  	v41 =	vld.idx.msk [tilespmem:v41+s18+$0x0], $0xffff  }
0x63: {  	v48 =	vld.idx.msk [tilespmem:v62+s17+$0x0], $0xffff  }
0x64: {  	v49 =	vor.u32 v22, v0;
	v50 =	vld.idx.msk [tilespmem:v63+s17+$0x0], $0xffff  }
0x65: {  	v19 =	vmov v45;
	v45 =	vld.idx.msk [tilespmem:v63+s18+$0x0], $0xffff  }
0x66: {  	v52 =	vld.idx.msk [tilespmem:v47+s17+$0x0], $0xffff  }
0x67: {  	v47 =	vld.idx.msk [tilespmem:v47+s18+$0x0], $0xffff  }
0x68: {  	[tilespmem:$0x1FE20] =	vst v1;
	v1 =	vld.idx.msk [tilespmem:v3+s18+$0x0], $0xffff  }
0x69: {  	v53 =	vor.u32 v24, v0;
	v54 =	vld.idx.msk [tilespmem:v49+s17+$0x0], $0xffff  }
0x6a: {  	v49 =	vld.idx.msk [tilespmem:v49+s18+$0x0], $0xffff  }
0x6b: {  	v55 =	vor.u32 v25, v0;
	v56 =	vld.idx.msk [tilespmem:v51+s17+$0x0], $0xffff  }
0x6c: {  	v51 =	vld.idx.msk [tilespmem:v51+s18+$0x0], $0xffff  }
0x6d: {  	[tilespmem:$0x1FE30] =	vst v1;
	v1 =	vld.idx.msk [tilespmem:v8+s17+$0x0], $0xffff  }
0x6e: {  	v18 =	vmov v59;
	v59 =	vor.u32 v61, v0;
	v31 =	vld.idx.msk [tilespmem:v53+s17+$0x0], $0xffff  }
0x6f: {  	v53 =	vld.idx.msk [tilespmem:v53+s18+$0x0], $0xffff  }
0x70: {  	v60 =	vld.idx.msk [tilespmem:v55+s17+$0x0], $0xffff;
	v63 =	vor.u32 v4, v0  }
0x71: {  	v55 =	vld.idx.msk [tilespmem:v55+s18+$0x0], $0xffff  }
0x72: {  	[tilespmem:$0x1FE00] =	vst v1;
	v1 =	vld.idx.msk [tilespmem:v8+s18+$0x0], $0xffff  }
0x73: {  	v4 =	vld.idx.msk [tilespmem:v59+s18+$0x0], $0xffff  }
0x74: {  	v59 =	vld.idx.msk [tilespmem:v59+s17+$0x0], $0xffff;
	[tilespmem:$0x1FDF0] =	vst v2;
	v2 =	vor.u32 v29, v0  }
0x75: {  	v12 =	vmul.f32 v12, v33;
	v33 =	vld.idx.msk [tilespmem:v63+s17+$0x0], $0xffff  }
0x76: {  	v5 =	vmul.f32 v5, v6;
	v6 =	vld.idx.msk [tilespmem:v63+s18+$0x0], $0xffff  }
0x77: {  	[tilespmem:$0x1FE10] =	vst v1;
	v1 =	vmov v36;
	v36 =	vld.idx.msk [tilespmem:v11+s17+$0x0], $0xffff  }
0x78: {  	v11 =	vld.idx.msk [tilespmem:v11+s18+$0x0], $0xffff  }
0x79: {  	v57 =	vor.u32 v26, v0;
	v35 =	vmul.f32 v35, v40;
	v40 =	vld.idx.msk [tilespmem:v2+s17+$0x0], $0xffff  }
0x7a: {  	v8 =	vld.idx.msk [tilespmem:v13+s18+$0x0], $0xffff  }
0x7b: {  	v7 =	vmul.f32 v7, v10;
	v10 =	vor.u32 v21, v0;
	v13 =	vmov v43;
	v43 =	vld.idx.msk [tilespmem:v62+s18+$0x0], $0xffff  }
0x7c: {  	v2 =	vld.idx.msk [tilespmem:v2+s18+$0x0], $0xffff;
	v61 =	vor.u32 v1, v0;
	v1 =	vor.u32 v16, v0  }
0x7d: {  	v11 =	vmul.f32 v11, v36;
	v36 =	vmul.f32 v37, v42;
	v42 =	vld [tilespmem:$0x1FE40]  }
0x7e: {  	v62 =	vld.idx.msk [tilespmem:v57+s17+$0x0], $0xffff  }
0x7f: {  	v34 =	vmul.f32 v34, v38;
	v38 =	vmul.f32 v41, v46;
	v57 =	vld.idx.msk [tilespmem:v57+s18+$0x0], $0xffff  }
0x80: {  	v41 =	vmul.f32 v43, v48;
	v43 =	vmul.f32 v47, v52;
	v47 =	vld.idx.msk [tilespmem:v10+s17+$0x0], $0xffff  }
0x81: {  	v9 =	vmul.f32 v9, v14;
	v14 =	vld.idx.msk [tilespmem:v1+s17+$0x0], $0xffff  }
0x82: {  	v4 =	vmul.f32 v4, v59;
	v1 =	vld.idx.msk [tilespmem:v1+s18+$0x0], $0xffff;
	v37 =	vor.u32 v42, v0  }
0x83: {  	v42 =	vor.u32 v58, v0;
	v58 =	vmul.f32 v55, v60;
	v60 =	vor.u32 v18, v0;
	v18 =	vld [tilespmem:$0x1FF30]  }
0x84: {  	v10 =	vld.idx.msk [tilespmem:v10+s18+$0x0], $0xffff  }
0x85: {  	v4 =	vadd.f32 $0.0e+00, v4;
	v48 =	vmul.f32 v53, v31;
	v3 =	vld.idx.msk [tilespmem:v61+s17+$0x0], $0xffff  }
0x86: {  	v61 =	vld.idx.msk [tilespmem:v61+s18+$0x0], $0xffff  }
0x87: {  	v46 =	vmul.f32 v49, v54;
	v4 =	vadd.f32 v48, v4;
	v54 =	vld.idx.msk [tilespmem:v37+s17+$0x0], $0xffff  }
0x88: {  	v1 =	vmul.f32 v1, v14;
	v53 =	vor.u32 v18, v0;
	v18 =	vld [tilespmem:$0x1FF40]  }
0x89: {  	v4 =	vadd.f32 v43, v4;
	v14 =	vld.idx.msk [tilespmem:v37+s18+$0x0], $0xffff  }
0x8a: {  	v2 =	vmul.f32 v2, v40;
	v1 =	vadd.f32 $0.0e+00, v1;
	v55 =	vld.idx.msk [tilespmem:v42+s17+$0x0], $0xffff  }
0x8b: {  	v63 =	vmul.f32 v57, v62;
	v4 =	vadd.f32 v38, v4;
	v3 =	vmul.f32 v61, v3;
	v57 =	vld.idx.msk [tilespmem:v42+s18+$0x0], $0xffff  }
0x8c: {  	v59 =	vld.idx.msk [tilespmem:v60+s17+$0x0], $0xffff;
	v1 =	vadd.f32 v2, v1;
	v2 =	vmul.f32 v10, v47  }
0x8d: {  	v6 =	vmul.f32 v6, v33;
	v4 =	vadd.f32 v35, v4;
	v3 =	vadd.f32 $0.0e+00, v3;
	v10 =	vld.idx.msk [tilespmem:v60+s18+$0x0], $0xffff  }
0x8e: {  	v1 =	vadd.f32 v2, v1;
	v0 =	vor.u32 v18, v0;
	v2 =	vmul.f32 v14, v54  }
0x8f: {  	v6 =	vadd.f32 $0.0e+00, v6;
	v31 =	vld [tilespmem:$0x1FDF0];
	v4 =	vadd.f32 v9, v4  }
0x90: {  	v9 =	vld [tilespmem:$0x1FE00];
	v3 =	vadd.f32 v58, v3;
	v1 =	vadd.f32 v2, v1;
	v2 =	vmul.f32 v57, v55  }
0x91: {  	v6 =	vadd.f32 v63, v6;
	v58 =	vmul.f32 v51, v56;
	v62 =	vld.idx.msk [tilespmem:v53+s17+$0x0], $0xffff  }
0x92: {  	v3 =	vadd.f32 v46, v3;
	v1 =	vadd.f32 v2, v1;
	v2 =	vmul.f32 v10, v59;
	v10 =	vld [tilespmem:$0x1FE10]  }
0x93: {  	v61 =	vld.idx.msk [tilespmem:v0+s17+$0x0], $0xffff  }
0x94: {  	v60 =	vmul.f32 v45, v50;
	v6 =	vadd.f32 v58, v6;
	v3 =	vadd.f32 v41, v3;
	v0 =	vld.idx.msk [tilespmem:v0+s18+$0x0], $0xffff  }
0x95: {  	v1 =	vadd.f32 v2, v1;
	v2 =	vadd.f32 v5, v4;
	v4 =	vld [tilespmem:$0x1FE20]  }
0x96: {  	v6 =	vadd.f32 v60, v6;
	v14 =	vmul.f32 v39, v44;
	v5 =	vld [tilespmem:$0x1FE30]  }
0x97: {  	v63 =	vld.idx.msk [tilespmem:v53+s18+$0x0], $0xffff;
	v3 =	vadd.f32 v36, v3  }
0x98: {  	v8 =	vmul.f32 v8, v31;
	v6 =	vadd.f32 v14, v6  }
0x99: {  	v3 =	vadd.f32 v11, v3  }
0x9a: {  	v6 =	vadd.f32 v8, v6;
	v9 =	vmul.f32 v10, v9;
	v0 =	vmul.f32 v0, v61  }
0x9b: {  	v3 =	vadd.f32 v7, v3;
	v4 =	vmul.f32 v5, v4  }
0x9c: {  	v5 =	vadd.f32 v9, v6;
	v0 =	vadd.f32 v0, v1;
	v1 =	vmul.f32 v63, v62  }
0x9d: {  	v3 =	vadd.f32 v12, v3;
	v2 =	vadd.f32 v34, v2  }
0x9e: {  	v4 =	vadd.f32 v4, v5;
	v0 =	vadd.f32 v1, v0;
	_ =	sdelay $0x1  }
0x9f: {  	v1 =	vadd.f32 v3, v2;
	v0 =	vadd.f32 v0, v4;
	_ =	sdelay $0x1  }
0xa0: {  	v0 =	vadd.f32 v0, v1;
	_ =	sdelay $0x1  }
0xa1: {  	v0 =	vsub.f32 $0.0e+00, v0;
	_ =	sdelay $0x1  }
0xa2: {  	v0 =	vmul.f32 $1.442695020e+00, v0;
	_ =	sdelay $0x1  }
0xa3: {  	(erf) = vpow2.f32 v0;
	_ =	sdelay $0x8  }
0xa4: {  	v0 =	vpop (erf)  }
0xa5: {  	v0 =	vadd.f32 $1.000000000e+00, v0;
	_ =	sdelay $0x1  }
0xa6: {  	v1 =	vld [tilespmem:$0x1FF20];
	(erf) = vrcp.f32 v0;
	_ =	sdelay $0x1  }
0xa7: {  	s14 =	simm.s32 $0x10  }
0xa8: {  	v0 =	vmov s14  }
0xa9: {  	v0 =	vshll.u32 v0, $0x5  }
0xaa: {  	v37 =	vor.u32 v1, v0  }
0xab: {  	v0 =	vor.u32 v23, v37  }
0xac: {  	v31 =	vld [tilespmem:$0x1FFD0]  }
0xad: {  	v12 =	vlaneseq.u32;
	v1 =	vor.u32 v15, v37;
	v23 =	vld [tilespmem:$0x1FFF0]  }
0xae: {  	s2 =	simm.s32 $0x14A00;
	v14 =	vor.u32 v12, v37;
	v12 =	vld [tilespmem:$0x1FF90];
	v2 =	vpop (erf)  }
0xaf: {  	v3 =	vor.u32 v30, v37;
	[tilespmem:s2+$0x0] =	vst v2;
	v2 =	vor.u32 v28, v37;
	v28 =	vld [tilespmem:$0x1FFE0]  }
0xb0: {  	v43 =	vld.idx.msk [tilespmem:v0+s17+$0x0], $0xffff  }
0xb1: {  	v45 =	vld.idx.msk [tilespmem:v0+s18+$0x0], $0xffff  }
0xb2: {  	v6 =	vor.u32 v22, v37;
	v46 =	vld.idx.msk [tilespmem:v1+s17+$0x0], $0xffff  }
0xb3: {  	v47 =	vld.idx.msk [tilespmem:v1+s18+$0x0], $0xffff  }
0xb4: {  	v33 =	vld.idx.msk [tilespmem:v3+s17+$0x0], $0xffff  }
0xb5: {  	v0 =	vor.u32 v32, v37;
	v32 =	vld [tilespmem:$0x1FF60]  }
0xb6: {  	v34 =	vld.idx.msk [tilespmem:v3+s18+$0x0], $0xffff  }
0xb7: {  	v5 =	vld.idx.msk [tilespmem:v6+s17+$0x0], $0xffff  }
0xb8: {  	v7 =	vld.idx.msk [tilespmem:v6+s18+$0x0], $0xffff  }
0xb9: {  	v48 =	vld.idx.msk [tilespmem:v2+s17+$0x0], $0xffff  }
0xba: {  	v3 =	vor.u32 v23, v37;
	v49 =	vld.idx.msk [tilespmem:v2+s18+$0x0], $0xffff  }
0xbb: {  	v2 =	vld [tilespmem:$0x1FE70]  }
0xbc: {  	v11 =	vor.u32 v25, v37;
	v50 =	vld.idx.msk [tilespmem:v0+s17+$0x0], $0xffff  }
0xbd: {  	v51 =	vld.idx.msk [tilespmem:v0+s18+$0x0], $0xffff  }
0xbe: {  	v1 =	vor.u32 v32, v37;
	v0 =	vld [tilespmem:$0x1FE80]  }
0xbf: {  	v52 =	vld.idx.msk [tilespmem:v3+s17+$0x0], $0xffff  }
0xc0: {  	v53 =	vld.idx.msk [tilespmem:v3+s18+$0x0], $0xffff;
	v3 =	vor.u32 v20, v37  }
0xc1: {  	v10 =	vld.idx.msk [tilespmem:v11+s17+$0x0], $0xffff  }
0xc2: {  	v11 =	vld.idx.msk [tilespmem:v11+s18+$0x0], $0xffff;
	v2 =	vor.u32 v2, v37  }
0xc3: {  	v35 =	vld.idx.msk [tilespmem:v1+s17+$0x0], $0xffff  }
0xc4: {  	v0 =	vor.u32 v0, v37;
	v36 =	vld.idx.msk [tilespmem:v1+s18+$0x0], $0xffff  }
0xc5: {  	v60 =	vld.idx.msk [tilespmem:v3+s17+$0x0], $0xffff  }
0xc6: {  	v1 =	vor.u32 v17, v37;
	v61 =	vld.idx.msk [tilespmem:v3+s18+$0x0], $0xffff  }
0xc7: {  	v54 =	vld.idx.msk [tilespmem:v2+s17+$0x0], $0xffff  }
0xc8: {  	v3 =	vor.u32 v19, v37;
	v56 =	vld.idx.msk [tilespmem:v2+s18+$0x0], $0xffff  }
0xc9: {  	v2 =	vor.u32 v28, v37;
	v38 =	vld.idx.msk [tilespmem:v0+s17+$0x0], $0xffff  }
0xca: {  	v39 =	vld.idx.msk [tilespmem:v0+s18+$0x0], $0xffff  }
0xcb: {  	v58 =	vld.idx.msk [tilespmem:v1+s17+$0x0], $0xffff  }
0xcc: {  	v59 =	vld.idx.msk [tilespmem:v1+s18+$0x0], $0xffff  }
0xcd: {  	v42 =	vld.idx.msk [tilespmem:v3+s17+$0x0], $0xffff  }
0xce: {  	v0 =	vor.u32 v31, v37;
	v40 =	vld.idx.msk [tilespmem:v2+s17+$0x0], $0xffff  }
0xcf: {  	v41 =	vld.idx.msk [tilespmem:v2+s18+$0x0], $0xffff  }
0xd0: {  	v1 =	vor.u32 v13, v37;
	v2 =	vld [tilespmem:$0x1FFA0]  }
0xd1: {  	v44 =	vld.idx.msk [tilespmem:v3+s18+$0x0], $0xffff  }
0xd2: {  	v3 =	vor.u32 v24, v37;
	v13 =	vor.u32 v12, v37;
	v12 =	vld [tilespmem:$0x1FF80]  }
0xd3: {  	v4 =	vor.u32 v27, v37;
	v62 =	vld.idx.msk [tilespmem:v0+s17+$0x0], $0xffff  }
0xd4: {  	v63 =	vld.idx.msk [tilespmem:v0+s18+$0x0], $0xffff  }
0xd5: {  	v0 =	vld.idx.msk [tilespmem:v1+s17+$0x0], $0xffff;
	v8 =	vor.u32 v2, v37  }
0xd6: {  	v1 =	vld.idx.msk [tilespmem:v1+s18+$0x0], $0xffff  }
0xd7: {  	v9 =	vld.idx.msk [tilespmem:v3+s18+$0x0], $0xffff  }
0xd8: {  	v6 =	vor.u32 v26, v37;
	v2 =	vld.idx.msk [tilespmem:v4+s17+$0x0], $0xffff  }
0xd9: {  	v4 =	vld.idx.msk [tilespmem:v4+s18+$0x0], $0xffff  }
0xda: {  	v55 =	vld.idx.msk [tilespmem:v8+s17+$0x0], $0xffff  }
0xdb: {  	v57 =	vld.idx.msk [tilespmem:v8+s18+$0x0], $0xffff  }
0xdc: {  	v8 =	vld.idx.msk [tilespmem:v3+s17+$0x0], $0xffff  }
0xdd: {  	v3 =	vld.idx.msk [tilespmem:v6+s17+$0x0], $0xffff  }
0xde: {  	s1 =	simm.s32 $0x20;
	v22 =	vmovc v27;
	v30 =	vmov v29;
	v29 =	vmov v18;
	v12 =	vor.u32 v12, v37;
	v6 =	vld.idx.msk [tilespmem:v6+s18+$0x0], $0xffff  }
.LBB2_3:
0xdf: {  	_ = 	snop  }
0xe0: {  	v15 =	vld.idx.msk [tilespmem:v14+s18+$0x0], $0xffff  }
0xe1: {  	v14 =	vld.idx.msk [tilespmem:v14+s17+$0x0], $0xffff  }
0xe2: {  	v17 =	vld.idx.msk [tilespmem:v13+s17+$0x0], $0xffff  }
0xe3: {  	v13 =	vld.idx.msk [tilespmem:v13+s18+$0x0], $0xffff  }
0xe4: {  	v27 =	vmovc v26;
	v26 =	vmovc v25;
	v25 =	vmov v24;
	v24 =	vmov v16;
	v16 =	vor.u32 v16, v37;
	v19 =	vld.idx.msk [tilespmem:v12+s17+$0x0], $0xffff  }
0xe5: {  	v12 =	vld.idx.msk [tilespmem:v12+s18+$0x0], $0xffff;
	v43 =	vmul.f32 v45, v43;
	v45 =	vmul.f32 v47, v46  }
0xe6: {  	v18 =	vor.u32 v30, v37;
	v47 =	vmul.f32 v49, v48;
	v49 =	vld [tilespmem:$0x1FE40];
	v0 =	vmul.f32 v1, v0  }
0xe7: {  	v1 =	vld [tilespmem:$0x1FEC0];
	v2 =	vmul.f32 v4, v2;
	v4 =	vmul.f32 v7, v5  }
0xe8: {  	v20 =	vor.u32 v21, v37;
	v7 =	vmul.f32 v9, v8;
	v8 =	vmul.f32 v11, v10;
	v10 =	vld [tilespmem:$0x1FED0]  }
0xe9: {  	v46 =	vld.idx.msk [tilespmem:v16+s17+$0x0], $0xffff  }
0xea: {  	v16 =	vld.idx.msk [tilespmem:v16+s18+$0x0], $0xffff  }
0xeb: {  	v48 =	vmul.f32 v51, v50;
	v50 =	vmul.f32 v53, v52;
	v49 =	vor.u32 v49, v37;
	v52 =	vld.idx.msk [tilespmem:v18+s17+$0x0], $0xffff  }
0xec: {  	v51 =	vmul.f32 v56, v54;
	v53 =	vmul.f32 v59, v58;
	v18 =	vld.idx.msk [tilespmem:v18+s18+$0x0], $0xffff  }
0xed: {  	v61 =	vmul.f32 v61, v60;
	v5 =	vld.idx.msk [tilespmem:v20+s17+$0x0], $0xffff;
	v11 =	vmul.f32 v15, v14;
	v1 =	vor.u32 v1, v37  }
0xee: {  	v63 =	vmul.f32 v63, v62;
	v13 =	vmul.f32 v13, v17;
	v15 =	vld [tilespmem:$0x1FF30]  }
0xef: {  	v9 =	vld.idx.msk [tilespmem:v20+s18+$0x0], $0xffff;
	v12 =	vmul.f32 v12, v19;
	v11 =	vadd.f32 $0.0e+00, v11;
	v10 =	vor.u32 v10, v37  }
0xf0: {  	v3 =	vmul.f32 v6, v3;
	v13 =	vadd.f32 $0.0e+00, v13;
	v14 =	vld.idx.msk [tilespmem:v49+s17+$0x0], $0xffff;
	v16 =	vmul.f32 v16, v46  }
0xf1: {  	v19 =	vor.u32 v29, v37;
	v12 =	vadd.f32 $0.0e+00, v12;
	v7 =	vadd.f32 v7, v11;
	v17 =	vld.idx.msk [tilespmem:v49+s18+$0x0], $0xffff  }
0xf2: {  	v8 =	vadd.f32 v8, v13;
	v18 =	vmul.f32 v18, v52;
	v20 =	vadd.f32 $0.0e+00, v16;
	v6 =	vld.idx.msk [tilespmem:v1+s17+$0x0], $0xffff  }
0xf3: {  	v11 =	vmul.f32 v57, v55;
	v3 =	vadd.f32 v3, v12;
	v15 =	vor.u32 v15, v37;
	v1 =	vld.idx.msk [tilespmem:v1+s18+$0x0], $0xffff  }
0xf4: {  	v5 =	vmul.f32 v9, v5;
	v2 =	vadd.f32 v2, v7;
	v13 =	vld.idx.msk [tilespmem:v10+s17+$0x0], $0xffff;
	v12 =	vadd.f32 v18, v20  }
0xf5: {  	v4 =	vadd.f32 v4, v8;
	v7 =	vmul.f32 v44, v42;
	v3 =	vadd.f32 v11, v3;
	v9 =	vld.idx.msk [tilespmem:v10+s18+$0x0], $0xffff  }
0xf6: {  	v8 =	vld.idx.msk [tilespmem:v19+s17+$0x0], $0xffff;
	v2 =	vadd.f32 v63, v2;
	v10 =	vmul.f32 v17, v14;
	v5 =	vadd.f32 v5, v12  }
0xf7: {  	v11 =	vld.idx.msk [tilespmem:v19+s18+$0x0], $0xffff;
	v0 =	vadd.f32 v0, v4;
	v4 =	vmul.f32 v41, v40;
	v3 =	vadd.f32 v7, v3  }
0xf8: {  	v2 =	vadd.f32 v53, v2;
	v12 =	vld.idx.msk [tilespmem:v15+s17+$0x0], $0xffff;
	v5 =	vadd.f32 v10, v5;
	v1 =	vmul.f32 v1, v6  }
0xf9: {  	v7 =	vmul.f32 v39, v38;
	v0 =	vadd.f32 v61, v0;
	v3 =	vadd.f32 v4, v3;
	v6 =	vld.idx.msk [tilespmem:v15+s18+$0x0], $0xffff  }
0xfa: {  	v2 =	vadd.f32 v50, v2;
	v4 =	vmul.f32 v9, v13;
	v1 =	vadd.f32 v1, v5  }
0xfb: {  	v0 =	vadd.f32 v51, v0;
	v3 =	vadd.f32 v7, v3  }
0xfc: {  	v5 =	vmul.f32 v36, v35;
	v1 =	vadd.f32 v4, v1;
	v4 =	vmul.f32 v11, v8  }
0xfd: {  	v7 =	vmul.f32 v34, v33;
	v2 =	vadd.f32 v47, v2;
	v0 =	vadd.f32 v48, v0  }
0xfe: {  	v3 =	vadd.f32 v5, v3;
	v1 =	vadd.f32 v4, v1;
	v4 =	vmul.f32 v6, v12  }
0xff: {  	v2 =	vadd.f32 v43, v2;
	v0 =	vadd.f32 v45, v0  }
0x100: {  	v3 =	vadd.f32 v7, v3;
	v1 =	vadd.f32 v4, v1;
	_ =	sdelay $0x1  }
0x101: {  	v0 =	vadd.f32 v0, v2;
	v1 =	vadd.f32 v1, v3;
	_ =	sdelay $0x1  }
0x102: {  	v0 =	vadd.f32 v1, v0;
	_ =	sdelay $0x1  }
0x103: {  	v0 =	vsub.f32 $0.0e+00, v0;
	_ =	sdelay $0x1  }
0x104: {  	v0 =	vmul.f32 $1.442695020e+00, v0;
	_ =	sdelay $0x1  }
0x105: {  	(erf) = vpow2.f32 v0;
	_ =	sdelay $0x8  }
0x106: {  	v0 =	vpop (erf)  }
0x107: {  	v0 =	vadd.f32 $1.000000000e+00, v0  }
0x108: {  	v1 =	vld [tilespmem:$0x1FF20]  }
0x109: {  	(erf) = vrcp.f32 v0;
	_ =	sdelay $0x1  }
0x10a: {  	v3 =	vld [tilespmem:$0x1FEE0];
	v0 =	vmov s1  }
0x10b: {  	v0 =	vshll.u32 v0, $0x5  }
0x10c: {  	v37 =	vor.u32 v1, v0;
	v0 =	vld [tilespmem:$0x1FF00];
	_ =	sdelay $0x1  }
0x10d: {  	v1 =	vld [tilespmem:$0x1FF10]  }
0x10e: {  	v3 =	vor.u32 v3, v37;
	_ =	sdelay $0x1  }
0x10f: {  	s2 =	sadd.s32 $0x10, s2;
	v0 =	vor.u32 v0, v37;
	v2 =	vpop (erf)  }
0x110: {  	[tilespmem:s2+$0x0] =	vst v2;
	v2 =	vld [tilespmem:$0x1FE50]  }
0x111: {  	v1 =	vor.u32 v1, v37  }
0x112: {  	v33 =	vld.idx.msk [tilespmem:v3+s17+$0x0], $0xffff  }
0x113: {  	v34 =	vld.idx.msk [tilespmem:v3+s18+$0x0], $0xffff  }
0x114: {  	v3 =	vor.u32 v23, v37;
	v43 =	vld.idx.msk [tilespmem:v0+s17+$0x0], $0xffff  }
0x115: {  	v45 =	vld.idx.msk [tilespmem:v0+s18+$0x0], $0xffff;
	v2 =	vor.u32 v2, v37  }
0x116: {  	v46 =	vld.idx.msk [tilespmem:v1+s17+$0x0], $0xffff  }
0x117: {  	v0 =	vld [tilespmem:$0x1FE60]  }
0x118: {  	v47 =	vld.idx.msk [tilespmem:v1+s18+$0x0], $0xffff  }
0x119: {  	v52 =	vld.idx.msk [tilespmem:v3+s17+$0x0], $0xffff  }
0x11a: {  	v48 =	vld.idx.msk [tilespmem:v2+s17+$0x0], $0xffff  }
0x11b: {  	v1 =	vor.u32 v32, v37;
	v49 =	vld.idx.msk [tilespmem:v2+s18+$0x0], $0xffff  }
0x11c: {  	v2 =	vld [tilespmem:$0x1FE70]  }
0x11d: {  	v53 =	vld.idx.msk [tilespmem:v3+s18+$0x0], $0xffff  }
0x11e: {  	v3 =	vld [tilespmem:$0x1FE90];
	v0 =	vor.u32 v0, v37  }
0x11f: {  	v12 =	vld [tilespmem:$0x1FF80]  }
0x120: {  	v35 =	vld.idx.msk [tilespmem:v1+s17+$0x0], $0xffff  }
0x121: {  	v36 =	vld.idx.msk [tilespmem:v1+s18+$0x0], $0xffff;
	v2 =	vor.u32 v2, v37  }
0x122: {  	v1 =	vld [tilespmem:$0x1FEF0]  }
0x123: {  	v3 =	vor.u32 v3, v37;
	v50 =	vld.idx.msk [tilespmem:v0+s17+$0x0], $0xffff  }
0x124: {  	v51 =	vld.idx.msk [tilespmem:v0+s18+$0x0], $0xffff  }
0x125: {  	v16 =	vmov v24;
	v24 =	vmov v25;
	v25 =	vmov v26;
	v0 =	vld [tilespmem:$0x1FE80]  }
0x126: {  	v11 =	vor.u32 v25, v37;
	v54 =	vld.idx.msk [tilespmem:v2+s17+$0x0], $0xffff  }
0x127: {  	v56 =	vld.idx.msk [tilespmem:v2+s18+$0x0], $0xffff;
	v2 =	vor.u32 v28, v37  }
0x128: {  	v60 =	vld.idx.msk [tilespmem:v3+s17+$0x0], $0xffff  }
0x129: {  	v61 =	vld.idx.msk [tilespmem:v3+s18+$0x0], $0xffff  }
0x12a: {  	v3 =	vld [tilespmem:$0x1FEB0]  }
0x12b: {  	v10 =	vld.idx.msk [tilespmem:v11+s17+$0x0], $0xffff;
	v1 =	vor.u32 v1, v37  }
0x12c: {  	v0 =	vor.u32 v0, v37;
	v40 =	vld.idx.msk [tilespmem:v2+s17+$0x0], $0xffff  }
0x12d: {  	v41 =	vld.idx.msk [tilespmem:v2+s18+$0x0], $0xffff  }
0x12e: {  	v2 =	vld [tilespmem:$0x1FFB0]  }
0x12f: {  	v11 =	vld.idx.msk [tilespmem:v11+s18+$0x0], $0xffff;
	v3 =	vor.u32 v3, v37  }
0x130: {  	v58 =	vld.idx.msk [tilespmem:v1+s17+$0x0], $0xffff  }
0x131: {  	v38 =	vld.idx.msk [tilespmem:v0+s17+$0x0], $0xffff  }
0x132: {  	v39 =	vld.idx.msk [tilespmem:v0+s18+$0x0], $0xffff  }
0x133: {  	v0 =	vor.u32 v31, v37;
	v6 =	vor.u32 v2, v37;
	v2 =	vld [tilespmem:$0x1FFA0]  }
0x134: {  	v42 =	vld.idx.msk [tilespmem:v3+s17+$0x0], $0xffff  }
0x135: {  	v44 =	vld.idx.msk [tilespmem:v3+s18+$0x0], $0xffff;
	v3 =	vor.u32 v24, v37  }
0x136: {  	v59 =	vld.idx.msk [tilespmem:v1+s18+$0x0], $0xffff  }
0x137: {  	v1 =	vld [tilespmem:$0x1FEA0]  }
0x138: {  	v62 =	vld.idx.msk [tilespmem:v0+s17+$0x0], $0xffff;
	v8 =	vor.u32 v2, v37  }
0x139: {  	v9 =	vlaneseq.u32;
	v63 =	vld.idx.msk [tilespmem:v0+s18+$0x0], $0xffff  }
0x13a: {  	v14 =	vor.u32 v9, v37;
	v9 =	vld.idx.msk [tilespmem:v3+s18+$0x0], $0xffff  }
0x13b: {  	v5 =	vld.idx.msk [tilespmem:v6+s17+$0x0], $0xffff  }
0x13c: {  	v1 =	vor.u32 v1, v37;
	v7 =	vld.idx.msk [tilespmem:v6+s18+$0x0], $0xffff  }
0x13d: {  	v55 =	vld.idx.msk [tilespmem:v8+s17+$0x0], $0xffff  }
0x13e: {  	v4 =	vor.u32 v22, v37;
	v57 =	vld.idx.msk [tilespmem:v8+s18+$0x0], $0xffff  }
0x13f: {  	v8 =	vld.idx.msk [tilespmem:v3+s17+$0x0], $0xffff  }
0x140: {  	v6 =	vor.u32 v27, v37;
	v3 =	vld [tilespmem:$0x1FF90]  }
0x141: {  	p0 =	sne.s32 s1, $0x270;
	v0 =	vld.idx.msk [tilespmem:v1+s17+$0x0], $0xffff  }
.Ltmp0:
0x142: {  	v1 =	vld.idx.msk [tilespmem:v1+s18+$0x0], $0xffff;
	(pc) =	sbr.rel @p0 .LBB2_3-.Ltmp0, $4  }
0x143: {  	v2 =	vld.idx.msk [tilespmem:v4+s17+$0x0], $0xffff  }
0x144: {  	v4 =	vld.idx.msk [tilespmem:v4+s18+$0x0], $0xffff  }
0x145: {  	v13 =	vor.u32 v3, v37;
	v3 =	vld.idx.msk [tilespmem:v6+s17+$0x0], $0xffff  }
0x146: {  	v26 =	vmov v27;
	s1 =	sadd.s32 $0x10, s1;
	v12 =	vor.u32 v12, v37;
	v6 =	vld.idx.msk [tilespmem:v6+s18+$0x0], $0xffff  }
0x147: {  	_ =	sdelay $0x3  }
0x148: {  	v15 =	vld.idx.msk [tilespmem:v14+s18+$0x0], $0xffff  }
0x149: {  	v14 =	vld.idx.msk [tilespmem:v14+s17+$0x0], $0xffff  }
0x14a: {  	v17 =	vld.idx.msk [tilespmem:v13+s17+$0x0], $0xffff;
	v18 =	vor.u32 v30, v37  }
0x14b: {  	v13 =	vld.idx.msk [tilespmem:v13+s18+$0x0], $0xffff  }
0x14c: {  	v20 =	vld.idx.msk [tilespmem:v12+s17+$0x0], $0xffff  }
0x14d: {  	v12 =	vld.idx.msk [tilespmem:v12+s18+$0x0], $0xffff  }
0x14e: {  	v16 =	vor.u32 v16, v37;
	v19 =	vmul.f32 v45, v43;
	v45 =	vor.u32 v21, v37;
	v21 =	vld [tilespmem:$0x1FE40]  }
0x14f: {  	v60 =	vmul.f32 v61, v60;
	v61 =	vld.idx.msk [tilespmem:v18+s17+$0x0], $0xffff  }
0x150: {  	v0 =	vmul.f32 v1, v0;
	v1 =	vld.idx.msk [tilespmem:v18+s18+$0x0], $0xffff  }
0x151: {  	v2 =	vmul.f32 v4, v2;
	v18 =	vld [tilespmem:$0x1FEC0]  }
0x152: {  	v4 =	vmul.f32 v7, v5;
	v7 =	vmul.f32 v9, v8;
	v9 =	vld [tilespmem:$0x1FED0]  }
0x153: {  	v43 =	vmul.f32 v47, v46;
	v46 =	vmul.f32 v49, v48;
	v48 =	vld.idx.msk [tilespmem:v16+s17+$0x0], $0xffff  }
0x154: {  	v47 =	vmul.f32 v51, v50;
	v49 =	vmul.f32 v53, v52;
	v16 =	vld.idx.msk [tilespmem:v16+s18+$0x0], $0xffff;
	v51 =	vor.u32 v21, v37  }
0x155: {  	v50 =	vmul.f32 v56, v54;
	v52 =	vmul.f32 v59, v58  }
0x156: {  	v8 =	vmul.f32 v11, v10;
	v5 =	vld.idx.msk [tilespmem:v45+s17+$0x0], $0xffff;
	v11 =	vmul.f32 v15, v14;
	v18 =	vor.u32 v18, v37  }
0x157: {  	v63 =	vmul.f32 v63, v62;
	v13 =	vmul.f32 v13, v17;
	v14 =	vld [tilespmem:$0x1FF30]  }
0x158: {  	v10 =	vld.idx.msk [tilespmem:v45+s18+$0x0], $0xffff;
	v12 =	vmul.f32 v12, v20;
	v9 =	vor.u32 v9, v37;
	v11 =	vadd.f32 $0.0e+00, v11  }
0x159: {  	v3 =	vmul.f32 v6, v3;
	v13 =	vadd.f32 $0.0e+00, v13;
	v15 =	vld.idx.msk [tilespmem:v51+s17+$0x0], $0xffff;
	v16 =	vmul.f32 v16, v48  }
0x15a: {  	v17 =	vor.u32 v29, v37;
	v12 =	vadd.f32 $0.0e+00, v12;
	v7 =	vadd.f32 v7, v11;
	v20 =	vld.idx.msk [tilespmem:v51+s18+$0x0], $0xffff  }
0x15b: {  	v8 =	vadd.f32 v8, v13;
	v1 =	vmul.f32 v1, v61;
	v16 =	vadd.f32 $0.0e+00, v16;
	v6 =	vld.idx.msk [tilespmem:v18+s17+$0x0], $0xffff  }
0x15c: {  	v11 =	vmul.f32 v57, v55;
	v3 =	vadd.f32 v3, v12;
	v14 =	vor.u32 v14, v37;
	v18 =	vld.idx.msk [tilespmem:v18+s18+$0x0], $0xffff  }
0x15d: {  	v5 =	vmul.f32 v10, v5;
	v2 =	vadd.f32 v2, v7;
	v13 =	vld.idx.msk [tilespmem:v9+s17+$0x0], $0xffff;
	v1 =	vadd.f32 v1, v16  }
0x15e: {  	v4 =	vadd.f32 v4, v8;
	v7 =	vmul.f32 v44, v42;
	v3 =	vadd.f32 v11, v3;
	v9 =	vld.idx.msk [tilespmem:v9+s18+$0x0], $0xffff  }
0x15f: {  	v10 =	vld.idx.msk [tilespmem:v17+s18+$0x0], $0xffff;
	v2 =	vadd.f32 v63, v2;
	v1 =	vadd.f32 v5, v1;
	v5 =	vmul.f32 v20, v15  }
0x160: {  	v8 =	vld.idx.msk [tilespmem:v17+s17+$0x0], $0xffff;
	v0 =	vadd.f32 v0, v4;
	v4 =	vmul.f32 v41, v40;
	v3 =	vadd.f32 v7, v3  }
0x161: {  	v11 =	vld.idx.msk [tilespmem:v14+s17+$0x0], $0xffff;
	v2 =	vadd.f32 v52, v2;
	v1 =	vadd.f32 v5, v1;
	v5 =	vmul.f32 v18, v6  }
0x162: {  	v7 =	vmul.f32 v39, v38;
	v0 =	vadd.f32 v60, v0;
	v3 =	vadd.f32 v4, v3;
	v6 =	vld.idx.msk [tilespmem:v14+s18+$0x0], $0xffff  }
0x163: {  	v4 =	vmul.f32 v9, v13;
	v2 =	vadd.f32 v49, v2;
	v1 =	vadd.f32 v5, v1  }
0x164: {  	v0 =	vadd.f32 v50, v0;
	v3 =	vadd.f32 v7, v3  }
0x165: {  	v5 =	vmul.f32 v36, v35;
	v1 =	vadd.f32 v4, v1;
	v4 =	vmul.f32 v10, v8  }
0x166: {  	v7 =	vmul.f32 v34, v33;
	v2 =	vadd.f32 v46, v2;
	v0 =	vadd.f32 v47, v0  }
0x167: {  	v3 =	vadd.f32 v5, v3;
	v1 =	vadd.f32 v4, v1;
	v4 =	vmul.f32 v6, v11  }
0x168: {  	v2 =	vadd.f32 v19, v2;
	v0 =	vadd.f32 v43, v0  }
0x169: {  	v3 =	vadd.f32 v7, v3;
	v1 =	vadd.f32 v4, v1;
	_ =	sdelay $0x1  }
0x16a: {  	v0 =	vadd.f32 v0, v2;
	v1 =	vadd.f32 v1, v3;
	_ =	sdelay $0x1  }
0x16b: {  	v0 =	vadd.f32 v1, v0;
	_ =	sdelay $0x1  }
0x16c: {  	v0 =	vsub.f32 $0.0e+00, v0;
	_ =	sdelay $0x1  }
0x16d: {  	v0 =	vmul.f32 $1.442695020e+00, v0;
	_ =	sdelay $0x1  }
0x16e: {  	(erf) = vpow2.f32 v0;
	_ =	sdelay $0x8  }
0x16f: {  	v0 =	vpop (erf)  }
0x170: {  	v0 =	vadd.f32 $1.000000000e+00, v0;
	_ =	sdelay $0x1  }
0x171: {  	(erf) = vrcp.f32 v0;
	_ =	sdelay $0x7  }
0x172: {  	s1 =	sadd.s32 s5, s31  }
0x173: {  	s2 =	sadd.s32 $0x10, s2;
	s1 =	sshrl.u32 s1, $0x3;
	v0 =	vpop (erf)  }
0x174: {  	p0 =	seq.s32 s29, $0x7;
	s1 =	sadd.s32 s3, s1;
	[tilespmem:s2+$0x0] =	vst v0  }
0x175: {  	[hbm4b:s1+s4] =	stream.linear.scatter [tilespmem:s24], [sflag:$0x5], $0x280, $0x38;
	[tilespmem:$0x14C80] =	vst v63  }
0x176: {  	s1 =	sadd.s32 @!p0 s31, s12;
	_ =	swait.ge [sflag:s16], $0x280  }
0x177: {  	s1 =	sshrl.u32 @!p0 s1, $0x3;
	[sflag:s16] =	ssyncset.done $0x0  }
0x178: {  	s31 =	simm.s32 @!p0 $0x0;
	s2 =	sadd.s32 @!p0 s7, s1;
	[sflag:s16] =	ssyncadd.s32 $0xFFFFFD80  }
0x179: {  	[tilespmem:s31], [sflag:$0x5] =	stream.linear.gather @!p0 [hbm4b:s2+s31], $0x280, $0x38;
	[tilespmem:$0x14C80] =	vst v63  }
0x17a: {  	s2 =	simm.s32 @!p0 $0x5  }
0x17b: {  	_ =	swait.ge @!p0 [sflag:s2], $0x280  }
0x17c: {  	[sflag:s2] =	ssyncset.done @!p0 $0x0  }
0x17d: {  	s14 =	simm.s32 @!p0 $0x500;
	s1 =	sadd.s32 @!p0 s0, s1;
	[sflag:s2] =	ssyncadd.s32 @!p0 $0xFFFFFD80  }
0x17e: {  	[tilespmem:s14], [sflag:$0x5] =	stream.linear.gather @!p0 [hbm4b:s1+s31], $0x280, $0x38;
	[tilespmem:$0x14C80] =	vst v63  }
0x17f: {  	_ =	swait.ge @!p0 [sflag:s2], $0x280  }
0x180: {  	[sflag:s2] =	ssyncset.done @!p0 $0x0  }
0x181: {  	s1 =	simm.s32 @!p0 $0x280;
	[sflag:s2] =	ssyncadd.s32 @!p0 $0xFFFFFD80;
	s2 =	simm.s32 @!p0 $0xA00  }
0x182: {  	[tilespmem:s2], [sflag:$0x1] =	stream.indirect.gather @!p0 [hbm4b:s6+s1], $0x20, s31, s1, $0xb8;
	[tilespmem:$0x14C80] =	vst v63  }
0x183: {  	s31 =	simm.s32 @!p0 $0xAA00  }
0x184: {  	[tilespmem:s31], [sflag:$0x3] =	stream.indirect.gather @!p0 [hbm4b:s8+s1], $0x20, s14, s1, $0xb8;
	[tilespmem:$0x14C80] =	vst v63  }
0x185: {  	_ =	swait.ge [sflag:s25], $0x5000  }
0x186: {  	v34 =	vld [tilespmem:$0x1FF20];
	[sflag:s25] =	ssyncset.done $0x0  }
0x187: {  	v33 =	vld [tilespmem:$0x1FF00];
	[sflag:s25] =	ssyncadd.s32 $0xFFFFB000  }
0x188: {  	s2 =	simm.s32 $0x0;
	_ =	swait.ge [sflag:s26], $0x5000  }
0x189: {  	v0 =	vmov s2;
	v18 =	vld [tilespmem:$0x1FF10]  }
0x18a: {  	v0 =	vshll.u32 v0, $0x5;
	v30 =	vld [tilespmem:$0x1FEE0]  }
0x18b: {  	v62 =	vld [tilespmem:$0x1FE50];
	v0 =	vor.u32 v34, v0  }
0x18c: {  	v63 =	vld [tilespmem:$0x1FE60];
	v1 =	vor.u32 v33, v0  }
0x18d: {  	v11 =	vld [tilespmem:$0x1FE70]  }
0x18e: {  	v27 =	vmov v29;
	v29 =	vld [tilespmem:$0x1FFA0];
	v9 =	vor.u32 v23, v0  }
0x18f: {  	[sflag:s26] =	ssyncset.done $0x0;
	v21 =	vld [tilespmem:$0x1FF80]  }
0x190: {  	[sflag:s26] =	ssyncadd.s32 $0xFFFFB000;
	v52 =	vor.u32 v31, v0;
	v31 =	vld [tilespmem:$0x1FFB0]  }
0x191: {  	v4 =	vld.idx.msk [tilespmem:v1+s20+$0x0], $0xffff  }
0x192: {  	v55 =	vor.u32 v22, v0;
	v1 =	vld.idx.msk [tilespmem:v1+s21+$0x0], $0xffff  }
0x193: {  	v14 =	vld.idx.msk [tilespmem:v9+s20+$0x0], $0xffff  }
0x194: {  	v58 =	vor.u32 v24, v0;
	v9 =	vld.idx.msk [tilespmem:v9+s21+$0x0], $0xffff  }
0x195: {  	v40 =	vld.idx.msk [tilespmem:v52+s20+$0x0], $0xffff  }
0x196: {  	v59 =	vor.u32 v25, v0;
	v35 =	vld.idx.msk [tilespmem:v52+s21+$0x0], $0xffff  }
0x197: {  	v3 =	vor.u32 v30, v0;
	v46 =	vld.idx.msk [tilespmem:v55+s20+$0x0], $0xffff  }
0x198: {  	v60 =	vor.u32 v26, v0;
	v41 =	vld.idx.msk [tilespmem:v55+s21+$0x0], $0xffff  }
0x199: {  	v2 =	vor.u32 v18, v0;
	v52 =	vld.idx.msk [tilespmem:v58+s20+$0x0], $0xffff  }
0x19a: {  	v47 =	vld.idx.msk [tilespmem:v58+s21+$0x0], $0xffff  }
0x19b: {  	v49 =	vld.idx.msk [tilespmem:v59+s21+$0x0], $0xffff  }
0x19c: {  	v7 =	vor.u32 v63, v0;
	v8 =	vld.idx.msk [tilespmem:v3+s20+$0x0], $0xffff  }
0x19d: {  	v51 =	vld.idx.msk [tilespmem:v60+s21+$0x0], $0xffff  }
0x19e: {  	v11 =	vor.u32 v11, v0;
	v6 =	vld.idx.msk [tilespmem:v2+s20+$0x0], $0xffff  }
0x19f: {  	v2 =	vld.idx.msk [tilespmem:v2+s21+$0x0], $0xffff  }
0x1a0: {  	v57 =	vor.u32 v29, v0;
	v3 =	vld.idx.msk [tilespmem:v3+s21+$0x0], $0xffff  }
0x1a1: {  	v10 =	vld.idx.msk [tilespmem:v7+s20+$0x0], $0xffff;
	[tilespmem:$0x1FDD0] =	vst v8;
	v8 =	vor.u32 v32, v0  }
0x1a2: {  	v7 =	vld.idx.msk [tilespmem:v7+s21+$0x0], $0xffff  }
0x1a3: {  	v16 =	vld.idx.msk [tilespmem:v11+s20+$0x0], $0xffff  }
0x1a4: {  	v56 =	vor.u32 v31, v0;
	v11 =	vld.idx.msk [tilespmem:v11+s21+$0x0], $0xffff  }
0x1a5: {  	v50 =	vld.idx.msk [tilespmem:v57+s20+$0x0], $0xffff  }
0x1a6: {  	v12 =	vld.idx.msk [tilespmem:v8+s20+$0x0], $0xffff  }
0x1a7: {  	v8 =	vld.idx.msk [tilespmem:v8+s21+$0x0], $0xffff  }
0x1a8: {  	v45 =	vld.idx.msk [tilespmem:v57+s21+$0x0], $0xffff  }
0x1a9: {  	v5 =	vor.u32 v62, v0;
	v48 =	vld.idx.msk [tilespmem:v56+s20+$0x0], $0xffff  }
0x1aa: {  	v43 =	vld.idx.msk [tilespmem:v56+s21+$0x0], $0xffff  }
0x1ab: {  	[tilespmem:$0x1FDB0] =	vst v12;
	v12 =	vld [tilespmem:$0x1FE80]  }
0x1ac: {  	[tilespmem:$0x1FDC0] =	vst v8;
	v8 =	vld [tilespmem:$0x1FEF0]  }
0x1ad: {  	v56 =	vld.idx.msk [tilespmem:v60+s20+$0x0], $0xffff  }
0x1ae: {  	v57 =	vor.u32 v21, v0;
	[tilespmem:$0x1FDE0] =	vst v3;
	v3 =	vld.idx.msk [tilespmem:v5+s20+$0x0], $0xffff  }
0x1af: {  	v5 =	vld.idx.msk [tilespmem:v5+s21+$0x0], $0xffff  }
0x1b0: {  	v13 =	vor.u32 v12, v0;
	v12 =	vld [tilespmem:$0x1FEA0]  }
0x1b1: {  	v15 =	vor.u32 v8, v0;
	v8 =	vld [tilespmem:$0x1FE90]  }
0x1b2: {  	v60 =	vld [tilespmem:$0x1FF50]  }
0x1b3: {  	v1 =	vmul.f32 v1, v4;
	v4 =	vld.idx.msk [tilespmem:v57+s20+$0x0], $0xffff  }
0x1b4: {  	v2 =	vmul.f32 v2, v6;
	v6 =	vmul.f32 v7, v10;
	v7 =	vld [tilespmem:$0x1FF70]  }
0x1b5: {  	v53 =	vor.u32 v12, v0;
	v12 =	vld [tilespmem:$0x1FEB0]  }
0x1b6: {  	v3 =	vmul.f32 v5, v3;
	v5 =	vld.idx.msk [tilespmem:v57+s21+$0x0], $0xffff;
	v17 =	vor.u32 v8, v0  }
0x1b7: {  	v57 =	vld [tilespmem:$0x1FED0]  }
0x1b8: {  	v8 =	vld.idx.msk [tilespmem:v13+s20+$0x0], $0xffff  }
0x1b9: {  	v13 =	vld.idx.msk [tilespmem:v13+s21+$0x0], $0xffff  }
0x1ba: {  	v20 =	vld.idx.msk [tilespmem:v15+s20+$0x0], $0xffff;
	v54 =	vor.u32 v12, v0;
	v12 =	vlaneseq.u32  }
0x1bb: {  	v36 =	vld.idx.msk [tilespmem:v17+s20+$0x0], $0xffff;
	v61 =	vor.u32 v12, v0  }
0x1bc: {  	v17 =	vld.idx.msk [tilespmem:v17+s21+$0x0], $0xffff  }
0x1bd: {  	v42 =	vld.idx.msk [tilespmem:v53+s20+$0x0], $0xffff  }
0x1be: {  	v37 =	vld.idx.msk [tilespmem:v53+s21+$0x0], $0xffff  }
0x1bf: {  	v12 =	vld [tilespmem:$0x1FF90]  }
0x1c0: {  	v58 =	vld.idx.msk [tilespmem:v61+s21+$0x0], $0xffff  }
0x1c1: {  	v53 =	vld.idx.msk [tilespmem:v61+s20+$0x0], $0xffff  }
0x1c2: {  	v61 =	vld [tilespmem:$0x1FFC0]  }
0x1c3: {  	v44 =	vmovc v28;
	v19 =	vor.u32 v28, v0;
	v28 =	vmov v22;
	v7 =	vor.u32 v7, v0;
	v22 =	vld.idx.msk [tilespmem:v54+s20+$0x0], $0xffff  }
0x1c4: {  	v39 =	vld.idx.msk [tilespmem:v54+s21+$0x0], $0xffff  }
0x1c5: {  	v54 =	vld.idx.msk [tilespmem:v59+s20+$0x0], $0xffff;
	v59 =	vor.u32 v60, v0  }
0x1c6: {  	v15 =	vld.idx.msk [tilespmem:v15+s21+$0x0], $0xffff  }
0x1c7: {  	v10 =	vmul.f32 v11, v16;
	v16 =	vmul.f32 v17, v36;
	v17 =	vld [tilespmem:$0x1FE40];
	v61 =	vor.u32 v61, v0  }
0x1c8: {  	v36 =	vmul.f32 v37, v42;
	v42 =	vmul.f32 v43, v48;
	v43 =	vld.idx.msk [tilespmem:v7+s20+$0x0], $0xffff  }
0x1c9: {  	v7 =	vld.idx.msk [tilespmem:v7+s21+$0x0], $0xffff  }
0x1ca: {  	v55 =	vor.u32 v12, v0;
	v11 =	vld.idx.msk [tilespmem:v59+s20+$0x0], $0xffff  }
0x1cb: {  	v9 =	vmul.f32 v9, v14;
	v14 =	vmul.f32 v15, v20;
	v15 =	vld.idx.msk [tilespmem:v59+s21+$0x0], $0xffff  }
0x1cc: {  	v20 =	vmul.f32 v35, v40;
	v17 =	vor.u32 v17, v0;
	v35 =	vld.idx.msk [tilespmem:v61+s20+$0x0], $0xffff  }
0x1cd: {  	v37 =	vld.idx.msk [tilespmem:v61+s21+$0x0], $0xffff  }
0x1ce: {  	v61 =	vld [tilespmem:$0x1FEC0]  }
0x1cf: {  	v41 =	vmul.f32 v41, v46;
	v46 =	vmul.f32 v47, v52;
	v60 =	vld.idx.msk [tilespmem:v55+s20+$0x0], $0xffff  }
0x1d0: {  	v4 =	vmul.f32 v5, v4;
	v55 =	vld.idx.msk [tilespmem:v55+s21+$0x0], $0xffff;
	v59 =	vmul.f32 v58, v53  }
0x1d1: {  	v47 =	vmul.f32 v49, v54;
	v54 =	vld.idx.msk [tilespmem:v17+s20+$0x0], $0xffff;
	v5 =	vmul.f32 v15, v11  }
0x1d2: {  	v11 =	vld.idx.msk [tilespmem:v17+s21+$0x0], $0xffff;
	v15 =	vadd.f32 $0.0e+00, v59  }
0x1d3: {  	v5 =	vadd.f32 $0.0e+00, v5;
	v40 =	vor.u32 v61, v0;
	v61 =	vld [tilespmem:$0x1FF30];
	v35 =	vmul.f32 v37, v35  }
0x1d4: {  	v38 =	vmov v23;
	v15 =	vadd.f32 v46, v15  }
0x1d5: {  	v23 =	vld.idx.msk [tilespmem:v19+s20+$0x0], $0xffff;
	v48 =	vor.u32 v57, v0;
	v7 =	vmul.f32 v7, v43;
	v5 =	vadd.f32 v35, v5  }
0x1d6: {  	v19 =	vld.idx.msk [tilespmem:v19+s21+$0x0], $0xffff;
	v13 =	vmul.f32 v13, v8;
	v60 =	vmul.f32 v55, v60;
	v15 =	vadd.f32 v41, v15  }
0x1d7: {  	v8 =	vld [tilespmem:$0x1FDB0];
	v55 =	vmul.f32 v51, v56;
	v5 =	vadd.f32 v7, v5;
	v7 =	vmul.f32 v11, v54  }
0x1d8: {  	v11 =	vadd.f32 v20, v15;
	v53 =	vor.u32 v61, v0;
	v0 =	vor.u32 v27, v0;
	v56 =	vld.idx.msk [tilespmem:v40+s20+$0x0], $0xffff  }
0x1d9: {  	v17 =	vadd.f32 $0.0e+00, v60;
	v57 =	vld.idx.msk [tilespmem:v40+s21+$0x0], $0xffff  }
0x1da: {  	v4 =	vadd.f32 $0.0e+00, v4;
	v59 =	vld.idx.msk [tilespmem:v48+s20+$0x0], $0xffff;
	v11 =	vadd.f32 v14, v11  }
0x1db: {  	v60 =	vld.idx.msk [tilespmem:v48+s21+$0x0], $0xffff;
	v17 =	vadd.f32 v47, v17  }
0x1dc: {  	v58 =	vmul.f32 v45, v50;
	v4 =	vadd.f32 v55, v4;
	v9 =	vadd.f32 v9, v11;
	v11 =	vld [tilespmem:$0x1FDC0]  }
0x1dd: {  	v39 =	vmul.f32 v39, v22;
	v17 =	vadd.f32 v42, v17;
	v61 =	vld.idx.msk [tilespmem:v0+s20+$0x0], $0xffff  }
0x1de: {  	v4 =	vadd.f32 v58, v4;
	v5 =	vadd.f32 v7, v5;
	v0 =	vld.idx.msk [tilespmem:v0+s21+$0x0], $0xffff;
	v7 =	vmul.f32 v57, v56  }
0x1df: {  	v15 =	vadd.f32 v36, v17;
	v17 =	vmul.f32 v19, v23;
	v19 =	vld.idx.msk [tilespmem:v53+s20+$0x0], $0xffff  }
0x1e0: {  	v4 =	vadd.f32 v39, v4;
	v20 =	vld.idx.msk [tilespmem:v53+s21+$0x0], $0xffff;
	v5 =	vadd.f32 v7, v5;
	v7 =	vmul.f32 v60, v59  }
0x1e1: {  	v14 =	vadd.f32 v16, v15;
	v3 =	vadd.f32 v3, v9;
	v9 =	vld [tilespmem:$0x1FDE0]  }
0x1e2: {  	v4 =	vadd.f32 v17, v4;
	v5 =	vadd.f32 v7, v5;
	v7 =	vld [tilespmem:$0x1FDD0];
	_ =	sdelay $0x1  }
0x1e3: {  	v10 =	vadd.f32 v10, v14;
	v4 =	vadd.f32 v13, v4;
	v8 =	vmul.f32 v11, v8  }
0x1e4: {  	v0 =	vmul.f32 v0, v61  }
0x1e5: {  	v6 =	vadd.f32 v6, v10;
	v4 =	vadd.f32 v8, v4  }
0x1e6: {  	v0 =	vadd.f32 v0, v5;
	v5 =	vmul.f32 v20, v19;
	v7 =	vmul.f32 v9, v7  }
0x1e7: {  	v1 =	vadd.f32 v1, v3;
	v2 =	vadd.f32 v2, v6  }
0x1e8: {  	v0 =	vadd.f32 v5, v0;
	v3 =	vadd.f32 v7, v4;
	_ =	sdelay $0x1  }
0x1e9: {  	v1 =	vadd.f32 v2, v1;
	v0 =	vadd.f32 v0, v3;
	_ =	sdelay $0x1  }
0x1ea: {  	v0 =	vadd.f32 v0, v1;
	_ =	sdelay $0x1  }
0x1eb: {  	v0 =	vsub.f32 $0.0e+00, v0;
	_ =	sdelay $0x1  }
0x1ec: {  	v0 =	vmul.f32 $1.442695020e+00, v0;
	_ =	sdelay $0x1  }
0x1ed: {  	(erf) = vpow2.f32 v0;
	_ =	sdelay $0x8  }
0x1ee: {  	v0 =	vpop (erf)  }
0x1ef: {  	v0 =	vadd.f32 $1.000000000e+00, v0;
	_ =	sdelay $0x1  }
0x1f0: {  	(erf) = vrcp.f32 v0;
	_ =	sdelay $0x1  }
0x1f1: {  	s31 =	simm.s32 $0x10  }
0x1f2: {  	v0 =	vmov s31  }
0x1f3: {  	v0 =	vshll.u32 v0, $0x5  }
0x1f4: {  	v37 =	vor.u32 v34, v0  }
0x1f5: {  	v0 =	vor.u32 v33, v37;
	_ =	sdelay $0x1  }
0x1f6: {  	v1 =	vor.u32 v18, v37  }
0x1f7: {  	s2 =	simm.s32 $0x14A00;
	v2 =	vpop (erf)  }
0x1f8: {  	v3 =	vor.u32 v30, v37;
	v18 =	vld [tilespmem:$0x1FFC0];
	[tilespmem:s2+$0x0] =	vst v2  }
0x1f9: {  	v43 =	vld.idx.msk [tilespmem:v0+s20+$0x0], $0xffff  }
0x1fa: {  	v27 =	vmov v31;
	v45 =	vld.idx.msk [tilespmem:v0+s21+$0x0], $0xffff  }
0x1fb: {  	v6 =	vor.u32 v27, v37;
	v46 =	vld.idx.msk [tilespmem:v1+s20+$0x0], $0xffff  }
0x1fc: {  	v47 =	vld.idx.msk [tilespmem:v1+s21+$0x0], $0xffff  }
0x1fd: {  	v8 =	vor.u32 v29, v37;
	v33 =	vld.idx.msk [tilespmem:v3+s20+$0x0], $0xffff  }
0x1fe: {  	v2 =	vor.u32 v62, v37;
	v34 =	vld.idx.msk [tilespmem:v3+s21+$0x0], $0xffff  }
0x1ff: {  	v1 =	vor.u32 v32, v37;
	v32 =	vld [tilespmem:$0x1FFD0]  }
0x200: {  	v5 =	vld.idx.msk [tilespmem:v6+s20+$0x0], $0xffff  }
0x201: {  	v0 =	vor.u32 v63, v37;
	v7 =	vld.idx.msk [tilespmem:v6+s21+$0x0], $0xffff  }
0x202: {  	v55 =	vld.idx.msk [tilespmem:v8+s20+$0x0], $0xffff  }
0x203: {  	v3 =	vor.u32 v38, v37;
	v48 =	vld.idx.msk [tilespmem:v2+s20+$0x0], $0xffff  }
0x204: {  	v49 =	vld.idx.msk [tilespmem:v2+s21+$0x0], $0xffff  }
0x205: {  	v2 =	vld [tilespmem:$0x1FE70]  }
0x206: {  	v50 =	vld.idx.msk [tilespmem:v0+s20+$0x0], $0xffff  }
0x207: {  	v51 =	vld.idx.msk [tilespmem:v0+s21+$0x0], $0xffff  }
0x208: {  	v52 =	vld.idx.msk [tilespmem:v3+s20+$0x0], $0xffff  }
0x209: {  	v53 =	vld.idx.msk [tilespmem:v3+s21+$0x0], $0xffff  }
0x20a: {  	v3 =	vld [tilespmem:$0x1FE90]  }
0x20b: {  	v11 =	vor.u32 v25, v37;
	v35 =	vld.idx.msk [tilespmem:v1+s20+$0x0], $0xffff  }
0x20c: {  	v0 =	vld [tilespmem:$0x1FE80]  }
0x20d: {  	v36 =	vld.idx.msk [tilespmem:v1+s21+$0x0], $0xffff;
	v2 =	vor.u32 v2, v37  }
0x20e: {  	v1 =	vld [tilespmem:$0x1FEF0]  }
0x20f: {  	v57 =	vld.idx.msk [tilespmem:v8+s21+$0x0], $0xffff;
	v3 =	vor.u32 v3, v37  }
0x210: {  	v10 =	vld.idx.msk [tilespmem:v11+s20+$0x0], $0xffff  }
0x211: {  	v11 =	vld.idx.msk [tilespmem:v11+s21+$0x0], $0xffff  }
0x212: {  	v0 =	vor.u32 v0, v37;
	v54 =	vld.idx.msk [tilespmem:v2+s20+$0x0], $0xffff  }
0x213: {  	v1 =	vor.u32 v1, v37;
	v56 =	vld.idx.msk [tilespmem:v2+s21+$0x0], $0xffff  }
0x214: {  	v60 =	vld.idx.msk [tilespmem:v3+s20+$0x0], $0xffff  }
0x215: {  	v61 =	vld.idx.msk [tilespmem:v3+s21+$0x0], $0xffff  }
0x216: {  	v3 =	vld [tilespmem:$0x1FEB0]  }
0x217: {  	v30 =	vmov v38;
	v2 =	vor.u32 v44, v37;
	v38 =	vld.idx.msk [tilespmem:v0+s20+$0x0], $0xffff  }
0x218: {  	v58 =	vld.idx.msk [tilespmem:v1+s20+$0x0], $0xffff  }
0x219: {  	v4 =	vor.u32 v28, v37;
	v59 =	vld.idx.msk [tilespmem:v1+s21+$0x0], $0xffff  }
0x21a: {  	v1 =	vld [tilespmem:$0x1FEA0]  }
0x21b: {  	v39 =	vld.idx.msk [tilespmem:v0+s21+$0x0], $0xffff;
	v3 =	vor.u32 v3, v37  }
0x21c: {  	v40 =	vld.idx.msk [tilespmem:v2+s20+$0x0], $0xffff  }
0x21d: {  	v0 =	vor.u32 v32, v37;
	v41 =	vld.idx.msk [tilespmem:v2+s21+$0x0], $0xffff  }
0x21e: {  	v2 =	vld.idx.msk [tilespmem:v4+s20+$0x0], $0xffff  }
0x21f: {  	v4 =	vld.idx.msk [tilespmem:v4+s21+$0x0], $0xffff;
	v1 =	vor.u32 v1, v37  }
0x220: {  	v42 =	vld.idx.msk [tilespmem:v3+s20+$0x0], $0xffff  }
0x221: {  	v31 =	vmov v44;
	v44 =	vld.idx.msk [tilespmem:v3+s21+$0x0], $0xffff;
	v3 =	vor.u32 v24, v37  }
0x222: {  	v62 =	vld.idx.msk [tilespmem:v0+s20+$0x0], $0xffff  }
0x223: {  	v6 =	vor.u32 v26, v37;
	v63 =	vld.idx.msk [tilespmem:v0+s21+$0x0], $0xffff  }
0x224: {  	v0 =	vld.idx.msk [tilespmem:v1+s20+$0x0], $0xffff  }
0x225: {  	v13 =	vlaneseq.u32;
	v1 =	vld.idx.msk [tilespmem:v1+s21+$0x0], $0xffff  }
0x226: {  	v14 =	vor.u32 v13, v37;
	v8 =	vld.idx.msk [tilespmem:v3+s20+$0x0], $0xffff  }
0x227: {  	v9 =	vld.idx.msk [tilespmem:v3+s21+$0x0], $0xffff  }
0x228: {  	v22 =	vmov v12;
	v3 =	vld.idx.msk [tilespmem:v6+s20+$0x0], $0xffff  }
0x229: {  	s1 =	simm.s32 $0x20;
	v23 =	vmovc v21;
	v13 =	vor.u32 v12, v37;
	v12 =	vor.u32 v21, v37;
	v21 =	vmov v28;
	v6 =	vld.idx.msk [tilespmem:v6+s21+$0x0], $0xffff  }
.LBB2_5:
0x22a: {  	_ = 	snop  }
0x22b: {  	v15 =	vld.idx.msk [tilespmem:v14+s21+$0x0], $0xffff  }
0x22c: {  	v14 =	vld.idx.msk [tilespmem:v14+s20+$0x0], $0xffff  }
0x22d: {  	v16 =	vld [tilespmem:$0x1FF50]  }
0x22e: {  	v17 =	vld.idx.msk [tilespmem:v13+s20+$0x0], $0xffff  }
0x22f: {  	v13 =	vld.idx.msk [tilespmem:v13+s21+$0x0], $0xffff  }
0x230: {  	v19 =	vld.idx.msk [tilespmem:v12+s20+$0x0], $0xffff  }
0x231: {  	v28 =	vmov v18;
	v18 =	vor.u32 v18, v37;
	v12 =	vld.idx.msk [tilespmem:v12+s21+$0x0], $0xffff  }
0x232: {  	v20 =	vld [tilespmem:$0x1FF70];
	v43 =	vmul.f32 v45, v43;
	v45 =	vmul.f32 v47, v46  }
0x233: {  	v47 =	vmul.f32 v49, v48;
	v49 =	vld [tilespmem:$0x1FE40];
	v0 =	vmul.f32 v1, v0;
	v16 =	vor.u32 v16, v37  }
0x234: {  	v1 =	vld [tilespmem:$0x1FEC0];
	v2 =	vmul.f32 v4, v2;
	v4 =	vmul.f32 v7, v5  }
0x235: {  	v7 =	vmul.f32 v9, v8;
	v8 =	vmul.f32 v11, v10;
	v10 =	vld [tilespmem:$0x1FED0]  }
0x236: {  	v48 =	vmul.f32 v51, v50;
	v50 =	vmul.f32 v53, v52;
	v52 =	vld.idx.msk [tilespmem:v18+s20+$0x0], $0xffff  }
0x237: {  	v20 =	vor.u32 v20, v37;
	v18 =	vld.idx.msk [tilespmem:v18+s21+$0x0], $0xffff  }
0x238: {  	v46 =	vld.idx.msk [tilespmem:v16+s20+$0x0], $0xffff  }
0x239: {  	v49 =	vor.u32 v49, v37;
	v16 =	vld.idx.msk [tilespmem:v16+s21+$0x0], $0xffff  }
0x23a: {  	v51 =	vmul.f32 v56, v54;
	v12 =	vmul.f32 v12, v19;
	v19 =	vld [tilespmem:$0x1FF40]  }
0x23b: {  	v53 =	vmul.f32 v59, v58;
	v11 =	vmul.f32 v15, v14;
	v15 =	vld [tilespmem:$0x1FF30];
	v1 =	vor.u32 v1, v37  }
0x23c: {  	v61 =	vmul.f32 v61, v60;
	v13 =	vmul.f32 v13, v17;
	v5 =	vld.idx.msk [tilespmem:v20+s20+$0x0], $0xffff  }
0x23d: {  	v63 =	vmul.f32 v63, v62;
	v11 =	vadd.f32 $0.0e+00, v11;
	v10 =	vor.u32 v10, v37;
	v9 =	vld.idx.msk [tilespmem:v20+s21+$0x0], $0xffff  }
0x23e: {  	v3 =	vmul.f32 v6, v3;
	v13 =	vadd.f32 $0.0e+00, v13;
	v14 =	vld.idx.msk [tilespmem:v49+s20+$0x0], $0xffff;
	v16 =	vmul.f32 v16, v46  }
0x23f: {  	v12 =	vadd.f32 $0.0e+00, v12;
	v7 =	vadd.f32 v7, v11;
	v17 =	vld.idx.msk [tilespmem:v49+s21+$0x0], $0xffff;
	v19 =	vor.u32 v19, v37  }
0x240: {  	v8 =	vadd.f32 v8, v13;
	v20 =	vmul.f32 v18, v52;
	v6 =	vld.idx.msk [tilespmem:v1+s20+$0x0], $0xffff;
	v16 =	vadd.f32 $0.0e+00, v16  }
0x241: {  	v11 =	vmul.f32 v57, v55;
	v3 =	vadd.f32 v3, v12;
	v15 =	vor.u32 v15, v37;
	v1 =	vld.idx.msk [tilespmem:v1+s21+$0x0], $0xffff  }
0x242: {  	v2 =	vadd.f32 v2, v7;
	v13 =	vld.idx.msk [tilespmem:v10+s20+$0x0], $0xffff;
	v5 =	vmul.f32 v9, v5;
	v12 =	vadd.f32 v20, v16  }
0x243: {  	v4 =	vadd.f32 v4, v8;
	v7 =	vmul.f32 v44, v42;
	v3 =	vadd.f32 v11, v3;
	v9 =	vld.idx.msk [tilespmem:v10+s21+$0x0], $0xffff  }
0x244: {  	v2 =	vadd.f32 v63, v2;
	v8 =	vld.idx.msk [tilespmem:v19+s20+$0x0], $0xffff;
	v10 =	vmul.f32 v17, v14;
	v5 =	vadd.f32 v5, v12  }
0x245: {  	v0 =	vadd.f32 v0, v4;
	v4 =	vmul.f32 v41, v40;
	v3 =	vadd.f32 v7, v3;
	v11 =	vld.idx.msk [tilespmem:v19+s21+$0x0], $0xffff  }
0x246: {  	v2 =	vadd.f32 v53, v2;
	v1 =	vmul.f32 v1, v6;
	v6 =	vld.idx.msk [tilespmem:v15+s21+$0x0], $0xffff;
	v5 =	vadd.f32 v10, v5  }
0x247: {  	v7 =	vmul.f32 v39, v38;
	v0 =	vadd.f32 v61, v0;
	v3 =	vadd.f32 v4, v3;
	v12 =	vld.idx.msk [tilespmem:v15+s20+$0x0], $0xffff  }
0x248: {  	v2 =	vadd.f32 v50, v2;
	v4 =	vmul.f32 v9, v13;
	v1 =	vadd.f32 v1, v5  }
0x249: {  	v0 =	vadd.f32 v51, v0;
	v3 =	vadd.f32 v7, v3  }
0x24a: {  	v5 =	vmul.f32 v36, v35;
	v1 =	vadd.f32 v4, v1;
	v4 =	vmul.f32 v11, v8  }
0x24b: {  	v7 =	vmul.f32 v34, v33;
	v2 =	vadd.f32 v47, v2;
	v0 =	vadd.f32 v48, v0  }
0x24c: {  	v3 =	vadd.f32 v5, v3;
	v1 =	vadd.f32 v4, v1;
	v4 =	vmul.f32 v6, v12  }
0x24d: {  	v2 =	vadd.f32 v43, v2;
	v0 =	vadd.f32 v45, v0  }
0x24e: {  	v3 =	vadd.f32 v7, v3;
	v1 =	vadd.f32 v4, v1;
	_ =	sdelay $0x1  }
0x24f: {  	v0 =	vadd.f32 v0, v2;
	v1 =	vadd.f32 v1, v3;
	_ =	sdelay $0x1  }
0x250: {  	v0 =	vadd.f32 v1, v0;
	_ =	sdelay $0x1  }
0x251: {  	v0 =	vsub.f32 $0.0e+00, v0;
	_ =	sdelay $0x1  }
0x252: {  	v0 =	vmul.f32 $1.442695020e+00, v0;
	_ =	sdelay $0x1  }
0x253: {  	(erf) = vpow2.f32 v0;
	_ =	sdelay $0x8  }
0x254: {  	v0 =	vpop (erf)  }
0x255: {  	v0 =	vadd.f32 $1.000000000e+00, v0;
	_ =	sdelay $0x1  }
0x256: {  	v1 =	vld [tilespmem:$0x1FF20];
	(erf) = vrcp.f32 v0  }
0x257: {  	v3 =	vld [tilespmem:$0x1FEE0];
	_ =	sdelay $0x1  }
0x258: {  	v0 =	vmov s1  }
0x259: {  	v0 =	vshll.u32 v0, $0x5  }
0x25a: {  	v37 =	vor.u32 v1, v0  }
0x25b: {  	v0 =	vld [tilespmem:$0x1FF00];
	v3 =	vor.u32 v3, v37;
	_ =	sdelay $0x1  }
0x25c: {  	v1 =	vld [tilespmem:$0x1FF10];
	v6 =	vor.u32 v27, v37  }
0x25d: {  	s2 =	sadd.s32 $0x10, s2;
	v2 =	vpop (erf)  }
0x25e: {  	v8 =	vor.u32 v29, v37;
	[tilespmem:s2+$0x0] =	vst v2;
	v2 =	vld [tilespmem:$0x1FE50]  }
0x25f: {  	v0 =	vor.u32 v0, v37;
	v33 =	vld.idx.msk [tilespmem:v3+s20+$0x0], $0xffff  }
0x260: {  	v34 =	vld.idx.msk [tilespmem:v3+s21+$0x0], $0xffff  }
0x261: {  	v1 =	vor.u32 v1, v37;
	v5 =	vld.idx.msk [tilespmem:v6+s20+$0x0], $0xffff  }
0x262: {  	v7 =	vld.idx.msk [tilespmem:v6+s21+$0x0], $0xffff  }
0x263: {  	v55 =	vld.idx.msk [tilespmem:v8+s20+$0x0], $0xffff  }
0x264: {  	v43 =	vld.idx.msk [tilespmem:v0+s20+$0x0], $0xffff  }
0x265: {  	v45 =	vld.idx.msk [tilespmem:v0+s21+$0x0], $0xffff  }
0x266: {  	v3 =	vor.u32 v30, v37;
	v46 =	vld.idx.msk [tilespmem:v1+s20+$0x0], $0xffff  }
0x267: {  	v0 =	vld [tilespmem:$0x1FE60]  }
0x268: {  	v47 =	vld.idx.msk [tilespmem:v1+s21+$0x0], $0xffff  }
0x269: {  	v1 =	vld [tilespmem:$0x1FF60];
	v2 =	vor.u32 v2, v37  }
0x26a: {  	v57 =	vld.idx.msk [tilespmem:v8+s21+$0x0], $0xffff  }
0x26b: {  	v52 =	vld.idx.msk [tilespmem:v3+s20+$0x0], $0xffff  }
0x26c: {  	v53 =	vld.idx.msk [tilespmem:v3+s21+$0x0], $0xffff;
	v0 =	vor.u32 v0, v37  }
0x26d: {  	v3 =	vld [tilespmem:$0x1FE90]  }
0x26e: {  	v1 =	vor.u32 v1, v37;
	v48 =	vld.idx.msk [tilespmem:v2+s20+$0x0], $0xffff  }
0x26f: {  	v49 =	vld.idx.msk [tilespmem:v2+s21+$0x0], $0xffff  }
0x270: {  	v2 =	vld [tilespmem:$0x1FE70]  }
0x271: {  	v50 =	vld.idx.msk [tilespmem:v0+s20+$0x0], $0xffff  }
0x272: {  	v11 =	vor.u32 v25, v37;
	v51 =	vld.idx.msk [tilespmem:v0+s21+$0x0], $0xffff  }
0x273: {  	v35 =	vld.idx.msk [tilespmem:v1+s20+$0x0], $0xffff  }
0x274: {  	v3 =	vor.u32 v3, v37;
	v0 =	vld [tilespmem:$0x1FE80]  }
0x275: {  	v36 =	vld.idx.msk [tilespmem:v1+s21+$0x0], $0xffff  }
0x276: {  	v1 =	vld [tilespmem:$0x1FEF0]  }
0x277: {  	v10 =	vld.idx.msk [tilespmem:v11+s20+$0x0], $0xffff;
	v2 =	vor.u32 v2, v37  }
0x278: {  	v11 =	vld.idx.msk [tilespmem:v11+s21+$0x0], $0xffff  }
0x279: {  	v60 =	vld.idx.msk [tilespmem:v3+s20+$0x0], $0xffff;
	v0 =	vor.u32 v0, v37  }
0x27a: {  	v61 =	vld.idx.msk [tilespmem:v3+s21+$0x0], $0xffff  }
0x27b: {  	v3 =	vld [tilespmem:$0x1FEB0];
	v1 =	vor.u32 v1, v37  }
0x27c: {  	v54 =	vld.idx.msk [tilespmem:v2+s20+$0x0], $0xffff  }
0x27d: {  	v56 =	vld.idx.msk [tilespmem:v2+s21+$0x0], $0xffff  }
0x27e: {  	v2 =	vor.u32 v31, v37;
	v38 =	vld.idx.msk [tilespmem:v0+s20+$0x0], $0xffff  }
0x27f: {  	v39 =	vld.idx.msk [tilespmem:v0+s21+$0x0], $0xffff  }
0x280: {  	v3 =	vor.u32 v3, v37;
	v58 =	vld.idx.msk [tilespmem:v1+s20+$0x0], $0xffff  }
0x281: {  	v59 =	vld.idx.msk [tilespmem:v1+s21+$0x0], $0xffff  }
0x282: {  	v4 =	vor.u32 v21, v37;
	v1 =	vld [tilespmem:$0x1FEA0]  }
0x283: {  	v40 =	vld.idx.msk [tilespmem:v2+s20+$0x0], $0xffff  }
0x284: {  	v0 =	vor.u32 v32, v37;
	v41 =	vld.idx.msk [tilespmem:v2+s21+$0x0], $0xffff  }
0x285: {  	v42 =	vld.idx.msk [tilespmem:v3+s20+$0x0], $0xffff  }
0x286: {  	v44 =	vld.idx.msk [tilespmem:v3+s21+$0x0], $0xffff;
	v3 =	vor.u32 v24, v37  }
0x287: {  	v2 =	vld.idx.msk [tilespmem:v4+s20+$0x0], $0xffff  }
0x288: {  	v6 =	vor.u32 v26, v37;
	v4 =	vld.idx.msk [tilespmem:v4+s21+$0x0], $0xffff  }
0x289: {  	v62 =	vld.idx.msk [tilespmem:v0+s20+$0x0], $0xffff  }
0x28a: {  	v1 =	vor.u32 v1, v37;
	v63 =	vld.idx.msk [tilespmem:v0+s21+$0x0], $0xffff  }
0x28b: {  	p0 =	sne.s32 s1, $0x270;
	v9 =	vlaneseq.u32;
	v8 =	vld.idx.msk [tilespmem:v3+s20+$0x0], $0xffff  }
.Ltmp1:
0x28c: {  	v14 =	vor.u32 v9, v37;
	v9 =	vld.idx.msk [tilespmem:v3+s21+$0x0], $0xffff;
	(pc) =	sbr.rel @p0 .LBB2_5-.Ltmp1, $4  }
0x28d: {  	v3 =	vld.idx.msk [tilespmem:v6+s20+$0x0], $0xffff  }
0x28e: {  	v6 =	vld.idx.msk [tilespmem:v6+s21+$0x0], $0xffff  }
0x28f: {  	v0 =	vld.idx.msk [tilespmem:v1+s20+$0x0], $0xffff  }
0x290: {  	v18 =	vmov v28;
	s1 =	sadd.s32 $0x10, s1;
	v13 =	vor.u32 v22, v37;
	v12 =	vor.u32 v23, v37;
	v1 =	vld.idx.msk [tilespmem:v1+s21+$0x0], $0xffff  }
0x291: {  	_ =	sdelay $0x3  }
0x292: {  	v15 =	vld.idx.msk [tilespmem:v14+s21+$0x0], $0xffff  }
0x293: {  	v14 =	vld.idx.msk [tilespmem:v14+s20+$0x0], $0xffff  }
0x294: {  	v20 =	vld [tilespmem:$0x1FF50]  }
0x295: {  	v17 =	vld.idx.msk [tilespmem:v13+s20+$0x0], $0xffff  }
0x296: {  	v13 =	vld.idx.msk [tilespmem:v13+s21+$0x0], $0xffff  }
0x297: {  	v19 =	vld.idx.msk [tilespmem:v12+s20+$0x0], $0xffff;
	v43 =	vmul.f32 v45, v43  }
0x298: {  	v18 =	vor.u32 v18, v37;
	v45 =	vld [tilespmem:$0x1FF70]  }
0x299: {  	v12 =	vld.idx.msk [tilespmem:v12+s21+$0x0], $0xffff;
	[tilespmem:$0x1FDA0] =	vst v43;
	v43 =	vmul.f32 v47, v46;
	v46 =	vmul.f32 v49, v48  }
0x29a: {  	v47 =	vmul.f32 v51, v50;
	v50 =	vmul.f32 v56, v54;
	v56 =	vld [tilespmem:$0x1FE40]  }
0x29b: {  	v49 =	vmul.f32 v53, v52;
	v52 =	vmul.f32 v59, v58;
	v58 =	vld [tilespmem:$0x1FEC0];
	v16 =	vor.u32 v20, v37  }
0x29c: {  	v59 =	vld [tilespmem:$0x1FED0]  }
0x29d: {  	v45 =	vor.u32 v45, v37;
	v54 =	vld.idx.msk [tilespmem:v18+s20+$0x0], $0xffff  }
0x29e: {  	v0 =	vmul.f32 v1, v0;
	v1 =	vld.idx.msk [tilespmem:v18+s21+$0x0], $0xffff  }
0x29f: {  	v51 =	vor.u32 v56, v37;
	v56 =	vmul.f32 v63, v62;
	v63 =	vld [tilespmem:$0x1FF40]  }
0x2a0: {  	v48 =	vld.idx.msk [tilespmem:v16+s20+$0x0], $0xffff  }
0x2a1: {  	v16 =	vld.idx.msk [tilespmem:v16+s21+$0x0], $0xffff  }
0x2a2: {  	v2 =	vmul.f32 v4, v2;
	v4 =	vmul.f32 v7, v5;
	v5 =	vld.idx.msk [tilespmem:v45+s20+$0x0], $0xffff  }
0x2a3: {  	v7 =	vmul.f32 v9, v8;
	v8 =	vmul.f32 v11, v10;
	v10 =	vld.idx.msk [tilespmem:v45+s21+$0x0], $0xffff  }
0x2a4: {  	v11 =	vmul.f32 v15, v14;
	v18 =	vor.u32 v58, v37;
	v45 =	vld [tilespmem:$0x1FF30]  }
0x2a5: {  	v13 =	vmul.f32 v13, v17  }
0x2a6: {  	v12 =	vmul.f32 v12, v19;
	v9 =	vor.u32 v59, v37;
	v11 =	vadd.f32 $0.0e+00, v11  }
0x2a7: {  	v3 =	vmul.f32 v6, v3;
	v13 =	vadd.f32 $0.0e+00, v13;
	v15 =	vld.idx.msk [tilespmem:v51+s20+$0x0], $0xffff;
	v16 =	vmul.f32 v16, v48  }
0x2a8: {  	v12 =	vadd.f32 $0.0e+00, v12;
	v7 =	vadd.f32 v7, v11;
	v17 =	vor.u32 v63, v37;
	v19 =	vld.idx.msk [tilespmem:v51+s21+$0x0], $0xffff  }
0x2a9: {  	v1 =	vmul.f32 v1, v54;
	v14 =	vor.u32 v45, v37;
	v37 =	vld.idx.msk [tilespmem:v18+s20+$0x0], $0xffff;
	v16 =	vadd.f32 $0.0e+00, v16  }
0x2aa: {  	v8 =	vadd.f32 v8, v13;
	v11 =	vmul.f32 v57, v55;
	v3 =	vadd.f32 v3, v12;
	v18 =	vld.idx.msk [tilespmem:v18+s21+$0x0], $0xffff  }
0x2ab: {  	v2 =	vadd.f32 v2, v7;
	v13 =	vld.idx.msk [tilespmem:v9+s20+$0x0], $0xffff;
	v5 =	vmul.f32 v10, v5;
	v1 =	vadd.f32 v1, v16  }
0x2ac: {  	v44 =	vmul.f32 v44, v42;
	v4 =	vadd.f32 v4, v8;
	v3 =	vadd.f32 v11, v3;
	v9 =	vld.idx.msk [tilespmem:v9+s21+$0x0], $0xffff  }
0x2ad: {  	v2 =	vadd.f32 v56, v2;
	v8 =	vld.idx.msk [tilespmem:v17+s20+$0x0], $0xffff;
	v45 =	vmul.f32 v19, v15;
	v1 =	vadd.f32 v5, v1  }
0x2ae: {  	v53 =	vmul.f32 v61, v60;
	v0 =	vadd.f32 v0, v4;
	v3 =	vadd.f32 v44, v3;
	v10 =	vld.idx.msk [tilespmem:v17+s21+$0x0], $0xffff  }
0x2af: {  	v48 =	vmul.f32 v41, v40;
	v11 =	vld.idx.msk [tilespmem:v14+s20+$0x0], $0xffff;
	v51 =	vmul.f32 v18, v37;
	v1 =	vadd.f32 v45, v1  }
0x2b0: {  	v55 =	vmul.f32 v39, v38;
	v2 =	vadd.f32 v52, v2;
	v0 =	vadd.f32 v53, v0;
	v54 =	vld.idx.msk [tilespmem:v14+s21+$0x0], $0xffff  }
0x2b1: {  	v63 =	vld [tilespmem:$0x1FDA0];
	v3 =	vadd.f32 v48, v3;
	v56 =	vmul.f32 v9, v13;
	v1 =	vadd.f32 v51, v1  }
0x2b2: {  	v57 =	vmul.f32 v36, v35;
	v2 =	vadd.f32 v49, v2;
	v0 =	vadd.f32 v50, v0  }
0x2b3: {  	v3 =	vadd.f32 v55, v3;
	v60 =	vmul.f32 v10, v8;
	v1 =	vadd.f32 v56, v1  }
0x2b4: {  	v61 =	vmul.f32 v34, v33;
	v2 =	vadd.f32 v46, v2;
	v0 =	vadd.f32 v47, v0  }
0x2b5: {  	v3 =	vadd.f32 v57, v3;
	v62 =	vmul.f32 v54, v11;
	v1 =	vadd.f32 v60, v1  }
0x2b6: {  	v2 =	vadd.f32 v63, v2;
	v0 =	vadd.f32 v43, v0  }
0x2b7: {  	v3 =	vadd.f32 v61, v3;
	v1 =	vadd.f32 v62, v1;
	_ =	sdelay $0x1  }
0x2b8: {  	v0 =	vadd.f32 v0, v2;
	v1 =	vadd.f32 v1, v3;
	_ =	sdelay $0x1  }
0x2b9: {  	v0 =	vadd.f32 v1, v0;
	_ =	sdelay $0x1  }
0x2ba: {  	v0 =	vsub.f32 $0.0e+00, v0;
	_ =	sdelay $0x1  }
0x2bb: {  	v0 =	vmul.f32 $1.442695020e+00, v0;
	_ =	sdelay $0x1  }
0x2bc: {  	(erf) = vpow2.f32 v0;
	_ =	sdelay $0x8  }
0x2bd: {  	v0 =	vpop (erf)  }
0x2be: {  	v0 =	vadd.f32 $1.000000000e+00, v0;
	_ =	sdelay $0x1  }
0x2bf: {  	(erf) = vrcp.f32 v0;
	_ =	sdelay $0x8  }
0x2c0: {  	s1 =	sadd.s32 $0x10, s2;
	v0 =	vpop (erf)  }
0x2c1: {  	s31 =	sadd.s32 s3, s30;
	[tilespmem:s1+$0x0] =	vst v0  }
0x2c2: {  	[hbm4b:s31+s4] =	stream.linear.scatter [tilespmem:s24], [sflag:$0x5], $0x280, $0x38;
	[tilespmem:$0x14C80] =	vst v63  }
0x2c3: {  	_ =	swait.ge [sflag:s16], $0x280  }
0x2c4: {  	v34 =	vld [tilespmem:$0x1FF20]  }
0x2c5: {  	v43 =	vld [tilespmem:$0x1FEA0]  }
0x2c6: {  	v45 =	vld [tilespmem:$0x1FEB0]  }
0x2c7: {  	v37 =	vld [tilespmem:$0x1FE90]  }
0x2c8: {  	v14 =	vld [tilespmem:$0x1FE70]  }
0x2c9: {  	v35 =	vld [tilespmem:$0x1FE80]  }
0x2ca: {  	s29 =	sadd.s32 $0x1, s29;
	v9 =	vld [tilespmem:$0x1FE50]  }
0x2cb: {  	p0 =	sne.s32 s29, $0x8;
	v10 =	vld [tilespmem:$0x1FE60]  }
.Ltmp2:
0x2cc: {  	v40 =	vld [tilespmem:$0x1FF60];
	(pc) =	sbr.rel @p0 .LBB2_2-.Ltmp2, $4  }
0x2cd: {  	v17 =	vld [tilespmem:$0x1FEF0]  }
0x2ce: {  	v38 =	vmov v23;
	v23 =	vld [tilespmem:$0x1FF00]  }
0x2cf: {  	v36 =	vmov v22;
	v39 =	vmov v30;
	[sflag:s16] =	ssyncset.done $0x0;
	v15 =	vld [tilespmem:$0x1FF10]  }
0x2d0: {  	v22 =	vmovc v27;
	v19 =	vmovc v31;
	v18 =	vmov v32;
	v16 =	vmov v20;
	v61 =	vlaneseq.u32;
	v30 =	vld [tilespmem:$0x1FEE0];
	[sflag:s16] =	ssyncadd.s32 $0xFFFFFD80  }
0x2d1: {  	s28 =	sadd.s32 $0x1, s28  }
0x2d2: {  	p0 =	sne.s32 s28, s13  }
.Ltmp3:
0x2d3: {  	_ = 	snop;
	(pc) =	sbr.rel @p0 .LBB2_1-.Ltmp3, $1  }
0x2d4: {  	_ =	sdelay $0x3  }
0x2d5: {  	_ =	sfence.sel $0x180000  }
0x2d6: {  	[bflag:$0x0] =	sbarrier.arrive $0xFFFF  }
0x2d7: {  	_ =	strace $0x9000004A  }
0x2d8: {  	s0 =	stileid.u32;
	[bflag:$0x2] =	sbarrier.arrive $0xFFFF  }
0x2d9: {  	p0 =	sne.s32 s0, $0x0;
	s0 =	rddreg [dreg:$0x3]  }
0x2da: {  	s0 =	sadd.s32 @!p0 $0x100000, s0  }
0x2db: {  	[sflag:s0] =	ssyncadd.tile.s32 @!p0 $0x1;
	_ =	shalt  }
.Lfunc_end2:
_tile_overlayer_lowered:
.L_overlay_start_2:
0x2dc: {  	(tag) =	ssettag $0x2  }
0x2dd: {  	s0 =	rddreg [dreg:$0x0];
	s2 =	stileid.u32  }
0x2de: {  	s1 =	rddreg [dreg:$0x1];
	p0 =	sne.s32 s2, $0x0  }
0x2df: {  	s3 =	rddreg [dreg:$0x2];
	[bflag:$0x3] =	sbarrier.arrive $0xFFFF;
	s2 =	simm.s32 @!p0 $0x1C05  }
0x2e0: {  	[timem:s3], [sflag:s2] =	dma.local @!p0 [hbm:s0], s1  }
0x2e1: {  	s0 =	simm.s32 @!p0 $0x5  }
0x2e2: {  	_ =	swait.ge @!p0 [sflag:s0], s1  }
0x2e3: {  	s1 =	ssub.s32 @!p0 $0x0, s1;
	[sflag:s0] =	ssyncset.done @!p0 $0x0  }
0x2e4: {  	[sflag:s0] =	ssyncadd.s32 @!p0 s1  }
0x2e5: {  	[bflag:$0x3] =	sbarrier.arrive $0xFFFF  }
0x2e6: {  	_ =	shalt  }

</sc_bundles>
